<compile_context>
chip_gen: v7x
topology: tpu7x:2x2x1
jax: 0.10.2.dev20260603
libtpu: 0.0.44.dev20260713+nightly
codegen_flags: <defaults>
</compile_context>

<pallas_src>
import jax
import jax.numpy as jnp
from jax import lax
from jax.experimental import pallas as pl
from jax.experimental.pallas import tpu as pltpu
from jax.experimental.pallas import tpu_sc as plsc

N_LAYERS = 4
N_P = 2048
N_K = 512
E_K = 16384
E_P = 131072

QTR_P = N_P // 4
HALF_K = N_K // 2
EP_T = E_P // 16
EK_T = E_K // 16

TRASH_AP = QTR_P * N_P
TRASH_AK = HALF_K * N_K


def _sc_body(knn_src, knn_dst, ppi_src, ppi_dst, zf_h, of_h,
             akt_out, ap_out,
             aP, aK,
             ed, es, kd, ks,
             pidx2d, kidx2d,
             onesf, zf, bb, bb2, sem):
    c = lax.axis_index("c")
    s = lax.axis_index("s")

    cp_ed = pltpu.async_copy(ppi_dst.at[pl.ds(s * EP_T, EP_T)], ed, sem)
    cp_es = pltpu.async_copy(ppi_src.at[pl.ds(s * EP_T, EP_T)], es, sem)
    cp_kd = pltpu.async_copy(knn_dst.at[pl.ds(s * EK_T, EK_T)], kd, sem)
    cp_ks = pltpu.async_copy(knn_src.at[pl.ds(s * EK_T, EK_T)], ks, sem)
    pltpu.sync_copy(zf_h, zf)
    pltpu.sync_copy(of_h, onesf)

    pltpu.sync_copy(zf, aK.at[pl.ds(s * 8192, 8192)])

    @pl.when(s == 0)
    def _zero_trash():
        pltpu.sync_copy(zf.at[pl.ds(0, 128)], aK.at[pl.ds(TRASH_AK, 128)])

    cp_ed.wait()
    cp_es.wait()
    cp_kd.wait()
    cp_ks.wait()

    lo_q0 = c * QTR_P
    lo_q1 = (2 + c) * QTR_P
    lo_k = c * HALF_K

    def scatter_rows(idx2d, target, nrows, csz):
        def chunk(ci, _):
            base = ci * csz
            for j in range(csz):
                pltpu.async_copy(onesf, target.at[idx2d.at[base + j]],
                                 sem, add=True)
            for j in range(csz):
                pltpu.make_async_copy(onesf, target.at[idx2d.at[0]],
                                      sem).wait()
            return _
        lax.fori_loop(0, nrows // csz, chunk, None)

    def scan_idx(dref, sref, lo, width, mult, n_rows, idx2d, trash):
        def body(r, _):
            for j in range(8):
                o = r * 128 + j * 16
                d = dref[pl.ds(o, 16)]
                sv = sref[pl.ds(o, 16)]
                m = (d >= lo) & (d < lo + width)
                idx2d[r, pl.ds(j * 16, 16)] = jnp.where(
                    m, (d - lo) * mult + sv, trash + sv)
            return _
        lax.fori_loop(0, n_rows, body, None)

    with jax.named_scope("knn_scan"):
        scan_idx(ks, kd, lo_k, HALF_K, N_K, EK_T // 128, kidx2d, TRASH_AK)

    plsc.subcore_barrier()
    with jax.named_scope("knn_scatter"):
        scatter_rows(kidx2d, aK, EK_T // 128, 8)

    for rnd, lo_q in enumerate((lo_q0, lo_q1)):
        with jax.named_scope("ppi_scan"):
            scan_idx(ed, es, lo_q, QTR_P, N_P, EP_T // 128, pidx2d, TRASH_AP)
        with jax.named_scope("ppi_zero"):
            for j in range(8):
                pltpu.sync_copy(zf, aP.at[pl.ds(s * 65536 + j * 8192, 8192)])
            @pl.when(s == 0)
            def _zt():
                pltpu.sync_copy(zf.at[pl.ds(0, 128)],
                                aP.at[pl.ds(TRASH_AP, 128)])
        plsc.subcore_barrier()
        with jax.named_scope("ppi_scatter"):
            scatter_rows(pidx2d, aP, EP_T // 128, 16)
        plsc.subcore_barrier()
        with jax.named_scope("ppi_copyout"):
            hs = [None, None]
            for j in range(8):
                b = (bb, bb2)[j % 2]
                if hs[j % 2] is not None:
                    hs[j % 2].wait()
                pltpu.sync_copy(aP.at[pl.ds(s * 65536 + j * 8192, 8192)], b)
                hs[j % 2] = pltpu.async_copy(b, ap_out.at[pl.ds(
                    (2 * rnd + c) * (QTR_P * N_P) + s * 65536 + j * 8192,
                    8192)], sem)
            hs[0].wait()
            hs[1].wait()
        plsc.subcore_barrier()

    with jax.named_scope("knn_copyout"):
        pltpu.sync_copy(aK.at[pl.ds(s * 8192, 8192)], bb)
        pltpu.sync_copy(bb, akt_out.at[pl.ds(c * (HALF_K * N_K) + s * 8192,
                                             8192)])


def _sc_build(knn_src, knn_dst, ppi_src, ppi_dst):
    zf_h = jnp.zeros((8192,), jnp.float32)
    of_h = jnp.ones((128,), jnp.float32)
    mesh = plsc.VectorSubcoreMesh(core_axis_name="c", subcore_axis_name="s")
    f = pl.kernel(
        _sc_body,
        out_type=(
            jax.ShapeDtypeStruct((N_K * N_K,), jnp.float32),
            jax.ShapeDtypeStruct((N_P * N_P,), jnp.float32),
        ),
        mesh=mesh,
        scratch_types=(
            pltpu.VMEM_SHARED((QTR_P * N_P + N_P + 128,), jnp.float32),
            pltpu.VMEM_SHARED((HALF_K * N_K + N_K + 128,), jnp.float32),
            pltpu.VMEM((EP_T,), jnp.int32),
            pltpu.VMEM((EP_T,), jnp.int32),
            pltpu.VMEM((EK_T,), jnp.int32),
            pltpu.VMEM((EK_T,), jnp.int32),
            pltpu.VMEM((EP_T // 128 + 1, 128), jnp.int32),
            pltpu.VMEM((EK_T // 128 + 1, 128), jnp.int32),
            pltpu.VMEM((128,), jnp.float32),
            pltpu.VMEM((8192,), jnp.float32),
            pltpu.VMEM((8192,), jnp.float32),
            pltpu.VMEM((8192,), jnp.float32),
            pltpu.SemaphoreType.DMA,
        ),
    )
    return f(knn_src, knn_dst, ppi_src, ppi_dst, zf_h, of_h)



_TILE = 512
_NT = N_P // _TILE


def _nt_dot(a, b):
    return lax.dot_general(a, b, (((1,), (1,)), ((), ())),
                           preferred_element_type=jnp.float32)


def _cols_kernel(e_ref, akt_ref, wl_ref, wr_ref, bl_ref, out_ref,
                 mk_ref, ebf_ref):
    t = pl.program_id(0)

    @pl.when(t == 0)
    def _():
        ebf = e_ref[...].astype(jnp.bfloat16)
        ebf_ref[...] = ebf
        cnt = jnp.sum(akt_ref[...], axis=0, keepdims=True)
        inv = 1.0 / jnp.maximum(cnt, 1.0)
        akt16 = akt_ref[...].astype(jnp.bfloat16)
        mk = jnp.dot(ebf, akt16, preferred_element_type=jnp.float32) * inv
        mk_ref[...] = mk.astype(jnp.bfloat16)

    h = (jnp.dot(wl_ref[0].astype(jnp.bfloat16), mk_ref[...],
                 preferred_element_type=jnp.float32)
         + jnp.dot(wr_ref[0].astype(jnp.bfloat16), ebf_ref[...],
                   preferred_element_type=jnp.float32)
         + bl_ref[0])
    out_ref[...] = jnp.where(h >= 0.0, h, 0.01 * h)


def _cols_stage(e, akt, cols_Wl, cols_Wr, bl3d, i):
    return pl.pallas_call(
        _cols_kernel,
        grid=(_NT,),
        in_specs=[
            pl.BlockSpec((N_P, N_K), lambda t: (0, 0)),
            pl.BlockSpec((N_K, N_K), lambda t: (0, 0)),
            pl.BlockSpec((1, _TILE, N_P), lambda t: (i, t, 0)),
            pl.BlockSpec((1, _TILE, N_P), lambda t: (i, t, 0)),
            pl.BlockSpec((1, _TILE, 1), lambda t: (i, t, 0)),
        ],
        out_specs=pl.BlockSpec((_TILE, N_K), lambda t: (t, 0)),
        out_shape=jax.ShapeDtypeStruct((N_P, N_K), jnp.float32),
        scratch_shapes=[pltpu.VMEM((N_P, N_K), jnp.bfloat16),
                        pltpu.VMEM((N_P, N_K), jnp.bfloat16)],
    )(e, akt, cols_Wl, cols_Wr, bl3d)


def _rows_kernel(ap_ref, e1_ref, wl_ref, wr_ref, rbl_ref, out_ref,
                 e1bf_ref):
    t = pl.program_id(0)

    @pl.when(t == 0)
    def _():
        e1bf_ref[...] = e1_ref[...].astype(jnp.bfloat16)

    apbf = ap_ref[...]
    agg = jnp.dot(apbf, e1bf_ref[...], preferred_element_type=jnp.float32)
    cnt = jnp.sum(apbf.astype(jnp.float32), axis=1, keepdims=True)
    inv = 1.0 / jnp.maximum(cnt, 1.0)
    mp = (agg * inv).astype(jnp.bfloat16)
    e1t = e1bf_ref[pl.ds(t * _TILE, _TILE), :]
    h = (_nt_dot(mp, wl_ref[0].astype(jnp.bfloat16))
         + _nt_dot(e1t, wr_ref[0].astype(jnp.bfloat16))
         + rbl_ref[0])
    out_ref[...] = jnp.where(h >= 0.0, h, 0.01 * h)


def _rows_stage(e1, ap, rows_Wl, rows_Wr, rbl3d, i):
    return pl.pallas_call(
        _rows_kernel,
        grid=(_NT,),
        in_specs=[
            pl.BlockSpec((_TILE, N_P), lambda t: (t, 0)),
            pl.BlockSpec((N_P, N_K), lambda t: (0, 0)),
            pl.BlockSpec((1, N_K, N_K), lambda t: (i, 0, 0)),
            pl.BlockSpec((1, N_K, N_K), lambda t: (i, 0, 0)),
            pl.BlockSpec((1, 1, N_K), lambda t: (i, 0, 0)),
        ],
        out_specs=pl.BlockSpec((_TILE, N_K), lambda t: (t, 0)),
        out_shape=jax.ShapeDtypeStruct((N_P, N_K), jnp.float32),
        scratch_shapes=[pltpu.VMEM((N_P, N_K), jnp.bfloat16)],
    )(ap, e1, rows_Wl, rows_Wr, rbl3d)


def kernel(x, knn_edge_index, ppi_edge_index, cols_Wl, cols_bl, cols_Wr,
           rows_Wl, rows_bl, rows_Wr):
    akt_flat, ap_flat = _sc_build(
        knn_edge_index[0], knn_edge_index[1],
        ppi_edge_index[0], ppi_edge_index[1])
    akt = akt_flat.reshape(N_K, N_K)
    ap = ap_flat.reshape(N_P, N_P).astype(jnp.bfloat16)
    bl3d = cols_bl.reshape(N_LAYERS, N_P, 1)
    rbl3d = rows_bl.reshape(N_LAYERS, 1, N_K)

    e = x
    for i in range(N_LAYERS):
        e = _cols_stage(e, akt, cols_Wl, cols_Wr, bl3d, i)
        e = _rows_stage(e, ap, rows_Wl, rows_Wr, rbl3d, i)
    return e

# --- scband reference (transcript-rebuilt; emitter-appended) ---
"""Pipeline reference for scband-mutael-encoder-19894288515584 (READ-ONLY COPY).

The authoritative reference and input builder live on the scoring server;
editing this copy changes nothing except your own understanding.
"""

import jax, jax.numpy as jnp
import numpy as np

NUM_LAYERS = 4
COL_DIM = 2048
ROW_DIM = 512
N_KNN_EDGES = 16384
N_PPI_EDGES = 131072


def setup_inputs(seed: int = 0) -> dict:
    key = jax.random.key(seed)
    ks = jax.random.split(key, 10)
    x = jax.random.normal(ks[0], (COL_DIM, ROW_DIM), dtype=jnp.float32)
    knn_edge_index = jax.random.randint(ks[1], (2, N_KNN_EDGES), 0, ROW_DIM, dtype=jnp.int32)
    ppi_edge_index = jax.random.randint(ks[2], (2, N_PPI_EDGES), 0, COL_DIM, dtype=jnp.int32)
    cols_Wl = jax.random.normal(ks[3], (NUM_LAYERS, COL_DIM, COL_DIM), dtype=jnp.float32) * 0.02
    cols_bl = jnp.zeros((NUM_LAYERS, COL_DIM), dtype=jnp.float32)
    cols_Wr = jax.random.normal(ks[4], (NUM_LAYERS, COL_DIM, COL_DIM), dtype=jnp.float32) * 0.02
    rows_Wl = jax.random.normal(ks[5], (NUM_LAYERS, ROW_DIM, ROW_DIM), dtype=jnp.float32) * 0.02
    rows_bl = jnp.zeros((NUM_LAYERS, ROW_DIM), dtype=jnp.float32)
    rows_Wr = jax.random.normal(ks[6], (NUM_LAYERS, ROW_DIM, ROW_DIM), dtype=jnp.float32) * 0.02
    return {
        'x': x,
        'knn_edge_index': knn_edge_index,
        'ppi_edge_index': ppi_edge_index,
        'cols_Wl': cols_Wl, 'cols_bl': cols_bl, 'cols_Wr': cols_Wr,
        'rows_Wl': rows_Wl, 'rows_bl': rows_bl, 'rows_Wr': rows_Wr,
    }


def _sage_conv(h, edge_index, Wl, bl, Wr):
    # PyG SAGEConv (mean aggregation): out = lin_l(mean_{j in N(i)} x_j) + lin_r(x_i)
    src = edge_index[0]
    dst = edge_index[1]
    n = h.shape[0]
    msg = jnp.take(h, src, axis=0)
    agg = jax.ops.segment_sum(msg, dst, num_segments=n)
    cnt = jax.ops.segment_sum(jnp.ones((edge_index.shape[1],), h.dtype), dst, num_segments=n)
    mean = agg / jnp.maximum(cnt, 1.0)[:, None]
    return mean @ Wl.T + bl + h @ Wr.T


def reference(x, knn_edge_index, ppi_edge_index, cols_Wl, cols_bl, cols_Wr, rows_Wl, rows_bl, rows_Wr):
    # Dropout is identity in eval mode. LeakyReLU(inplace=True) mutates the
    # SAGE output x1 in-place in the original module, so the effective per-block
    # computation is LeakyReLU(SAGEConv(x)) for both cols and rows blocks.
    emb = x
    for i in range(NUM_LAYERS):
        h = _sage_conv(emb.T, knn_edge_index, cols_Wl[i], cols_bl[i], cols_Wr[i])
        h = jax.nn.leaky_relu(h, 0.01)
        emb = h.T
        h = _sage_conv(emb, ppi_edge_index, rows_Wl[i], rows_bl[i], rows_Wr[i])
        emb = jax.nn.leaky_relu(h, 0.01)
    return emb

if __name__ == "__main__":
    import jax
    _d = setup_inputs()
    print(jax.jit(kernel)(*tuple(_d.values())))

</pallas_src>

<mosaic_0001>
#map = affine_map<(d0, d1) -> (0)>
module attributes {stable_mosaic.version = 14 : i64} {
  func.func @_sc_body(%arg0: i32, %arg1: i32, %arg2: memref<16384xi32, #tpu.memory_space<hbm>>, %arg3: memref<16384xi32, #tpu.memory_space<hbm>>, %arg4: memref<131072xi32, #tpu.memory_space<hbm>>, %arg5: memref<131072xi32, #tpu.memory_space<hbm>>, %arg6: memref<8192xf32, #tpu.memory_space<hbm>>, %arg7: memref<128xf32, #tpu.memory_space<hbm>>, %arg8: memref<262144xf32, #tpu.memory_space<hbm>>, %arg9: memref<4194304xf32, #tpu.memory_space<hbm>>, %arg10: memref<1050752xf32, #tpu.memory_space<vmem_shared>>, %arg11: memref<131712xf32, #tpu.memory_space<vmem_shared>>, %arg12: memref<8192xi32, #tpu.memory_space<vmem>>, %arg13: memref<8192xi32, #tpu.memory_space<vmem>>, %arg14: memref<1024xi32, #tpu.memory_space<vmem>>, %arg15: memref<1024xi32, #tpu.memory_space<vmem>>, %arg16: memref<65x128xi32, #tpu.memory_space<vmem>>, %arg17: memref<9x128xi32, #tpu.memory_space<vmem>>, %arg18: memref<128xf32, #tpu.memory_space<vmem>>, %arg19: memref<8192xf32, #tpu.memory_space<vmem>>, %arg20: memref<8192xf32, #tpu.memory_space<vmem>>, %arg21: memref<8192xf32, #tpu.memory_space<vmem>>, %arg22: memref<!tpu.dma_semaphore, #tpu.memory_space<semaphore_mem>>) attributes {dimension_semantics = [#tpu.dimension_semantics<core_parallel>, #tpu.dimension_semantics<subcore_parallel>], iteration_bounds = array<i64: 2, 16>, scalar_prefetch = 0 : i64, scratch_operands = 13 : i64, tpu.core_type = #tpu.core_type<sc_vector_subcore>, window_params = [{transform_indices = #map}, {transform_indices = #map}, {transform_indices = #map}, {transform_indices = #map}, {transform_indices = #map}, {transform_indices = #map}, {transform_indices = #map}, {transform_indices = #map}]} {
    %mul3A = arith.constant 8192 : i32
    %mul3A_0 = arith.muli %arg1, %mul3A : i32
    %dma_start3A = tpu.memref_slice %arg5[%mul3A_0] : memref<131072xi32, #tpu.memory_space<hbm>> -> memref<8192xi32, #tpu.memory_space<hbm>>
    %dma_start3A_1 = tpu.memref_slice %arg5[%mul3A_0] : memref<131072xi32, #tpu.memory_space<hbm>> -> memref<8192xi32, #tpu.memory_space<hbm>>
    tpu.enqueue_dma source(%dma_start3A_1 : memref<8192xi32, #tpu.memory_space<hbm>>) target(%arg12 : memref<8192xi32, #tpu.memory_space<vmem>>) target_semaphore(%arg22 : memref<!tpu.dma_semaphore, #tpu.memory_space<semaphore_mem>>)
    %mul3A_2 = arith.constant 8192 : i32
    %mul3A_3 = arith.muli %arg1, %mul3A_2 : i32
    %dma_start3A_4 = tpu.memref_slice %arg4[%mul3A_3] : memref<131072xi32, #tpu.memory_space<hbm>> -> memref<8192xi32, #tpu.memory_space<hbm>>
    %dma_start3A_5 = tpu.memref_slice %arg4[%mul3A_3] : memref<131072xi32, #tpu.memory_space<hbm>> -> memref<8192xi32, #tpu.memory_space<hbm>>
    tpu.enqueue_dma source(%dma_start3A_5 : memref<8192xi32, #tpu.memory_space<hbm>>) target(%arg13 : memref<8192xi32, #tpu.memory_space<vmem>>) target_semaphore(%arg22 : memref<!tpu.dma_semaphore, #tpu.memory_space<semaphore_mem>>)
    %mul3A_6 = arith.constant 1024 : i32
    %mul3A_7 = arith.muli %arg1, %mul3A_6 : i32
    %dma_start3A_8 = tpu.memref_slice %arg3[%mul3A_7] : memref<16384xi32, #tpu.memory_space<hbm>> -> memref<1024xi32, #tpu.memory_space<hbm>>
    %dma_start3A_9 = tpu.memref_slice %arg3[%mul3A_7] : memref<16384xi32, #tpu.memory_space<hbm>> -> memref<1024xi32, #tpu.memory_space<hbm>>
    tpu.enqueue_dma source(%dma_start3A_9 : memref<1024xi32, #tpu.memory_space<hbm>>) target(%arg14 : memref<1024xi32, #tpu.memory_space<vmem>>) target_semaphore(%arg22 : memref<!tpu.dma_semaphore, #tpu.memory_space<semaphore_mem>>)
    %mul3A_10 = arith.constant 1024 : i32
    %mul3A_11 = arith.muli %arg1, %mul3A_10 : i32
    %dma_start3A_12 = tpu.memref_slice %arg2[%mul3A_11] : memref<16384xi32, #tpu.memory_space<hbm>> -> memref<1024xi32, #tpu.memory_space<hbm>>
    %dma_start3A_13 = tpu.memref_slice %arg2[%mul3A_11] : memref<16384xi32, #tpu.memory_space<hbm>> -> memref<1024xi32, #tpu.memory_space<hbm>>
    tpu.enqueue_dma source(%dma_start3A_13 : memref<1024xi32, #tpu.memory_space<hbm>>) target(%arg15 : memref<1024xi32, #tpu.memory_space<vmem>>) target_semaphore(%arg22 : memref<!tpu.dma_semaphore, #tpu.memory_space<semaphore_mem>>)
    "tpu.region"() ({
      %run_scoped3A = tpu.sem_alloc : memref<!tpu.dma_semaphore, #tpu.memory_space<semaphore_mem>>
      tpu.enqueue_dma source(%arg6 : memref<8192xf32, #tpu.memory_space<hbm>>) target(%arg19 : memref<8192xf32, #tpu.memory_space<vmem>>) target_semaphore(%run_scoped3A : memref<!tpu.dma_semaphore, #tpu.memory_space<semaphore_mem>>)
      tpu.wait_dma2 semaphore(%run_scoped3A : memref<!tpu.dma_semaphore, #tpu.memory_space<semaphore_mem>>) src(%arg6 : memref<8192xf32, #tpu.memory_space<hbm>>) dst(%arg19 : memref<8192xf32, #tpu.memory_space<vmem>>)
      tpu.yield
    }) : () -> ()
    "tpu.region"() ({
      %run_scoped3A = tpu.sem_alloc : memref<!tpu.dma_semaphore, #tpu.memory_space<semaphore_mem>>
      tpu.enqueue_dma source(%arg7 : memref<128xf32, #tpu.memory_space<hbm>>) target(%arg18 : memref<128xf32, #tpu.memory_space<vmem>>) target_semaphore(%run_scoped3A : memref<!tpu.dma_semaphore, #tpu.memory_space<semaphore_mem>>)
      tpu.wait_dma2 semaphore(%run_scoped3A : memref<!tpu.dma_semaphore, #tpu.memory_space<semaphore_mem>>) src(%arg7 : memref<128xf32, #tpu.memory_space<hbm>>) dst(%arg18 : memref<128xf32, #tpu.memory_space<vmem>>)
      tpu.yield
    }) : () -> ()
    %mul3A_14 = arith.constant 8192 : i32
    %mul3A_15 = arith.muli %arg1, %mul3A_14 : i32
    "tpu.region"() ({
      %run_scoped3A = tpu.sem_alloc : memref<!tpu.dma_semaphore, #tpu.memory_space<semaphore_mem>>
      %dma_start3A_523 = tpu.memref_slice %arg11[%mul3A_15] : memref<131712xf32, #tpu.memory_space<vmem_shared>> -> memref<8192xf32, #tpu.memory_space<vmem_shared>>
      %dma_start3A_524 = tpu.memref_slice %arg11[%mul3A_15] : memref<131712xf32, #tpu.memory_space<vmem_shared>> -> memref<8192xf32, #tpu.memory_space<vmem_shared>>
      tpu.enqueue_dma source(%arg19 : memref<8192xf32, #tpu.memory_space<vmem>>) target(%dma_start3A_524 : memref<8192xf32, #tpu.memory_space<vmem_shared>>) target_semaphore(%run_scoped3A : memref<!tpu.dma_semaphore, #tpu.memory_space<semaphore_mem>>)
      %dma_wait3A_525 = tpu.memref_slice %arg11[%mul3A_15] : memref<131712xf32, #tpu.memory_space<vmem_shared>> -> memref<8192xf32, #tpu.memory_space<vmem_shared>>
      %dma_wait3A_526 = tpu.memref_slice %arg11[%mul3A_15] : memref<131712xf32, #tpu.memory_space<vmem_shared>> -> memref<8192xf32, #tpu.memory_space<vmem_shared>>
      tpu.wait_dma2 semaphore(%run_scoped3A : memref<!tpu.dma_semaphore, #tpu.memory_space<semaphore_mem>>) src(%arg19 : memref<8192xf32, #tpu.memory_space<vmem>>) dst(%dma_wait3A_526 : memref<8192xf32, #tpu.memory_space<vmem_shared>>)
      tpu.yield
    }) : () -> ()
    %eq3A = arith.constant 0 : i32
    %eq3A_16 = arith.cmpi eq, %arg1, %eq3A : i32
    %convert_element_type3A = arith.extui %eq3A_16 : i1 to i32
    %cond3A = arith.constant 0 : i32
    %cond3A_17 = arith.cmpi ne, %convert_element_type3A, %cond3A : i32
    scf.if %cond3A_17 {
      "tpu.region"() ({
        %run_scoped3A = tpu.sem_alloc : memref<!tpu.dma_semaphore, #tpu.memory_space<semaphore_mem>>
        %dma_start3A_523 = arith.constant 0 : i32
        %dma_start3A_524 = tpu.memref_slice %arg19[%dma_start3A_523] : memref<8192xf32, #tpu.memory_space<vmem>> -> memref<128xf32, #tpu.memory_space<vmem>>
        %dma_start3A_525 = arith.constant 131072 : i32
        %dma_start3A_526 = tpu.memref_slice %arg11[%dma_start3A_525] : memref<131712xf32, #tpu.memory_space<vmem_shared>> -> memref<128xf32, #tpu.memory_space<vmem_shared>>
        %dma_start3A_527 = arith.constant 131072 : i32
        %dma_start3A_528 = tpu.memref_slice %arg11[%dma_start3A_527] : memref<131712xf32, #tpu.memory_space<vmem_shared>> -> memref<128xf32, #tpu.memory_space<vmem_shared>>
        %dma_start3A_529 = arith.constant 0 : i32
        %dma_start3A_530 = tpu.memref_slice %arg19[%dma_start3A_529] : memref<8192xf32, #tpu.memory_space<vmem>> -> memref<128xf32, #tpu.memory_space<vmem>>
        tpu.enqueue_dma source(%dma_start3A_530 : memref<128xf32, #tpu.memory_space<vmem>>) target(%dma_start3A_528 : memref<128xf32, #tpu.memory_space<vmem_shared>>) target_semaphore(%run_scoped3A : memref<!tpu.dma_semaphore, #tpu.memory_space<semaphore_mem>>)
        %dma_wait3A_531 = arith.constant 0 : i32
        %dma_wait3A_532 = tpu.memref_slice %arg19[%dma_wait3A_531] : memref<8192xf32, #tpu.memory_space<vmem>> -> memref<128xf32, #tpu.memory_space<vmem>>
        %dma_wait3A_533 = arith.constant 131072 : i32
        %dma_wait3A_534 = tpu.memref_slice %arg11[%dma_wait3A_533] : memref<131712xf32, #tpu.memory_space<vmem_shared>> -> memref<128xf32, #tpu.memory_space<vmem_shared>>
        %dma_wait3A_535 = arith.constant 131072 : i32
        %dma_wait3A_536 = tpu.memref_slice %arg11[%dma_wait3A_535] : memref<131712xf32, #tpu.memory_space<vmem_shared>> -> memref<128xf32, #tpu.memory_space<vmem_shared>>
        %dma_wait3A_537 = arith.constant 0 : i32
        %dma_wait3A_538 = tpu.memref_slice %arg19[%dma_wait3A_537] : memref<8192xf32, #tpu.memory_space<vmem>> -> memref<128xf32, #tpu.memory_space<vmem>>
        tpu.wait_dma2 semaphore(%run_scoped3A : memref<!tpu.dma_semaphore, #tpu.memory_space<semaphore_mem>>) src(%dma_wait3A_538 : memref<128xf32, #tpu.memory_space<vmem>>) dst(%dma_wait3A_536 : memref<128xf32, #tpu.memory_space<vmem_shared>>)
        tpu.yield
      }) : () -> ()
    } else {
    }
    %dma_wait3A = tpu.memref_slice %arg5[%mul3A_0] : memref<131072xi32, #tpu.memory_space<hbm>> -> memref<8192xi32, #tpu.memory_space<hbm>>
    %dma_wait3A_18 = tpu.memref_slice %arg5[%mul3A_0] : memref<131072xi32, #tpu.memory_space<hbm>> -> memref<8192xi32, #tpu.memory_space<hbm>>
    tpu.wait_dma2 semaphore(%arg22 : memref<!tpu.dma_semaphore, #tpu.memory_space<semaphore_mem>>) src(%dma_wait3A_18 : memref<8192xi32, #tpu.memory_space<hbm>>) dst(%arg12 : memref<8192xi32, #tpu.memory_space<vmem>>)
    %dma_wait3A_19 = tpu.memref_slice %arg4[%mul3A_3] : memref<131072xi32, #tpu.memory_space<hbm>> -> memref<8192xi32, #tpu.memory_space<hbm>>
    %dma_wait3A_20 = tpu.memref_slice %arg4[%mul3A_3] : memref<131072xi32, #tpu.memory_space<hbm>> -> memref<8192xi32, #tpu.memory_space<hbm>>
    tpu.wait_dma2 semaphore(%arg22 : memref<!tpu.dma_semaphore, #tpu.memory_space<semaphore_mem>>) src(%dma_wait3A_20 : memref<8192xi32, #tpu.memory_space<hbm>>) dst(%arg13 : memref<8192xi32, #tpu.memory_space<vmem>>)
    %dma_wait3A_21 = tpu.memref_slice %arg3[%mul3A_7] : memref<16384xi32, #tpu.memory_space<hbm>> -> memref<1024xi32, #tpu.memory_space<hbm>>
    %dma_wait3A_22 = tpu.memref_slice %arg3[%mul3A_7] : memref<16384xi32, #tpu.memory_space<hbm>> -> memref<1024xi32, #tpu.memory_space<hbm>>
    tpu.wait_dma2 semaphore(%arg22 : memref<!tpu.dma_semaphore, #tpu.memory_space<semaphore_mem>>) src(%dma_wait3A_22 : memref<1024xi32, #tpu.memory_space<hbm>>) dst(%arg14 : memref<1024xi32, #tpu.memory_space<vmem>>)
    %dma_wait3A_23 = tpu.memref_slice %arg2[%mul3A_11] : memref<16384xi32, #tpu.memory_space<hbm>> -> memref<1024xi32, #tpu.memory_space<hbm>>
    %dma_wait3A_24 = tpu.memref_slice %arg2[%mul3A_11] : memref<16384xi32, #tpu.memory_space<hbm>> -> memref<1024xi32, #tpu.memory_space<hbm>>
    tpu.wait_dma2 semaphore(%arg22 : memref<!tpu.dma_semaphore, #tpu.memory_space<semaphore_mem>>) src(%dma_wait3A_24 : memref<1024xi32, #tpu.memory_space<hbm>>) dst(%arg15 : memref<1024xi32, #tpu.memory_space<vmem>>)
    %mul3A_25 = arith.constant 512 : i32
    %mul3A_26 = arith.muli %arg0, %mul3A_25 : i32
    %add3A = arith.constant 2 : i32
    %add3A_27 = arith.addi %add3A, %arg0 : i32
    %mul3A_28 = arith.constant 512 : i32
    %mul3A_29 = arith.muli %add3A_27, %mul3A_28 : i32
    %mul3A_30 = arith.constant 256 : i32
    %mul3A_31 = arith.muli %arg0, %mul3A_30 : i32
    "tpu.trace_start"() <{level = 10 : i32, message = "knn_scan"}> : () -> ()
    %scan3A = arith.constant 0 : i32
    %scan3A_32 = arith.constant 8 : i32
    %scan3A_33 = arith.addi %scan3A, %scan3A_32 : i32
    %scan3A_34 = arith.constant 1 : i32
    scf.for %scan3A_523 = %scan3A to %scan3A_33 step %scan3A_34  : i32 {
      %mul3A_524 = arith.constant 128 : i32
      %mul3A_525 = arith.muli %scan3A_523, %mul3A_524 : i32
      %add3A_526 = arith.constant 0 : i32
      %add3A_527 = arith.addi %mul3A_525, %add3A_526 : i32
      %get3A = arith.index_cast %add3A_527 : i32 to index
      %get3A_528 = tpu.vector_load %arg15[%get3A] {strides = array<i32>} : memref<1024xi32, #tpu.memory_space<vmem>>, vector<16xi32>,
      %get3A_529 = vector.shape_cast %get3A_528 : vector<16xi32> to vector<16xi32>
      %get3A_530 = arith.index_cast %add3A_527 : i32 to index
      %get3A_531 = tpu.vector_load %arg14[%get3A_530] {strides = array<i32>} : memref<1024xi32, #tpu.memory_space<vmem>>, vector<16xi32>,
      %get3A_532 = vector.shape_cast %get3A_531 : vector<16xi32> to vector<16xi32>
      %ge3A = vector.broadcast %mul3A_31 : i32 to vector<16xi32>
      %ge3A_533 = arith.cmpi sge, %get3A_529, %ge3A : vector<16xi32>
      %add3A_534 = arith.constant 256 : i32
      %add3A_535 = arith.addi %mul3A_31, %add3A_534 : i32
      %lt3A = vector.broadcast %add3A_535 : i32 to vector<16xi32>
      %lt3A_536 = arith.cmpi slt, %get3A_529, %lt3A : vector<16xi32>
      %and3A = arith.andi %ge3A_533, %lt3A_536 : vector<16xi1>
      %sub3A = vector.broadcast %mul3A_31 : i32 to vector<16xi32>
      %sub3A_537 = arith.subi %get3A_529, %sub3A : vector<16xi32>
      %mul3A_538 = arith.constant 512 : i32
      %mul3A_539 = vector.broadcast %mul3A_538 : i32 to vector<16xi32>
      %mul3A_540 = arith.muli %sub3A_537, %mul3A_539 : vector<16xi32>
      %add3A_541 = arith.addi %mul3A_540, %get3A_532 : vector<16xi32>
      %add3A_542 = arith.constant 131072 : i32
      %add3A_543 = vector.broadcast %add3A_542 : i32 to vector<16xi32>
      %add3A_544 = arith.addi %add3A_543, %get3A_532 : vector<16xi32>
      %select_n3A = arith.select %and3A, %add3A_541, %add3A_544 : vector<16xi1>, vector<16xi32>
      %swap3A = arith.index_cast %scan3A_523 : i32 to index
      %swap3A_545 = arith.constant 0 : index
      %swap3A_546 = tpu.vector_load %arg17[%swap3A, %swap3A_545] {strides = array<i32>} : memref<9x128xi32, #tpu.memory_space<vmem>>, vector<1x16xi32>,
      %swap3A_547 = vector.shape_cast %swap3A_546 : vector<1x16xi32> to vector<16xi32>
      %swap3A_548 = vector.shape_cast %select_n3A : vector<16xi32> to vector<1x16xi32>
      tpu.vector_store %arg17[%swap3A, %swap3A_545], %swap3A_548 {strides = array<i32>} : memref<9x128xi32, #tpu.memory_space<vmem>>, vector<1x16xi32>,
      %mul3A_549 = arith.constant 128 : i32
      %mul3A_550 = arith.muli %scan3A_523, %mul3A_549 : i32
      %add3A_551 = arith.constant 16 : i32
      %add3A_552 = arith.addi %mul3A_550, %add3A_551 : i32
      %get3A_553 = arith.index_cast %add3A_552 : i32 to index
      %get3A_554 = tpu.vector_load %arg15[%get3A_553] {strides = array<i32>} : memref<1024xi32, #tpu.memory_space<vmem>>, vector<16xi32>,
      %get3A_555 = vector.shape_cast %get3A_554 : vector<16xi32> to vector<16xi32>
      %get3A_556 = arith.index_cast %add3A_552 : i32 to index
      %get3A_557 = tpu.vector_load %arg14[%get3A_556] {strides = array<i32>} : memref<1024xi32, #tpu.memory_space<vmem>>, vector<16xi32>,
      %get3A_558 = vector.shape_cast %get3A_557 : vector<16xi32> to vector<16xi32>
      %ge3A_559 = vector.broadcast %mul3A_31 : i32 to vector<16xi32>
      %ge3A_560 = arith.cmpi sge, %get3A_555, %ge3A_559 : vector<16xi32>
      %add3A_561 = arith.constant 256 : i32
      %add3A_562 = arith.addi %mul3A_31, %add3A_561 : i32
      %lt3A_563 = vector.broadcast %add3A_562 : i32 to vector<16xi32>
      %lt3A_564 = arith.cmpi slt, %get3A_555, %lt3A_563 : vector<16xi32>
      %and3A_565 = arith.andi %ge3A_560, %lt3A_564 : vector<16xi1>
      %sub3A_566 = vector.broadcast %mul3A_31 : i32 to vector<16xi32>
      %sub3A_567 = arith.subi %get3A_555, %sub3A_566 : vector<16xi32>
      %mul3A_568 = arith.constant 512 : i32
      %mul3A_569 = vector.broadcast %mul3A_568 : i32 to vector<16xi32>
      %mul3A_570 = arith.muli %sub3A_567, %mul3A_569 : vector<16xi32>
      %add3A_571 = arith.addi %mul3A_570, %get3A_558 : vector<16xi32>
      %add3A_572 = arith.constant 131072 : i32
      %add3A_573 = vector.broadcast %add3A_572 : i32 to vector<16xi32>
      %add3A_574 = arith.addi %add3A_573, %get3A_558 : vector<16xi32>
      %select_n3A_575 = arith.select %and3A_565, %add3A_571, %add3A_574 : vector<16xi1>, vector<16xi32>
      %swap3A_576 = arith.index_cast %scan3A_523 : i32 to index
      %swap3A_577 = arith.constant 16 : index
      %swap3A_578 = tpu.vector_load %arg17[%swap3A_576, %swap3A_577] {strides = array<i32>} : memref<9x128xi32, #tpu.memory_space<vmem>>, vector<1x16xi32>,
      %swap3A_579 = vector.shape_cast %swap3A_578 : vector<1x16xi32> to vector<16xi32>
      %swap3A_580 = vector.shape_cast %select_n3A_575 : vector<16xi32> to vector<1x16xi32>
      tpu.vector_store %arg17[%swap3A_576, %swap3A_577], %swap3A_580 {strides = array<i32>} : memref<9x128xi32, #tpu.memory_space<vmem>>, vector<1x16xi32>,
      %mul3A_581 = arith.constant 128 : i32
      %mul3A_582 = arith.muli %scan3A_523, %mul3A_581 : i32
      %add3A_583 = arith.constant 32 : i32
      %add3A_584 = arith.addi %mul3A_582, %add3A_583 : i32
      %get3A_585 = arith.index_cast %add3A_584 : i32 to index
      %get3A_586 = tpu.vector_load %arg15[%get3A_585] {strides = array<i32>} : memref<1024xi32, #tpu.memory_space<vmem>>, vector<16xi32>,
      %get3A_587 = vector.shape_cast %get3A_586 : vector<16xi32> to vector<16xi32>
      %get3A_588 = arith.index_cast %add3A_584 : i32 to index
      %get3A_589 = tpu.vector_load %arg14[%get3A_588] {strides = array<i32>} : memref<1024xi32, #tpu.memory_space<vmem>>, vector<16xi32>,
      %get3A_590 = vector.shape_cast %get3A_589 : vector<16xi32> to vector<16xi32>
      %ge3A_591 = vector.broadcast %mul3A_31 : i32 to vector<16xi32>
      %ge3A_592 = arith.cmpi sge, %get3A_587, %ge3A_591 : vector<16xi32>
      %add3A_593 = arith.constant 256 : i32
      %add3A_594 = arith.addi %mul3A_31, %add3A_593 : i32
      %lt3A_595 = vector.broadcast %add3A_594 : i32 to vector<16xi32>
      %lt3A_596 = arith.cmpi slt, %get3A_587, %lt3A_595 : vector<16xi32>
      %and3A_597 = arith.andi %ge3A_592, %lt3A_596 : vector<16xi1>
      %sub3A_598 = vector.broadcast %mul3A_31 : i32 to vector<16xi32>
      %sub3A_599 = arith.subi %get3A_587, %sub3A_598 : vector<16xi32>
      %mul3A_600 = arith.constant 512 : i32
      %mul3A_601 = vector.broadcast %mul3A_600 : i32 to vector<16xi32>
      %mul3A_602 = arith.muli %sub3A_599, %mul3A_601 : vector<16xi32>
      %add3A_603 = arith.addi %mul3A_602, %get3A_590 : vector<16xi32>
      %add3A_604 = arith.constant 131072 : i32
      %add3A_605 = vector.broadcast %add3A_604 : i32 to vector<16xi32>
      %add3A_606 = arith.addi %add3A_605, %get3A_590 : vector<16xi32>
      %select_n3A_607 = arith.select %and3A_597, %add3A_603, %add3A_606 : vector<16xi1>, vector<16xi32>
      %swap3A_608 = arith.index_cast %scan3A_523 : i32 to index
      %swap3A_609 = arith.constant 32 : index
      %swap3A_610 = tpu.vector_load %arg17[%swap3A_608, %swap3A_609] {strides = array<i32>} : memref<9x128xi32, #tpu.memory_space<vmem>>, vector<1x16xi32>,
      %swap3A_611 = vector.shape_cast %swap3A_610 : vector<1x16xi32> to vector<16xi32>
      %swap3A_612 = vector.shape_cast %select_n3A_607 : vector<16xi32> to vector<1x16xi32>
      tpu.vector_store %arg17[%swap3A_608, %swap3A_609], %swap3A_612 {strides = array<i32>} : memref<9x128xi32, #tpu.memory_space<vmem>>, vector<1x16xi32>,
      %mul3A_613 = arith.constant 128 : i32
      %mul3A_614 = arith.muli %scan3A_523, %mul3A_613 : i32
      %add3A_615 = arith.constant 48 : i32
      %add3A_616 = arith.addi %mul3A_614, %add3A_615 : i32
      %get3A_617 = arith.index_cast %add3A_616 : i32 to index
      %get3A_618 = tpu.vector_load %arg15[%get3A_617] {strides = array<i32>} : memref<1024xi32, #tpu.memory_space<vmem>>, vector<16xi32>,
      %get3A_619 = vector.shape_cast %get3A_618 : vector<16xi32> to vector<16xi32>
      %get3A_620 = arith.index_cast %add3A_616 : i32 to index
      %get3A_621 = tpu.vector_load %arg14[%get3A_620] {strides = array<i32>} : memref<1024xi32, #tpu.memory_space<vmem>>, vector<16xi32>,
      %get3A_622 = vector.shape_cast %get3A_621 : vector<16xi32> to vector<16xi32>
      %ge3A_623 = vector.broadcast %mul3A_31 : i32 to vector<16xi32>
      %ge3A_624 = arith.cmpi sge, %get3A_619, %ge3A_623 : vector<16xi32>
      %add3A_625 = arith.constant 256 : i32
      %add3A_626 = arith.addi %mul3A_31, %add3A_625 : i32
      %lt3A_627 = vector.broadcast %add3A_626 : i32 to vector<16xi32>
      %lt3A_628 = arith.cmpi slt, %get3A_619, %lt3A_627 : vector<16xi32>
      %and3A_629 = arith.andi %ge3A_624, %lt3A_628 : vector<16xi1>
      %sub3A_630 = vector.broadcast %mul3A_31 : i32 to vector<16xi32>
      %sub3A_631 = arith.subi %get3A_619, %sub3A_630 : vector<16xi32>
      %mul3A_632 = arith.constant 512 : i32
      %mul3A_633 = vector.broadcast %mul3A_632 : i32 to vector<16xi32>
      %mul3A_634 = arith.muli %sub3A_631, %mul3A_633 : vector<16xi32>
      %add3A_635 = arith.addi %mul3A_634, %get3A_622 : vector<16xi32>
      %add3A_636 = arith.constant 131072 : i32
      %add3A_637 = vector.broadcast %add3A_636 : i32 to vector<16xi32>
      %add3A_638 = arith.addi %add3A_637, %get3A_622 : vector<16xi32>
      %select_n3A_639 = arith.select %and3A_629, %add3A_635, %add3A_638 : vector<16xi1>, vector<16xi32>
      %swap3A_640 = arith.index_cast %scan3A_523 : i32 to index
      %swap3A_641 = arith.constant 48 : index
      %swap3A_642 = tpu.vector_load %arg17[%swap3A_640, %swap3A_641] {strides = array<i32>} : memref<9x128xi32, #tpu.memory_space<vmem>>, vector<1x16xi32>,
      %swap3A_643 = vector.shape_cast %swap3A_642 : vector<1x16xi32> to vector<16xi32>
      %swap3A_644 = vector.shape_cast %select_n3A_639 : vector<16xi32> to vector<1x16xi32>
      tpu.vector_store %arg17[%swap3A_640, %swap3A_641], %swap3A_644 {strides = array<i32>} : memref<9x128xi32, #tpu.memory_space<vmem>>, vector<1x16xi32>,
      %mul3A_645 = arith.constant 128 : i32
      %mul3A_646 = arith.muli %scan3A_523, %mul3A_645 : i32
      %add3A_647 = arith.constant 64 : i32
      %add3A_648 = arith.addi %mul3A_646, %add3A_647 : i32
      %get3A_649 = arith.index_cast %add3A_648 : i32 to index
      %get3A_650 = tpu.vector_load %arg15[%get3A_649] {strides = array<i32>} : memref<1024xi32, #tpu.memory_space<vmem>>, vector<16xi32>,
      %get3A_651 = vector.shape_cast %get3A_650 : vector<16xi32> to vector<16xi32>
      %get3A_652 = arith.index_cast %add3A_648 : i32 to index
      %get3A_653 = tpu.vector_load %arg14[%get3A_652] {strides = array<i32>} : memref<1024xi32, #tpu.memory_space<vmem>>, vector<16xi32>,
      %get3A_654 = vector.shape_cast %get3A_653 : vector<16xi32> to vector<16xi32>
      %ge3A_655 = vector.broadcast %mul3A_31 : i32 to vector<16xi32>
      %ge3A_656 = arith.cmpi sge, %get3A_651, %ge3A_655 : vector<16xi32>
      %add3A_657 = arith.constant 256 : i32
      %add3A_658 = arith.addi %mul3A_31, %add3A_657 : i32
      %lt3A_659 = vector.broadcast %add3A_658 : i32 to vector<16xi32>
      %lt3A_660 = arith.cmpi slt, %get3A_651, %lt3A_659 : vector<16xi32>
      %and3A_661 = arith.andi %ge3A_656, %lt3A_660 : vector<16xi1>
      %sub3A_662 = vector.broadcast %mul3A_31 : i32 to vector<16xi32>
      %sub3A_663 = arith.subi %get3A_651, %sub3A_662 : vector<16xi32>
      %mul3A_664 = arith.constant 512 : i32
      %mul3A_665 = vector.broadcast %mul3A_664 : i32 to vector<16xi32>
      %mul3A_666 = arith.muli %sub3A_663, %mul3A_665 : vector<16xi32>
      %add3A_667 = arith.addi %mul3A_666, %get3A_654 : vector<16xi32>
      %add3A_668 = arith.constant 131072 : i32
      %add3A_669 = vector.broadcast %add3A_668 : i32 to vector<16xi32>
      %add3A_670 = arith.addi %add3A_669, %get3A_654 : vector<16xi32>
      %select_n3A_671 = arith.select %and3A_661, %add3A_667, %add3A_670 : vector<16xi1>, vector<16xi32>
      %swap3A_672 = arith.index_cast %scan3A_523 : i32 to index
      %swap3A_673 = arith.constant 64 : index
      %swap3A_674 = tpu.vector_load %arg17[%swap3A_672, %swap3A_673] {strides = array<i32>} : memref<9x128xi32, #tpu.memory_space<vmem>>, vector<1x16xi32>,
      %swap3A_675 = vector.shape_cast %swap3A_674 : vector<1x16xi32> to vector<16xi32>
      %swap3A_676 = vector.shape_cast %select_n3A_671 : vector<16xi32> to vector<1x16xi32>
      tpu.vector_store %arg17[%swap3A_672, %swap3A_673], %swap3A_676 {strides = array<i32>} : memref<9x128xi32, #tpu.memory_space<vmem>>, vector<1x16xi32>,
      %mul3A_677 = arith.constant 128 : i32
      %mul3A_678 = arith.muli %scan3A_523, %mul3A_677 : i32
      %add3A_679 = arith.constant 80 : i32
      %add3A_680 = arith.addi %mul3A_678, %add3A_679 : i32
      %get3A_681 = arith.index_cast %add3A_680 : i32 to index
      %get3A_682 = tpu.vector_load %arg15[%get3A_681] {strides = array<i32>} : memref<1024xi32, #tpu.memory_space<vmem>>, vector<16xi32>,
      %get3A_683 = vector.shape_cast %get3A_682 : vector<16xi32> to vector<16xi32>
      %get3A_684 = arith.index_cast %add3A_680 : i32 to index
      %get3A_685 = tpu.vector_load %arg14[%get3A_684] {strides = array<i32>} : memref<1024xi32, #tpu.memory_space<vmem>>, vector<16xi32>,
      %get3A_686 = vector.shape_cast %get3A_685 : vector<16xi32> to vector<16xi32>
      %ge3A_687 = vector.broadcast %mul3A_31 : i32 to vector<16xi32>
      %ge3A_688 = arith.cmpi sge, %get3A_683, %ge3A_687 : vector<16xi32>
      %add3A_689 = arith.constant 256 : i32
      %add3A_690 = arith.addi %mul3A_31, %add3A_689 : i32
      %lt3A_691 = vector.broadcast %add3A_690 : i32 to vector<16xi32>
      %lt3A_692 = arith.cmpi slt, %get3A_683, %lt3A_691 : vector<16xi32>
      %and3A_693 = arith.andi %ge3A_688, %lt3A_692 : vector<16xi1>
      %sub3A_694 = vector.broadcast %mul3A_31 : i32 to vector<16xi32>
      %sub3A_695 = arith.subi %get3A_683, %sub3A_694 : vector<16xi32>
      %mul3A_696 = arith.constant 512 : i32
      %mul3A_697 = vector.broadcast %mul3A_696 : i32 to vector<16xi32>
      %mul3A_698 = arith.muli %sub3A_695, %mul3A_697 : vector<16xi32>
      %add3A_699 = arith.addi %mul3A_698, %get3A_686 : vector<16xi32>
      %add3A_700 = arith.constant 131072 : i32
      %add3A_701 = vector.broadcast %add3A_700 : i32 to vector<16xi32>
      %add3A_702 = arith.addi %add3A_701, %get3A_686 : vector<16xi32>
      %select_n3A_703 = arith.select %and3A_693, %add3A_699, %add3A_702 : vector<16xi1>, vector<16xi32>
      %swap3A_704 = arith.index_cast %scan3A_523 : i32 to index
      %swap3A_705 = arith.constant 80 : index
      %swap3A_706 = tpu.vector_load %arg17[%swap3A_704, %swap3A_705] {strides = array<i32>} : memref<9x128xi32, #tpu.memory_space<vmem>>, vector<1x16xi32>,
      %swap3A_707 = vector.shape_cast %swap3A_706 : vector<1x16xi32> to vector<16xi32>
      %swap3A_708 = vector.shape_cast %select_n3A_703 : vector<16xi32> to vector<1x16xi32>
      tpu.vector_store %arg17[%swap3A_704, %swap3A_705], %swap3A_708 {strides = array<i32>} : memref<9x128xi32, #tpu.memory_space<vmem>>, vector<1x16xi32>,
      %mul3A_709 = arith.constant 128 : i32
      %mul3A_710 = arith.muli %scan3A_523, %mul3A_709 : i32
      %add3A_711 = arith.constant 96 : i32
      %add3A_712 = arith.addi %mul3A_710, %add3A_711 : i32
      %get3A_713 = arith.index_cast %add3A_712 : i32 to index
      %get3A_714 = tpu.vector_load %arg15[%get3A_713] {strides = array<i32>} : memref<1024xi32, #tpu.memory_space<vmem>>, vector<16xi32>,
      %get3A_715 = vector.shape_cast %get3A_714 : vector<16xi32> to vector<16xi32>
      %get3A_716 = arith.index_cast %add3A_712 : i32 to index
      %get3A_717 = tpu.vector_load %arg14[%get3A_716] {strides = array<i32>} : memref<1024xi32, #tpu.memory_space<vmem>>, vector<16xi32>,
      %get3A_718 = vector.shape_cast %get3A_717 : vector<16xi32> to vector<16xi32>
      %ge3A_719 = vector.broadcast %mul3A_31 : i32 to vector<16xi32>
      %ge3A_720 = arith.cmpi sge, %get3A_715, %ge3A_719 : vector<16xi32>
      %add3A_721 = arith.constant 256 : i32
      %add3A_722 = arith.addi %mul3A_31, %add3A_721 : i32
      %lt3A_723 = vector.broadcast %add3A_722 : i32 to vector<16xi32>
      %lt3A_724 = arith.cmpi slt, %get3A_715, %lt3A_723 : vector<16xi32>
      %and3A_725 = arith.andi %ge3A_720, %lt3A_724 : vector<16xi1>
      %sub3A_726 = vector.broadcast %mul3A_31 : i32 to vector<16xi32>
      %sub3A_727 = arith.subi %get3A_715, %sub3A_726 : vector<16xi32>
      %mul3A_728 = arith.constant 512 : i32
      %mul3A_729 = vector.broadcast %mul3A_728 : i32 to vector<16xi32>
      %mul3A_730 = arith.muli %sub3A_727, %mul3A_729 : vector<16xi32>
      %add3A_731 = arith.addi %mul3A_730, %get3A_718 : vector<16xi32>
      %add3A_732 = arith.constant 131072 : i32
      %add3A_733 = vector.broadcast %add3A_732 : i32 to vector<16xi32>
      %add3A_734 = arith.addi %add3A_733, %get3A_718 : vector<16xi32>
      %select_n3A_735 = arith.select %and3A_725, %add3A_731, %add3A_734 : vector<16xi1>, vector<16xi32>
      %swap3A_736 = arith.index_cast %scan3A_523 : i32 to index
      %swap3A_737 = arith.constant 96 : index
      %swap3A_738 = tpu.vector_load %arg17[%swap3A_736, %swap3A_737] {strides = array<i32>} : memref<9x128xi32, #tpu.memory_space<vmem>>, vector<1x16xi32>,
      %swap3A_739 = vector.shape_cast %swap3A_738 : vector<1x16xi32> to vector<16xi32>
      %swap3A_740 = vector.shape_cast %select_n3A_735 : vector<16xi32> to vector<1x16xi32>
      tpu.vector_store %arg17[%swap3A_736, %swap3A_737], %swap3A_740 {strides = array<i32>} : memref<9x128xi32, #tpu.memory_space<vmem>>, vector<1x16xi32>,
      %mul3A_741 = arith.constant 128 : i32
      %mul3A_742 = arith.muli %scan3A_523, %mul3A_741 : i32
      %add3A_743 = arith.constant 112 : i32
      %add3A_744 = arith.addi %mul3A_742, %add3A_743 : i32
      %get3A_745 = arith.index_cast %add3A_744 : i32 to index
      %get3A_746 = tpu.vector_load %arg15[%get3A_745] {strides = array<i32>} : memref<1024xi32, #tpu.memory_space<vmem>>, vector<16xi32>,
      %get3A_747 = vector.shape_cast %get3A_746 : vector<16xi32> to vector<16xi32>
      %get3A_748 = arith.index_cast %add3A_744 : i32 to index
      %get3A_749 = tpu.vector_load %arg14[%get3A_748] {strides = array<i32>} : memref<1024xi32, #tpu.memory_space<vmem>>, vector<16xi32>,
      %get3A_750 = vector.shape_cast %get3A_749 : vector<16xi32> to vector<16xi32>
      %ge3A_751 = vector.broadcast %mul3A_31 : i32 to vector<16xi32>
      %ge3A_752 = arith.cmpi sge, %get3A_747, %ge3A_751 : vector<16xi32>
      %add3A_753 = arith.constant 256 : i32
      %add3A_754 = arith.addi %mul3A_31, %add3A_753 : i32
      %lt3A_755 = vector.broadcast %add3A_754 : i32 to vector<16xi32>
      %lt3A_756 = arith.cmpi slt, %get3A_747, %lt3A_755 : vector<16xi32>
      %and3A_757 = arith.andi %ge3A_752, %lt3A_756 : vector<16xi1>
      %sub3A_758 = vector.broadcast %mul3A_31 : i32 to vector<16xi32>
      %sub3A_759 = arith.subi %get3A_747, %sub3A_758 : vector<16xi32>
      %mul3A_760 = arith.constant 512 : i32
      %mul3A_761 = vector.broadcast %mul3A_760 : i32 to vector<16xi32>
      %mul3A_762 = arith.muli %sub3A_759, %mul3A_761 : vector<16xi32>
      %add3A_763 = arith.addi %mul3A_762, %get3A_750 : vector<16xi32>
      %add3A_764 = arith.constant 131072 : i32
      %add3A_765 = vector.broadcast %add3A_764 : i32 to vector<16xi32>
      %add3A_766 = arith.addi %add3A_765, %get3A_750 : vector<16xi32>
      %select_n3A_767 = arith.select %and3A_757, %add3A_763, %add3A_766 : vector<16xi1>, vector<16xi32>
      %swap3A_768 = arith.index_cast %scan3A_523 : i32 to index
      %swap3A_769 = arith.constant 112 : index
      %swap3A_770 = tpu.vector_load %arg17[%swap3A_768, %swap3A_769] {strides = array<i32>} : memref<9x128xi32, #tpu.memory_space<vmem>>, vector<1x16xi32>,
      %swap3A_771 = vector.shape_cast %swap3A_770 : vector<1x16xi32> to vector<16xi32>
      %swap3A_772 = vector.shape_cast %select_n3A_767 : vector<16xi32> to vector<1x16xi32>
      tpu.vector_store %arg17[%swap3A_768, %swap3A_769], %swap3A_772 {strides = array<i32>} : memref<9x128xi32, #tpu.memory_space<vmem>>, vector<1x16xi32>,
    }
    %scan3A_35 = arith.constant 8 : i32
    "tpu.trace_stop"() : () -> ()
    %barrier3A = arith.constant 0 : index
    tpu.barrier barrier_id(%barrier3A)
    "tpu.trace_start"() <{level = 10 : i32, message = "knn_scatter"}> : () -> ()
    %scan3A_36 = arith.constant 0 : i32
    %mul3A_37 = arith.constant 8 : i32
    %mul3A_38 = arith.muli %scan3A_36, %mul3A_37 : i32
    %add3A_39 = arith.constant 0 : i32
    %add3A_40 = arith.addi %mul3A_38, %add3A_39 : i32
    %dma_start3A_41 = arith.constant 0 : i32
    %dma_start3A_42 = tpu.memref_slice %arg17[%add3A_40, %dma_start3A_41] : memref<9x128xi32, #tpu.memory_space<vmem>> -> memref<1x128xi32, #tpu.memory_space<vmem>>
    %dma_start3A_43 = tpu.memref_squeeze %dma_start3A_42 : memref<1x128xi32, #tpu.memory_space<vmem>> -> memref<128xi32, #tpu.memory_space<vmem>>
    %dma_start3A_44 = arith.constant 0 : i32
    %dma_start3A_45 = tpu.memref_slice %arg11[%dma_start3A_44] : memref<131712xf32, #tpu.memory_space<vmem_shared>> -> memref<131712xf32, #tpu.memory_space<vmem_shared>>
    tpu.enqueue_indirect_dma source(%arg18 : memref<128xf32, #tpu.memory_space<vmem>>) target(%dma_start3A_45 : memref<131712xf32, #tpu.memory_space<vmem_shared>>) offsets(%dma_start3A_43 : memref<128xi32, #tpu.memory_space<vmem>>) semaphore(%arg22 : memref<!tpu.dma_semaphore, #tpu.memory_space<semaphore_mem>>) {add = true}
    %add3A_46 = arith.constant 1 : i32
    %add3A_47 = arith.addi %mul3A_38, %add3A_46 : i32
    %dma_start3A_48 = arith.constant 0 : i32
    %dma_start3A_49 = tpu.memref_slice %arg17[%add3A_47, %dma_start3A_48] : memref<9x128xi32, #tpu.memory_space<vmem>> -> memref<1x128xi32, #tpu.memory_space<vmem>>
    %dma_start3A_50 = tpu.memref_squeeze %dma_start3A_49 : memref<1x128xi32, #tpu.memory_space<vmem>> -> memref<128xi32, #tpu.memory_space<vmem>>
    %dma_start3A_51 = arith.constant 0 : i32
    %dma_start3A_52 = tpu.memref_slice %arg11[%dma_start3A_51] : memref<131712xf32, #tpu.memory_space<vmem_shared>> -> memref<131712xf32, #tpu.memory_space<vmem_shared>>
    tpu.enqueue_indirect_dma source(%arg18 : memref<128xf32, #tpu.memory_space<vmem>>) target(%dma_start3A_52 : memref<131712xf32, #tpu.memory_space<vmem_shared>>) offsets(%dma_start3A_50 : memref<128xi32, #tpu.memory_space<vmem>>) semaphore(%arg22 : memref<!tpu.dma_semaphore, #tpu.memory_space<semaphore_mem>>) {add = true}
    %add3A_53 = arith.constant 2 : i32
    %add3A_54 = arith.addi %mul3A_38, %add3A_53 : i32
    %dma_start3A_55 = arith.constant 0 : i32
    %dma_start3A_56 = tpu.memref_slice %arg17[%add3A_54, %dma_start3A_55] : memref<9x128xi32, #tpu.memory_space<vmem>> -> memref<1x128xi32, #tpu.memory_space<vmem>>
    %dma_start3A_57 = tpu.memref_squeeze %dma_start3A_56 : memref<1x128xi32, #tpu.memory_space<vmem>> -> memref<128xi32, #tpu.memory_space<vmem>>
    %dma_start3A_58 = arith.constant 0 : i32
    %dma_start3A_59 = tpu.memref_slice %arg11[%dma_start3A_58] : memref<131712xf32, #tpu.memory_space<vmem_shared>> -> memref<131712xf32, #tpu.memory_space<vmem_shared>>
    tpu.enqueue_indirect_dma source(%arg18 : memref<128xf32, #tpu.memory_space<vmem>>) target(%dma_start3A_59 : memref<131712xf32, #tpu.memory_space<vmem_shared>>) offsets(%dma_start3A_57 : memref<128xi32, #tpu.memory_space<vmem>>) semaphore(%arg22 : memref<!tpu.dma_semaphore, #tpu.memory_space<semaphore_mem>>) {add = true}
    %add3A_60 = arith.constant 3 : i32
    %add3A_61 = arith.addi %mul3A_38, %add3A_60 : i32
    %dma_start3A_62 = arith.constant 0 : i32
    %dma_start3A_63 = tpu.memref_slice %arg17[%add3A_61, %dma_start3A_62] : memref<9x128xi32, #tpu.memory_space<vmem>> -> memref<1x128xi32, #tpu.memory_space<vmem>>
    %dma_start3A_64 = tpu.memref_squeeze %dma_start3A_63 : memref<1x128xi32, #tpu.memory_space<vmem>> -> memref<128xi32, #tpu.memory_space<vmem>>
    %dma_start3A_65 = arith.constant 0 : i32
    %dma_start3A_66 = tpu.memref_slice %arg11[%dma_start3A_65] : memref<131712xf32, #tpu.memory_space<vmem_shared>> -> memref<131712xf32, #tpu.memory_space<vmem_shared>>
    tpu.enqueue_indirect_dma source(%arg18 : memref<128xf32, #tpu.memory_space<vmem>>) target(%dma_start3A_66 : memref<131712xf32, #tpu.memory_space<vmem_shared>>) offsets(%dma_start3A_64 : memref<128xi32, #tpu.memory_space<vmem>>) semaphore(%arg22 : memref<!tpu.dma_semaphore, #tpu.memory_space<semaphore_mem>>) {add = true}
    %add3A_67 = arith.constant 4 : i32
    %add3A_68 = arith.addi %mul3A_38, %add3A_67 : i32
    %dma_start3A_69 = arith.constant 0 : i32
    %dma_start3A_70 = tpu.memref_slice %arg17[%add3A_68, %dma_start3A_69] : memref<9x128xi32, #tpu.memory_space<vmem>> -> memref<1x128xi32, #tpu.memory_space<vmem>>
    %dma_start3A_71 = tpu.memref_squeeze %dma_start3A_70 : memref<1x128xi32, #tpu.memory_space<vmem>> -> memref<128xi32, #tpu.memory_space<vmem>>
    %dma_start3A_72 = arith.constant 0 : i32
    %dma_start3A_73 = tpu.memref_slice %arg11[%dma_start3A_72] : memref<131712xf32, #tpu.memory_space<vmem_shared>> -> memref<131712xf32, #tpu.memory_space<vmem_shared>>
    tpu.enqueue_indirect_dma source(%arg18 : memref<128xf32, #tpu.memory_space<vmem>>) target(%dma_start3A_73 : memref<131712xf32, #tpu.memory_space<vmem_shared>>) offsets(%dma_start3A_71 : memref<128xi32, #tpu.memory_space<vmem>>) semaphore(%arg22 : memref<!tpu.dma_semaphore, #tpu.memory_space<semaphore_mem>>) {add = true}
    %add3A_74 = arith.constant 5 : i32
    %add3A_75 = arith.addi %mul3A_38, %add3A_74 : i32
    %dma_start3A_76 = arith.constant 0 : i32
    %dma_start3A_77 = tpu.memref_slice %arg17[%add3A_75, %dma_start3A_76] : memref<9x128xi32, #tpu.memory_space<vmem>> -> memref<1x128xi32, #tpu.memory_space<vmem>>
    %dma_start3A_78 = tpu.memref_squeeze %dma_start3A_77 : memref<1x128xi32, #tpu.memory_space<vmem>> -> memref<128xi32, #tpu.memory_space<vmem>>
    %dma_start3A_79 = arith.constant 0 : i32
    %dma_start3A_80 = tpu.memref_slice %arg11[%dma_start3A_79] : memref<131712xf32, #tpu.memory_space<vmem_shared>> -> memref<131712xf32, #tpu.memory_space<vmem_shared>>
    tpu.enqueue_indirect_dma source(%arg18 : memref<128xf32, #tpu.memory_space<vmem>>) target(%dma_start3A_80 : memref<131712xf32, #tpu.memory_space<vmem_shared>>) offsets(%dma_start3A_78 : memref<128xi32, #tpu.memory_space<vmem>>) semaphore(%arg22 : memref<!tpu.dma_semaphore, #tpu.memory_space<semaphore_mem>>) {add = true}
    %add3A_81 = arith.constant 6 : i32
    %add3A_82 = arith.addi %mul3A_38, %add3A_81 : i32
    %dma_start3A_83 = arith.constant 0 : i32
    %dma_start3A_84 = tpu.memref_slice %arg17[%add3A_82, %dma_start3A_83] : memref<9x128xi32, #tpu.memory_space<vmem>> -> memref<1x128xi32, #tpu.memory_space<vmem>>
    %dma_start3A_85 = tpu.memref_squeeze %dma_start3A_84 : memref<1x128xi32, #tpu.memory_space<vmem>> -> memref<128xi32, #tpu.memory_space<vmem>>
    %dma_start3A_86 = arith.constant 0 : i32
    %dma_start3A_87 = tpu.memref_slice %arg11[%dma_start3A_86] : memref<131712xf32, #tpu.memory_space<vmem_shared>> -> memref<131712xf32, #tpu.memory_space<vmem_shared>>
    tpu.enqueue_indirect_dma source(%arg18 : memref<128xf32, #tpu.memory_space<vmem>>) target(%dma_start3A_87 : memref<131712xf32, #tpu.memory_space<vmem_shared>>) offsets(%dma_start3A_85 : memref<128xi32, #tpu.memory_space<vmem>>) semaphore(%arg22 : memref<!tpu.dma_semaphore, #tpu.memory_space<semaphore_mem>>) {add = true}
    %add3A_88 = arith.constant 7 : i32
    %add3A_89 = arith.addi %mul3A_38, %add3A_88 : i32
    %dma_start3A_90 = arith.constant 0 : i32
    %dma_start3A_91 = tpu.memref_slice %arg17[%add3A_89, %dma_start3A_90] : memref<9x128xi32, #tpu.memory_space<vmem>> -> memref<1x128xi32, #tpu.memory_space<vmem>>
    %dma_start3A_92 = tpu.memref_squeeze %dma_start3A_91 : memref<1x128xi32, #tpu.memory_space<vmem>> -> memref<128xi32, #tpu.memory_space<vmem>>
    %dma_start3A_93 = arith.constant 0 : i32
    %dma_start3A_94 = tpu.memref_slice %arg11[%dma_start3A_93] : memref<131712xf32, #tpu.memory_space<vmem_shared>> -> memref<131712xf32, #tpu.memory_space<vmem_shared>>
    tpu.enqueue_indirect_dma source(%arg18 : memref<128xf32, #tpu.memory_space<vmem>>) target(%dma_start3A_94 : memref<131712xf32, #tpu.memory_space<vmem_shared>>) offsets(%dma_start3A_92 : memref<128xi32, #tpu.memory_space<vmem>>) semaphore(%arg22 : memref<!tpu.dma_semaphore, #tpu.memory_space<semaphore_mem>>) {add = true}
    %dma_wait3A_95 = arith.constant 0 : i32
    %dma_wait3A_96 = arith.constant 0 : i32
    %dma_wait3A_97 = tpu.memref_slice %arg17[%dma_wait3A_95, %dma_wait3A_96] : memref<9x128xi32, #tpu.memory_space<vmem>> -> memref<1x128xi32, #tpu.memory_space<vmem>>
    %dma_wait3A_98 = tpu.memref_squeeze %dma_wait3A_97 : memref<1x128xi32, #tpu.memory_space<vmem>> -> memref<128xi32, #tpu.memory_space<vmem>>
    %dma_wait3A_99 = arith.constant 0 : i32
    %dma_wait3A_100 = tpu.memref_slice %arg11[%dma_wait3A_99] : memref<131712xf32, #tpu.memory_space<vmem_shared>> -> memref<131712xf32, #tpu.memory_space<vmem_shared>>
    tpu.wait_indirect_dma semaphore(%arg22 : memref<!tpu.dma_semaphore, #tpu.memory_space<semaphore_mem>>) src(%arg18 : memref<128xf32, #tpu.memory_space<vmem>>) dst(%dma_wait3A_100 : memref<131712xf32, #tpu.memory_space<vmem_shared>>)
    %dma_wait3A_101 = arith.constant 0 : i32
    %dma_wait3A_102 = arith.constant 0 : i32
    %dma_wait3A_103 = tpu.memref_slice %arg17[%dma_wait3A_101, %dma_wait3A_102] : memref<9x128xi32, #tpu.memory_space<vmem>> -> memref<1x128xi32, #tpu.memory_space<vmem>>
    %dma_wait3A_104 = tpu.memref_squeeze %dma_wait3A_103 : memref<1x128xi32, #tpu.memory_space<vmem>> -> memref<128xi32, #tpu.memory_space<vmem>>
    %dma_wait3A_105 = arith.constant 0 : i32
    %dma_wait3A_106 = tpu.memref_slice %arg11[%dma_wait3A_105] : memref<131712xf32, #tpu.memory_space<vmem_shared>> -> memref<131712xf32, #tpu.memory_space<vmem_shared>>
    tpu.wait_indirect_dma semaphore(%arg22 : memref<!tpu.dma_semaphore, #tpu.memory_space<semaphore_mem>>) src(%arg18 : memref<128xf32, #tpu.memory_space<vmem>>) dst(%dma_wait3A_106 : memref<131712xf32, #tpu.memory_space<vmem_shared>>)
    %dma_wait3A_107 = arith.constant 0 : i32
    %dma_wait3A_108 = arith.constant 0 : i32
    %dma_wait3A_109 = tpu.memref_slice %arg17[%dma_wait3A_107, %dma_wait3A_108] : memref<9x128xi32, #tpu.memory_space<vmem>> -> memref<1x128xi32, #tpu.memory_space<vmem>>
    %dma_wait3A_110 = tpu.memref_squeeze %dma_wait3A_109 : memref<1x128xi32, #tpu.memory_space<vmem>> -> memref<128xi32, #tpu.memory_space<vmem>>
    %dma_wait3A_111 = arith.constant 0 : i32
    %dma_wait3A_112 = tpu.memref_slice %arg11[%dma_wait3A_111] : memref<131712xf32, #tpu.memory_space<vmem_shared>> -> memref<131712xf32, #tpu.memory_space<vmem_shared>>
    tpu.wait_indirect_dma semaphore(%arg22 : memref<!tpu.dma_semaphore, #tpu.memory_space<semaphore_mem>>) src(%arg18 : memref<128xf32, #tpu.memory_space<vmem>>) dst(%dma_wait3A_112 : memref<131712xf32, #tpu.memory_space<vmem_shared>>)
    %dma_wait3A_113 = arith.constant 0 : i32
    %dma_wait3A_114 = arith.constant 0 : i32
    %dma_wait3A_115 = tpu.memref_slice %arg17[%dma_wait3A_113, %dma_wait3A_114] : memref<9x128xi32, #tpu.memory_space<vmem>> -> memref<1x128xi32, #tpu.memory_space<vmem>>
    %dma_wait3A_116 = tpu.memref_squeeze %dma_wait3A_115 : memref<1x128xi32, #tpu.memory_space<vmem>> -> memref<128xi32, #tpu.memory_space<vmem>>
    %dma_wait3A_117 = arith.constant 0 : i32
    %dma_wait3A_118 = tpu.memref_slice %arg11[%dma_wait3A_117] : memref<131712xf32, #tpu.memory_space<vmem_shared>> -> memref<131712xf32, #tpu.memory_space<vmem_shared>>
    tpu.wait_indirect_dma semaphore(%arg22 : memref<!tpu.dma_semaphore, #tpu.memory_space<semaphore_mem>>) src(%arg18 : memref<128xf32, #tpu.memory_space<vmem>>) dst(%dma_wait3A_118 : memref<131712xf32, #tpu.memory_space<vmem_shared>>)
    %dma_wait3A_119 = arith.constant 0 : i32
    %dma_wait3A_120 = arith.constant 0 : i32
    %dma_wait3A_121 = tpu.memref_slice %arg17[%dma_wait3A_119, %dma_wait3A_120] : memref<9x128xi32, #tpu.memory_space<vmem>> -> memref<1x128xi32, #tpu.memory_space<vmem>>
    %dma_wait3A_122 = tpu.memref_squeeze %dma_wait3A_121 : memref<1x128xi32, #tpu.memory_space<vmem>> -> memref<128xi32, #tpu.memory_space<vmem>>
    %dma_wait3A_123 = arith.constant 0 : i32
    %dma_wait3A_124 = tpu.memref_slice %arg11[%dma_wait3A_123] : memref<131712xf32, #tpu.memory_space<vmem_shared>> -> memref<131712xf32, #tpu.memory_space<vmem_shared>>
    tpu.wait_indirect_dma semaphore(%arg22 : memref<!tpu.dma_semaphore, #tpu.memory_space<semaphore_mem>>) src(%arg18 : memref<128xf32, #tpu.memory_space<vmem>>) dst(%dma_wait3A_124 : memref<131712xf32, #tpu.memory_space<vmem_shared>>)
    %dma_wait3A_125 = arith.constant 0 : i32
    %dma_wait3A_126 = arith.constant 0 : i32
    %dma_wait3A_127 = tpu.memref_slice %arg17[%dma_wait3A_125, %dma_wait3A_126] : memref<9x128xi32, #tpu.memory_space<vmem>> -> memref<1x128xi32, #tpu.memory_space<vmem>>
    %dma_wait3A_128 = tpu.memref_squeeze %dma_wait3A_127 : memref<1x128xi32, #tpu.memory_space<vmem>> -> memref<128xi32, #tpu.memory_space<vmem>>
    %dma_wait3A_129 = arith.constant 0 : i32
    %dma_wait3A_130 = tpu.memref_slice %arg11[%dma_wait3A_129] : memref<131712xf32, #tpu.memory_space<vmem_shared>> -> memref<131712xf32, #tpu.memory_space<vmem_shared>>
    tpu.wait_indirect_dma semaphore(%arg22 : memref<!tpu.dma_semaphore, #tpu.memory_space<semaphore_mem>>) src(%arg18 : memref<128xf32, #tpu.memory_space<vmem>>) dst(%dma_wait3A_130 : memref<131712xf32, #tpu.memory_space<vmem_shared>>)
    %dma_wait3A_131 = arith.constant 0 : i32
    %dma_wait3A_132 = arith.constant 0 : i32
    %dma_wait3A_133 = tpu.memref_slice %arg17[%dma_wait3A_131, %dma_wait3A_132] : memref<9x128xi32, #tpu.memory_space<vmem>> -> memref<1x128xi32, #tpu.memory_space<vmem>>
    %dma_wait3A_134 = tpu.memref_squeeze %dma_wait3A_133 : memref<1x128xi32, #tpu.memory_space<vmem>> -> memref<128xi32, #tpu.memory_space<vmem>>
    %dma_wait3A_135 = arith.constant 0 : i32
    %dma_wait3A_136 = tpu.memref_slice %arg11[%dma_wait3A_135] : memref<131712xf32, #tpu.memory_space<vmem_shared>> -> memref<131712xf32, #tpu.memory_space<vmem_shared>>
    tpu.wait_indirect_dma semaphore(%arg22 : memref<!tpu.dma_semaphore, #tpu.memory_space<semaphore_mem>>) src(%arg18 : memref<128xf32, #tpu.memory_space<vmem>>) dst(%dma_wait3A_136 : memref<131712xf32, #tpu.memory_space<vmem_shared>>)
    %dma_wait3A_137 = arith.constant 0 : i32
    %dma_wait3A_138 = arith.constant 0 : i32
    %dma_wait3A_139 = tpu.memref_slice %arg17[%dma_wait3A_137, %dma_wait3A_138] : memref<9x128xi32, #tpu.memory_space<vmem>> -> memref<1x128xi32, #tpu.memory_space<vmem>>
    %dma_wait3A_140 = tpu.memref_squeeze %dma_wait3A_139 : memref<1x128xi32, #tpu.memory_space<vmem>> -> memref<128xi32, #tpu.memory_space<vmem>>
    %dma_wait3A_141 = arith.constant 0 : i32
    %dma_wait3A_142 = tpu.memref_slice %arg11[%dma_wait3A_141] : memref<131712xf32, #tpu.memory_space<vmem_shared>> -> memref<131712xf32, #tpu.memory_space<vmem_shared>>
    tpu.wait_indirect_dma semaphore(%arg22 : memref<!tpu.dma_semaphore, #tpu.memory_space<semaphore_mem>>) src(%arg18 : memref<128xf32, #tpu.memory_space<vmem>>) dst(%dma_wait3A_142 : memref<131712xf32, #tpu.memory_space<vmem_shared>>)
    %scan3A_143 = arith.constant 1 : i32
    "tpu.trace_stop"() : () -> ()
    "tpu.trace_start"() <{level = 10 : i32, message = "ppi_scan"}> : () -> ()
    %scan3A_144 = arith.constant 0 : i32
    %scan3A_145 = arith.constant 64 : i32
    %scan3A_146 = arith.addi %scan3A_144, %scan3A_145 : i32
    %scan3A_147 = arith.constant 1 : i32
    scf.for %scan3A_523 = %scan3A_144 to %scan3A_146 step %scan3A_147  : i32 {
      %mul3A_524 = arith.constant 128 : i32
      %mul3A_525 = arith.muli %scan3A_523, %mul3A_524 : i32
      %add3A_526 = arith.constant 0 : i32
      %add3A_527 = arith.addi %mul3A_525, %add3A_526 : i32
      %get3A = arith.index_cast %add3A_527 : i32 to index
      %get3A_528 = tpu.vector_load %arg12[%get3A] {strides = array<i32>} : memref<8192xi32, #tpu.memory_space<vmem>>, vector<16xi32>,
      %get3A_529 = vector.shape_cast %get3A_528 : vector<16xi32> to vector<16xi32>
      %get3A_530 = arith.index_cast %add3A_527 : i32 to index
      %get3A_531 = tpu.vector_load %arg13[%get3A_530] {strides = array<i32>} : memref<8192xi32, #tpu.memory_space<vmem>>, vector<16xi32>,
      %get3A_532 = vector.shape_cast %get3A_531 : vector<16xi32> to vector<16xi32>
      %ge3A = vector.broadcast %mul3A_26 : i32 to vector<16xi32>
      %ge3A_533 = arith.cmpi sge, %get3A_529, %ge3A : vector<16xi32>
      %add3A_534 = arith.constant 512 : i32
      %add3A_535 = arith.addi %mul3A_26, %add3A_534 : i32
      %lt3A = vector.broadcast %add3A_535 : i32 to vector<16xi32>
      %lt3A_536 = arith.cmpi slt, %get3A_529, %lt3A : vector<16xi32>
      %and3A = arith.andi %ge3A_533, %lt3A_536 : vector<16xi1>
      %sub3A = vector.broadcast %mul3A_26 : i32 to vector<16xi32>
      %sub3A_537 = arith.subi %get3A_529, %sub3A : vector<16xi32>
      %mul3A_538 = arith.constant 2048 : i32
      %mul3A_539 = vector.broadcast %mul3A_538 : i32 to vector<16xi32>
      %mul3A_540 = arith.muli %sub3A_537, %mul3A_539 : vector<16xi32>
      %add3A_541 = arith.addi %mul3A_540, %get3A_532 : vector<16xi32>
      %add3A_542 = arith.constant 1048576 : i32
      %add3A_543 = vector.broadcast %add3A_542 : i32 to vector<16xi32>
      %add3A_544 = arith.addi %add3A_543, %get3A_532 : vector<16xi32>
      %select_n3A = arith.select %and3A, %add3A_541, %add3A_544 : vector<16xi1>, vector<16xi32>
      %swap3A = arith.index_cast %scan3A_523 : i32 to index
      %swap3A_545 = arith.constant 0 : index
      %swap3A_546 = tpu.vector_load %arg16[%swap3A, %swap3A_545] {strides = array<i32>} : memref<65x128xi32, #tpu.memory_space<vmem>>, vector<1x16xi32>,
      %swap3A_547 = vector.shape_cast %swap3A_546 : vector<1x16xi32> to vector<16xi32>
      %swap3A_548 = vector.shape_cast %select_n3A : vector<16xi32> to vector<1x16xi32>
      tpu.vector_store %arg16[%swap3A, %swap3A_545], %swap3A_548 {strides = array<i32>} : memref<65x128xi32, #tpu.memory_space<vmem>>, vector<1x16xi32>,
      %mul3A_549 = arith.constant 128 : i32
      %mul3A_550 = arith.muli %scan3A_523, %mul3A_549 : i32
      %add3A_551 = arith.constant 16 : i32
      %add3A_552 = arith.addi %mul3A_550, %add3A_551 : i32
      %get3A_553 = arith.index_cast %add3A_552 : i32 to index
      %get3A_554 = tpu.vector_load %arg12[%get3A_553] {strides = array<i32>} : memref<8192xi32, #tpu.memory_space<vmem>>, vector<16xi32>,
      %get3A_555 = vector.shape_cast %get3A_554 : vector<16xi32> to vector<16xi32>
      %get3A_556 = arith.index_cast %add3A_552 : i32 to index
      %get3A_557 = tpu.vector_load %arg13[%get3A_556] {strides = array<i32>} : memref<8192xi32, #tpu.memory_space<vmem>>, vector<16xi32>,
      %get3A_558 = vector.shape_cast %get3A_557 : vector<16xi32> to vector<16xi32>
      %ge3A_559 = vector.broadcast %mul3A_26 : i32 to vector<16xi32>
      %ge3A_560 = arith.cmpi sge, %get3A_555, %ge3A_559 : vector<16xi32>
      %add3A_561 = arith.constant 512 : i32
      %add3A_562 = arith.addi %mul3A_26, %add3A_561 : i32
      %lt3A_563 = vector.broadcast %add3A_562 : i32 to vector<16xi32>
      %lt3A_564 = arith.cmpi slt, %get3A_555, %lt3A_563 : vector<16xi32>
      %and3A_565 = arith.andi %ge3A_560, %lt3A_564 : vector<16xi1>
      %sub3A_566 = vector.broadcast %mul3A_26 : i32 to vector<16xi32>
      %sub3A_567 = arith.subi %get3A_555, %sub3A_566 : vector<16xi32>
      %mul3A_568 = arith.constant 2048 : i32
      %mul3A_569 = vector.broadcast %mul3A_568 : i32 to vector<16xi32>
      %mul3A_570 = arith.muli %sub3A_567, %mul3A_569 : vector<16xi32>
      %add3A_571 = arith.addi %mul3A_570, %get3A_558 : vector<16xi32>
      %add3A_572 = arith.constant 1048576 : i32
      %add3A_573 = vector.broadcast %add3A_572 : i32 to vector<16xi32>
      %add3A_574 = arith.addi %add3A_573, %get3A_558 : vector<16xi32>
      %select_n3A_575 = arith.select %and3A_565, %add3A_571, %add3A_574 : vector<16xi1>, vector<16xi32>
      %swap3A_576 = arith.index_cast %scan3A_523 : i32 to index
      %swap3A_577 = arith.constant 16 : index
      %swap3A_578 = tpu.vector_load %arg16[%swap3A_576, %swap3A_577] {strides = array<i32>} : memref<65x128xi32, #tpu.memory_space<vmem>>, vector<1x16xi32>,
      %swap3A_579 = vector.shape_cast %swap3A_578 : vector<1x16xi32> to vector<16xi32>
      %swap3A_580 = vector.shape_cast %select_n3A_575 : vector<16xi32> to vector<1x16xi32>
      tpu.vector_store %arg16[%swap3A_576, %swap3A_577], %swap3A_580 {strides = array<i32>} : memref<65x128xi32, #tpu.memory_space<vmem>>, vector<1x16xi32>,
      %mul3A_581 = arith.constant 128 : i32
      %mul3A_582 = arith.muli %scan3A_523, %mul3A_581 : i32
      %add3A_583 = arith.constant 32 : i32
      %add3A_584 = arith.addi %mul3A_582, %add3A_583 : i32
      %get3A_585 = arith.index_cast %add3A_584 : i32 to index
      %get3A_586 = tpu.vector_load %arg12[%get3A_585] {strides = array<i32>} : memref<8192xi32, #tpu.memory_space<vmem>>, vector<16xi32>,
      %get3A_587 = vector.shape_cast %get3A_586 : vector<16xi32> to vector<16xi32>
      %get3A_588 = arith.index_cast %add3A_584 : i32 to index
      %get3A_589 = tpu.vector_load %arg13[%get3A_588] {strides = array<i32>} : memref<8192xi32, #tpu.memory_space<vmem>>, vector<16xi32>,
      %get3A_590 = vector.shape_cast %get3A_589 : vector<16xi32> to vector<16xi32>
      %ge3A_591 = vector.broadcast %mul3A_26 : i32 to vector<16xi32>
      %ge3A_592 = arith.cmpi sge, %get3A_587, %ge3A_591 : vector<16xi32>
      %add3A_593 = arith.constant 512 : i32
      %add3A_594 = arith.addi %mul3A_26, %add3A_593 : i32
      %lt3A_595 = vector.broadcast %add3A_594 : i32 to vector<16xi32>
      %lt3A_596 = arith.cmpi slt, %get3A_587, %lt3A_595 : vector<16xi32>
      %and3A_597 = arith.andi %ge3A_592, %lt3A_596 : vector<16xi1>
      %sub3A_598 = vector.broadcast %mul3A_26 : i32 to vector<16xi32>
      %sub3A_599 = arith.subi %get3A_587, %sub3A_598 : vector<16xi32>
      %mul3A_600 = arith.constant 2048 : i32
      %mul3A_601 = vector.broadcast %mul3A_600 : i32 to vector<16xi32>
      %mul3A_602 = arith.muli %sub3A_599, %mul3A_601 : vector<16xi32>
      %add3A_603 = arith.addi %mul3A_602, %get3A_590 : vector<16xi32>
      %add3A_604 = arith.constant 1048576 : i32
      %add3A_605 = vector.broadcast %add3A_604 : i32 to vector<16xi32>
      %add3A_606 = arith.addi %add3A_605, %get3A_590 : vector<16xi32>
      %select_n3A_607 = arith.select %and3A_597, %add3A_603, %add3A_606 : vector<16xi1>, vector<16xi32>
      %swap3A_608 = arith.index_cast %scan3A_523 : i32 to index
      %swap3A_609 = arith.constant 32 : index
      %swap3A_610 = tpu.vector_load %arg16[%swap3A_608, %swap3A_609] {strides = array<i32>} : memref<65x128xi32, #tpu.memory_space<vmem>>, vector<1x16xi32>,
      %swap3A_611 = vector.shape_cast %swap3A_610 : vector<1x16xi32> to vector<16xi32>
      %swap3A_612 = vector.shape_cast %select_n3A_607 : vector<16xi32> to vector<1x16xi32>
      tpu.vector_store %arg16[%swap3A_608, %swap3A_609], %swap3A_612 {strides = array<i32>} : memref<65x128xi32, #tpu.memory_space<vmem>>, vector<1x16xi32>,
      %mul3A_613 = arith.constant 128 : i32
      %mul3A_614 = arith.muli %scan3A_523, %mul3A_613 : i32
      %add3A_615 = arith.constant 48 : i32
      %add3A_616 = arith.addi %mul3A_614, %add3A_615 : i32
      %get3A_617 = arith.index_cast %add3A_616 : i32 to index
      %get3A_618 = tpu.vector_load %arg12[%get3A_617] {strides = array<i32>} : memref<8192xi32, #tpu.memory_space<vmem>>, vector<16xi32>,
      %get3A_619 = vector.shape_cast %get3A_618 : vector<16xi32> to vector<16xi32>
      %get3A_620 = arith.index_cast %add3A_616 : i32 to index
      %get3A_621 = tpu.vector_load %arg13[%get3A_620] {strides = array<i32>} : memref<8192xi32, #tpu.memory_space<vmem>>, vector<16xi32>,
      %get3A_622 = vector.shape_cast %get3A_621 : vector<16xi32> to vector<16xi32>
      %ge3A_623 = vector.broadcast %mul3A_26 : i32 to vector<16xi32>
      %ge3A_624 = arith.cmpi sge, %get3A_619, %ge3A_623 : vector<16xi32>
      %add3A_625 = arith.constant 512 : i32
      %add3A_626 = arith.addi %mul3A_26, %add3A_625 : i32
      %lt3A_627 = vector.broadcast %add3A_626 : i32 to vector<16xi32>
      %lt3A_628 = arith.cmpi slt, %get3A_619, %lt3A_627 : vector<16xi32>
      %and3A_629 = arith.andi %ge3A_624, %lt3A_628 : vector<16xi1>
      %sub3A_630 = vector.broadcast %mul3A_26 : i32 to vector<16xi32>
      %sub3A_631 = arith.subi %get3A_619, %sub3A_630 : vector<16xi32>
      %mul3A_632 = arith.constant 2048 : i32
      %mul3A_633 = vector.broadcast %mul3A_632 : i32 to vector<16xi32>
      %mul3A_634 = arith.muli %sub3A_631, %mul3A_633 : vector<16xi32>
      %add3A_635 = arith.addi %mul3A_634, %get3A_622 : vector<16xi32>
      %add3A_636 = arith.constant 1048576 : i32
      %add3A_637 = vector.broadcast %add3A_636 : i32 to vector<16xi32>
      %add3A_638 = arith.addi %add3A_637, %get3A_622 : vector<16xi32>
      %select_n3A_639 = arith.select %and3A_629, %add3A_635, %add3A_638 : vector<16xi1>, vector<16xi32>
      %swap3A_640 = arith.index_cast %scan3A_523 : i32 to index
      %swap3A_641 = arith.constant 48 : index
      %swap3A_642 = tpu.vector_load %arg16[%swap3A_640, %swap3A_641] {strides = array<i32>} : memref<65x128xi32, #tpu.memory_space<vmem>>, vector<1x16xi32>,
      %swap3A_643 = vector.shape_cast %swap3A_642 : vector<1x16xi32> to vector<16xi32>
      %swap3A_644 = vector.shape_cast %select_n3A_639 : vector<16xi32> to vector<1x16xi32>
      tpu.vector_store %arg16[%swap3A_640, %swap3A_641], %swap3A_644 {strides = array<i32>} : memref<65x128xi32, #tpu.memory_space<vmem>>, vector<1x16xi32>,
      %mul3A_645 = arith.constant 128 : i32
      %mul3A_646 = arith.muli %scan3A_523, %mul3A_645 : i32
      %add3A_647 = arith.constant 64 : i32
      %add3A_648 = arith.addi %mul3A_646, %add3A_647 : i32
      %get3A_649 = arith.index_cast %add3A_648 : i32 to index
      %get3A_650 = tpu.vector_load %arg12[%get3A_649] {strides = array<i32>} : memref<8192xi32, #tpu.memory_space<vmem>>, vector<16xi32>,
      %get3A_651 = vector.shape_cast %get3A_650 : vector<16xi32> to vector<16xi32>
      %get3A_652 = arith.index_cast %add3A_648 : i32 to index
      %get3A_653 = tpu.vector_load %arg13[%get3A_652] {strides = array<i32>} : memref<8192xi32, #tpu.memory_space<vmem>>, vector<16xi32>,
      %get3A_654 = vector.shape_cast %get3A_653 : vector<16xi32> to vector<16xi32>
      %ge3A_655 = vector.broadcast %mul3A_26 : i32 to vector<16xi32>
      %ge3A_656 = arith.cmpi sge, %get3A_651, %ge3A_655 : vector<16xi32>
      %add3A_657 = arith.constant 512 : i32
      %add3A_658 = arith.addi %mul3A_26, %add3A_657 : i32
      %lt3A_659 = vector.broadcast %add3A_658 : i32 to vector<16xi32>
      %lt3A_660 = arith.cmpi slt, %get3A_651, %lt3A_659 : vector<16xi32>
      %and3A_661 = arith.andi %ge3A_656, %lt3A_660 : vector<16xi1>
      %sub3A_662 = vector.broadcast %mul3A_26 : i32 to vector<16xi32>
      %sub3A_663 = arith.subi %get3A_651, %sub3A_662 : vector<16xi32>
      %mul3A_664 = arith.constant 2048 : i32
      %mul3A_665 = vector.broadcast %mul3A_664 : i32 to vector<16xi32>
      %mul3A_666 = arith.muli %sub3A_663, %mul3A_665 : vector<16xi32>
      %add3A_667 = arith.addi %mul3A_666, %get3A_654 : vector<16xi32>
      %add3A_668 = arith.constant 1048576 : i32
      %add3A_669 = vector.broadcast %add3A_668 : i32 to vector<16xi32>
      %add3A_670 = arith.addi %add3A_669, %get3A_654 : vector<16xi32>
      %select_n3A_671 = arith.select %and3A_661, %add3A_667, %add3A_670 : vector<16xi1>, vector<16xi32>
      %swap3A_672 = arith.index_cast %scan3A_523 : i32 to index
      %swap3A_673 = arith.constant 64 : index
      %swap3A_674 = tpu.vector_load %arg16[%swap3A_672, %swap3A_673] {strides = array<i32>} : memref<65x128xi32, #tpu.memory_space<vmem>>, vector<1x16xi32>,
      %swap3A_675 = vector.shape_cast %swap3A_674 : vector<1x16xi32> to vector<16xi32>
      %swap3A_676 = vector.shape_cast %select_n3A_671 : vector<16xi32> to vector<1x16xi32>
      tpu.vector_store %arg16[%swap3A_672, %swap3A_673], %swap3A_676 {strides = array<i32>} : memref<65x128xi32, #tpu.memory_space<vmem>>, vector<1x16xi32>,
      %mul3A_677 = arith.constant 128 : i32
      %mul3A_678 = arith.muli %scan3A_523, %mul3A_677 : i32
      %add3A_679 = arith.constant 80 : i32
      %add3A_680 = arith.addi %mul3A_678, %add3A_679 : i32
      %get3A_681 = arith.index_cast %add3A_680 : i32 to index
      %get3A_682 = tpu.vector_load %arg12[%get3A_681] {strides = array<i32>} : memref<8192xi32, #tpu.memory_space<vmem>>, vector<16xi32>,
      %get3A_683 = vector.shape_cast %get3A_682 : vector<16xi32> to vector<16xi32>
      %get3A_684 = arith.index_cast %add3A_680 : i32 to index
      %get3A_685 = tpu.vector_load %arg13[%get3A_684] {strides = array<i32>} : memref<8192xi32, #tpu.memory_space<vmem>>, vector<16xi32>,
      %get3A_686 = vector.shape_cast %get3A_685 : vector<16xi32> to vector<16xi32>
      %ge3A_687 = vector.broadcast %mul3A_26 : i32 to vector<16xi32>
      %ge3A_688 = arith.cmpi sge, %get3A_683, %ge3A_687 : vector<16xi32>
      %add3A_689 = arith.constant 512 : i32
      %add3A_690 = arith.addi %mul3A_26, %add3A_689 : i32
      %lt3A_691 = vector.broadcast %add3A_690 : i32 to vector<16xi32>
      %lt3A_692 = arith.cmpi slt, %get3A_683, %lt3A_691 : vector<16xi32>
      %and3A_693 = arith.andi %ge3A_688, %lt3A_692 : vector<16xi1>
      %sub3A_694 = vector.broadcast %mul3A_26 : i32 to vector<16xi32>
      %sub3A_695 = arith.subi %get3A_683, %sub3A_694 : vector<16xi32>
      %mul3A_696 = arith.constant 2048 : i32
      %mul3A_697 = vector.broadcast %mul3A_696 : i32 to vector<16xi32>
      %mul3A_698 = arith.muli %sub3A_695, %mul3A_697 : vector<16xi32>
      %add3A_699 = arith.addi %mul3A_698, %get3A_686 : vector<16xi32>
      %add3A_700 = arith.constant 1048576 : i32
      %add3A_701 = vector.broadcast %add3A_700 : i32 to vector<16xi32>
      %add3A_702 = arith.addi %add3A_701, %get3A_686 : vector<16xi32>
      %select_n3A_703 = arith.select %and3A_693, %add3A_699, %add3A_702 : vector<16xi1>, vector<16xi32>
      %swap3A_704 = arith.index_cast %scan3A_523 : i32 to index
      %swap3A_705 = arith.constant 80 : index
      %swap3A_706 = tpu.vector_load %arg16[%swap3A_704, %swap3A_705] {strides = array<i32>} : memref<65x128xi32, #tpu.memory_space<vmem>>, vector<1x16xi32>,
      %swap3A_707 = vector.shape_cast %swap3A_706 : vector<1x16xi32> to vector<16xi32>
      %swap3A_708 = vector.shape_cast %select_n3A_703 : vector<16xi32> to vector<1x16xi32>
      tpu.vector_store %arg16[%swap3A_704, %swap3A_705], %swap3A_708 {strides = array<i32>} : memref<65x128xi32, #tpu.memory_space<vmem>>, vector<1x16xi32>,
      %mul3A_709 = arith.constant 128 : i32
      %mul3A_710 = arith.muli %scan3A_523, %mul3A_709 : i32
      %add3A_711 = arith.constant 96 : i32
      %add3A_712 = arith.addi %mul3A_710, %add3A_711 : i32
      %get3A_713 = arith.index_cast %add3A_712 : i32 to index
      %get3A_714 = tpu.vector_load %arg12[%get3A_713] {strides = array<i32>} : memref<8192xi32, #tpu.memory_space<vmem>>, vector<16xi32>,
      %get3A_715 = vector.shape_cast %get3A_714 : vector<16xi32> to vector<16xi32>
      %get3A_716 = arith.index_cast %add3A_712 : i32 to index
      %get3A_717 = tpu.vector_load %arg13[%get3A_716] {strides = array<i32>} : memref<8192xi32, #tpu.memory_space<vmem>>, vector<16xi32>,
      %get3A_718 = vector.shape_cast %get3A_717 : vector<16xi32> to vector<16xi32>
      %ge3A_719 = vector.broadcast %mul3A_26 : i32 to vector<16xi32>
      %ge3A_720 = arith.cmpi sge, %get3A_715, %ge3A_719 : vector<16xi32>
      %add3A_721 = arith.constant 512 : i32
      %add3A_722 = arith.addi %mul3A_26, %add3A_721 : i32
      %lt3A_723 = vector.broadcast %add3A_722 : i32 to vector<16xi32>
      %lt3A_724 = arith.cmpi slt, %get3A_715, %lt3A_723 : vector<16xi32>
      %and3A_725 = arith.andi %ge3A_720, %lt3A_724 : vector<16xi1>
      %sub3A_726 = vector.broadcast %mul3A_26 : i32 to vector<16xi32>
      %sub3A_727 = arith.subi %get3A_715, %sub3A_726 : vector<16xi32>
      %mul3A_728 = arith.constant 2048 : i32
      %mul3A_729 = vector.broadcast %mul3A_728 : i32 to vector<16xi32>
      %mul3A_730 = arith.muli %sub3A_727, %mul3A_729 : vector<16xi32>
      %add3A_731 = arith.addi %mul3A_730, %get3A_718 : vector<16xi32>
      %add3A_732 = arith.constant 1048576 : i32
      %add3A_733 = vector.broadcast %add3A_732 : i32 to vector<16xi32>
      %add3A_734 = arith.addi %add3A_733, %get3A_718 : vector<16xi32>
      %select_n3A_735 = arith.select %and3A_725, %add3A_731, %add3A_734 : vector<16xi1>, vector<16xi32>
      %swap3A_736 = arith.index_cast %scan3A_523 : i32 to index
      %swap3A_737 = arith.constant 96 : index
      %swap3A_738 = tpu.vector_load %arg16[%swap3A_736, %swap3A_737] {strides = array<i32>} : memref<65x128xi32, #tpu.memory_space<vmem>>, vector<1x16xi32>,
      %swap3A_739 = vector.shape_cast %swap3A_738 : vector<1x16xi32> to vector<16xi32>
      %swap3A_740 = vector.shape_cast %select_n3A_735 : vector<16xi32> to vector<1x16xi32>
      tpu.vector_store %arg16[%swap3A_736, %swap3A_737], %swap3A_740 {strides = array<i32>} : memref<65x128xi32, #tpu.memory_space<vmem>>, vector<1x16xi32>,
      %mul3A_741 = arith.constant 128 : i32
      %mul3A_742 = arith.muli %scan3A_523, %mul3A_741 : i32
      %add3A_743 = arith.constant 112 : i32
      %add3A_744 = arith.addi %mul3A_742, %add3A_743 : i32
      %get3A_745 = arith.index_cast %add3A_744 : i32 to index
      %get3A_746 = tpu.vector_load %arg12[%get3A_745] {strides = array<i32>} : memref<8192xi32, #tpu.memory_space<vmem>>, vector<16xi32>,
      %get3A_747 = vector.shape_cast %get3A_746 : vector<16xi32> to vector<16xi32>
      %get3A_748 = arith.index_cast %add3A_744 : i32 to index
      %get3A_749 = tpu.vector_load %arg13[%get3A_748] {strides = array<i32>} : memref<8192xi32, #tpu.memory_space<vmem>>, vector<16xi32>,
      %get3A_750 = vector.shape_cast %get3A_749 : vector<16xi32> to vector<16xi32>
      %ge3A_751 = vector.broadcast %mul3A_26 : i32 to vector<16xi32>
      %ge3A_752 = arith.cmpi sge, %get3A_747, %ge3A_751 : vector<16xi32>
      %add3A_753 = arith.constant 512 : i32
      %add3A_754 = arith.addi %mul3A_26, %add3A_753 : i32
      %lt3A_755 = vector.broadcast %add3A_754 : i32 to vector<16xi32>
      %lt3A_756 = arith.cmpi slt, %get3A_747, %lt3A_755 : vector<16xi32>
      %and3A_757 = arith.andi %ge3A_752, %lt3A_756 : vector<16xi1>
      %sub3A_758 = vector.broadcast %mul3A_26 : i32 to vector<16xi32>
      %sub3A_759 = arith.subi %get3A_747, %sub3A_758 : vector<16xi32>
      %mul3A_760 = arith.constant 2048 : i32
      %mul3A_761 = vector.broadcast %mul3A_760 : i32 to vector<16xi32>
      %mul3A_762 = arith.muli %sub3A_759, %mul3A_761 : vector<16xi32>
      %add3A_763 = arith.addi %mul3A_762, %get3A_750 : vector<16xi32>
      %add3A_764 = arith.constant 1048576 : i32
      %add3A_765 = vector.broadcast %add3A_764 : i32 to vector<16xi32>
      %add3A_766 = arith.addi %add3A_765, %get3A_750 : vector<16xi32>
      %select_n3A_767 = arith.select %and3A_757, %add3A_763, %add3A_766 : vector<16xi1>, vector<16xi32>
      %swap3A_768 = arith.index_cast %scan3A_523 : i32 to index
      %swap3A_769 = arith.constant 112 : index
      %swap3A_770 = tpu.vector_load %arg16[%swap3A_768, %swap3A_769] {strides = array<i32>} : memref<65x128xi32, #tpu.memory_space<vmem>>, vector<1x16xi32>,
      %swap3A_771 = vector.shape_cast %swap3A_770 : vector<1x16xi32> to vector<16xi32>
      %swap3A_772 = vector.shape_cast %select_n3A_767 : vector<16xi32> to vector<1x16xi32>
      tpu.vector_store %arg16[%swap3A_768, %swap3A_769], %swap3A_772 {strides = array<i32>} : memref<65x128xi32, #tpu.memory_space<vmem>>, vector<1x16xi32>,
    }
    %scan3A_148 = arith.constant 64 : i32
    "tpu.trace_stop"() : () -> ()
    "tpu.trace_start"() <{level = 10 : i32, message = "ppi_zero"}> : () -> ()
    %mul3A_149 = arith.constant 65536 : i32
    %mul3A_150 = arith.muli %arg1, %mul3A_149 : i32
    %add3A_151 = arith.constant 0 : i32
    %add3A_152 = arith.addi %mul3A_150, %add3A_151 : i32
    "tpu.region"() ({
      %run_scoped3A = tpu.sem_alloc : memref<!tpu.dma_semaphore, #tpu.memory_space<semaphore_mem>>
      %dma_start3A_523 = tpu.memref_slice %arg10[%add3A_152] : memref<1050752xf32, #tpu.memory_space<vmem_shared>> -> memref<8192xf32, #tpu.memory_space<vmem_shared>>
      %dma_start3A_524 = tpu.memref_slice %arg10[%add3A_152] : memref<1050752xf32, #tpu.memory_space<vmem_shared>> -> memref<8192xf32, #tpu.memory_space<vmem_shared>>
      tpu.enqueue_dma source(%arg19 : memref<8192xf32, #tpu.memory_space<vmem>>) target(%dma_start3A_524 : memref<8192xf32, #tpu.memory_space<vmem_shared>>) target_semaphore(%run_scoped3A : memref<!tpu.dma_semaphore, #tpu.memory_space<semaphore_mem>>)
      %dma_wait3A_525 = tpu.memref_slice %arg10[%add3A_152] : memref<1050752xf32, #tpu.memory_space<vmem_shared>> -> memref<8192xf32, #tpu.memory_space<vmem_shared>>
      %dma_wait3A_526 = tpu.memref_slice %arg10[%add3A_152] : memref<1050752xf32, #tpu.memory_space<vmem_shared>> -> memref<8192xf32, #tpu.memory_space<vmem_shared>>
      tpu.wait_dma2 semaphore(%run_scoped3A : memref<!tpu.dma_semaphore, #tpu.memory_space<semaphore_mem>>) src(%arg19 : memref<8192xf32, #tpu.memory_space<vmem>>) dst(%dma_wait3A_526 : memref<8192xf32, #tpu.memory_space<vmem_shared>>)
      tpu.yield
    }) : () -> ()
    %mul3A_153 = arith.constant 65536 : i32
    %mul3A_154 = arith.muli %arg1, %mul3A_153 : i32
    %add3A_155 = arith.constant 8192 : i32
    %add3A_156 = arith.addi %mul3A_154, %add3A_155 : i32
    "tpu.region"() ({
      %run_scoped3A = tpu.sem_alloc : memref<!tpu.dma_semaphore, #tpu.memory_space<semaphore_mem>>
      %dma_start3A_523 = tpu.memref_slice %arg10[%add3A_156] : memref<1050752xf32, #tpu.memory_space<vmem_shared>> -> memref<8192xf32, #tpu.memory_space<vmem_shared>>
      %dma_start3A_524 = tpu.memref_slice %arg10[%add3A_156] : memref<1050752xf32, #tpu.memory_space<vmem_shared>> -> memref<8192xf32, #tpu.memory_space<vmem_shared>>
      tpu.enqueue_dma source(%arg19 : memref<8192xf32, #tpu.memory_space<vmem>>) target(%dma_start3A_524 : memref<8192xf32, #tpu.memory_space<vmem_shared>>) target_semaphore(%run_scoped3A : memref<!tpu.dma_semaphore, #tpu.memory_space<semaphore_mem>>)
      %dma_wait3A_525 = tpu.memref_slice %arg10[%add3A_156] : memref<1050752xf32, #tpu.memory_space<vmem_shared>> -> memref<8192xf32, #tpu.memory_space<vmem_shared>>
      %dma_wait3A_526 = tpu.memref_slice %arg10[%add3A_156] : memref<1050752xf32, #tpu.memory_space<vmem_shared>> -> memref<8192xf32, #tpu.memory_space<vmem_shared>>
      tpu.wait_dma2 semaphore(%run_scoped3A : memref<!tpu.dma_semaphore, #tpu.memory_space<semaphore_mem>>) src(%arg19 : memref<8192xf32, #tpu.memory_space<vmem>>) dst(%dma_wait3A_526 : memref<8192xf32, #tpu.memory_space<vmem_shared>>)
      tpu.yield
    }) : () -> ()
    %mul3A_157 = arith.constant 65536 : i32
    %mul3A_158 = arith.muli %arg1, %mul3A_157 : i32
    %add3A_159 = arith.constant 16384 : i32
    %add3A_160 = arith.addi %mul3A_158, %add3A_159 : i32
    "tpu.region"() ({
      %run_scoped3A = tpu.sem_alloc : memref<!tpu.dma_semaphore, #tpu.memory_space<semaphore_mem>>
      %dma_start3A_523 = tpu.memref_slice %arg10[%add3A_160] : memref<1050752xf32, #tpu.memory_space<vmem_shared>> -> memref<8192xf32, #tpu.memory_space<vmem_shared>>
      %dma_start3A_524 = tpu.memref_slice %arg10[%add3A_160] : memref<1050752xf32, #tpu.memory_space<vmem_shared>> -> memref<8192xf32, #tpu.memory_space<vmem_shared>>
      tpu.enqueue_dma source(%arg19 : memref<8192xf32, #tpu.memory_space<vmem>>) target(%dma_start3A_524 : memref<8192xf32, #tpu.memory_space<vmem_shared>>) target_semaphore(%run_scoped3A : memref<!tpu.dma_semaphore, #tpu.memory_space<semaphore_mem>>)
      %dma_wait3A_525 = tpu.memref_slice %arg10[%add3A_160] : memref<1050752xf32, #tpu.memory_space<vmem_shared>> -> memref<8192xf32, #tpu.memory_space<vmem_shared>>
      %dma_wait3A_526 = tpu.memref_slice %arg10[%add3A_160] : memref<1050752xf32, #tpu.memory_space<vmem_shared>> -> memref<8192xf32, #tpu.memory_space<vmem_shared>>
      tpu.wait_dma2 semaphore(%run_scoped3A : memref<!tpu.dma_semaphore, #tpu.memory_space<semaphore_mem>>) src(%arg19 : memref<8192xf32, #tpu.memory_space<vmem>>) dst(%dma_wait3A_526 : memref<8192xf32, #tpu.memory_space<vmem_shared>>)
      tpu.yield
    }) : () -> ()
    %mul3A_161 = arith.constant 65536 : i32
    %mul3A_162 = arith.muli %arg1, %mul3A_161 : i32
    %add3A_163 = arith.constant 24576 : i32
    %add3A_164 = arith.addi %mul3A_162, %add3A_163 : i32
    "tpu.region"() ({
      %run_scoped3A = tpu.sem_alloc : memref<!tpu.dma_semaphore, #tpu.memory_space<semaphore_mem>>
      %dma_start3A_523 = tpu.memref_slice %arg10[%add3A_164] : memref<1050752xf32, #tpu.memory_space<vmem_shared>> -> memref<8192xf32, #tpu.memory_space<vmem_shared>>
      %dma_start3A_524 = tpu.memref_slice %arg10[%add3A_164] : memref<1050752xf32, #tpu.memory_space<vmem_shared>> -> memref<8192xf32, #tpu.memory_space<vmem_shared>>
      tpu.enqueue_dma source(%arg19 : memref<8192xf32, #tpu.memory_space<vmem>>) target(%dma_start3A_524 : memref<8192xf32, #tpu.memory_space<vmem_shared>>) target_semaphore(%run_scoped3A : memref<!tpu.dma_semaphore, #tpu.memory_space<semaphore_mem>>)
      %dma_wait3A_525 = tpu.memref_slice %arg10[%add3A_164] : memref<1050752xf32, #tpu.memory_space<vmem_shared>> -> memref<8192xf32, #tpu.memory_space<vmem_shared>>
      %dma_wait3A_526 = tpu.memref_slice %arg10[%add3A_164] : memref<1050752xf32, #tpu.memory_space<vmem_shared>> -> memref<8192xf32, #tpu.memory_space<vmem_shared>>
      tpu.wait_dma2 semaphore(%run_scoped3A : memref<!tpu.dma_semaphore, #tpu.memory_space<semaphore_mem>>) src(%arg19 : memref<8192xf32, #tpu.memory_space<vmem>>) dst(%dma_wait3A_526 : memref<8192xf32, #tpu.memory_space<vmem_shared>>)
      tpu.yield
    }) : () -> ()
    %mul3A_165 = arith.constant 65536 : i32
    %mul3A_166 = arith.muli %arg1, %mul3A_165 : i32
    %add3A_167 = arith.constant 32768 : i32
    %add3A_168 = arith.addi %mul3A_166, %add3A_167 : i32
    "tpu.region"() ({
      %run_scoped3A = tpu.sem_alloc : memref<!tpu.dma_semaphore, #tpu.memory_space<semaphore_mem>>
      %dma_start3A_523 = tpu.memref_slice %arg10[%add3A_168] : memref<1050752xf32, #tpu.memory_space<vmem_shared>> -> memref<8192xf32, #tpu.memory_space<vmem_shared>>
      %dma_start3A_524 = tpu.memref_slice %arg10[%add3A_168] : memref<1050752xf32, #tpu.memory_space<vmem_shared>> -> memref<8192xf32, #tpu.memory_space<vmem_shared>>
      tpu.enqueue_dma source(%arg19 : memref<8192xf32, #tpu.memory_space<vmem>>) target(%dma_start3A_524 : memref<8192xf32, #tpu.memory_space<vmem_shared>>) target_semaphore(%run_scoped3A : memref<!tpu.dma_semaphore, #tpu.memory_space<semaphore_mem>>)
      %dma_wait3A_525 = tpu.memref_slice %arg10[%add3A_168] : memref<1050752xf32, #tpu.memory_space<vmem_shared>> -> memref<8192xf32, #tpu.memory_space<vmem_shared>>
      %dma_wait3A_526 = tpu.memref_slice %arg10[%add3A_168] : memref<1050752xf32, #tpu.memory_space<vmem_shared>> -> memref<8192xf32, #tpu.memory_space<vmem_shared>>
      tpu.wait_dma2 semaphore(%run_scoped3A : memref<!tpu.dma_semaphore, #tpu.memory_space<semaphore_mem>>) src(%arg19 : memref<8192xf32, #tpu.memory_space<vmem>>) dst(%dma_wait3A_526 : memref<8192xf32, #tpu.memory_space<vmem_shared>>)
      tpu.yield
    }) : () -> ()
    %mul3A_169 = arith.constant 65536 : i32
    %mul3A_170 = arith.muli %arg1, %mul3A_169 : i32
    %add3A_171 = arith.constant 40960 : i32
    %add3A_172 = arith.addi %mul3A_170, %add3A_171 : i32
    "tpu.region"() ({
      %run_scoped3A = tpu.sem_alloc : memref<!tpu.dma_semaphore, #tpu.memory_space<semaphore_mem>>
      %dma_start3A_523 = tpu.memref_slice %arg10[%add3A_172] : memref<1050752xf32, #tpu.memory_space<vmem_shared>> -> memref<8192xf32, #tpu.memory_space<vmem_shared>>
      %dma_start3A_524 = tpu.memref_slice %arg10[%add3A_172] : memref<1050752xf32, #tpu.memory_space<vmem_shared>> -> memref<8192xf32, #tpu.memory_space<vmem_shared>>
      tpu.enqueue_dma source(%arg19 : memref<8192xf32, #tpu.memory_space<vmem>>) target(%dma_start3A_524 : memref<8192xf32, #tpu.memory_space<vmem_shared>>) target_semaphore(%run_scoped3A : memref<!tpu.dma_semaphore, #tpu.memory_space<semaphore_mem>>)
      %dma_wait3A_525 = tpu.memref_slice %arg10[%add3A_172] : memref<1050752xf32, #tpu.memory_space<vmem_shared>> -> memref<8192xf32, #tpu.memory_space<vmem_shared>>
      %dma_wait3A_526 = tpu.memref_slice %arg10[%add3A_172] : memref<1050752xf32, #tpu.memory_space<vmem_shared>> -> memref<8192xf32, #tpu.memory_space<vmem_shared>>
      tpu.wait_dma2 semaphore(%run_scoped3A : memref<!tpu.dma_semaphore, #tpu.memory_space<semaphore_mem>>) src(%arg19 : memref<8192xf32, #tpu.memory_space<vmem>>) dst(%dma_wait3A_526 : memref<8192xf32, #tpu.memory_space<vmem_shared>>)
      tpu.yield
    }) : () -> ()
    %mul3A_173 = arith.constant 65536 : i32
    %mul3A_174 = arith.muli %arg1, %mul3A_173 : i32
    %add3A_175 = arith.constant 49152 : i32
    %add3A_176 = arith.addi %mul3A_174, %add3A_175 : i32
    "tpu.region"() ({
      %run_scoped3A = tpu.sem_alloc : memref<!tpu.dma_semaphore, #tpu.memory_space<semaphore_mem>>
      %dma_start3A_523 = tpu.memref_slice %arg10[%add3A_176] : memref<1050752xf32, #tpu.memory_space<vmem_shared>> -> memref<8192xf32, #tpu.memory_space<vmem_shared>>
      %dma_start3A_524 = tpu.memref_slice %arg10[%add3A_176] : memref<1050752xf32, #tpu.memory_space<vmem_shared>> -> memref<8192xf32, #tpu.memory_space<vmem_shared>>
      tpu.enqueue_dma source(%arg19 : memref<8192xf32, #tpu.memory_space<vmem>>) target(%dma_start3A_524 : memref<8192xf32, #tpu.memory_space<vmem_shared>>) target_semaphore(%run_scoped3A : memref<!tpu.dma_semaphore, #tpu.memory_space<semaphore_mem>>)
      %dma_wait3A_525 = tpu.memref_slice %arg10[%add3A_176] : memref<1050752xf32, #tpu.memory_space<vmem_shared>> -> memref<8192xf32, #tpu.memory_space<vmem_shared>>
      %dma_wait3A_526 = tpu.memref_slice %arg10[%add3A_176] : memref<1050752xf32, #tpu.memory_space<vmem_shared>> -> memref<8192xf32, #tpu.memory_space<vmem_shared>>
      tpu.wait_dma2 semaphore(%run_scoped3A : memref<!tpu.dma_semaphore, #tpu.memory_space<semaphore_mem>>) src(%arg19 : memref<8192xf32, #tpu.memory_space<vmem>>) dst(%dma_wait3A_526 : memref<8192xf32, #tpu.memory_space<vmem_shared>>)
      tpu.yield
    }) : () -> ()
    %mul3A_177 = arith.constant 65536 : i32
    %mul3A_178 = arith.muli %arg1, %mul3A_177 : i32
    %add3A_179 = arith.constant 57344 : i32
    %add3A_180 = arith.addi %mul3A_178, %add3A_179 : i32
    "tpu.region"() ({
      %run_scoped3A = tpu.sem_alloc : memref<!tpu.dma_semaphore, #tpu.memory_space<semaphore_mem>>
      %dma_start3A_523 = tpu.memref_slice %arg10[%add3A_180] : memref<1050752xf32, #tpu.memory_space<vmem_shared>> -> memref<8192xf32, #tpu.memory_space<vmem_shared>>
      %dma_start3A_524 = tpu.memref_slice %arg10[%add3A_180] : memref<1050752xf32, #tpu.memory_space<vmem_shared>> -> memref<8192xf32, #tpu.memory_space<vmem_shared>>
      tpu.enqueue_dma source(%arg19 : memref<8192xf32, #tpu.memory_space<vmem>>) target(%dma_start3A_524 : memref<8192xf32, #tpu.memory_space<vmem_shared>>) target_semaphore(%run_scoped3A : memref<!tpu.dma_semaphore, #tpu.memory_space<semaphore_mem>>)
      %dma_wait3A_525 = tpu.memref_slice %arg10[%add3A_180] : memref<1050752xf32, #tpu.memory_space<vmem_shared>> -> memref<8192xf32, #tpu.memory_space<vmem_shared>>
      %dma_wait3A_526 = tpu.memref_slice %arg10[%add3A_180] : memref<1050752xf32, #tpu.memory_space<vmem_shared>> -> memref<8192xf32, #tpu.memory_space<vmem_shared>>
      tpu.wait_dma2 semaphore(%run_scoped3A : memref<!tpu.dma_semaphore, #tpu.memory_space<semaphore_mem>>) src(%arg19 : memref<8192xf32, #tpu.memory_space<vmem>>) dst(%dma_wait3A_526 : memref<8192xf32, #tpu.memory_space<vmem_shared>>)
      tpu.yield
    }) : () -> ()
    %eq3A_181 = arith.constant 0 : i32
    %eq3A_182 = arith.cmpi eq, %arg1, %eq3A_181 : i32
    %convert_element_type3A_183 = arith.extui %eq3A_182 : i1 to i32
    %cond3A_184 = arith.constant 0 : i32
    %cond3A_185 = arith.cmpi ne, %convert_element_type3A_183, %cond3A_184 : i32
    scf.if %cond3A_185 {
      "tpu.region"() ({
        %run_scoped3A = tpu.sem_alloc : memref<!tpu.dma_semaphore, #tpu.memory_space<semaphore_mem>>
        %dma_start3A_523 = arith.constant 0 : i32
        %dma_start3A_524 = tpu.memref_slice %arg19[%dma_start3A_523] : memref<8192xf32, #tpu.memory_space<vmem>> -> memref<128xf32, #tpu.memory_space<vmem>>
        %dma_start3A_525 = arith.constant 1048576 : i32
        %dma_start3A_526 = tpu.memref_slice %arg10[%dma_start3A_525] : memref<1050752xf32, #tpu.memory_space<vmem_shared>> -> memref<128xf32, #tpu.memory_space<vmem_shared>>
        %dma_start3A_527 = arith.constant 1048576 : i32
        %dma_start3A_528 = tpu.memref_slice %arg10[%dma_start3A_527] : memref<1050752xf32, #tpu.memory_space<vmem_shared>> -> memref<128xf32, #tpu.memory_space<vmem_shared>>
        %dma_start3A_529 = arith.constant 0 : i32
        %dma_start3A_530 = tpu.memref_slice %arg19[%dma_start3A_529] : memref<8192xf32, #tpu.memory_space<vmem>> -> memref<128xf32, #tpu.memory_space<vmem>>
        tpu.enqueue_dma source(%dma_start3A_530 : memref<128xf32, #tpu.memory_space<vmem>>) target(%dma_start3A_528 : memref<128xf32, #tpu.memory_space<vmem_shared>>) target_semaphore(%run_scoped3A : memref<!tpu.dma_semaphore, #tpu.memory_space<semaphore_mem>>)
        %dma_wait3A_531 = arith.constant 0 : i32
        %dma_wait3A_532 = tpu.memref_slice %arg19[%dma_wait3A_531] : memref<8192xf32, #tpu.memory_space<vmem>> -> memref<128xf32, #tpu.memory_space<vmem>>
        %dma_wait3A_533 = arith.constant 1048576 : i32
        %dma_wait3A_534 = tpu.memref_slice %arg10[%dma_wait3A_533] : memref<1050752xf32, #tpu.memory_space<vmem_shared>> -> memref<128xf32, #tpu.memory_space<vmem_shared>>
        %dma_wait3A_535 = arith.constant 1048576 : i32
        %dma_wait3A_536 = tpu.memref_slice %arg10[%dma_wait3A_535] : memref<1050752xf32, #tpu.memory_space<vmem_shared>> -> memref<128xf32, #tpu.memory_space<vmem_shared>>
        %dma_wait3A_537 = arith.constant 0 : i32
        %dma_wait3A_538 = tpu.memref_slice %arg19[%dma_wait3A_537] : memref<8192xf32, #tpu.memory_space<vmem>> -> memref<128xf32, #tpu.memory_space<vmem>>
        tpu.wait_dma2 semaphore(%run_scoped3A : memref<!tpu.dma_semaphore, #tpu.memory_space<semaphore_mem>>) src(%dma_wait3A_538 : memref<128xf32, #tpu.memory_space<vmem>>) dst(%dma_wait3A_536 : memref<128xf32, #tpu.memory_space<vmem_shared>>)
        tpu.yield
      }) : () -> ()
    } else {
    }
    "tpu.trace_stop"() : () -> ()
    %barrier3A_186 = arith.constant 0 : index
    tpu.barrier barrier_id(%barrier3A_186)
    "tpu.trace_start"() <{level = 10 : i32, message = "ppi_scatter"}> : () -> ()
    %scan3A_187 = arith.constant 0 : i32
    %scan3A_188 = arith.constant 4 : i32
    %scan3A_189 = arith.addi %scan3A_187, %scan3A_188 : i32
    %scan3A_190 = arith.constant 1 : i32
    scf.for %scan3A_523 = %scan3A_187 to %scan3A_189 step %scan3A_190  : i32 {
      %mul3A_524 = arith.constant 16 : i32
      %mul3A_525 = arith.muli %scan3A_523, %mul3A_524 : i32
      %add3A_526 = arith.constant 0 : i32
      %add3A_527 = arith.addi %mul3A_525, %add3A_526 : i32
      %dma_start3A_528 = arith.constant 0 : i32
      %dma_start3A_529 = tpu.memref_slice %arg16[%add3A_527, %dma_start3A_528] : memref<65x128xi32, #tpu.memory_space<vmem>> -> memref<1x128xi32, #tpu.memory_space<vmem>>
      %dma_start3A_530 = tpu.memref_squeeze %dma_start3A_529 : memref<1x128xi32, #tpu.memory_space<vmem>> -> memref<128xi32, #tpu.memory_space<vmem>>
      %dma_start3A_531 = arith.constant 0 : i32
      %dma_start3A_532 = tpu.memref_slice %arg10[%dma_start3A_531] : memref<1050752xf32, #tpu.memory_space<vmem_shared>> -> memref<1050752xf32, #tpu.memory_space<vmem_shared>>
      tpu.enqueue_indirect_dma source(%arg18 : memref<128xf32, #tpu.memory_space<vmem>>) target(%dma_start3A_532 : memref<1050752xf32, #tpu.memory_space<vmem_shared>>) offsets(%dma_start3A_530 : memref<128xi32, #tpu.memory_space<vmem>>) semaphore(%arg22 : memref<!tpu.dma_semaphore, #tpu.memory_space<semaphore_mem>>) {add = true}
      %add3A_533 = arith.constant 1 : i32
      %add3A_534 = arith.addi %mul3A_525, %add3A_533 : i32
      %dma_start3A_535 = arith.constant 0 : i32
      %dma_start3A_536 = tpu.memref_slice %arg16[%add3A_534, %dma_start3A_535] : memref<65x128xi32, #tpu.memory_space<vmem>> -> memref<1x128xi32, #tpu.memory_space<vmem>>
      %dma_start3A_537 = tpu.memref_squeeze %dma_start3A_536 : memref<1x128xi32, #tpu.memory_space<vmem>> -> memref<128xi32, #tpu.memory_space<vmem>>
      %dma_start3A_538 = arith.constant 0 : i32
      %dma_start3A_539 = tpu.memref_slice %arg10[%dma_start3A_538] : memref<1050752xf32, #tpu.memory_space<vmem_shared>> -> memref<1050752xf32, #tpu.memory_space<vmem_shared>>
      tpu.enqueue_indirect_dma source(%arg18 : memref<128xf32, #tpu.memory_space<vmem>>) target(%dma_start3A_539 : memref<1050752xf32, #tpu.memory_space<vmem_shared>>) offsets(%dma_start3A_537 : memref<128xi32, #tpu.memory_space<vmem>>) semaphore(%arg22 : memref<!tpu.dma_semaphore, #tpu.memory_space<semaphore_mem>>) {add = true}
      %add3A_540 = arith.constant 2 : i32
      %add3A_541 = arith.addi %mul3A_525, %add3A_540 : i32
      %dma_start3A_542 = arith.constant 0 : i32
      %dma_start3A_543 = tpu.memref_slice %arg16[%add3A_541, %dma_start3A_542] : memref<65x128xi32, #tpu.memory_space<vmem>> -> memref<1x128xi32, #tpu.memory_space<vmem>>
      %dma_start3A_544 = tpu.memref_squeeze %dma_start3A_543 : memref<1x128xi32, #tpu.memory_space<vmem>> -> memref<128xi32, #tpu.memory_space<vmem>>
      %dma_start3A_545 = arith.constant 0 : i32
      %dma_start3A_546 = tpu.memref_slice %arg10[%dma_start3A_545] : memref<1050752xf32, #tpu.memory_space<vmem_shared>> -> memref<1050752xf32, #tpu.memory_space<vmem_shared>>
      tpu.enqueue_indirect_dma source(%arg18 : memref<128xf32, #tpu.memory_space<vmem>>) target(%dma_start3A_546 : memref<1050752xf32, #tpu.memory_space<vmem_shared>>) offsets(%dma_start3A_544 : memref<128xi32, #tpu.memory_space<vmem>>) semaphore(%arg22 : memref<!tpu.dma_semaphore, #tpu.memory_space<semaphore_mem>>) {add = true}
      %add3A_547 = arith.constant 3 : i32
      %add3A_548 = arith.addi %mul3A_525, %add3A_547 : i32
      %dma_start3A_549 = arith.constant 0 : i32
      %dma_start3A_550 = tpu.memref_slice %arg16[%add3A_548, %dma_start3A_549] : memref<65x128xi32, #tpu.memory_space<vmem>> -> memref<1x128xi32, #tpu.memory_space<vmem>>
      %dma_start3A_551 = tpu.memref_squeeze %dma_start3A_550 : memref<1x128xi32, #tpu.memory_space<vmem>> -> memref<128xi32, #tpu.memory_space<vmem>>
      %dma_start3A_552 = arith.constant 0 : i32
      %dma_start3A_553 = tpu.memref_slice %arg10[%dma_start3A_552] : memref<1050752xf32, #tpu.memory_space<vmem_shared>> -> memref<1050752xf32, #tpu.memory_space<vmem_shared>>
      tpu.enqueue_indirect_dma source(%arg18 : memref<128xf32, #tpu.memory_space<vmem>>) target(%dma_start3A_553 : memref<1050752xf32, #tpu.memory_space<vmem_shared>>) offsets(%dma_start3A_551 : memref<128xi32, #tpu.memory_space<vmem>>) semaphore(%arg22 : memref<!tpu.dma_semaphore, #tpu.memory_space<semaphore_mem>>) {add = true}
      %add3A_554 = arith.constant 4 : i32
      %add3A_555 = arith.addi %mul3A_525, %add3A_554 : i32
      %dma_start3A_556 = arith.constant 0 : i32
      %dma_start3A_557 = tpu.memref_slice %arg16[%add3A_555, %dma_start3A_556] : memref<65x128xi32, #tpu.memory_space<vmem>> -> memref<1x128xi32, #tpu.memory_space<vmem>>
      %dma_start3A_558 = tpu.memref_squeeze %dma_start3A_557 : memref<1x128xi32, #tpu.memory_space<vmem>> -> memref<128xi32, #tpu.memory_space<vmem>>
      %dma_start3A_559 = arith.constant 0 : i32
      %dma_start3A_560 = tpu.memref_slice %arg10[%dma_start3A_559] : memref<1050752xf32, #tpu.memory_space<vmem_shared>> -> memref<1050752xf32, #tpu.memory_space<vmem_shared>>
      tpu.enqueue_indirect_dma source(%arg18 : memref<128xf32, #tpu.memory_space<vmem>>) target(%dma_start3A_560 : memref<1050752xf32, #tpu.memory_space<vmem_shared>>) offsets(%dma_start3A_558 : memref<128xi32, #tpu.memory_space<vmem>>) semaphore(%arg22 : memref<!tpu.dma_semaphore, #tpu.memory_space<semaphore_mem>>) {add = true}
      %add3A_561 = arith.constant 5 : i32
      %add3A_562 = arith.addi %mul3A_525, %add3A_561 : i32
      %dma_start3A_563 = arith.constant 0 : i32
      %dma_start3A_564 = tpu.memref_slice %arg16[%add3A_562, %dma_start3A_563] : memref<65x128xi32, #tpu.memory_space<vmem>> -> memref<1x128xi32, #tpu.memory_space<vmem>>
      %dma_start3A_565 = tpu.memref_squeeze %dma_start3A_564 : memref<1x128xi32, #tpu.memory_space<vmem>> -> memref<128xi32, #tpu.memory_space<vmem>>
      %dma_start3A_566 = arith.constant 0 : i32
      %dma_start3A_567 = tpu.memref_slice %arg10[%dma_start3A_566] : memref<1050752xf32, #tpu.memory_space<vmem_shared>> -> memref<1050752xf32, #tpu.memory_space<vmem_shared>>
      tpu.enqueue_indirect_dma source(%arg18 : memref<128xf32, #tpu.memory_space<vmem>>) target(%dma_start3A_567 : memref<1050752xf32, #tpu.memory_space<vmem_shared>>) offsets(%dma_start3A_565 : memref<128xi32, #tpu.memory_space<vmem>>) semaphore(%arg22 : memref<!tpu.dma_semaphore, #tpu.memory_space<semaphore_mem>>) {add = true}
      %add3A_568 = arith.constant 6 : i32
      %add3A_569 = arith.addi %mul3A_525, %add3A_568 : i32
      %dma_start3A_570 = arith.constant 0 : i32
      %dma_start3A_571 = tpu.memref_slice %arg16[%add3A_569, %dma_start3A_570] : memref<65x128xi32, #tpu.memory_space<vmem>> -> memref<1x128xi32, #tpu.memory_space<vmem>>
      %dma_start3A_572 = tpu.memref_squeeze %dma_start3A_571 : memref<1x128xi32, #tpu.memory_space<vmem>> -> memref<128xi32, #tpu.memory_space<vmem>>
      %dma_start3A_573 = arith.constant 0 : i32
      %dma_start3A_574 = tpu.memref_slice %arg10[%dma_start3A_573] : memref<1050752xf32, #tpu.memory_space<vmem_shared>> -> memref<1050752xf32, #tpu.memory_space<vmem_shared>>
      tpu.enqueue_indirect_dma source(%arg18 : memref<128xf32, #tpu.memory_space<vmem>>) target(%dma_start3A_574 : memref<1050752xf32, #tpu.memory_space<vmem_shared>>) offsets(%dma_start3A_572 : memref<128xi32, #tpu.memory_space<vmem>>) semaphore(%arg22 : memref<!tpu.dma_semaphore, #tpu.memory_space<semaphore_mem>>) {add = true}
      %add3A_575 = arith.constant 7 : i32
      %add3A_576 = arith.addi %mul3A_525, %add3A_575 : i32
      %dma_start3A_577 = arith.constant 0 : i32
      %dma_start3A_578 = tpu.memref_slice %arg16[%add3A_576, %dma_start3A_577] : memref<65x128xi32, #tpu.memory_space<vmem>> -> memref<1x128xi32, #tpu.memory_space<vmem>>
      %dma_start3A_579 = tpu.memref_squeeze %dma_start3A_578 : memref<1x128xi32, #tpu.memory_space<vmem>> -> memref<128xi32, #tpu.memory_space<vmem>>
      %dma_start3A_580 = arith.constant 0 : i32
      %dma_start3A_581 = tpu.memref_slice %arg10[%dma_start3A_580] : memref<1050752xf32, #tpu.memory_space<vmem_shared>> -> memref<1050752xf32, #tpu.memory_space<vmem_shared>>
      tpu.enqueue_indirect_dma source(%arg18 : memref<128xf32, #tpu.memory_space<vmem>>) target(%dma_start3A_581 : memref<1050752xf32, #tpu.memory_space<vmem_shared>>) offsets(%dma_start3A_579 : memref<128xi32, #tpu.memory_space<vmem>>) semaphore(%arg22 : memref<!tpu.dma_semaphore, #tpu.memory_space<semaphore_mem>>) {add = true}
      %add3A_582 = arith.constant 8 : i32
      %add3A_583 = arith.addi %mul3A_525, %add3A_582 : i32
      %dma_start3A_584 = arith.constant 0 : i32
      %dma_start3A_585 = tpu.memref_slice %arg16[%add3A_583, %dma_start3A_584] : memref<65x128xi32, #tpu.memory_space<vmem>> -> memref<1x128xi32, #tpu.memory_space<vmem>>
      %dma_start3A_586 = tpu.memref_squeeze %dma_start3A_585 : memref<1x128xi32, #tpu.memory_space<vmem>> -> memref<128xi32, #tpu.memory_space<vmem>>
      %dma_start3A_587 = arith.constant 0 : i32
      %dma_start3A_588 = tpu.memref_slice %arg10[%dma_start3A_587] : memref<1050752xf32, #tpu.memory_space<vmem_shared>> -> memref<1050752xf32, #tpu.memory_space<vmem_shared>>
      tpu.enqueue_indirect_dma source(%arg18 : memref<128xf32, #tpu.memory_space<vmem>>) target(%dma_start3A_588 : memref<1050752xf32, #tpu.memory_space<vmem_shared>>) offsets(%dma_start3A_586 : memref<128xi32, #tpu.memory_space<vmem>>) semaphore(%arg22 : memref<!tpu.dma_semaphore, #tpu.memory_space<semaphore_mem>>) {add = true}
      %add3A_589 = arith.constant 9 : i32
      %add3A_590 = arith.addi %mul3A_525, %add3A_589 : i32
      %dma_start3A_591 = arith.constant 0 : i32
      %dma_start3A_592 = tpu.memref_slice %arg16[%add3A_590, %dma_start3A_591] : memref<65x128xi32, #tpu.memory_space<vmem>> -> memref<1x128xi32, #tpu.memory_space<vmem>>
      %dma_start3A_593 = tpu.memref_squeeze %dma_start3A_592 : memref<1x128xi32, #tpu.memory_space<vmem>> -> memref<128xi32, #tpu.memory_space<vmem>>
      %dma_start3A_594 = arith.constant 0 : i32
      %dma_start3A_595 = tpu.memref_slice %arg10[%dma_start3A_594] : memref<1050752xf32, #tpu.memory_space<vmem_shared>> -> memref<1050752xf32, #tpu.memory_space<vmem_shared>>
      tpu.enqueue_indirect_dma source(%arg18 : memref<128xf32, #tpu.memory_space<vmem>>) target(%dma_start3A_595 : memref<1050752xf32, #tpu.memory_space<vmem_shared>>) offsets(%dma_start3A_593 : memref<128xi32, #tpu.memory_space<vmem>>) semaphore(%arg22 : memref<!tpu.dma_semaphore, #tpu.memory_space<semaphore_mem>>) {add = true}
      %add3A_596 = arith.constant 10 : i32
      %add3A_597 = arith.addi %mul3A_525, %add3A_596 : i32
      %dma_start3A_598 = arith.constant 0 : i32
      %dma_start3A_599 = tpu.memref_slice %arg16[%add3A_597, %dma_start3A_598] : memref<65x128xi32, #tpu.memory_space<vmem>> -> memref<1x128xi32, #tpu.memory_space<vmem>>
      %dma_start3A_600 = tpu.memref_squeeze %dma_start3A_599 : memref<1x128xi32, #tpu.memory_space<vmem>> -> memref<128xi32, #tpu.memory_space<vmem>>
      %dma_start3A_601 = arith.constant 0 : i32
      %dma_start3A_602 = tpu.memref_slice %arg10[%dma_start3A_601] : memref<1050752xf32, #tpu.memory_space<vmem_shared>> -> memref<1050752xf32, #tpu.memory_space<vmem_shared>>
      tpu.enqueue_indirect_dma source(%arg18 : memref<128xf32, #tpu.memory_space<vmem>>) target(%dma_start3A_602 : memref<1050752xf32, #tpu.memory_space<vmem_shared>>) offsets(%dma_start3A_600 : memref<128xi32, #tpu.memory_space<vmem>>) semaphore(%arg22 : memref<!tpu.dma_semaphore, #tpu.memory_space<semaphore_mem>>) {add = true}
      %add3A_603 = arith.constant 11 : i32
      %add3A_604 = arith.addi %mul3A_525, %add3A_603 : i32
      %dma_start3A_605 = arith.constant 0 : i32
      %dma_start3A_606 = tpu.memref_slice %arg16[%add3A_604, %dma_start3A_605] : memref<65x128xi32, #tpu.memory_space<vmem>> -> memref<1x128xi32, #tpu.memory_space<vmem>>
      %dma_start3A_607 = tpu.memref_squeeze %dma_start3A_606 : memref<1x128xi32, #tpu.memory_space<vmem>> -> memref<128xi32, #tpu.memory_space<vmem>>
      %dma_start3A_608 = arith.constant 0 : i32
      %dma_start3A_609 = tpu.memref_slice %arg10[%dma_start3A_608] : memref<1050752xf32, #tpu.memory_space<vmem_shared>> -> memref<1050752xf32, #tpu.memory_space<vmem_shared>>
      tpu.enqueue_indirect_dma source(%arg18 : memref<128xf32, #tpu.memory_space<vmem>>) target(%dma_start3A_609 : memref<1050752xf32, #tpu.memory_space<vmem_shared>>) offsets(%dma_start3A_607 : memref<128xi32, #tpu.memory_space<vmem>>) semaphore(%arg22 : memref<!tpu.dma_semaphore, #tpu.memory_space<semaphore_mem>>) {add = true}
      %add3A_610 = arith.constant 12 : i32
      %add3A_611 = arith.addi %mul3A_525, %add3A_610 : i32
      %dma_start3A_612 = arith.constant 0 : i32
      %dma_start3A_613 = tpu.memref_slice %arg16[%add3A_611, %dma_start3A_612] : memref<65x128xi32, #tpu.memory_space<vmem>> -> memref<1x128xi32, #tpu.memory_space<vmem>>
      %dma_start3A_614 = tpu.memref_squeeze %dma_start3A_613 : memref<1x128xi32, #tpu.memory_space<vmem>> -> memref<128xi32, #tpu.memory_space<vmem>>
      %dma_start3A_615 = arith.constant 0 : i32
      %dma_start3A_616 = tpu.memref_slice %arg10[%dma_start3A_615] : memref<1050752xf32, #tpu.memory_space<vmem_shared>> -> memref<1050752xf32, #tpu.memory_space<vmem_shared>>
      tpu.enqueue_indirect_dma source(%arg18 : memref<128xf32, #tpu.memory_space<vmem>>) target(%dma_start3A_616 : memref<1050752xf32, #tpu.memory_space<vmem_shared>>) offsets(%dma_start3A_614 : memref<128xi32, #tpu.memory_space<vmem>>) semaphore(%arg22 : memref<!tpu.dma_semaphore, #tpu.memory_space<semaphore_mem>>) {add = true}
      %add3A_617 = arith.constant 13 : i32
      %add3A_618 = arith.addi %mul3A_525, %add3A_617 : i32
      %dma_start3A_619 = arith.constant 0 : i32
      %dma_start3A_620 = tpu.memref_slice %arg16[%add3A_618, %dma_start3A_619] : memref<65x128xi32, #tpu.memory_space<vmem>> -> memref<1x128xi32, #tpu.memory_space<vmem>>
      %dma_start3A_621 = tpu.memref_squeeze %dma_start3A_620 : memref<1x128xi32, #tpu.memory_space<vmem>> -> memref<128xi32, #tpu.memory_space<vmem>>
      %dma_start3A_622 = arith.constant 0 : i32
      %dma_start3A_623 = tpu.memref_slice %arg10[%dma_start3A_622] : memref<1050752xf32, #tpu.memory_space<vmem_shared>> -> memref<1050752xf32, #tpu.memory_space<vmem_shared>>
      tpu.enqueue_indirect_dma source(%arg18 : memref<128xf32, #tpu.memory_space<vmem>>) target(%dma_start3A_623 : memref<1050752xf32, #tpu.memory_space<vmem_shared>>) offsets(%dma_start3A_621 : memref<128xi32, #tpu.memory_space<vmem>>) semaphore(%arg22 : memref<!tpu.dma_semaphore, #tpu.memory_space<semaphore_mem>>) {add = true}
      %add3A_624 = arith.constant 14 : i32
      %add3A_625 = arith.addi %mul3A_525, %add3A_624 : i32
      %dma_start3A_626 = arith.constant 0 : i32
      %dma_start3A_627 = tpu.memref_slice %arg16[%add3A_625, %dma_start3A_626] : memref<65x128xi32, #tpu.memory_space<vmem>> -> memref<1x128xi32, #tpu.memory_space<vmem>>
      %dma_start3A_628 = tpu.memref_squeeze %dma_start3A_627 : memref<1x128xi32, #tpu.memory_space<vmem>> -> memref<128xi32, #tpu.memory_space<vmem>>
      %dma_start3A_629 = arith.constant 0 : i32
      %dma_start3A_630 = tpu.memref_slice %arg10[%dma_start3A_629] : memref<1050752xf32, #tpu.memory_space<vmem_shared>> -> memref<1050752xf32, #tpu.memory_space<vmem_shared>>
      tpu.enqueue_indirect_dma source(%arg18 : memref<128xf32, #tpu.memory_space<vmem>>) target(%dma_start3A_630 : memref<1050752xf32, #tpu.memory_space<vmem_shared>>) offsets(%dma_start3A_628 : memref<128xi32, #tpu.memory_space<vmem>>) semaphore(%arg22 : memref<!tpu.dma_semaphore, #tpu.memory_space<semaphore_mem>>) {add = true}
      %add3A_631 = arith.constant 15 : i32
      %add3A_632 = arith.addi %mul3A_525, %add3A_631 : i32
      %dma_start3A_633 = arith.constant 0 : i32
      %dma_start3A_634 = tpu.memref_slice %arg16[%add3A_632, %dma_start3A_633] : memref<65x128xi32, #tpu.memory_space<vmem>> -> memref<1x128xi32, #tpu.memory_space<vmem>>
      %dma_start3A_635 = tpu.memref_squeeze %dma_start3A_634 : memref<1x128xi32, #tpu.memory_space<vmem>> -> memref<128xi32, #tpu.memory_space<vmem>>
      %dma_start3A_636 = arith.constant 0 : i32
      %dma_start3A_637 = tpu.memref_slice %arg10[%dma_start3A_636] : memref<1050752xf32, #tpu.memory_space<vmem_shared>> -> memref<1050752xf32, #tpu.memory_space<vmem_shared>>
      tpu.enqueue_indirect_dma source(%arg18 : memref<128xf32, #tpu.memory_space<vmem>>) target(%dma_start3A_637 : memref<1050752xf32, #tpu.memory_space<vmem_shared>>) offsets(%dma_start3A_635 : memref<128xi32, #tpu.memory_space<vmem>>) semaphore(%arg22 : memref<!tpu.dma_semaphore, #tpu.memory_space<semaphore_mem>>) {add = true}
      %dma_wait3A_638 = arith.constant 0 : i32
      %dma_wait3A_639 = arith.constant 0 : i32
      %dma_wait3A_640 = tpu.memref_slice %arg16[%dma_wait3A_638, %dma_wait3A_639] : memref<65x128xi32, #tpu.memory_space<vmem>> -> memref<1x128xi32, #tpu.memory_space<vmem>>
      %dma_wait3A_641 = tpu.memref_squeeze %dma_wait3A_640 : memref<1x128xi32, #tpu.memory_space<vmem>> -> memref<128xi32, #tpu.memory_space<vmem>>
      %dma_wait3A_642 = arith.constant 0 : i32
      %dma_wait3A_643 = tpu.memref_slice %arg10[%dma_wait3A_642] : memref<1050752xf32, #tpu.memory_space<vmem_shared>> -> memref<1050752xf32, #tpu.memory_space<vmem_shared>>
      tpu.wait_indirect_dma semaphore(%arg22 : memref<!tpu.dma_semaphore, #tpu.memory_space<semaphore_mem>>) src(%arg18 : memref<128xf32, #tpu.memory_space<vmem>>) dst(%dma_wait3A_643 : memref<1050752xf32, #tpu.memory_space<vmem_shared>>)
      %dma_wait3A_644 = arith.constant 0 : i32
      %dma_wait3A_645 = arith.constant 0 : i32
      %dma_wait3A_646 = tpu.memref_slice %arg16[%dma_wait3A_644, %dma_wait3A_645] : memref<65x128xi32, #tpu.memory_space<vmem>> -> memref<1x128xi32, #tpu.memory_space<vmem>>
      %dma_wait3A_647 = tpu.memref_squeeze %dma_wait3A_646 : memref<1x128xi32, #tpu.memory_space<vmem>> -> memref<128xi32, #tpu.memory_space<vmem>>
      %dma_wait3A_648 = arith.constant 0 : i32
      %dma_wait3A_649 = tpu.memref_slice %arg10[%dma_wait3A_648] : memref<1050752xf32, #tpu.memory_space<vmem_shared>> -> memref<1050752xf32, #tpu.memory_space<vmem_shared>>
      tpu.wait_indirect_dma semaphore(%arg22 : memref<!tpu.dma_semaphore, #tpu.memory_space<semaphore_mem>>) src(%arg18 : memref<128xf32, #tpu.memory_space<vmem>>) dst(%dma_wait3A_649 : memref<1050752xf32, #tpu.memory_space<vmem_shared>>)
      %dma_wait3A_650 = arith.constant 0 : i32
      %dma_wait3A_651 = arith.constant 0 : i32
      %dma_wait3A_652 = tpu.memref_slice %arg16[%dma_wait3A_650, %dma_wait3A_651] : memref<65x128xi32, #tpu.memory_space<vmem>> -> memref<1x128xi32, #tpu.memory_space<vmem>>
      %dma_wait3A_653 = tpu.memref_squeeze %dma_wait3A_652 : memref<1x128xi32, #tpu.memory_space<vmem>> -> memref<128xi32, #tpu.memory_space<vmem>>
      %dma_wait3A_654 = arith.constant 0 : i32
      %dma_wait3A_655 = tpu.memref_slice %arg10[%dma_wait3A_654] : memref<1050752xf32, #tpu.memory_space<vmem_shared>> -> memref<1050752xf32, #tpu.memory_space<vmem_shared>>
      tpu.wait_indirect_dma semaphore(%arg22 : memref<!tpu.dma_semaphore, #tpu.memory_space<semaphore_mem>>) src(%arg18 : memref<128xf32, #tpu.memory_space<vmem>>) dst(%dma_wait3A_655 : memref<1050752xf32, #tpu.memory_space<vmem_shared>>)
      %dma_wait3A_656 = arith.constant 0 : i32
      %dma_wait3A_657 = arith.constant 0 : i32
      %dma_wait3A_658 = tpu.memref_slice %arg16[%dma_wait3A_656, %dma_wait3A_657] : memref<65x128xi32, #tpu.memory_space<vmem>> -> memref<1x128xi32, #tpu.memory_space<vmem>>
      %dma_wait3A_659 = tpu.memref_squeeze %dma_wait3A_658 : memref<1x128xi32, #tpu.memory_space<vmem>> -> memref<128xi32, #tpu.memory_space<vmem>>
      %dma_wait3A_660 = arith.constant 0 : i32
      %dma_wait3A_661 = tpu.memref_slice %arg10[%dma_wait3A_660] : memref<1050752xf32, #tpu.memory_space<vmem_shared>> -> memref<1050752xf32, #tpu.memory_space<vmem_shared>>
      tpu.wait_indirect_dma semaphore(%arg22 : memref<!tpu.dma_semaphore, #tpu.memory_space<semaphore_mem>>) src(%arg18 : memref<128xf32, #tpu.memory_space<vmem>>) dst(%dma_wait3A_661 : memref<1050752xf32, #tpu.memory_space<vmem_shared>>)
      %dma_wait3A_662 = arith.constant 0 : i32
      %dma_wait3A_663 = arith.constant 0 : i32
      %dma_wait3A_664 = tpu.memref_slice %arg16[%dma_wait3A_662, %dma_wait3A_663] : memref<65x128xi32, #tpu.memory_space<vmem>> -> memref<1x128xi32, #tpu.memory_space<vmem>>
      %dma_wait3A_665 = tpu.memref_squeeze %dma_wait3A_664 : memref<1x128xi32, #tpu.memory_space<vmem>> -> memref<128xi32, #tpu.memory_space<vmem>>
      %dma_wait3A_666 = arith.constant 0 : i32
      %dma_wait3A_667 = tpu.memref_slice %arg10[%dma_wait3A_666] : memref<1050752xf32, #tpu.memory_space<vmem_shared>> -> memref<1050752xf32, #tpu.memory_space<vmem_shared>>
      tpu.wait_indirect_dma semaphore(%arg22 : memref<!tpu.dma_semaphore, #tpu.memory_space<semaphore_mem>>) src(%arg18 : memref<128xf32, #tpu.memory_space<vmem>>) dst(%dma_wait3A_667 : memref<1050752xf32, #tpu.memory_space<vmem_shared>>)
      %dma_wait3A_668 = arith.constant 0 : i32
      %dma_wait3A_669 = arith.constant 0 : i32
      %dma_wait3A_670 = tpu.memref_slice %arg16[%dma_wait3A_668, %dma_wait3A_669] : memref<65x128xi32, #tpu.memory_space<vmem>> -> memref<1x128xi32, #tpu.memory_space<vmem>>
      %dma_wait3A_671 = tpu.memref_squeeze %dma_wait3A_670 : memref<1x128xi32, #tpu.memory_space<vmem>> -> memref<128xi32, #tpu.memory_space<vmem>>
      %dma_wait3A_672 = arith.constant 0 : i32
      %dma_wait3A_673 = tpu.memref_slice %arg10[%dma_wait3A_672] : memref<1050752xf32, #tpu.memory_space<vmem_shared>> -> memref<1050752xf32, #tpu.memory_space<vmem_shared>>
      tpu.wait_indirect_dma semaphore(%arg22 : memref<!tpu.dma_semaphore, #tpu.memory_space<semaphore_mem>>) src(%arg18 : memref<128xf32, #tpu.memory_space<vmem>>) dst(%dma_wait3A_673 : memref<1050752xf32, #tpu.memory_space<vmem_shared>>)
      %dma_wait3A_674 = arith.constant 0 : i32
      %dma_wait3A_675 = arith.constant 0 : i32
      %dma_wait3A_676 = tpu.memref_slice %arg16[%dma_wait3A_674, %dma_wait3A_675] : memref<65x128xi32, #tpu.memory_space<vmem>> -> memref<1x128xi32, #tpu.memory_space<vmem>>
      %dma_wait3A_677 = tpu.memref_squeeze %dma_wait3A_676 : memref<1x128xi32, #tpu.memory_space<vmem>> -> memref<128xi32, #tpu.memory_space<vmem>>
      %dma_wait3A_678 = arith.constant 0 : i32
      %dma_wait3A_679 = tpu.memref_slice %arg10[%dma_wait3A_678] : memref<1050752xf32, #tpu.memory_space<vmem_shared>> -> memref<1050752xf32, #tpu.memory_space<vmem_shared>>
      tpu.wait_indirect_dma semaphore(%arg22 : memref<!tpu.dma_semaphore, #tpu.memory_space<semaphore_mem>>) src(%arg18 : memref<128xf32, #tpu.memory_space<vmem>>) dst(%dma_wait3A_679 : memref<1050752xf32, #tpu.memory_space<vmem_shared>>)
      %dma_wait3A_680 = arith.constant 0 : i32
      %dma_wait3A_681 = arith.constant 0 : i32
      %dma_wait3A_682 = tpu.memref_slice %arg16[%dma_wait3A_680, %dma_wait3A_681] : memref<65x128xi32, #tpu.memory_space<vmem>> -> memref<1x128xi32, #tpu.memory_space<vmem>>
      %dma_wait3A_683 = tpu.memref_squeeze %dma_wait3A_682 : memref<1x128xi32, #tpu.memory_space<vmem>> -> memref<128xi32, #tpu.memory_space<vmem>>
      %dma_wait3A_684 = arith.constant 0 : i32
      %dma_wait3A_685 = tpu.memref_slice %arg10[%dma_wait3A_684] : memref<1050752xf32, #tpu.memory_space<vmem_shared>> -> memref<1050752xf32, #tpu.memory_space<vmem_shared>>
      tpu.wait_indirect_dma semaphore(%arg22 : memref<!tpu.dma_semaphore, #tpu.memory_space<semaphore_mem>>) src(%arg18 : memref<128xf32, #tpu.memory_space<vmem>>) dst(%dma_wait3A_685 : memref<1050752xf32, #tpu.memory_space<vmem_shared>>)
      %dma_wait3A_686 = arith.constant 0 : i32
      %dma_wait3A_687 = arith.constant 0 : i32
      %dma_wait3A_688 = tpu.memref_slice %arg16[%dma_wait3A_686, %dma_wait3A_687] : memref<65x128xi32, #tpu.memory_space<vmem>> -> memref<1x128xi32, #tpu.memory_space<vmem>>
      %dma_wait3A_689 = tpu.memref_squeeze %dma_wait3A_688 : memref<1x128xi32, #tpu.memory_space<vmem>> -> memref<128xi32, #tpu.memory_space<vmem>>
      %dma_wait3A_690 = arith.constant 0 : i32
      %dma_wait3A_691 = tpu.memref_slice %arg10[%dma_wait3A_690] : memref<1050752xf32, #tpu.memory_space<vmem_shared>> -> memref<1050752xf32, #tpu.memory_space<vmem_shared>>
      tpu.wait_indirect_dma semaphore(%arg22 : memref<!tpu.dma_semaphore, #tpu.memory_space<semaphore_mem>>) src(%arg18 : memref<128xf32, #tpu.memory_space<vmem>>) dst(%dma_wait3A_691 : memref<1050752xf32, #tpu.memory_space<vmem_shared>>)
      %dma_wait3A_692 = arith.constant 0 : i32
      %dma_wait3A_693 = arith.constant 0 : i32
      %dma_wait3A_694 = tpu.memref_slice %arg16[%dma_wait3A_692, %dma_wait3A_693] : memref<65x128xi32, #tpu.memory_space<vmem>> -> memref<1x128xi32, #tpu.memory_space<vmem>>
      %dma_wait3A_695 = tpu.memref_squeeze %dma_wait3A_694 : memref<1x128xi32, #tpu.memory_space<vmem>> -> memref<128xi32, #tpu.memory_space<vmem>>
      %dma_wait3A_696 = arith.constant 0 : i32
      %dma_wait3A_697 = tpu.memref_slice %arg10[%dma_wait3A_696] : memref<1050752xf32, #tpu.memory_space<vmem_shared>> -> memref<1050752xf32, #tpu.memory_space<vmem_shared>>
      tpu.wait_indirect_dma semaphore(%arg22 : memref<!tpu.dma_semaphore, #tpu.memory_space<semaphore_mem>>) src(%arg18 : memref<128xf32, #tpu.memory_space<vmem>>) dst(%dma_wait3A_697 : memref<1050752xf32, #tpu.memory_space<vmem_shared>>)
      %dma_wait3A_698 = arith.constant 0 : i32
      %dma_wait3A_699 = arith.constant 0 : i32
      %dma_wait3A_700 = tpu.memref_slice %arg16[%dma_wait3A_698, %dma_wait3A_699] : memref<65x128xi32, #tpu.memory_space<vmem>> -> memref<1x128xi32, #tpu.memory_space<vmem>>
      %dma_wait3A_701 = tpu.memref_squeeze %dma_wait3A_700 : memref<1x128xi32, #tpu.memory_space<vmem>> -> memref<128xi32, #tpu.memory_space<vmem>>
      %dma_wait3A_702 = arith.constant 0 : i32
      %dma_wait3A_703 = tpu.memref_slice %arg10[%dma_wait3A_702] : memref<1050752xf32, #tpu.memory_space<vmem_shared>> -> memref<1050752xf32, #tpu.memory_space<vmem_shared>>
      tpu.wait_indirect_dma semaphore(%arg22 : memref<!tpu.dma_semaphore, #tpu.memory_space<semaphore_mem>>) src(%arg18 : memref<128xf32, #tpu.memory_space<vmem>>) dst(%dma_wait3A_703 : memref<1050752xf32, #tpu.memory_space<vmem_shared>>)
      %dma_wait3A_704 = arith.constant 0 : i32
      %dma_wait3A_705 = arith.constant 0 : i32
      %dma_wait3A_706 = tpu.memref_slice %arg16[%dma_wait3A_704, %dma_wait3A_705] : memref<65x128xi32, #tpu.memory_space<vmem>> -> memref<1x128xi32, #tpu.memory_space<vmem>>
      %dma_wait3A_707 = tpu.memref_squeeze %dma_wait3A_706 : memref<1x128xi32, #tpu.memory_space<vmem>> -> memref<128xi32, #tpu.memory_space<vmem>>
      %dma_wait3A_708 = arith.constant 0 : i32
      %dma_wait3A_709 = tpu.memref_slice %arg10[%dma_wait3A_708] : memref<1050752xf32, #tpu.memory_space<vmem_shared>> -> memref<1050752xf32, #tpu.memory_space<vmem_shared>>
      tpu.wait_indirect_dma semaphore(%arg22 : memref<!tpu.dma_semaphore, #tpu.memory_space<semaphore_mem>>) src(%arg18 : memref<128xf32, #tpu.memory_space<vmem>>) dst(%dma_wait3A_709 : memref<1050752xf32, #tpu.memory_space<vmem_shared>>)
      %dma_wait3A_710 = arith.constant 0 : i32
      %dma_wait3A_711 = arith.constant 0 : i32
      %dma_wait3A_712 = tpu.memref_slice %arg16[%dma_wait3A_710, %dma_wait3A_711] : memref<65x128xi32, #tpu.memory_space<vmem>> -> memref<1x128xi32, #tpu.memory_space<vmem>>
      %dma_wait3A_713 = tpu.memref_squeeze %dma_wait3A_712 : memref<1x128xi32, #tpu.memory_space<vmem>> -> memref<128xi32, #tpu.memory_space<vmem>>
      %dma_wait3A_714 = arith.constant 0 : i32
      %dma_wait3A_715 = tpu.memref_slice %arg10[%dma_wait3A_714] : memref<1050752xf32, #tpu.memory_space<vmem_shared>> -> memref<1050752xf32, #tpu.memory_space<vmem_shared>>
      tpu.wait_indirect_dma semaphore(%arg22 : memref<!tpu.dma_semaphore, #tpu.memory_space<semaphore_mem>>) src(%arg18 : memref<128xf32, #tpu.memory_space<vmem>>) dst(%dma_wait3A_715 : memref<1050752xf32, #tpu.memory_space<vmem_shared>>)
      %dma_wait3A_716 = arith.constant 0 : i32
      %dma_wait3A_717 = arith.constant 0 : i32
      %dma_wait3A_718 = tpu.memref_slice %arg16[%dma_wait3A_716, %dma_wait3A_717] : memref<65x128xi32, #tpu.memory_space<vmem>> -> memref<1x128xi32, #tpu.memory_space<vmem>>
      %dma_wait3A_719 = tpu.memref_squeeze %dma_wait3A_718 : memref<1x128xi32, #tpu.memory_space<vmem>> -> memref<128xi32, #tpu.memory_space<vmem>>
      %dma_wait3A_720 = arith.constant 0 : i32
      %dma_wait3A_721 = tpu.memref_slice %arg10[%dma_wait3A_720] : memref<1050752xf32, #tpu.memory_space<vmem_shared>> -> memref<1050752xf32, #tpu.memory_space<vmem_shared>>
      tpu.wait_indirect_dma semaphore(%arg22 : memref<!tpu.dma_semaphore, #tpu.memory_space<semaphore_mem>>) src(%arg18 : memref<128xf32, #tpu.memory_space<vmem>>) dst(%dma_wait3A_721 : memref<1050752xf32, #tpu.memory_space<vmem_shared>>)
      %dma_wait3A_722 = arith.constant 0 : i32
      %dma_wait3A_723 = arith.constant 0 : i32
      %dma_wait3A_724 = tpu.memref_slice %arg16[%dma_wait3A_722, %dma_wait3A_723] : memref<65x128xi32, #tpu.memory_space<vmem>> -> memref<1x128xi32, #tpu.memory_space<vmem>>
      %dma_wait3A_725 = tpu.memref_squeeze %dma_wait3A_724 : memref<1x128xi32, #tpu.memory_space<vmem>> -> memref<128xi32, #tpu.memory_space<vmem>>
      %dma_wait3A_726 = arith.constant 0 : i32
      %dma_wait3A_727 = tpu.memref_slice %arg10[%dma_wait3A_726] : memref<1050752xf32, #tpu.memory_space<vmem_shared>> -> memref<1050752xf32, #tpu.memory_space<vmem_shared>>
      tpu.wait_indirect_dma semaphore(%arg22 : memref<!tpu.dma_semaphore, #tpu.memory_space<semaphore_mem>>) src(%arg18 : memref<128xf32, #tpu.memory_space<vmem>>) dst(%dma_wait3A_727 : memref<1050752xf32, #tpu.memory_space<vmem_shared>>)
      %dma_wait3A_728 = arith.constant 0 : i32
      %dma_wait3A_729 = arith.constant 0 : i32
      %dma_wait3A_730 = tpu.memref_slice %arg16[%dma_wait3A_728, %dma_wait3A_729] : memref<65x128xi32, #tpu.memory_space<vmem>> -> memref<1x128xi32, #tpu.memory_space<vmem>>
      %dma_wait3A_731 = tpu.memref_squeeze %dma_wait3A_730 : memref<1x128xi32, #tpu.memory_space<vmem>> -> memref<128xi32, #tpu.memory_space<vmem>>
      %dma_wait3A_732 = arith.constant 0 : i32
      %dma_wait3A_733 = tpu.memref_slice %arg10[%dma_wait3A_732] : memref<1050752xf32, #tpu.memory_space<vmem_shared>> -> memref<1050752xf32, #tpu.memory_space<vmem_shared>>
      tpu.wait_indirect_dma semaphore(%arg22 : memref<!tpu.dma_semaphore, #tpu.memory_space<semaphore_mem>>) src(%arg18 : memref<128xf32, #tpu.memory_space<vmem>>) dst(%dma_wait3A_733 : memref<1050752xf32, #tpu.memory_space<vmem_shared>>)
    }
    %scan3A_191 = arith.constant 4 : i32
    "tpu.trace_stop"() : () -> ()
    %barrier3A_192 = arith.constant 0 : index
    tpu.barrier barrier_id(%barrier3A_192)
    "tpu.trace_start"() <{level = 10 : i32, message = "ppi_copyout"}> : () -> ()
    %mul3A_193 = arith.constant 65536 : i32
    %mul3A_194 = arith.muli %arg1, %mul3A_193 : i32
    %add3A_195 = arith.constant 0 : i32
    %add3A_196 = arith.addi %mul3A_194, %add3A_195 : i32
    "tpu.region"() ({
      %run_scoped3A = tpu.sem_alloc : memref<!tpu.dma_semaphore, #tpu.memory_space<semaphore_mem>>
      %dma_start3A_523 = tpu.memref_slice %arg10[%add3A_196] : memref<1050752xf32, #tpu.memory_space<vmem_shared>> -> memref<8192xf32, #tpu.memory_space<vmem_shared>>
      %dma_start3A_524 = tpu.memref_slice %arg10[%add3A_196] : memref<1050752xf32, #tpu.memory_space<vmem_shared>> -> memref<8192xf32, #tpu.memory_space<vmem_shared>>
      tpu.enqueue_dma source(%dma_start3A_524 : memref<8192xf32, #tpu.memory_space<vmem_shared>>) target(%arg20 : memref<8192xf32, #tpu.memory_space<vmem>>) target_semaphore(%run_scoped3A : memref<!tpu.dma_semaphore, #tpu.memory_space<semaphore_mem>>)
      %dma_wait3A_525 = tpu.memref_slice %arg10[%add3A_196] : memref<1050752xf32, #tpu.memory_space<vmem_shared>> -> memref<8192xf32, #tpu.memory_space<vmem_shared>>
      %dma_wait3A_526 = tpu.memref_slice %arg10[%add3A_196] : memref<1050752xf32, #tpu.memory_space<vmem_shared>> -> memref<8192xf32, #tpu.memory_space<vmem_shared>>
      tpu.wait_dma2 semaphore(%run_scoped3A : memref<!tpu.dma_semaphore, #tpu.memory_space<semaphore_mem>>) src(%dma_wait3A_526 : memref<8192xf32, #tpu.memory_space<vmem_shared>>) dst(%arg20 : memref<8192xf32, #tpu.memory_space<vmem>>)
      tpu.yield
    }) : () -> ()
    %add3A_197 = arith.constant 0 : i32
    %add3A_198 = arith.addi %add3A_197, %arg0 : i32
    %mul3A_199 = arith.constant 1048576 : i32
    %mul3A_200 = arith.muli %add3A_198, %mul3A_199 : i32
    %mul3A_201 = arith.constant 65536 : i32
    %mul3A_202 = arith.muli %arg1, %mul3A_201 : i32
    %add3A_203 = arith.addi %mul3A_200, %mul3A_202 : i32
    %add3A_204 = arith.constant 0 : i32
    %add3A_205 = arith.addi %add3A_203, %add3A_204 : i32
    %dma_start3A_206 = tpu.memref_slice %arg9[%add3A_205] : memref<4194304xf32, #tpu.memory_space<hbm>> -> memref<8192xf32, #tpu.memory_space<hbm>>
    %dma_start3A_207 = tpu.memref_slice %arg9[%add3A_205] : memref<4194304xf32, #tpu.memory_space<hbm>> -> memref<8192xf32, #tpu.memory_space<hbm>>
    tpu.enqueue_dma source(%arg20 : memref<8192xf32, #tpu.memory_space<vmem>>) target(%dma_start3A_207 : memref<8192xf32, #tpu.memory_space<hbm>>) target_semaphore(%arg22 : memref<!tpu.dma_semaphore, #tpu.memory_space<semaphore_mem>>)
    %mul3A_208 = arith.constant 65536 : i32
    %mul3A_209 = arith.muli %arg1, %mul3A_208 : i32
    %add3A_210 = arith.constant 8192 : i32
    %add3A_211 = arith.addi %mul3A_209, %add3A_210 : i32
    "tpu.region"() ({
      %run_scoped3A = tpu.sem_alloc : memref<!tpu.dma_semaphore, #tpu.memory_space<semaphore_mem>>
      %dma_start3A_523 = tpu.memref_slice %arg10[%add3A_211] : memref<1050752xf32, #tpu.memory_space<vmem_shared>> -> memref<8192xf32, #tpu.memory_space<vmem_shared>>
      %dma_start3A_524 = tpu.memref_slice %arg10[%add3A_211] : memref<1050752xf32, #tpu.memory_space<vmem_shared>> -> memref<8192xf32, #tpu.memory_space<vmem_shared>>
      tpu.enqueue_dma source(%dma_start3A_524 : memref<8192xf32, #tpu.memory_space<vmem_shared>>) target(%arg21 : memref<8192xf32, #tpu.memory_space<vmem>>) target_semaphore(%run_scoped3A : memref<!tpu.dma_semaphore, #tpu.memory_space<semaphore_mem>>)
      %dma_wait3A_525 = tpu.memref_slice %arg10[%add3A_211] : memref<1050752xf32, #tpu.memory_space<vmem_shared>> -> memref<8192xf32, #tpu.memory_space<vmem_shared>>
      %dma_wait3A_526 = tpu.memref_slice %arg10[%add3A_211] : memref<1050752xf32, #tpu.memory_space<vmem_shared>> -> memref<8192xf32, #tpu.memory_space<vmem_shared>>
      tpu.wait_dma2 semaphore(%run_scoped3A : memref<!tpu.dma_semaphore, #tpu.memory_space<semaphore_mem>>) src(%dma_wait3A_526 : memref<8192xf32, #tpu.memory_space<vmem_shared>>) dst(%arg21 : memref<8192xf32, #tpu.memory_space<vmem>>)
      tpu.yield
    }) : () -> ()
    %add3A_212 = arith.constant 0 : i32
    %add3A_213 = arith.addi %add3A_212, %arg0 : i32
    %mul3A_214 = arith.constant 1048576 : i32
    %mul3A_215 = arith.muli %add3A_213, %mul3A_214 : i32
    %mul3A_216 = arith.constant 65536 : i32
    %mul3A_217 = arith.muli %arg1, %mul3A_216 : i32
    %add3A_218 = arith.addi %mul3A_215, %mul3A_217 : i32
    %add3A_219 = arith.constant 8192 : i32
    %add3A_220 = arith.addi %add3A_218, %add3A_219 : i32
    %dma_start3A_221 = tpu.memref_slice %arg9[%add3A_220] : memref<4194304xf32, #tpu.memory_space<hbm>> -> memref<8192xf32, #tpu.memory_space<hbm>>
    %dma_start3A_222 = tpu.memref_slice %arg9[%add3A_220] : memref<4194304xf32, #tpu.memory_space<hbm>> -> memref<8192xf32, #tpu.memory_space<hbm>>
    tpu.enqueue_dma source(%arg21 : memref<8192xf32, #tpu.memory_space<vmem>>) target(%dma_start3A_222 : memref<8192xf32, #tpu.memory_space<hbm>>) target_semaphore(%arg22 : memref<!tpu.dma_semaphore, #tpu.memory_space<semaphore_mem>>)
    %dma_wait3A_223 = tpu.memref_slice %arg9[%add3A_205] : memref<4194304xf32, #tpu.memory_space<hbm>> -> memref<8192xf32, #tpu.memory_space<hbm>>
    %dma_wait3A_224 = tpu.memref_slice %arg9[%add3A_205] : memref<4194304xf32, #tpu.memory_space<hbm>> -> memref<8192xf32, #tpu.memory_space<hbm>>
    tpu.wait_dma2 semaphore(%arg22 : memref<!tpu.dma_semaphore, #tpu.memory_space<semaphore_mem>>) src(%arg20 : memref<8192xf32, #tpu.memory_space<vmem>>) dst(%dma_wait3A_224 : memref<8192xf32, #tpu.memory_space<hbm>>)
    %mul3A_225 = arith.constant 65536 : i32
    %mul3A_226 = arith.muli %arg1, %mul3A_225 : i32
    %add3A_227 = arith.constant 16384 : i32
    %add3A_228 = arith.addi %mul3A_226, %add3A_227 : i32
    "tpu.region"() ({
      %run_scoped3A = tpu.sem_alloc : memref<!tpu.dma_semaphore, #tpu.memory_space<semaphore_mem>>
      %dma_start3A_523 = tpu.memref_slice %arg10[%add3A_228] : memref<1050752xf32, #tpu.memory_space<vmem_shared>> -> memref<8192xf32, #tpu.memory_space<vmem_shared>>
      %dma_start3A_524 = tpu.memref_slice %arg10[%add3A_228] : memref<1050752xf32, #tpu.memory_space<vmem_shared>> -> memref<8192xf32, #tpu.memory_space<vmem_shared>>
      tpu.enqueue_dma source(%dma_start3A_524 : memref<8192xf32, #tpu.memory_space<vmem_shared>>) target(%arg20 : memref<8192xf32, #tpu.memory_space<vmem>>) target_semaphore(%run_scoped3A : memref<!tpu.dma_semaphore, #tpu.memory_space<semaphore_mem>>)
      %dma_wait3A_525 = tpu.memref_slice %arg10[%add3A_228] : memref<1050752xf32, #tpu.memory_space<vmem_shared>> -> memref<8192xf32, #tpu.memory_space<vmem_shared>>
      %dma_wait3A_526 = tpu.memref_slice %arg10[%add3A_228] : memref<1050752xf32, #tpu.memory_space<vmem_shared>> -> memref<8192xf32, #tpu.memory_space<vmem_shared>>
      tpu.wait_dma2 semaphore(%run_scoped3A : memref<!tpu.dma_semaphore, #tpu.memory_space<semaphore_mem>>) src(%dma_wait3A_526 : memref<8192xf32, #tpu.memory_space<vmem_shared>>) dst(%arg20 : memref<8192xf32, #tpu.memory_space<vmem>>)
      tpu.yield
    }) : () -> ()
    %add3A_229 = arith.constant 0 : i32
    %add3A_230 = arith.addi %add3A_229, %arg0 : i32
    %mul3A_231 = arith.constant 1048576 : i32
    %mul3A_232 = arith.muli %add3A_230, %mul3A_231 : i32
    %mul3A_233 = arith.constant 65536 : i32
    %mul3A_234 = arith.muli %arg1, %mul3A_233 : i32
    %add3A_235 = arith.addi %mul3A_232, %mul3A_234 : i32
    %add3A_236 = arith.constant 16384 : i32
    %add3A_237 = arith.addi %add3A_235, %add3A_236 : i32
    %dma_start3A_238 = tpu.memref_slice %arg9[%add3A_237] : memref<4194304xf32, #tpu.memory_space<hbm>> -> memref<8192xf32, #tpu.memory_space<hbm>>
    %dma_start3A_239 = tpu.memref_slice %arg9[%add3A_237] : memref<4194304xf32, #tpu.memory_space<hbm>> -> memref<8192xf32, #tpu.memory_space<hbm>>
    tpu.enqueue_dma source(%arg20 : memref<8192xf32, #tpu.memory_space<vmem>>) target(%dma_start3A_239 : memref<8192xf32, #tpu.memory_space<hbm>>) target_semaphore(%arg22 : memref<!tpu.dma_semaphore, #tpu.memory_space<semaphore_mem>>)
    %dma_wait3A_240 = tpu.memref_slice %arg9[%add3A_220] : memref<4194304xf32, #tpu.memory_space<hbm>> -> memref<8192xf32, #tpu.memory_space<hbm>>
    %dma_wait3A_241 = tpu.memref_slice %arg9[%add3A_220] : memref<4194304xf32, #tpu.memory_space<hbm>> -> memref<8192xf32, #tpu.memory_space<hbm>>
    tpu.wait_dma2 semaphore(%arg22 : memref<!tpu.dma_semaphore, #tpu.memory_space<semaphore_mem>>) src(%arg21 : memref<8192xf32, #tpu.memory_space<vmem>>) dst(%dma_wait3A_241 : memref<8192xf32, #tpu.memory_space<hbm>>)
    %mul3A_242 = arith.constant 65536 : i32
    %mul3A_243 = arith.muli %arg1, %mul3A_242 : i32
    %add3A_244 = arith.constant 24576 : i32
    %add3A_245 = arith.addi %mul3A_243, %add3A_244 : i32
    "tpu.region"() ({
      %run_scoped3A = tpu.sem_alloc : memref<!tpu.dma_semaphore, #tpu.memory_space<semaphore_mem>>
      %dma_start3A_523 = tpu.memref_slice %arg10[%add3A_245] : memref<1050752xf32, #tpu.memory_space<vmem_shared>> -> memref<8192xf32, #tpu.memory_space<vmem_shared>>
      %dma_start3A_524 = tpu.memref_slice %arg10[%add3A_245] : memref<1050752xf32, #tpu.memory_space<vmem_shared>> -> memref<8192xf32, #tpu.memory_space<vmem_shared>>
      tpu.enqueue_dma source(%dma_start3A_524 : memref<8192xf32, #tpu.memory_space<vmem_shared>>) target(%arg21 : memref<8192xf32, #tpu.memory_space<vmem>>) target_semaphore(%run_scoped3A : memref<!tpu.dma_semaphore, #tpu.memory_space<semaphore_mem>>)
      %dma_wait3A_525 = tpu.memref_slice %arg10[%add3A_245] : memref<1050752xf32, #tpu.memory_space<vmem_shared>> -> memref<8192xf32, #tpu.memory_space<vmem_shared>>
      %dma_wait3A_526 = tpu.memref_slice %arg10[%add3A_245] : memref<1050752xf32, #tpu.memory_space<vmem_shared>> -> memref<8192xf32, #tpu.memory_space<vmem_shared>>
      tpu.wait_dma2 semaphore(%run_scoped3A : memref<!tpu.dma_semaphore, #tpu.memory_space<semaphore_mem>>) src(%dma_wait3A_526 : memref<8192xf32, #tpu.memory_space<vmem_shared>>) dst(%arg21 : memref<8192xf32, #tpu.memory_space<vmem>>)
      tpu.yield
    }) : () -> ()
    %add3A_246 = arith.constant 0 : i32
    %add3A_247 = arith.addi %add3A_246, %arg0 : i32
    %mul3A_248 = arith.constant 1048576 : i32
    %mul3A_249 = arith.muli %add3A_247, %mul3A_248 : i32
    %mul3A_250 = arith.constant 65536 : i32
    %mul3A_251 = arith.muli %arg1, %mul3A_250 : i32
    %add3A_252 = arith.addi %mul3A_249, %mul3A_251 : i32
    %add3A_253 = arith.constant 24576 : i32
    %add3A_254 = arith.addi %add3A_252, %add3A_253 : i32
    %dma_start3A_255 = tpu.memref_slice %arg9[%add3A_254] : memref<4194304xf32, #tpu.memory_space<hbm>> -> memref<8192xf32, #tpu.memory_space<hbm>>
    %dma_start3A_256 = tpu.memref_slice %arg9[%add3A_254] : memref<4194304xf32, #tpu.memory_space<hbm>> -> memref<8192xf32, #tpu.memory_space<hbm>>
    tpu.enqueue_dma source(%arg21 : memref<8192xf32, #tpu.memory_space<vmem>>) target(%dma_start3A_256 : memref<8192xf32, #tpu.memory_space<hbm>>) target_semaphore(%arg22 : memref<!tpu.dma_semaphore, #tpu.memory_space<semaphore_mem>>)
    %dma_wait3A_257 = tpu.memref_slice %arg9[%add3A_237] : memref<4194304xf32, #tpu.memory_space<hbm>> -> memref<8192xf32, #tpu.memory_space<hbm>>
    %dma_wait3A_258 = tpu.memref_slice %arg9[%add3A_237] : memref<4194304xf32, #tpu.memory_space<hbm>> -> memref<8192xf32, #tpu.memory_space<hbm>>
    tpu.wait_dma2 semaphore(%arg22 : memref<!tpu.dma_semaphore, #tpu.memory_space<semaphore_mem>>) src(%arg20 : memref<8192xf32, #tpu.memory_space<vmem>>) dst(%dma_wait3A_258 : memref<8192xf32, #tpu.memory_space<hbm>>)
    %mul3A_259 = arith.constant 65536 : i32
    %mul3A_260 = arith.muli %arg1, %mul3A_259 : i32
    %add3A_261 = arith.constant 32768 : i32
    %add3A_262 = arith.addi %mul3A_260, %add3A_261 : i32
    "tpu.region"() ({
      %run_scoped3A = tpu.sem_alloc : memref<!tpu.dma_semaphore, #tpu.memory_space<semaphore_mem>>
      %dma_start3A_523 = tpu.memref_slice %arg10[%add3A_262] : memref<1050752xf32, #tpu.memory_space<vmem_shared>> -> memref<8192xf32, #tpu.memory_space<vmem_shared>>
      %dma_start3A_524 = tpu.memref_slice %arg10[%add3A_262] : memref<1050752xf32, #tpu.memory_space<vmem_shared>> -> memref<8192xf32, #tpu.memory_space<vmem_shared>>
      tpu.enqueue_dma source(%dma_start3A_524 : memref<8192xf32, #tpu.memory_space<vmem_shared>>) target(%arg20 : memref<8192xf32, #tpu.memory_space<vmem>>) target_semaphore(%run_scoped3A : memref<!tpu.dma_semaphore, #tpu.memory_space<semaphore_mem>>)
      %dma_wait3A_525 = tpu.memref_slice %arg10[%add3A_262] : memref<1050752xf32, #tpu.memory_space<vmem_shared>> -> memref<8192xf32, #tpu.memory_space<vmem_shared>>
      %dma_wait3A_526 = tpu.memref_slice %arg10[%add3A_262] : memref<1050752xf32, #tpu.memory_space<vmem_shared>> -> memref<8192xf32, #tpu.memory_space<vmem_shared>>
      tpu.wait_dma2 semaphore(%run_scoped3A : memref<!tpu.dma_semaphore, #tpu.memory_space<semaphore_mem>>) src(%dma_wait3A_526 : memref<8192xf32, #tpu.memory_space<vmem_shared>>) dst(%arg20 : memref<8192xf32, #tpu.memory_space<vmem>>)
      tpu.yield
    }) : () -> ()
    %add3A_263 = arith.constant 0 : i32
    %add3A_264 = arith.addi %add3A_263, %arg0 : i32
    %mul3A_265 = arith.constant 1048576 : i32
    %mul3A_266 = arith.muli %add3A_264, %mul3A_265 : i32
    %mul3A_267 = arith.constant 65536 : i32
    %mul3A_268 = arith.muli %arg1, %mul3A_267 : i32
    %add3A_269 = arith.addi %mul3A_266, %mul3A_268 : i32
    %add3A_270 = arith.constant 32768 : i32
    %add3A_271 = arith.addi %add3A_269, %add3A_270 : i32
    %dma_start3A_272 = tpu.memref_slice %arg9[%add3A_271] : memref<4194304xf32, #tpu.memory_space<hbm>> -> memref<8192xf32, #tpu.memory_space<hbm>>
    %dma_start3A_273 = tpu.memref_slice %arg9[%add3A_271] : memref<4194304xf32, #tpu.memory_space<hbm>> -> memref<8192xf32, #tpu.memory_space<hbm>>
    tpu.enqueue_dma source(%arg20 : memref<8192xf32, #tpu.memory_space<vmem>>) target(%dma_start3A_273 : memref<8192xf32, #tpu.memory_space<hbm>>) target_semaphore(%arg22 : memref<!tpu.dma_semaphore, #tpu.memory_space<semaphore_mem>>)
    %dma_wait3A_274 = tpu.memref_slice %arg9[%add3A_254] : memref<4194304xf32, #tpu.memory_space<hbm>> -> memref<8192xf32, #tpu.memory_space<hbm>>
    %dma_wait3A_275 = tpu.memref_slice %arg9[%add3A_254] : memref<4194304xf32, #tpu.memory_space<hbm>> -> memref<8192xf32, #tpu.memory_space<hbm>>
    tpu.wait_dma2 semaphore(%arg22 : memref<!tpu.dma_semaphore, #tpu.memory_space<semaphore_mem>>) src(%arg21 : memref<8192xf32, #tpu.memory_space<vmem>>) dst(%dma_wait3A_275 : memref<8192xf32, #tpu.memory_space<hbm>>)
    %mul3A_276 = arith.constant 65536 : i32
    %mul3A_277 = arith.muli %arg1, %mul3A_276 : i32
    %add3A_278 = arith.constant 40960 : i32
    %add3A_279 = arith.addi %mul3A_277, %add3A_278 : i32
    "tpu.region"() ({
      %run_scoped3A = tpu.sem_alloc : memref<!tpu.dma_semaphore, #tpu.memory_space<semaphore_mem>>
      %dma_start3A_523 = tpu.memref_slice %arg10[%add3A_279] : memref<1050752xf32, #tpu.memory_space<vmem_shared>> -> memref<8192xf32, #tpu.memory_space<vmem_shared>>
      %dma_start3A_524 = tpu.memref_slice %arg10[%add3A_279] : memref<1050752xf32, #tpu.memory_space<vmem_shared>> -> memref<8192xf32, #tpu.memory_space<vmem_shared>>
      tpu.enqueue_dma source(%dma_start3A_524 : memref<8192xf32, #tpu.memory_space<vmem_shared>>) target(%arg21 : memref<8192xf32, #tpu.memory_space<vmem>>) target_semaphore(%run_scoped3A : memref<!tpu.dma_semaphore, #tpu.memory_space<semaphore_mem>>)
      %dma_wait3A_525 = tpu.memref_slice %arg10[%add3A_279] : memref<1050752xf32, #tpu.memory_space<vmem_shared>> -> memref<8192xf32, #tpu.memory_space<vmem_shared>>
      %dma_wait3A_526 = tpu.memref_slice %arg10[%add3A_279] : memref<1050752xf32, #tpu.memory_space<vmem_shared>> -> memref<8192xf32, #tpu.memory_space<vmem_shared>>
      tpu.wait_dma2 semaphore(%run_scoped3A : memref<!tpu.dma_semaphore, #tpu.memory_space<semaphore_mem>>) src(%dma_wait3A_526 : memref<8192xf32, #tpu.memory_space<vmem_shared>>) dst(%arg21 : memref<8192xf32, #tpu.memory_space<vmem>>)
      tpu.yield
    }) : () -> ()
    %add3A_280 = arith.constant 0 : i32
    %add3A_281 = arith.addi %add3A_280, %arg0 : i32
    %mul3A_282 = arith.constant 1048576 : i32
    %mul3A_283 = arith.muli %add3A_281, %mul3A_282 : i32
    %mul3A_284 = arith.constant 65536 : i32
    %mul3A_285 = arith.muli %arg1, %mul3A_284 : i32
    %add3A_286 = arith.addi %mul3A_283, %mul3A_285 : i32
    %add3A_287 = arith.constant 40960 : i32
    %add3A_288 = arith.addi %add3A_286, %add3A_287 : i32
    %dma_start3A_289 = tpu.memref_slice %arg9[%add3A_288] : memref<4194304xf32, #tpu.memory_space<hbm>> -> memref<8192xf32, #tpu.memory_space<hbm>>
    %dma_start3A_290 = tpu.memref_slice %arg9[%add3A_288] : memref<4194304xf32, #tpu.memory_space<hbm>> -> memref<8192xf32, #tpu.memory_space<hbm>>
    tpu.enqueue_dma source(%arg21 : memref<8192xf32, #tpu.memory_space<vmem>>) target(%dma_start3A_290 : memref<8192xf32, #tpu.memory_space<hbm>>) target_semaphore(%arg22 : memref<!tpu.dma_semaphore, #tpu.memory_space<semaphore_mem>>)
    %dma_wait3A_291 = tpu.memref_slice %arg9[%add3A_271] : memref<4194304xf32, #tpu.memory_space<hbm>> -> memref<8192xf32, #tpu.memory_space<hbm>>
    %dma_wait3A_292 = tpu.memref_slice %arg9[%add3A_271] : memref<4194304xf32, #tpu.memory_space<hbm>> -> memref<8192xf32, #tpu.memory_space<hbm>>
    tpu.wait_dma2 semaphore(%arg22 : memref<!tpu.dma_semaphore, #tpu.memory_space<semaphore_mem>>) src(%arg20 : memref<8192xf32, #tpu.memory_space<vmem>>) dst(%dma_wait3A_292 : memref<8192xf32, #tpu.memory_space<hbm>>)
    %mul3A_293 = arith.constant 65536 : i32
    %mul3A_294 = arith.muli %arg1, %mul3A_293 : i32
    %add3A_295 = arith.constant 49152 : i32
    %add3A_296 = arith.addi %mul3A_294, %add3A_295 : i32
    "tpu.region"() ({
      %run_scoped3A = tpu.sem_alloc : memref<!tpu.dma_semaphore, #tpu.memory_space<semaphore_mem>>
      %dma_start3A_523 = tpu.memref_slice %arg10[%add3A_296] : memref<1050752xf32, #tpu.memory_space<vmem_shared>> -> memref<8192xf32, #tpu.memory_space<vmem_shared>>
      %dma_start3A_524 = tpu.memref_slice %arg10[%add3A_296] : memref<1050752xf32, #tpu.memory_space<vmem_shared>> -> memref<8192xf32, #tpu.memory_space<vmem_shared>>
      tpu.enqueue_dma source(%dma_start3A_524 : memref<8192xf32, #tpu.memory_space<vmem_shared>>) target(%arg20 : memref<8192xf32, #tpu.memory_space<vmem>>) target_semaphore(%run_scoped3A : memref<!tpu.dma_semaphore, #tpu.memory_space<semaphore_mem>>)
      %dma_wait3A_525 = tpu.memref_slice %arg10[%add3A_296] : memref<1050752xf32, #tpu.memory_space<vmem_shared>> -> memref<8192xf32, #tpu.memory_space<vmem_shared>>
      %dma_wait3A_526 = tpu.memref_slice %arg10[%add3A_296] : memref<1050752xf32, #tpu.memory_space<vmem_shared>> -> memref<8192xf32, #tpu.memory_space<vmem_shared>>
      tpu.wait_dma2 semaphore(%run_scoped3A : memref<!tpu.dma_semaphore, #tpu.memory_space<semaphore_mem>>) src(%dma_wait3A_526 : memref<8192xf32, #tpu.memory_space<vmem_shared>>) dst(%arg20 : memref<8192xf32, #tpu.memory_space<vmem>>)
      tpu.yield
    }) : () -> ()
    %add3A_297 = arith.constant 0 : i32
    %add3A_298 = arith.addi %add3A_297, %arg0 : i32
    %mul3A_299 = arith.constant 1048576 : i32
    %mul3A_300 = arith.muli %add3A_298, %mul3A_299 : i32
    %mul3A_301 = arith.constant 65536 : i32
    %mul3A_302 = arith.muli %arg1, %mul3A_301 : i32
    %add3A_303 = arith.addi %mul3A_300, %mul3A_302 : i32
    %add3A_304 = arith.constant 49152 : i32
    %add3A_305 = arith.addi %add3A_303, %add3A_304 : i32
    %dma_start3A_306 = tpu.memref_slice %arg9[%add3A_305] : memref<4194304xf32, #tpu.memory_space<hbm>> -> memref<8192xf32, #tpu.memory_space<hbm>>
    %dma_start3A_307 = tpu.memref_slice %arg9[%add3A_305] : memref<4194304xf32, #tpu.memory_space<hbm>> -> memref<8192xf32, #tpu.memory_space<hbm>>
    tpu.enqueue_dma source(%arg20 : memref<8192xf32, #tpu.memory_space<vmem>>) target(%dma_start3A_307 : memref<8192xf32, #tpu.memory_space<hbm>>) target_semaphore(%arg22 : memref<!tpu.dma_semaphore, #tpu.memory_space<semaphore_mem>>)
    %dma_wait3A_308 = tpu.memref_slice %arg9[%add3A_288] : memref<4194304xf32, #tpu.memory_space<hbm>> -> memref<8192xf32, #tpu.memory_space<hbm>>
    %dma_wait3A_309 = tpu.memref_slice %arg9[%add3A_288] : memref<4194304xf32, #tpu.memory_space<hbm>> -> memref<8192xf32, #tpu.memory_space<hbm>>
    tpu.wait_dma2 semaphore(%arg22 : memref<!tpu.dma_semaphore, #tpu.memory_space<semaphore_mem>>) src(%arg21 : memref<8192xf32, #tpu.memory_space<vmem>>) dst(%dma_wait3A_309 : memref<8192xf32, #tpu.memory_space<hbm>>)
    %mul3A_310 = arith.constant 65536 : i32
    %mul3A_311 = arith.muli %arg1, %mul3A_310 : i32
    %add3A_312 = arith.constant 57344 : i32
    %add3A_313 = arith.addi %mul3A_311, %add3A_312 : i32
    "tpu.region"() ({
      %run_scoped3A = tpu.sem_alloc : memref<!tpu.dma_semaphore, #tpu.memory_space<semaphore_mem>>
      %dma_start3A_523 = tpu.memref_slice %arg10[%add3A_313] : memref<1050752xf32, #tpu.memory_space<vmem_shared>> -> memref<8192xf32, #tpu.memory_space<vmem_shared>>
      %dma_start3A_524 = tpu.memref_slice %arg10[%add3A_313] : memref<1050752xf32, #tpu.memory_space<vmem_shared>> -> memref<8192xf32, #tpu.memory_space<vmem_shared>>
      tpu.enqueue_dma source(%dma_start3A_524 : memref<8192xf32, #tpu.memory_space<vmem_shared>>) target(%arg21 : memref<8192xf32, #tpu.memory_space<vmem>>) target_semaphore(%run_scoped3A : memref<!tpu.dma_semaphore, #tpu.memory_space<semaphore_mem>>)
      %dma_wait3A_525 = tpu.memref_slice %arg10[%add3A_313] : memref<1050752xf32, #tpu.memory_space<vmem_shared>> -> memref<8192xf32, #tpu.memory_space<vmem_shared>>
      %dma_wait3A_526 = tpu.memref_slice %arg10[%add3A_313] : memref<1050752xf32, #tpu.memory_space<vmem_shared>> -> memref<8192xf32, #tpu.memory_space<vmem_shared>>
      tpu.wait_dma2 semaphore(%run_scoped3A : memref<!tpu.dma_semaphore, #tpu.memory_space<semaphore_mem>>) src(%dma_wait3A_526 : memref<8192xf32, #tpu.memory_space<vmem_shared>>) dst(%arg21 : memref<8192xf32, #tpu.memory_space<vmem>>)
      tpu.yield
    }) : () -> ()
    %add3A_314 = arith.constant 0 : i32
    %add3A_315 = arith.addi %add3A_314, %arg0 : i32
    %mul3A_316 = arith.constant 1048576 : i32
    %mul3A_317 = arith.muli %add3A_315, %mul3A_316 : i32
    %mul3A_318 = arith.constant 65536 : i32
    %mul3A_319 = arith.muli %arg1, %mul3A_318 : i32
    %add3A_320 = arith.addi %mul3A_317, %mul3A_319 : i32
    %add3A_321 = arith.constant 57344 : i32
    %add3A_322 = arith.addi %add3A_320, %add3A_321 : i32
    %dma_start3A_323 = tpu.memref_slice %arg9[%add3A_322] : memref<4194304xf32, #tpu.memory_space<hbm>> -> memref<8192xf32, #tpu.memory_space<hbm>>
    %dma_start3A_324 = tpu.memref_slice %arg9[%add3A_322] : memref<4194304xf32, #tpu.memory_space<hbm>> -> memref<8192xf32, #tpu.memory_space<hbm>>
    tpu.enqueue_dma source(%arg21 : memref<8192xf32, #tpu.memory_space<vmem>>) target(%dma_start3A_324 : memref<8192xf32, #tpu.memory_space<hbm>>) target_semaphore(%arg22 : memref<!tpu.dma_semaphore, #tpu.memory_space<semaphore_mem>>)
    %dma_wait3A_325 = tpu.memref_slice %arg9[%add3A_305] : memref<4194304xf32, #tpu.memory_space<hbm>> -> memref<8192xf32, #tpu.memory_space<hbm>>
    %dma_wait3A_326 = tpu.memref_slice %arg9[%add3A_305] : memref<4194304xf32, #tpu.memory_space<hbm>> -> memref<8192xf32, #tpu.memory_space<hbm>>
    tpu.wait_dma2 semaphore(%arg22 : memref<!tpu.dma_semaphore, #tpu.memory_space<semaphore_mem>>) src(%arg20 : memref<8192xf32, #tpu.memory_space<vmem>>) dst(%dma_wait3A_326 : memref<8192xf32, #tpu.memory_space<hbm>>)
    %dma_wait3A_327 = tpu.memref_slice %arg9[%add3A_322] : memref<4194304xf32, #tpu.memory_space<hbm>> -> memref<8192xf32, #tpu.memory_space<hbm>>
    %dma_wait3A_328 = tpu.memref_slice %arg9[%add3A_322] : memref<4194304xf32, #tpu.memory_space<hbm>> -> memref<8192xf32, #tpu.memory_space<hbm>>
    tpu.wait_dma2 semaphore(%arg22 : memref<!tpu.dma_semaphore, #tpu.memory_space<semaphore_mem>>) src(%arg21 : memref<8192xf32, #tpu.memory_space<vmem>>) dst(%dma_wait3A_328 : memref<8192xf32, #tpu.memory_space<hbm>>)
    "tpu.trace_stop"() : () -> ()
    %barrier3A_329 = arith.constant 0 : index
    tpu.barrier barrier_id(%barrier3A_329)
    "tpu.trace_start"() <{level = 10 : i32, message = "ppi_scan"}> : () -> ()
    %scan3A_330 = arith.constant 0 : i32
    %scan3A_331 = arith.constant 64 : i32
    %scan3A_332 = arith.addi %scan3A_330, %scan3A_331 : i32
    %scan3A_333 = arith.constant 1 : i32
    scf.for %scan3A_523 = %scan3A_330 to %scan3A_332 step %scan3A_333  : i32 {
      %mul3A_524 = arith.constant 128 : i32
      %mul3A_525 = arith.muli %scan3A_523, %mul3A_524 : i32
      %add3A_526 = arith.constant 0 : i32
      %add3A_527 = arith.addi %mul3A_525, %add3A_526 : i32
      %get3A = arith.index_cast %add3A_527 : i32 to index
      %get3A_528 = tpu.vector_load %arg12[%get3A] {strides = array<i32>} : memref<8192xi32, #tpu.memory_space<vmem>>, vector<16xi32>,
      %get3A_529 = vector.shape_cast %get3A_528 : vector<16xi32> to vector<16xi32>
      %get3A_530 = arith.index_cast %add3A_527 : i32 to index
      %get3A_531 = tpu.vector_load %arg13[%get3A_530] {strides = array<i32>} : memref<8192xi32, #tpu.memory_space<vmem>>, vector<16xi32>,
      %get3A_532 = vector.shape_cast %get3A_531 : vector<16xi32> to vector<16xi32>
      %ge3A = vector.broadcast %mul3A_29 : i32 to vector<16xi32>
      %ge3A_533 = arith.cmpi sge, %get3A_529, %ge3A : vector<16xi32>
      %add3A_534 = arith.constant 512 : i32
      %add3A_535 = arith.addi %mul3A_29, %add3A_534 : i32
      %lt3A = vector.broadcast %add3A_535 : i32 to vector<16xi32>
      %lt3A_536 = arith.cmpi slt, %get3A_529, %lt3A : vector<16xi32>
      %and3A = arith.andi %ge3A_533, %lt3A_536 : vector<16xi1>
      %sub3A = vector.broadcast %mul3A_29 : i32 to vector<16xi32>
      %sub3A_537 = arith.subi %get3A_529, %sub3A : vector<16xi32>
      %mul3A_538 = arith.constant 2048 : i32
      %mul3A_539 = vector.broadcast %mul3A_538 : i32 to vector<16xi32>
      %mul3A_540 = arith.muli %sub3A_537, %mul3A_539 : vector<16xi32>
      %add3A_541 = arith.addi %mul3A_540, %get3A_532 : vector<16xi32>
      %add3A_542 = arith.constant 1048576 : i32
      %add3A_543 = vector.broadcast %add3A_542 : i32 to vector<16xi32>
      %add3A_544 = arith.addi %add3A_543, %get3A_532 : vector<16xi32>
      %select_n3A = arith.select %and3A, %add3A_541, %add3A_544 : vector<16xi1>, vector<16xi32>
      %swap3A = arith.index_cast %scan3A_523 : i32 to index
      %swap3A_545 = arith.constant 0 : index
      %swap3A_546 = tpu.vector_load %arg16[%swap3A, %swap3A_545] {strides = array<i32>} : memref<65x128xi32, #tpu.memory_space<vmem>>, vector<1x16xi32>,
      %swap3A_547 = vector.shape_cast %swap3A_546 : vector<1x16xi32> to vector<16xi32>
      %swap3A_548 = vector.shape_cast %select_n3A : vector<16xi32> to vector<1x16xi32>
      tpu.vector_store %arg16[%swap3A, %swap3A_545], %swap3A_548 {strides = array<i32>} : memref<65x128xi32, #tpu.memory_space<vmem>>, vector<1x16xi32>,
      %mul3A_549 = arith.constant 128 : i32
      %mul3A_550 = arith.muli %scan3A_523, %mul3A_549 : i32
      %add3A_551 = arith.constant 16 : i32
      %add3A_552 = arith.addi %mul3A_550, %add3A_551 : i32
      %get3A_553 = arith.index_cast %add3A_552 : i32 to index
      %get3A_554 = tpu.vector_load %arg12[%get3A_553] {strides = array<i32>} : memref<8192xi32, #tpu.memory_space<vmem>>, vector<16xi32>,
      %get3A_555 = vector.shape_cast %get3A_554 : vector<16xi32> to vector<16xi32>
      %get3A_556 = arith.index_cast %add3A_552 : i32 to index
      %get3A_557 = tpu.vector_load %arg13[%get3A_556] {strides = array<i32>} : memref<8192xi32, #tpu.memory_space<vmem>>, vector<16xi32>,
      %get3A_558 = vector.shape_cast %get3A_557 : vector<16xi32> to vector<16xi32>
      %ge3A_559 = vector.broadcast %mul3A_29 : i32 to vector<16xi32>
      %ge3A_560 = arith.cmpi sge, %get3A_555, %ge3A_559 : vector<16xi32>
      %add3A_561 = arith.constant 512 : i32
      %add3A_562 = arith.addi %mul3A_29, %add3A_561 : i32
      %lt3A_563 = vector.broadcast %add3A_562 : i32 to vector<16xi32>
      %lt3A_564 = arith.cmpi slt, %get3A_555, %lt3A_563 : vector<16xi32>
      %and3A_565 = arith.andi %ge3A_560, %lt3A_564 : vector<16xi1>
      %sub3A_566 = vector.broadcast %mul3A_29 : i32 to vector<16xi32>
      %sub3A_567 = arith.subi %get3A_555, %sub3A_566 : vector<16xi32>
      %mul3A_568 = arith.constant 2048 : i32
      %mul3A_569 = vector.broadcast %mul3A_568 : i32 to vector<16xi32>
      %mul3A_570 = arith.muli %sub3A_567, %mul3A_569 : vector<16xi32>
      %add3A_571 = arith.addi %mul3A_570, %get3A_558 : vector<16xi32>
      %add3A_572 = arith.constant 1048576 : i32
      %add3A_573 = vector.broadcast %add3A_572 : i32 to vector<16xi32>
      %add3A_574 = arith.addi %add3A_573, %get3A_558 : vector<16xi32>
      %select_n3A_575 = arith.select %and3A_565, %add3A_571, %add3A_574 : vector<16xi1>, vector<16xi32>
      %swap3A_576 = arith.index_cast %scan3A_523 : i32 to index
      %swap3A_577 = arith.constant 16 : index
      %swap3A_578 = tpu.vector_load %arg16[%swap3A_576, %swap3A_577] {strides = array<i32>} : memref<65x128xi32, #tpu.memory_space<vmem>>, vector<1x16xi32>,
      %swap3A_579 = vector.shape_cast %swap3A_578 : vector<1x16xi32> to vector<16xi32>
      %swap3A_580 = vector.shape_cast %select_n3A_575 : vector<16xi32> to vector<1x16xi32>
      tpu.vector_store %arg16[%swap3A_576, %swap3A_577], %swap3A_580 {strides = array<i32>} : memref<65x128xi32, #tpu.memory_space<vmem>>, vector<1x16xi32>,
      %mul3A_581 = arith.constant 128 : i32
      %mul3A_582 = arith.muli %scan3A_523, %mul3A_581 : i32
      %add3A_583 = arith.constant 32 : i32
      %add3A_584 = arith.addi %mul3A_582, %add3A_583 : i32
      %get3A_585 = arith.index_cast %add3A_584 : i32 to index
      %get3A_586 = tpu.vector_load %arg12[%get3A_585] {strides = array<i32>} : memref<8192xi32, #tpu.memory_space<vmem>>, vector<16xi32>,
      %get3A_587 = vector.shape_cast %get3A_586 : vector<16xi32> to vector<16xi32>
      %get3A_588 = arith.index_cast %add3A_584 : i32 to index
      %get3A_589 = tpu.vector_load %arg13[%get3A_588] {strides = array<i32>} : memref<8192xi32, #tpu.memory_space<vmem>>, vector<16xi32>,
      %get3A_590 = vector.shape_cast %get3A_589 : vector<16xi32> to vector<16xi32>
      %ge3A_591 = vector.broadcast %mul3A_29 : i32 to vector<16xi32>
      %ge3A_592 = arith.cmpi sge, %get3A_587, %ge3A_591 : vector<16xi32>
      %add3A_593 = arith.constant 512 : i32
      %add3A_594 = arith.addi %mul3A_29, %add3A_593 : i32
      %lt3A_595 = vector.broadcast %add3A_594 : i32 to vector<16xi32>
      %lt3A_596 = arith.cmpi slt, %get3A_587, %lt3A_595 : vector<16xi32>
      %and3A_597 = arith.andi %ge3A_592, %lt3A_596 : vector<16xi1>
      %sub3A_598 = vector.broadcast %mul3A_29 : i32 to vector<16xi32>
      %sub3A_599 = arith.subi %get3A_587, %sub3A_598 : vector<16xi32>
      %mul3A_600 = arith.constant 2048 : i32
      %mul3A_601 = vector.broadcast %mul3A_600 : i32 to vector<16xi32>
      %mul3A_602 = arith.muli %sub3A_599, %mul3A_601 : vector<16xi32>
      %add3A_603 = arith.addi %mul3A_602, %get3A_590 : vector<16xi32>
      %add3A_604 = arith.constant 1048576 : i32
      %add3A_605 = vector.broadcast %add3A_604 : i32 to vector<16xi32>
      %add3A_606 = arith.addi %add3A_605, %get3A_590 : vector<16xi32>
      %select_n3A_607 = arith.select %and3A_597, %add3A_603, %add3A_606 : vector<16xi1>, vector<16xi32>
      %swap3A_608 = arith.index_cast %scan3A_523 : i32 to index
      %swap3A_609 = arith.constant 32 : index
      %swap3A_610 = tpu.vector_load %arg16[%swap3A_608, %swap3A_609] {strides = array<i32>} : memref<65x128xi32, #tpu.memory_space<vmem>>, vector<1x16xi32>,
      %swap3A_611 = vector.shape_cast %swap3A_610 : vector<1x16xi32> to vector<16xi32>
      %swap3A_612 = vector.shape_cast %select_n3A_607 : vector<16xi32> to vector<1x16xi32>
      tpu.vector_store %arg16[%swap3A_608, %swap3A_609], %swap3A_612 {strides = array<i32>} : memref<65x128xi32, #tpu.memory_space<vmem>>, vector<1x16xi32>,
      %mul3A_613 = arith.constant 128 : i32
      %mul3A_614 = arith.muli %scan3A_523, %mul3A_613 : i32
      %add3A_615 = arith.constant 48 : i32
      %add3A_616 = arith.addi %mul3A_614, %add3A_615 : i32
      %get3A_617 = arith.index_cast %add3A_616 : i32 to index
      %get3A_618 = tpu.vector_load %arg12[%get3A_617] {strides = array<i32>} : memref<8192xi32, #tpu.memory_space<vmem>>, vector<16xi32>,
      %get3A_619 = vector.shape_cast %get3A_618 : vector<16xi32> to vector<16xi32>
      %get3A_620 = arith.index_cast %add3A_616 : i32 to index
      %get3A_621 = tpu.vector_load %arg13[%get3A_620] {strides = array<i32>} : memref<8192xi32, #tpu.memory_space<vmem>>, vector<16xi32>,
      %get3A_622 = vector.shape_cast %get3A_621 : vector<16xi32> to vector<16xi32>
      %ge3A_623 = vector.broadcast %mul3A_29 : i32 to vector<16xi32>
      %ge3A_624 = arith.cmpi sge, %get3A_619, %ge3A_623 : vector<16xi32>
      %add3A_625 = arith.constant 512 : i32
      %add3A_626 = arith.addi %mul3A_29, %add3A_625 : i32
      %lt3A_627 = vector.broadcast %add3A_626 : i32 to vector<16xi32>
      %lt3A_628 = arith.cmpi slt, %get3A_619, %lt3A_627 : vector<16xi32>
      %and3A_629 = arith.andi %ge3A_624, %lt3A_628 : vector<16xi1>
      %sub3A_630 = vector.broadcast %mul3A_29 : i32 to vector<16xi32>
      %sub3A_631 = arith.subi %get3A_619, %sub3A_630 : vector<16xi32>
      %mul3A_632 = arith.constant 2048 : i32
      %mul3A_633 = vector.broadcast %mul3A_632 : i32 to vector<16xi32>
      %mul3A_634 = arith.muli %sub3A_631, %mul3A_633 : vector<16xi32>
      %add3A_635 = arith.addi %mul3A_634, %get3A_622 : vector<16xi32>
      %add3A_636 = arith.constant 1048576 : i32
      %add3A_637 = vector.broadcast %add3A_636 : i32 to vector<16xi32>
      %add3A_638 = arith.addi %add3A_637, %get3A_622 : vector<16xi32>
      %select_n3A_639 = arith.select %and3A_629, %add3A_635, %add3A_638 : vector<16xi1>, vector<16xi32>
      %swap3A_640 = arith.index_cast %scan3A_523 : i32 to index
      %swap3A_641 = arith.constant 48 : index
      %swap3A_642 = tpu.vector_load %arg16[%swap3A_640, %swap3A_641] {strides = array<i32>} : memref<65x128xi32, #tpu.memory_space<vmem>>, vector<1x16xi32>,
      %swap3A_643 = vector.shape_cast %swap3A_642 : vector<1x16xi32> to vector<16xi32>
      %swap3A_644 = vector.shape_cast %select_n3A_639 : vector<16xi32> to vector<1x16xi32>
      tpu.vector_store %arg16[%swap3A_640, %swap3A_641], %swap3A_644 {strides = array<i32>} : memref<65x128xi32, #tpu.memory_space<vmem>>, vector<1x16xi32>,
      %mul3A_645 = arith.constant 128 : i32
      %mul3A_646 = arith.muli %scan3A_523, %mul3A_645 : i32
      %add3A_647 = arith.constant 64 : i32
      %add3A_648 = arith.addi %mul3A_646, %add3A_647 : i32
      %get3A_649 = arith.index_cast %add3A_648 : i32 to index
      %get3A_650 = tpu.vector_load %arg12[%get3A_649] {strides = array<i32>} : memref<8192xi32, #tpu.memory_space<vmem>>, vector<16xi32>,
      %get3A_651 = vector.shape_cast %get3A_650 : vector<16xi32> to vector<16xi32>
      %get3A_652 = arith.index_cast %add3A_648 : i32 to index
      %get3A_653 = tpu.vector_load %arg13[%get3A_652] {strides = array<i32>} : memref<8192xi32, #tpu.memory_space<vmem>>, vector<16xi32>,
      %get3A_654 = vector.shape_cast %get3A_653 : vector<16xi32> to vector<16xi32>
      %ge3A_655 = vector.broadcast %mul3A_29 : i32 to vector<16xi32>
      %ge3A_656 = arith.cmpi sge, %get3A_651, %ge3A_655 : vector<16xi32>
      %add3A_657 = arith.constant 512 : i32
      %add3A_658 = arith.addi %mul3A_29, %add3A_657 : i32
      %lt3A_659 = vector.broadcast %add3A_658 : i32 to vector<16xi32>
      %lt3A_660 = arith.cmpi slt, %get3A_651, %lt3A_659 : vector<16xi32>
      %and3A_661 = arith.andi %ge3A_656, %lt3A_660 : vector<16xi1>
      %sub3A_662 = vector.broadcast %mul3A_29 : i32 to vector<16xi32>
      %sub3A_663 = arith.subi %get3A_651, %sub3A_662 : vector<16xi32>
      %mul3A_664 = arith.constant 2048 : i32
      %mul3A_665 = vector.broadcast %mul3A_664 : i32 to vector<16xi32>
      %mul3A_666 = arith.muli %sub3A_663, %mul3A_665 : vector<16xi32>
      %add3A_667 = arith.addi %mul3A_666, %get3A_654 : vector<16xi32>
      %add3A_668 = arith.constant 1048576 : i32
      %add3A_669 = vector.broadcast %add3A_668 : i32 to vector<16xi32>
      %add3A_670 = arith.addi %add3A_669, %get3A_654 : vector<16xi32>
      %select_n3A_671 = arith.select %and3A_661, %add3A_667, %add3A_670 : vector<16xi1>, vector<16xi32>
      %swap3A_672 = arith.index_cast %scan3A_523 : i32 to index
      %swap3A_673 = arith.constant 64 : index
      %swap3A_674 = tpu.vector_load %arg16[%swap3A_672, %swap3A_673] {strides = array<i32>} : memref<65x128xi32, #tpu.memory_space<vmem>>, vector<1x16xi32>,
      %swap3A_675 = vector.shape_cast %swap3A_674 : vector<1x16xi32> to vector<16xi32>
      %swap3A_676 = vector.shape_cast %select_n3A_671 : vector<16xi32> to vector<1x16xi32>
      tpu.vector_store %arg16[%swap3A_672, %swap3A_673], %swap3A_676 {strides = array<i32>} : memref<65x128xi32, #tpu.memory_space<vmem>>, vector<1x16xi32>,
      %mul3A_677 = arith.constant 128 : i32
      %mul3A_678 = arith.muli %scan3A_523, %mul3A_677 : i32
      %add3A_679 = arith.constant 80 : i32
      %add3A_680 = arith.addi %mul3A_678, %add3A_679 : i32
      %get3A_681 = arith.index_cast %add3A_680 : i32 to index
      %get3A_682 = tpu.vector_load %arg12[%get3A_681] {strides = array<i32>} : memref<8192xi32, #tpu.memory_space<vmem>>, vector<16xi32>,
      %get3A_683 = vector.shape_cast %get3A_682 : vector<16xi32> to vector<16xi32>
      %get3A_684 = arith.index_cast %add3A_680 : i32 to index
      %get3A_685 = tpu.vector_load %arg13[%get3A_684] {strides = array<i32>} : memref<8192xi32, #tpu.memory_space<vmem>>, vector<16xi32>,
      %get3A_686 = vector.shape_cast %get3A_685 : vector<16xi32> to vector<16xi32>
      %ge3A_687 = vector.broadcast %mul3A_29 : i32 to vector<16xi32>
      %ge3A_688 = arith.cmpi sge, %get3A_683, %ge3A_687 : vector<16xi32>
      %add3A_689 = arith.constant 512 : i32
      %add3A_690 = arith.addi %mul3A_29, %add3A_689 : i32
      %lt3A_691 = vector.broadcast %add3A_690 : i32 to vector<16xi32>
      %lt3A_692 = arith.cmpi slt, %get3A_683, %lt3A_691 : vector<16xi32>
      %and3A_693 = arith.andi %ge3A_688, %lt3A_692 : vector<16xi1>
      %sub3A_694 = vector.broadcast %mul3A_29 : i32 to vector<16xi32>
      %sub3A_695 = arith.subi %get3A_683, %sub3A_694 : vector<16xi32>
      %mul3A_696 = arith.constant 2048 : i32
      %mul3A_697 = vector.broadcast %mul3A_696 : i32 to vector<16xi32>
      %mul3A_698 = arith.muli %sub3A_695, %mul3A_697 : vector<16xi32>
      %add3A_699 = arith.addi %mul3A_698, %get3A_686 : vector<16xi32>
      %add3A_700 = arith.constant 1048576 : i32
      %add3A_701 = vector.broadcast %add3A_700 : i32 to vector<16xi32>
      %add3A_702 = arith.addi %add3A_701, %get3A_686 : vector<16xi32>
      %select_n3A_703 = arith.select %and3A_693, %add3A_699, %add3A_702 : vector<16xi1>, vector<16xi32>
      %swap3A_704 = arith.index_cast %scan3A_523 : i32 to index
      %swap3A_705 = arith.constant 80 : index
      %swap3A_706 = tpu.vector_load %arg16[%swap3A_704, %swap3A_705] {strides = array<i32>} : memref<65x128xi32, #tpu.memory_space<vmem>>, vector<1x16xi32>,
      %swap3A_707 = vector.shape_cast %swap3A_706 : vector<1x16xi32> to vector<16xi32>
      %swap3A_708 = vector.shape_cast %select_n3A_703 : vector<16xi32> to vector<1x16xi32>
      tpu.vector_store %arg16[%swap3A_704, %swap3A_705], %swap3A_708 {strides = array<i32>} : memref<65x128xi32, #tpu.memory_space<vmem>>, vector<1x16xi32>,
      %mul3A_709 = arith.constant 128 : i32
      %mul3A_710 = arith.muli %scan3A_523, %mul3A_709 : i32
      %add3A_711 = arith.constant 96 : i32
      %add3A_712 = arith.addi %mul3A_710, %add3A_711 : i32
      %get3A_713 = arith.index_cast %add3A_712 : i32 to index
      %get3A_714 = tpu.vector_load %arg12[%get3A_713] {strides = array<i32>} : memref<8192xi32, #tpu.memory_space<vmem>>, vector<16xi32>,
      %get3A_715 = vector.shape_cast %get3A_714 : vector<16xi32> to vector<16xi32>
      %get3A_716 = arith.index_cast %add3A_712 : i32 to index
      %get3A_717 = tpu.vector_load %arg13[%get3A_716] {strides = array<i32>} : memref<8192xi32, #tpu.memory_space<vmem>>, vector<16xi32>,
      %get3A_718 = vector.shape_cast %get3A_717 : vector<16xi32> to vector<16xi32>
      %ge3A_719 = vector.broadcast %mul3A_29 : i32 to vector<16xi32>
      %ge3A_720 = arith.cmpi sge, %get3A_715, %ge3A_719 : vector<16xi32>
      %add3A_721 = arith.constant 512 : i32
      %add3A_722 = arith.addi %mul3A_29, %add3A_721 : i32
      %lt3A_723 = vector.broadcast %add3A_722 : i32 to vector<16xi32>
      %lt3A_724 = arith.cmpi slt, %get3A_715, %lt3A_723 : vector<16xi32>
      %and3A_725 = arith.andi %ge3A_720, %lt3A_724 : vector<16xi1>
      %sub3A_726 = vector.broadcast %mul3A_29 : i32 to vector<16xi32>
      %sub3A_727 = arith.subi %get3A_715, %sub3A_726 : vector<16xi32>
      %mul3A_728 = arith.constant 2048 : i32
      %mul3A_729 = vector.broadcast %mul3A_728 : i32 to vector<16xi32>
      %mul3A_730 = arith.muli %sub3A_727, %mul3A_729 : vector<16xi32>
      %add3A_731 = arith.addi %mul3A_730, %get3A_718 : vector<16xi32>
      %add3A_732 = arith.constant 1048576 : i32
      %add3A_733 = vector.broadcast %add3A_732 : i32 to vector<16xi32>
      %add3A_734 = arith.addi %add3A_733, %get3A_718 : vector<16xi32>
      %select_n3A_735 = arith.select %and3A_725, %add3A_731, %add3A_734 : vector<16xi1>, vector<16xi32>
      %swap3A_736 = arith.index_cast %scan3A_523 : i32 to index
      %swap3A_737 = arith.constant 96 : index
      %swap3A_738 = tpu.vector_load %arg16[%swap3A_736, %swap3A_737] {strides = array<i32>} : memref<65x128xi32, #tpu.memory_space<vmem>>, vector<1x16xi32>,
      %swap3A_739 = vector.shape_cast %swap3A_738 : vector<1x16xi32> to vector<16xi32>
      %swap3A_740 = vector.shape_cast %select_n3A_735 : vector<16xi32> to vector<1x16xi32>
      tpu.vector_store %arg16[%swap3A_736, %swap3A_737], %swap3A_740 {strides = array<i32>} : memref<65x128xi32, #tpu.memory_space<vmem>>, vector<1x16xi32>,
      %mul3A_741 = arith.constant 128 : i32
      %mul3A_742 = arith.muli %scan3A_523, %mul3A_741 : i32
      %add3A_743 = arith.constant 112 : i32
      %add3A_744 = arith.addi %mul3A_742, %add3A_743 : i32
      %get3A_745 = arith.index_cast %add3A_744 : i32 to index
      %get3A_746 = tpu.vector_load %arg12[%get3A_745] {strides = array<i32>} : memref<8192xi32, #tpu.memory_space<vmem>>, vector<16xi32>,
      %get3A_747 = vector.shape_cast %get3A_746 : vector<16xi32> to vector<16xi32>
      %get3A_748 = arith.index_cast %add3A_744 : i32 to index
      %get3A_749 = tpu.vector_load %arg13[%get3A_748] {strides = array<i32>} : memref<8192xi32, #tpu.memory_space<vmem>>, vector<16xi32>,
      %get3A_750 = vector.shape_cast %get3A_749 : vector<16xi32> to vector<16xi32>
      %ge3A_751 = vector.broadcast %mul3A_29 : i32 to vector<16xi32>
      %ge3A_752 = arith.cmpi sge, %get3A_747, %ge3A_751 : vector<16xi32>
      %add3A_753 = arith.constant 512 : i32
      %add3A_754 = arith.addi %mul3A_29, %add3A_753 : i32
      %lt3A_755 = vector.broadcast %add3A_754 : i32 to vector<16xi32>
      %lt3A_756 = arith.cmpi slt, %get3A_747, %lt3A_755 : vector<16xi32>
      %and3A_757 = arith.andi %ge3A_752, %lt3A_756 : vector<16xi1>
      %sub3A_758 = vector.broadcast %mul3A_29 : i32 to vector<16xi32>
      %sub3A_759 = arith.subi %get3A_747, %sub3A_758 : vector<16xi32>
      %mul3A_760 = arith.constant 2048 : i32
      %mul3A_761 = vector.broadcast %mul3A_760 : i32 to vector<16xi32>
      %mul3A_762 = arith.muli %sub3A_759, %mul3A_761 : vector<16xi32>
      %add3A_763 = arith.addi %mul3A_762, %get3A_750 : vector<16xi32>
      %add3A_764 = arith.constant 1048576 : i32
      %add3A_765 = vector.broadcast %add3A_764 : i32 to vector<16xi32>
      %add3A_766 = arith.addi %add3A_765, %get3A_750 : vector<16xi32>
      %select_n3A_767 = arith.select %and3A_757, %add3A_763, %add3A_766 : vector<16xi1>, vector<16xi32>
      %swap3A_768 = arith.index_cast %scan3A_523 : i32 to index
      %swap3A_769 = arith.constant 112 : index
      %swap3A_770 = tpu.vector_load %arg16[%swap3A_768, %swap3A_769] {strides = array<i32>} : memref<65x128xi32, #tpu.memory_space<vmem>>, vector<1x16xi32>,
      %swap3A_771 = vector.shape_cast %swap3A_770 : vector<1x16xi32> to vector<16xi32>
      %swap3A_772 = vector.shape_cast %select_n3A_767 : vector<16xi32> to vector<1x16xi32>
      tpu.vector_store %arg16[%swap3A_768, %swap3A_769], %swap3A_772 {strides = array<i32>} : memref<65x128xi32, #tpu.memory_space<vmem>>, vector<1x16xi32>,
    }
    %scan3A_334 = arith.constant 64 : i32
    "tpu.trace_stop"() : () -> ()
    "tpu.trace_start"() <{level = 10 : i32, message = "ppi_zero"}> : () -> ()
    %mul3A_335 = arith.constant 65536 : i32
    %mul3A_336 = arith.muli %arg1, %mul3A_335 : i32
    %add3A_337 = arith.constant 0 : i32
    %add3A_338 = arith.addi %mul3A_336, %add3A_337 : i32
    "tpu.region"() ({
      %run_scoped3A = tpu.sem_alloc : memref<!tpu.dma_semaphore, #tpu.memory_space<semaphore_mem>>
      %dma_start3A_523 = tpu.memref_slice %arg10[%add3A_338] : memref<1050752xf32, #tpu.memory_space<vmem_shared>> -> memref<8192xf32, #tpu.memory_space<vmem_shared>>
      %dma_start3A_524 = tpu.memref_slice %arg10[%add3A_338] : memref<1050752xf32, #tpu.memory_space<vmem_shared>> -> memref<8192xf32, #tpu.memory_space<vmem_shared>>
      tpu.enqueue_dma source(%arg19 : memref<8192xf32, #tpu.memory_space<vmem>>) target(%dma_start3A_524 : memref<8192xf32, #tpu.memory_space<vmem_shared>>) target_semaphore(%run_scoped3A : memref<!tpu.dma_semaphore, #tpu.memory_space<semaphore_mem>>)
      %dma_wait3A_525 = tpu.memref_slice %arg10[%add3A_338] : memref<1050752xf32, #tpu.memory_space<vmem_shared>> -> memref<8192xf32, #tpu.memory_space<vmem_shared>>
      %dma_wait3A_526 = tpu.memref_slice %arg10[%add3A_338] : memref<1050752xf32, #tpu.memory_space<vmem_shared>> -> memref<8192xf32, #tpu.memory_space<vmem_shared>>
      tpu.wait_dma2 semaphore(%run_scoped3A : memref<!tpu.dma_semaphore, #tpu.memory_space<semaphore_mem>>) src(%arg19 : memref<8192xf32, #tpu.memory_space<vmem>>) dst(%dma_wait3A_526 : memref<8192xf32, #tpu.memory_space<vmem_shared>>)
      tpu.yield
    }) : () -> ()
    %mul3A_339 = arith.constant 65536 : i32
    %mul3A_340 = arith.muli %arg1, %mul3A_339 : i32
    %add3A_341 = arith.constant 8192 : i32
    %add3A_342 = arith.addi %mul3A_340, %add3A_341 : i32
    "tpu.region"() ({
      %run_scoped3A = tpu.sem_alloc : memref<!tpu.dma_semaphore, #tpu.memory_space<semaphore_mem>>
      %dma_start3A_523 = tpu.memref_slice %arg10[%add3A_342] : memref<1050752xf32, #tpu.memory_space<vmem_shared>> -> memref<8192xf32, #tpu.memory_space<vmem_shared>>
      %dma_start3A_524 = tpu.memref_slice %arg10[%add3A_342] : memref<1050752xf32, #tpu.memory_space<vmem_shared>> -> memref<8192xf32, #tpu.memory_space<vmem_shared>>
      tpu.enqueue_dma source(%arg19 : memref<8192xf32, #tpu.memory_space<vmem>>) target(%dma_start3A_524 : memref<8192xf32, #tpu.memory_space<vmem_shared>>) target_semaphore(%run_scoped3A : memref<!tpu.dma_semaphore, #tpu.memory_space<semaphore_mem>>)
      %dma_wait3A_525 = tpu.memref_slice %arg10[%add3A_342] : memref<1050752xf32, #tpu.memory_space<vmem_shared>> -> memref<8192xf32, #tpu.memory_space<vmem_shared>>
      %dma_wait3A_526 = tpu.memref_slice %arg10[%add3A_342] : memref<1050752xf32, #tpu.memory_space<vmem_shared>> -> memref<8192xf32, #tpu.memory_space<vmem_shared>>
      tpu.wait_dma2 semaphore(%run_scoped3A : memref<!tpu.dma_semaphore, #tpu.memory_space<semaphore_mem>>) src(%arg19 : memref<8192xf32, #tpu.memory_space<vmem>>) dst(%dma_wait3A_526 : memref<8192xf32, #tpu.memory_space<vmem_shared>>)
      tpu.yield
    }) : () -> ()
    %mul3A_343 = arith.constant 65536 : i32
    %mul3A_344 = arith.muli %arg1, %mul3A_343 : i32
    %add3A_345 = arith.constant 16384 : i32
    %add3A_346 = arith.addi %mul3A_344, %add3A_345 : i32
    "tpu.region"() ({
      %run_scoped3A = tpu.sem_alloc : memref<!tpu.dma_semaphore, #tpu.memory_space<semaphore_mem>>
      %dma_start3A_523 = tpu.memref_slice %arg10[%add3A_346] : memref<1050752xf32, #tpu.memory_space<vmem_shared>> -> memref<8192xf32, #tpu.memory_space<vmem_shared>>
      %dma_start3A_524 = tpu.memref_slice %arg10[%add3A_346] : memref<1050752xf32, #tpu.memory_space<vmem_shared>> -> memref<8192xf32, #tpu.memory_space<vmem_shared>>
      tpu.enqueue_dma source(%arg19 : memref<8192xf32, #tpu.memory_space<vmem>>) target(%dma_start3A_524 : memref<8192xf32, #tpu.memory_space<vmem_shared>>) target_semaphore(%run_scoped3A : memref<!tpu.dma_semaphore, #tpu.memory_space<semaphore_mem>>)
      %dma_wait3A_525 = tpu.memref_slice %arg10[%add3A_346] : memref<1050752xf32, #tpu.memory_space<vmem_shared>> -> memref<8192xf32, #tpu.memory_space<vmem_shared>>
      %dma_wait3A_526 = tpu.memref_slice %arg10[%add3A_346] : memref<1050752xf32, #tpu.memory_space<vmem_shared>> -> memref<8192xf32, #tpu.memory_space<vmem_shared>>
      tpu.wait_dma2 semaphore(%run_scoped3A : memref<!tpu.dma_semaphore, #tpu.memory_space<semaphore_mem>>) src(%arg19 : memref<8192xf32, #tpu.memory_space<vmem>>) dst(%dma_wait3A_526 : memref<8192xf32, #tpu.memory_space<vmem_shared>>)
      tpu.yield
    }) : () -> ()
    %mul3A_347 = arith.constant 65536 : i32
    %mul3A_348 = arith.muli %arg1, %mul3A_347 : i32
    %add3A_349 = arith.constant 24576 : i32
    %add3A_350 = arith.addi %mul3A_348, %add3A_349 : i32
    "tpu.region"() ({
      %run_scoped3A = tpu.sem_alloc : memref<!tpu.dma_semaphore, #tpu.memory_space<semaphore_mem>>
      %dma_start3A_523 = tpu.memref_slice %arg10[%add3A_350] : memref<1050752xf32, #tpu.memory_space<vmem_shared>> -> memref<8192xf32, #tpu.memory_space<vmem_shared>>
      %dma_start3A_524 = tpu.memref_slice %arg10[%add3A_350] : memref<1050752xf32, #tpu.memory_space<vmem_shared>> -> memref<8192xf32, #tpu.memory_space<vmem_shared>>
      tpu.enqueue_dma source(%arg19 : memref<8192xf32, #tpu.memory_space<vmem>>) target(%dma_start3A_524 : memref<8192xf32, #tpu.memory_space<vmem_shared>>) target_semaphore(%run_scoped3A : memref<!tpu.dma_semaphore, #tpu.memory_space<semaphore_mem>>)
      %dma_wait3A_525 = tpu.memref_slice %arg10[%add3A_350] : memref<1050752xf32, #tpu.memory_space<vmem_shared>> -> memref<8192xf32, #tpu.memory_space<vmem_shared>>
      %dma_wait3A_526 = tpu.memref_slice %arg10[%add3A_350] : memref<1050752xf32, #tpu.memory_space<vmem_shared>> -> memref<8192xf32, #tpu.memory_space<vmem_shared>>
      tpu.wait_dma2 semaphore(%run_scoped3A : memref<!tpu.dma_semaphore, #tpu.memory_space<semaphore_mem>>) src(%arg19 : memref<8192xf32, #tpu.memory_space<vmem>>) dst(%dma_wait3A_526 : memref<8192xf32, #tpu.memory_space<vmem_shared>>)
      tpu.yield
    }) : () -> ()
    %mul3A_351 = arith.constant 65536 : i32
    %mul3A_352 = arith.muli %arg1, %mul3A_351 : i32
    %add3A_353 = arith.constant 32768 : i32
    %add3A_354 = arith.addi %mul3A_352, %add3A_353 : i32
    "tpu.region"() ({
      %run_scoped3A = tpu.sem_alloc : memref<!tpu.dma_semaphore, #tpu.memory_space<semaphore_mem>>
      %dma_start3A_523 = tpu.memref_slice %arg10[%add3A_354] : memref<1050752xf32, #tpu.memory_space<vmem_shared>> -> memref<8192xf32, #tpu.memory_space<vmem_shared>>
      %dma_start3A_524 = tpu.memref_slice %arg10[%add3A_354] : memref<1050752xf32, #tpu.memory_space<vmem_shared>> -> memref<8192xf32, #tpu.memory_space<vmem_shared>>
      tpu.enqueue_dma source(%arg19 : memref<8192xf32, #tpu.memory_space<vmem>>) target(%dma_start3A_524 : memref<8192xf32, #tpu.memory_space<vmem_shared>>) target_semaphore(%run_scoped3A : memref<!tpu.dma_semaphore, #tpu.memory_space<semaphore_mem>>)
      %dma_wait3A_525 = tpu.memref_slice %arg10[%add3A_354] : memref<1050752xf32, #tpu.memory_space<vmem_shared>> -> memref<8192xf32, #tpu.memory_space<vmem_shared>>
      %dma_wait3A_526 = tpu.memref_slice %arg10[%add3A_354] : memref<1050752xf32, #tpu.memory_space<vmem_shared>> -> memref<8192xf32, #tpu.memory_space<vmem_shared>>
      tpu.wait_dma2 semaphore(%run_scoped3A : memref<!tpu.dma_semaphore, #tpu.memory_space<semaphore_mem>>) src(%arg19 : memref<8192xf32, #tpu.memory_space<vmem>>) dst(%dma_wait3A_526 : memref<8192xf32, #tpu.memory_space<vmem_shared>>)
      tpu.yield
    }) : () -> ()
    %mul3A_355 = arith.constant 65536 : i32
    %mul3A_356 = arith.muli %arg1, %mul3A_355 : i32
    %add3A_357 = arith.constant 40960 : i32
    %add3A_358 = arith.addi %mul3A_356, %add3A_357 : i32
    "tpu.region"() ({
      %run_scoped3A = tpu.sem_alloc : memref<!tpu.dma_semaphore, #tpu.memory_space<semaphore_mem>>
      %dma_start3A_523 = tpu.memref_slice %arg10[%add3A_358] : memref<1050752xf32, #tpu.memory_space<vmem_shared>> -> memref<8192xf32, #tpu.memory_space<vmem_shared>>
      %dma_start3A_524 = tpu.memref_slice %arg10[%add3A_358] : memref<1050752xf32, #tpu.memory_space<vmem_shared>> -> memref<8192xf32, #tpu.memory_space<vmem_shared>>
      tpu.enqueue_dma source(%arg19 : memref<8192xf32, #tpu.memory_space<vmem>>) target(%dma_start3A_524 : memref<8192xf32, #tpu.memory_space<vmem_shared>>) target_semaphore(%run_scoped3A : memref<!tpu.dma_semaphore, #tpu.memory_space<semaphore_mem>>)
      %dma_wait3A_525 = tpu.memref_slice %arg10[%add3A_358] : memref<1050752xf32, #tpu.memory_space<vmem_shared>> -> memref<8192xf32, #tpu.memory_space<vmem_shared>>
      %dma_wait3A_526 = tpu.memref_slice %arg10[%add3A_358] : memref<1050752xf32, #tpu.memory_space<vmem_shared>> -> memref<8192xf32, #tpu.memory_space<vmem_shared>>
      tpu.wait_dma2 semaphore(%run_scoped3A : memref<!tpu.dma_semaphore, #tpu.memory_space<semaphore_mem>>) src(%arg19 : memref<8192xf32, #tpu.memory_space<vmem>>) dst(%dma_wait3A_526 : memref<8192xf32, #tpu.memory_space<vmem_shared>>)
      tpu.yield
    }) : () -> ()
    %mul3A_359 = arith.constant 65536 : i32
    %mul3A_360 = arith.muli %arg1, %mul3A_359 : i32
    %add3A_361 = arith.constant 49152 : i32
    %add3A_362 = arith.addi %mul3A_360, %add3A_361 : i32
    "tpu.region"() ({
      %run_scoped3A = tpu.sem_alloc : memref<!tpu.dma_semaphore, #tpu.memory_space<semaphore_mem>>
      %dma_start3A_523 = tpu.memref_slice %arg10[%add3A_362] : memref<1050752xf32, #tpu.memory_space<vmem_shared>> -> memref<8192xf32, #tpu.memory_space<vmem_shared>>
      %dma_start3A_524 = tpu.memref_slice %arg10[%add3A_362] : memref<1050752xf32, #tpu.memory_space<vmem_shared>> -> memref<8192xf32, #tpu.memory_space<vmem_shared>>
      tpu.enqueue_dma source(%arg19 : memref<8192xf32, #tpu.memory_space<vmem>>) target(%dma_start3A_524 : memref<8192xf32, #tpu.memory_space<vmem_shared>>) target_semaphore(%run_scoped3A : memref<!tpu.dma_semaphore, #tpu.memory_space<semaphore_mem>>)
      %dma_wait3A_525 = tpu.memref_slice %arg10[%add3A_362] : memref<1050752xf32, #tpu.memory_space<vmem_shared>> -> memref<8192xf32, #tpu.memory_space<vmem_shared>>
      %dma_wait3A_526 = tpu.memref_slice %arg10[%add3A_362] : memref<1050752xf32, #tpu.memory_space<vmem_shared>> -> memref<8192xf32, #tpu.memory_space<vmem_shared>>
      tpu.wait_dma2 semaphore(%run_scoped3A : memref<!tpu.dma_semaphore, #tpu.memory_space<semaphore_mem>>) src(%arg19 : memref<8192xf32, #tpu.memory_space<vmem>>) dst(%dma_wait3A_526 : memref<8192xf32, #tpu.memory_space<vmem_shared>>)
      tpu.yield
    }) : () -> ()
    %mul3A_363 = arith.constant 65536 : i32
    %mul3A_364 = arith.muli %arg1, %mul3A_363 : i32
    %add3A_365 = arith.constant 57344 : i32
    %add3A_366 = arith.addi %mul3A_364, %add3A_365 : i32
    "tpu.region"() ({
      %run_scoped3A = tpu.sem_alloc : memref<!tpu.dma_semaphore, #tpu.memory_space<semaphore_mem>>
      %dma_start3A_523 = tpu.memref_slice %arg10[%add3A_366] : memref<1050752xf32, #tpu.memory_space<vmem_shared>> -> memref<8192xf32, #tpu.memory_space<vmem_shared>>
      %dma_start3A_524 = tpu.memref_slice %arg10[%add3A_366] : memref<1050752xf32, #tpu.memory_space<vmem_shared>> -> memref<8192xf32, #tpu.memory_space<vmem_shared>>
      tpu.enqueue_dma source(%arg19 : memref<8192xf32, #tpu.memory_space<vmem>>) target(%dma_start3A_524 : memref<8192xf32, #tpu.memory_space<vmem_shared>>) target_semaphore(%run_scoped3A : memref<!tpu.dma_semaphore, #tpu.memory_space<semaphore_mem>>)
      %dma_wait3A_525 = tpu.memref_slice %arg10[%add3A_366] : memref<1050752xf32, #tpu.memory_space<vmem_shared>> -> memref<8192xf32, #tpu.memory_space<vmem_shared>>
      %dma_wait3A_526 = tpu.memref_slice %arg10[%add3A_366] : memref<1050752xf32, #tpu.memory_space<vmem_shared>> -> memref<8192xf32, #tpu.memory_space<vmem_shared>>
      tpu.wait_dma2 semaphore(%run_scoped3A : memref<!tpu.dma_semaphore, #tpu.memory_space<semaphore_mem>>) src(%arg19 : memref<8192xf32, #tpu.memory_space<vmem>>) dst(%dma_wait3A_526 : memref<8192xf32, #tpu.memory_space<vmem_shared>>)
      tpu.yield
    }) : () -> ()
    %eq3A_367 = arith.constant 0 : i32
    %eq3A_368 = arith.cmpi eq, %arg1, %eq3A_367 : i32
    %convert_element_type3A_369 = arith.extui %eq3A_368 : i1 to i32
    %cond3A_370 = arith.constant 0 : i32
    %cond3A_371 = arith.cmpi ne, %convert_element_type3A_369, %cond3A_370 : i32
    scf.if %cond3A_371 {
      "tpu.region"() ({
        %run_scoped3A = tpu.sem_alloc : memref<!tpu.dma_semaphore, #tpu.memory_space<semaphore_mem>>
        %dma_start3A_523 = arith.constant 0 : i32
        %dma_start3A_524 = tpu.memref_slice %arg19[%dma_start3A_523] : memref<8192xf32, #tpu.memory_space<vmem>> -> memref<128xf32, #tpu.memory_space<vmem>>
        %dma_start3A_525 = arith.constant 1048576 : i32
        %dma_start3A_526 = tpu.memref_slice %arg10[%dma_start3A_525] : memref<1050752xf32, #tpu.memory_space<vmem_shared>> -> memref<128xf32, #tpu.memory_space<vmem_shared>>
        %dma_start3A_527 = arith.constant 1048576 : i32
        %dma_start3A_528 = tpu.memref_slice %arg10[%dma_start3A_527] : memref<1050752xf32, #tpu.memory_space<vmem_shared>> -> memref<128xf32, #tpu.memory_space<vmem_shared>>
        %dma_start3A_529 = arith.constant 0 : i32
        %dma_start3A_530 = tpu.memref_slice %arg19[%dma_start3A_529] : memref<8192xf32, #tpu.memory_space<vmem>> -> memref<128xf32, #tpu.memory_space<vmem>>
        tpu.enqueue_dma source(%dma_start3A_530 : memref<128xf32, #tpu.memory_space<vmem>>) target(%dma_start3A_528 : memref<128xf32, #tpu.memory_space<vmem_shared>>) target_semaphore(%run_scoped3A : memref<!tpu.dma_semaphore, #tpu.memory_space<semaphore_mem>>)
        %dma_wait3A_531 = arith.constant 0 : i32
        %dma_wait3A_532 = tpu.memref_slice %arg19[%dma_wait3A_531] : memref<8192xf32, #tpu.memory_space<vmem>> -> memref<128xf32, #tpu.memory_space<vmem>>
        %dma_wait3A_533 = arith.constant 1048576 : i32
        %dma_wait3A_534 = tpu.memref_slice %arg10[%dma_wait3A_533] : memref<1050752xf32, #tpu.memory_space<vmem_shared>> -> memref<128xf32, #tpu.memory_space<vmem_shared>>
        %dma_wait3A_535 = arith.constant 1048576 : i32
        %dma_wait3A_536 = tpu.memref_slice %arg10[%dma_wait3A_535] : memref<1050752xf32, #tpu.memory_space<vmem_shared>> -> memref<128xf32, #tpu.memory_space<vmem_shared>>
        %dma_wait3A_537 = arith.constant 0 : i32
        %dma_wait3A_538 = tpu.memref_slice %arg19[%dma_wait3A_537] : memref<8192xf32, #tpu.memory_space<vmem>> -> memref<128xf32, #tpu.memory_space<vmem>>
        tpu.wait_dma2 semaphore(%run_scoped3A : memref<!tpu.dma_semaphore, #tpu.memory_space<semaphore_mem>>) src(%dma_wait3A_538 : memref<128xf32, #tpu.memory_space<vmem>>) dst(%dma_wait3A_536 : memref<128xf32, #tpu.memory_space<vmem_shared>>)
        tpu.yield
      }) : () -> ()
    } else {
    }
    "tpu.trace_stop"() : () -> ()
    %barrier3A_372 = arith.constant 0 : index
    tpu.barrier barrier_id(%barrier3A_372)
    "tpu.trace_start"() <{level = 10 : i32, message = "ppi_scatter"}> : () -> ()
    %scan3A_373 = arith.constant 0 : i32
    %scan3A_374 = arith.constant 4 : i32
    %scan3A_375 = arith.addi %scan3A_373, %scan3A_374 : i32
    %scan3A_376 = arith.constant 1 : i32
    scf.for %scan3A_523 = %scan3A_373 to %scan3A_375 step %scan3A_376  : i32 {
      %mul3A_524 = arith.constant 16 : i32
      %mul3A_525 = arith.muli %scan3A_523, %mul3A_524 : i32
      %add3A_526 = arith.constant 0 : i32
      %add3A_527 = arith.addi %mul3A_525, %add3A_526 : i32
      %dma_start3A_528 = arith.constant 0 : i32
      %dma_start3A_529 = tpu.memref_slice %arg16[%add3A_527, %dma_start3A_528] : memref<65x128xi32, #tpu.memory_space<vmem>> -> memref<1x128xi32, #tpu.memory_space<vmem>>
      %dma_start3A_530 = tpu.memref_squeeze %dma_start3A_529 : memref<1x128xi32, #tpu.memory_space<vmem>> -> memref<128xi32, #tpu.memory_space<vmem>>
      %dma_start3A_531 = arith.constant 0 : i32
      %dma_start3A_532 = tpu.memref_slice %arg10[%dma_start3A_531] : memref<1050752xf32, #tpu.memory_space<vmem_shared>> -> memref<1050752xf32, #tpu.memory_space<vmem_shared>>
      tpu.enqueue_indirect_dma source(%arg18 : memref<128xf32, #tpu.memory_space<vmem>>) target(%dma_start3A_532 : memref<1050752xf32, #tpu.memory_space<vmem_shared>>) offsets(%dma_start3A_530 : memref<128xi32, #tpu.memory_space<vmem>>) semaphore(%arg22 : memref<!tpu.dma_semaphore, #tpu.memory_space<semaphore_mem>>) {add = true}
      %add3A_533 = arith.constant 1 : i32
      %add3A_534 = arith.addi %mul3A_525, %add3A_533 : i32
      %dma_start3A_535 = arith.constant 0 : i32
      %dma_start3A_536 = tpu.memref_slice %arg16[%add3A_534, %dma_start3A_535] : memref<65x128xi32, #tpu.memory_space<vmem>> -> memref<1x128xi32, #tpu.memory_space<vmem>>
      %dma_start3A_537 = tpu.memref_squeeze %dma_start3A_536 : memref<1x128xi32, #tpu.memory_space<vmem>> -> memref<128xi32, #tpu.memory_space<vmem>>
      %dma_start3A_538 = arith.constant 0 : i32
      %dma_start3A_539 = tpu.memref_slice %arg10[%dma_start3A_538] : memref<1050752xf32, #tpu.memory_space<vmem_shared>> -> memref<1050752xf32, #tpu.memory_space<vmem_shared>>
      tpu.enqueue_indirect_dma source(%arg18 : memref<128xf32, #tpu.memory_space<vmem>>) target(%dma_start3A_539 : memref<1050752xf32, #tpu.memory_space<vmem_shared>>) offsets(%dma_start3A_537 : memref<128xi32, #tpu.memory_space<vmem>>) semaphore(%arg22 : memref<!tpu.dma_semaphore, #tpu.memory_space<semaphore_mem>>) {add = true}
      %add3A_540 = arith.constant 2 : i32
      %add3A_541 = arith.addi %mul3A_525, %add3A_540 : i32
      %dma_start3A_542 = arith.constant 0 : i32
      %dma_start3A_543 = tpu.memref_slice %arg16[%add3A_541, %dma_start3A_542] : memref<65x128xi32, #tpu.memory_space<vmem>> -> memref<1x128xi32, #tpu.memory_space<vmem>>
      %dma_start3A_544 = tpu.memref_squeeze %dma_start3A_543 : memref<1x128xi32, #tpu.memory_space<vmem>> -> memref<128xi32, #tpu.memory_space<vmem>>
      %dma_start3A_545 = arith.constant 0 : i32
      %dma_start3A_546 = tpu.memref_slice %arg10[%dma_start3A_545] : memref<1050752xf32, #tpu.memory_space<vmem_shared>> -> memref<1050752xf32, #tpu.memory_space<vmem_shared>>
      tpu.enqueue_indirect_dma source(%arg18 : memref<128xf32, #tpu.memory_space<vmem>>) target(%dma_start3A_546 : memref<1050752xf32, #tpu.memory_space<vmem_shared>>) offsets(%dma_start3A_544 : memref<128xi32, #tpu.memory_space<vmem>>) semaphore(%arg22 : memref<!tpu.dma_semaphore, #tpu.memory_space<semaphore_mem>>) {add = true}
      %add3A_547 = arith.constant 3 : i32
      %add3A_548 = arith.addi %mul3A_525, %add3A_547 : i32
      %dma_start3A_549 = arith.constant 0 : i32
      %dma_start3A_550 = tpu.memref_slice %arg16[%add3A_548, %dma_start3A_549] : memref<65x128xi32, #tpu.memory_space<vmem>> -> memref<1x128xi32, #tpu.memory_space<vmem>>
      %dma_start3A_551 = tpu.memref_squeeze %dma_start3A_550 : memref<1x128xi32, #tpu.memory_space<vmem>> -> memref<128xi32, #tpu.memory_space<vmem>>
      %dma_start3A_552 = arith.constant 0 : i32
      %dma_start3A_553 = tpu.memref_slice %arg10[%dma_start3A_552] : memref<1050752xf32, #tpu.memory_space<vmem_shared>> -> memref<1050752xf32, #tpu.memory_space<vmem_shared>>
      tpu.enqueue_indirect_dma source(%arg18 : memref<128xf32, #tpu.memory_space<vmem>>) target(%dma_start3A_553 : memref<1050752xf32, #tpu.memory_space<vmem_shared>>) offsets(%dma_start3A_551 : memref<128xi32, #tpu.memory_space<vmem>>) semaphore(%arg22 : memref<!tpu.dma_semaphore, #tpu.memory_space<semaphore_mem>>) {add = true}
      %add3A_554 = arith.constant 4 : i32
      %add3A_555 = arith.addi %mul3A_525, %add3A_554 : i32
      %dma_start3A_556 = arith.constant 0 : i32
      %dma_start3A_557 = tpu.memref_slice %arg16[%add3A_555, %dma_start3A_556] : memref<65x128xi32, #tpu.memory_space<vmem>> -> memref<1x128xi32, #tpu.memory_space<vmem>>
      %dma_start3A_558 = tpu.memref_squeeze %dma_start3A_557 : memref<1x128xi32, #tpu.memory_space<vmem>> -> memref<128xi32, #tpu.memory_space<vmem>>
      %dma_start3A_559 = arith.constant 0 : i32
      %dma_start3A_560 = tpu.memref_slice %arg10[%dma_start3A_559] : memref<1050752xf32, #tpu.memory_space<vmem_shared>> -> memref<1050752xf32, #tpu.memory_space<vmem_shared>>
      tpu.enqueue_indirect_dma source(%arg18 : memref<128xf32, #tpu.memory_space<vmem>>) target(%dma_start3A_560 : memref<1050752xf32, #tpu.memory_space<vmem_shared>>) offsets(%dma_start3A_558 : memref<128xi32, #tpu.memory_space<vmem>>) semaphore(%arg22 : memref<!tpu.dma_semaphore, #tpu.memory_space<semaphore_mem>>) {add = true}
      %add3A_561 = arith.constant 5 : i32
      %add3A_562 = arith.addi %mul3A_525, %add3A_561 : i32
      %dma_start3A_563 = arith.constant 0 : i32
      %dma_start3A_564 = tpu.memref_slice %arg16[%add3A_562, %dma_start3A_563] : memref<65x128xi32, #tpu.memory_space<vmem>> -> memref<1x128xi32, #tpu.memory_space<vmem>>
      %dma_start3A_565 = tpu.memref_squeeze %dma_start3A_564 : memref<1x128xi32, #tpu.memory_space<vmem>> -> memref<128xi32, #tpu.memory_space<vmem>>
      %dma_start3A_566 = arith.constant 0 : i32
      %dma_start3A_567 = tpu.memref_slice %arg10[%dma_start3A_566] : memref<1050752xf32, #tpu.memory_space<vmem_shared>> -> memref<1050752xf32, #tpu.memory_space<vmem_shared>>
      tpu.enqueue_indirect_dma source(%arg18 : memref<128xf32, #tpu.memory_space<vmem>>) target(%dma_start3A_567 : memref<1050752xf32, #tpu.memory_space<vmem_shared>>) offsets(%dma_start3A_565 : memref<128xi32, #tpu.memory_space<vmem>>) semaphore(%arg22 : memref<!tpu.dma_semaphore, #tpu.memory_space<semaphore_mem>>) {add = true}
      %add3A_568 = arith.constant 6 : i32
      %add3A_569 = arith.addi %mul3A_525, %add3A_568 : i32
      %dma_start3A_570 = arith.constant 0 : i32
      %dma_start3A_571 = tpu.memref_slice %arg16[%add3A_569, %dma_start3A_570] : memref<65x128xi32, #tpu.memory_space<vmem>> -> memref<1x128xi32, #tpu.memory_space<vmem>>
      %dma_start3A_572 = tpu.memref_squeeze %dma_start3A_571 : memref<1x128xi32, #tpu.memory_space<vmem>> -> memref<128xi32, #tpu.memory_space<vmem>>
      %dma_start3A_573 = arith.constant 0 : i32
      %dma_start3A_574 = tpu.memref_slice %arg10[%dma_start3A_573] : memref<1050752xf32, #tpu.memory_space<vmem_shared>> -> memref<1050752xf32, #tpu.memory_space<vmem_shared>>
      tpu.enqueue_indirect_dma source(%arg18 : memref<128xf32, #tpu.memory_space<vmem>>) target(%dma_start3A_574 : memref<1050752xf32, #tpu.memory_space<vmem_shared>>) offsets(%dma_start3A_572 : memref<128xi32, #tpu.memory_space<vmem>>) semaphore(%arg22 : memref<!tpu.dma_semaphore, #tpu.memory_space<semaphore_mem>>) {add = true}
      %add3A_575 = arith.constant 7 : i32
      %add3A_576 = arith.addi %mul3A_525, %add3A_575 : i32
      %dma_start3A_577 = arith.constant 0 : i32
      %dma_start3A_578 = tpu.memref_slice %arg16[%add3A_576, %dma_start3A_577] : memref<65x128xi32, #tpu.memory_space<vmem>> -> memref<1x128xi32, #tpu.memory_space<vmem>>
      %dma_start3A_579 = tpu.memref_squeeze %dma_start3A_578 : memref<1x128xi32, #tpu.memory_space<vmem>> -> memref<128xi32, #tpu.memory_space<vmem>>
      %dma_start3A_580 = arith.constant 0 : i32
      %dma_start3A_581 = tpu.memref_slice %arg10[%dma_start3A_580] : memref<1050752xf32, #tpu.memory_space<vmem_shared>> -> memref<1050752xf32, #tpu.memory_space<vmem_shared>>
      tpu.enqueue_indirect_dma source(%arg18 : memref<128xf32, #tpu.memory_space<vmem>>) target(%dma_start3A_581 : memref<1050752xf32, #tpu.memory_space<vmem_shared>>) offsets(%dma_start3A_579 : memref<128xi32, #tpu.memory_space<vmem>>) semaphore(%arg22 : memref<!tpu.dma_semaphore, #tpu.memory_space<semaphore_mem>>) {add = true}
      %add3A_582 = arith.constant 8 : i32
      %add3A_583 = arith.addi %mul3A_525, %add3A_582 : i32
      %dma_start3A_584 = arith.constant 0 : i32
      %dma_start3A_585 = tpu.memref_slice %arg16[%add3A_583, %dma_start3A_584] : memref<65x128xi32, #tpu.memory_space<vmem>> -> memref<1x128xi32, #tpu.memory_space<vmem>>
      %dma_start3A_586 = tpu.memref_squeeze %dma_start3A_585 : memref<1x128xi32, #tpu.memory_space<vmem>> -> memref<128xi32, #tpu.memory_space<vmem>>
      %dma_start3A_587 = arith.constant 0 : i32
      %dma_start3A_588 = tpu.memref_slice %arg10[%dma_start3A_587] : memref<1050752xf32, #tpu.memory_space<vmem_shared>> -> memref<1050752xf32, #tpu.memory_space<vmem_shared>>
      tpu.enqueue_indirect_dma source(%arg18 : memref<128xf32, #tpu.memory_space<vmem>>) target(%dma_start3A_588 : memref<1050752xf32, #tpu.memory_space<vmem_shared>>) offsets(%dma_start3A_586 : memref<128xi32, #tpu.memory_space<vmem>>) semaphore(%arg22 : memref<!tpu.dma_semaphore, #tpu.memory_space<semaphore_mem>>) {add = true}
      %add3A_589 = arith.constant 9 : i32
      %add3A_590 = arith.addi %mul3A_525, %add3A_589 : i32
      %dma_start3A_591 = arith.constant 0 : i32
      %dma_start3A_592 = tpu.memref_slice %arg16[%add3A_590, %dma_start3A_591] : memref<65x128xi32, #tpu.memory_space<vmem>> -> memref<1x128xi32, #tpu.memory_space<vmem>>
      %dma_start3A_593 = tpu.memref_squeeze %dma_start3A_592 : memref<1x128xi32, #tpu.memory_space<vmem>> -> memref<128xi32, #tpu.memory_space<vmem>>
      %dma_start3A_594 = arith.constant 0 : i32
      %dma_start3A_595 = tpu.memref_slice %arg10[%dma_start3A_594] : memref<1050752xf32, #tpu.memory_space<vmem_shared>> -> memref<1050752xf32, #tpu.memory_space<vmem_shared>>
      tpu.enqueue_indirect_dma source(%arg18 : memref<128xf32, #tpu.memory_space<vmem>>) target(%dma_start3A_595 : memref<1050752xf32, #tpu.memory_space<vmem_shared>>) offsets(%dma_start3A_593 : memref<128xi32, #tpu.memory_space<vmem>>) semaphore(%arg22 : memref<!tpu.dma_semaphore, #tpu.memory_space<semaphore_mem>>) {add = true}
      %add3A_596 = arith.constant 10 : i32
      %add3A_597 = arith.addi %mul3A_525, %add3A_596 : i32
      %dma_start3A_598 = arith.constant 0 : i32
      %dma_start3A_599 = tpu.memref_slice %arg16[%add3A_597, %dma_start3A_598] : memref<65x128xi32, #tpu.memory_space<vmem>> -> memref<1x128xi32, #tpu.memory_space<vmem>>
      %dma_start3A_600 = tpu.memref_squeeze %dma_start3A_599 : memref<1x128xi32, #tpu.memory_space<vmem>> -> memref<128xi32, #tpu.memory_space<vmem>>
      %dma_start3A_601 = arith.constant 0 : i32
      %dma_start3A_602 = tpu.memref_slice %arg10[%dma_start3A_601] : memref<1050752xf32, #tpu.memory_space<vmem_shared>> -> memref<1050752xf32, #tpu.memory_space<vmem_shared>>
      tpu.enqueue_indirect_dma source(%arg18 : memref<128xf32, #tpu.memory_space<vmem>>) target(%dma_start3A_602 : memref<1050752xf32, #tpu.memory_space<vmem_shared>>) offsets(%dma_start3A_600 : memref<128xi32, #tpu.memory_space<vmem>>) semaphore(%arg22 : memref<!tpu.dma_semaphore, #tpu.memory_space<semaphore_mem>>) {add = true}
      %add3A_603 = arith.constant 11 : i32
      %add3A_604 = arith.addi %mul3A_525, %add3A_603 : i32
      %dma_start3A_605 = arith.constant 0 : i32
      %dma_start3A_606 = tpu.memref_slice %arg16[%add3A_604, %dma_start3A_605] : memref<65x128xi32, #tpu.memory_space<vmem>> -> memref<1x128xi32, #tpu.memory_space<vmem>>
      %dma_start3A_607 = tpu.memref_squeeze %dma_start3A_606 : memref<1x128xi32, #tpu.memory_space<vmem>> -> memref<128xi32, #tpu.memory_space<vmem>>
      %dma_start3A_608 = arith.constant 0 : i32
      %dma_start3A_609 = tpu.memref_slice %arg10[%dma_start3A_608] : memref<1050752xf32, #tpu.memory_space<vmem_shared>> -> memref<1050752xf32, #tpu.memory_space<vmem_shared>>
      tpu.enqueue_indirect_dma source(%arg18 : memref<128xf32, #tpu.memory_space<vmem>>) target(%dma_start3A_609 : memref<1050752xf32, #tpu.memory_space<vmem_shared>>) offsets(%dma_start3A_607 : memref<128xi32, #tpu.memory_space<vmem>>) semaphore(%arg22 : memref<!tpu.dma_semaphore, #tpu.memory_space<semaphore_mem>>) {add = true}
      %add3A_610 = arith.constant 12 : i32
      %add3A_611 = arith.addi %mul3A_525, %add3A_610 : i32
      %dma_start3A_612 = arith.constant 0 : i32
      %dma_start3A_613 = tpu.memref_slice %arg16[%add3A_611, %dma_start3A_612] : memref<65x128xi32, #tpu.memory_space<vmem>> -> memref<1x128xi32, #tpu.memory_space<vmem>>
      %dma_start3A_614 = tpu.memref_squeeze %dma_start3A_613 : memref<1x128xi32, #tpu.memory_space<vmem>> -> memref<128xi32, #tpu.memory_space<vmem>>
      %dma_start3A_615 = arith.constant 0 : i32
      %dma_start3A_616 = tpu.memref_slice %arg10[%dma_start3A_615] : memref<1050752xf32, #tpu.memory_space<vmem_shared>> -> memref<1050752xf32, #tpu.memory_space<vmem_shared>>
      tpu.enqueue_indirect_dma source(%arg18 : memref<128xf32, #tpu.memory_space<vmem>>) target(%dma_start3A_616 : memref<1050752xf32, #tpu.memory_space<vmem_shared>>) offsets(%dma_start3A_614 : memref<128xi32, #tpu.memory_space<vmem>>) semaphore(%arg22 : memref<!tpu.dma_semaphore, #tpu.memory_space<semaphore_mem>>) {add = true}
      %add3A_617 = arith.constant 13 : i32
      %add3A_618 = arith.addi %mul3A_525, %add3A_617 : i32
      %dma_start3A_619 = arith.constant 0 : i32
      %dma_start3A_620 = tpu.memref_slice %arg16[%add3A_618, %dma_start3A_619] : memref<65x128xi32, #tpu.memory_space<vmem>> -> memref<1x128xi32, #tpu.memory_space<vmem>>
      %dma_start3A_621 = tpu.memref_squeeze %dma_start3A_620 : memref<1x128xi32, #tpu.memory_space<vmem>> -> memref<128xi32, #tpu.memory_space<vmem>>
      %dma_start3A_622 = arith.constant 0 : i32
      %dma_start3A_623 = tpu.memref_slice %arg10[%dma_start3A_622] : memref<1050752xf32, #tpu.memory_space<vmem_shared>> -> memref<1050752xf32, #tpu.memory_space<vmem_shared>>
      tpu.enqueue_indirect_dma source(%arg18 : memref<128xf32, #tpu.memory_space<vmem>>) target(%dma_start3A_623 : memref<1050752xf32, #tpu.memory_space<vmem_shared>>) offsets(%dma_start3A_621 : memref<128xi32, #tpu.memory_space<vmem>>) semaphore(%arg22 : memref<!tpu.dma_semaphore, #tpu.memory_space<semaphore_mem>>) {add = true}
      %add3A_624 = arith.constant 14 : i32
      %add3A_625 = arith.addi %mul3A_525, %add3A_624 : i32
      %dma_start3A_626 = arith.constant 0 : i32
      %dma_start3A_627 = tpu.memref_slice %arg16[%add3A_625, %dma_start3A_626] : memref<65x128xi32, #tpu.memory_space<vmem>> -> memref<1x128xi32, #tpu.memory_space<vmem>>
      %dma_start3A_628 = tpu.memref_squeeze %dma_start3A_627 : memref<1x128xi32, #tpu.memory_space<vmem>> -> memref<128xi32, #tpu.memory_space<vmem>>
      %dma_start3A_629 = arith.constant 0 : i32
      %dma_start3A_630 = tpu.memref_slice %arg10[%dma_start3A_629] : memref<1050752xf32, #tpu.memory_space<vmem_shared>> -> memref<1050752xf32, #tpu.memory_space<vmem_shared>>
      tpu.enqueue_indirect_dma source(%arg18 : memref<128xf32, #tpu.memory_space<vmem>>) target(%dma_start3A_630 : memref<1050752xf32, #tpu.memory_space<vmem_shared>>) offsets(%dma_start3A_628 : memref<128xi32, #tpu.memory_space<vmem>>) semaphore(%arg22 : memref<!tpu.dma_semaphore, #tpu.memory_space<semaphore_mem>>) {add = true}
      %add3A_631 = arith.constant 15 : i32
      %add3A_632 = arith.addi %mul3A_525, %add3A_631 : i32
      %dma_start3A_633 = arith.constant 0 : i32
      %dma_start3A_634 = tpu.memref_slice %arg16[%add3A_632, %dma_start3A_633] : memref<65x128xi32, #tpu.memory_space<vmem>> -> memref<1x128xi32, #tpu.memory_space<vmem>>
      %dma_start3A_635 = tpu.memref_squeeze %dma_start3A_634 : memref<1x128xi32, #tpu.memory_space<vmem>> -> memref<128xi32, #tpu.memory_space<vmem>>
      %dma_start3A_636 = arith.constant 0 : i32
      %dma_start3A_637 = tpu.memref_slice %arg10[%dma_start3A_636] : memref<1050752xf32, #tpu.memory_space<vmem_shared>> -> memref<1050752xf32, #tpu.memory_space<vmem_shared>>
      tpu.enqueue_indirect_dma source(%arg18 : memref<128xf32, #tpu.memory_space<vmem>>) target(%dma_start3A_637 : memref<1050752xf32, #tpu.memory_space<vmem_shared>>) offsets(%dma_start3A_635 : memref<128xi32, #tpu.memory_space<vmem>>) semaphore(%arg22 : memref<!tpu.dma_semaphore, #tpu.memory_space<semaphore_mem>>) {add = true}
      %dma_wait3A_638 = arith.constant 0 : i32
      %dma_wait3A_639 = arith.constant 0 : i32
      %dma_wait3A_640 = tpu.memref_slice %arg16[%dma_wait3A_638, %dma_wait3A_639] : memref<65x128xi32, #tpu.memory_space<vmem>> -> memref<1x128xi32, #tpu.memory_space<vmem>>
      %dma_wait3A_641 = tpu.memref_squeeze %dma_wait3A_640 : memref<1x128xi32, #tpu.memory_space<vmem>> -> memref<128xi32, #tpu.memory_space<vmem>>
      %dma_wait3A_642 = arith.constant 0 : i32
      %dma_wait3A_643 = tpu.memref_slice %arg10[%dma_wait3A_642] : memref<1050752xf32, #tpu.memory_space<vmem_shared>> -> memref<1050752xf32, #tpu.memory_space<vmem_shared>>
      tpu.wait_indirect_dma semaphore(%arg22 : memref<!tpu.dma_semaphore, #tpu.memory_space<semaphore_mem>>) src(%arg18 : memref<128xf32, #tpu.memory_space<vmem>>) dst(%dma_wait3A_643 : memref<1050752xf32, #tpu.memory_space<vmem_shared>>)
      %dma_wait3A_644 = arith.constant 0 : i32
      %dma_wait3A_645 = arith.constant 0 : i32
      %dma_wait3A_646 = tpu.memref_slice %arg16[%dma_wait3A_644, %dma_wait3A_645] : memref<65x128xi32, #tpu.memory_space<vmem>> -> memref<1x128xi32, #tpu.memory_space<vmem>>
      %dma_wait3A_647 = tpu.memref_squeeze %dma_wait3A_646 : memref<1x128xi32, #tpu.memory_space<vmem>> -> memref<128xi32, #tpu.memory_space<vmem>>
      %dma_wait3A_648 = arith.constant 0 : i32
      %dma_wait3A_649 = tpu.memref_slice %arg10[%dma_wait3A_648] : memref<1050752xf32, #tpu.memory_space<vmem_shared>> -> memref<1050752xf32, #tpu.memory_space<vmem_shared>>
      tpu.wait_indirect_dma semaphore(%arg22 : memref<!tpu.dma_semaphore, #tpu.memory_space<semaphore_mem>>) src(%arg18 : memref<128xf32, #tpu.memory_space<vmem>>) dst(%dma_wait3A_649 : memref<1050752xf32, #tpu.memory_space<vmem_shared>>)
      %dma_wait3A_650 = arith.constant 0 : i32
      %dma_wait3A_651 = arith.constant 0 : i32
      %dma_wait3A_652 = tpu.memref_slice %arg16[%dma_wait3A_650, %dma_wait3A_651] : memref<65x128xi32, #tpu.memory_space<vmem>> -> memref<1x128xi32, #tpu.memory_space<vmem>>
      %dma_wait3A_653 = tpu.memref_squeeze %dma_wait3A_652 : memref<1x128xi32, #tpu.memory_space<vmem>> -> memref<128xi32, #tpu.memory_space<vmem>>
      %dma_wait3A_654 = arith.constant 0 : i32
      %dma_wait3A_655 = tpu.memref_slice %arg10[%dma_wait3A_654] : memref<1050752xf32, #tpu.memory_space<vmem_shared>> -> memref<1050752xf32, #tpu.memory_space<vmem_shared>>
      tpu.wait_indirect_dma semaphore(%arg22 : memref<!tpu.dma_semaphore, #tpu.memory_space<semaphore_mem>>) src(%arg18 : memref<128xf32, #tpu.memory_space<vmem>>) dst(%dma_wait3A_655 : memref<1050752xf32, #tpu.memory_space<vmem_shared>>)
      %dma_wait3A_656 = arith.constant 0 : i32
      %dma_wait3A_657 = arith.constant 0 : i32
      %dma_wait3A_658 = tpu.memref_slice %arg16[%dma_wait3A_656, %dma_wait3A_657] : memref<65x128xi32, #tpu.memory_space<vmem>> -> memref<1x128xi32, #tpu.memory_space<vmem>>
      %dma_wait3A_659 = tpu.memref_squeeze %dma_wait3A_658 : memref<1x128xi32, #tpu.memory_space<vmem>> -> memref<128xi32, #tpu.memory_space<vmem>>
      %dma_wait3A_660 = arith.constant 0 : i32
      %dma_wait3A_661 = tpu.memref_slice %arg10[%dma_wait3A_660] : memref<1050752xf32, #tpu.memory_space<vmem_shared>> -> memref<1050752xf32, #tpu.memory_space<vmem_shared>>
      tpu.wait_indirect_dma semaphore(%arg22 : memref<!tpu.dma_semaphore, #tpu.memory_space<semaphore_mem>>) src(%arg18 : memref<128xf32, #tpu.memory_space<vmem>>) dst(%dma_wait3A_661 : memref<1050752xf32, #tpu.memory_space<vmem_shared>>)
      %dma_wait3A_662 = arith.constant 0 : i32
      %dma_wait3A_663 = arith.constant 0 : i32
      %dma_wait3A_664 = tpu.memref_slice %arg16[%dma_wait3A_662, %dma_wait3A_663] : memref<65x128xi32, #tpu.memory_space<vmem>> -> memref<1x128xi32, #tpu.memory_space<vmem>>
      %dma_wait3A_665 = tpu.memref_squeeze %dma_wait3A_664 : memref<1x128xi32, #tpu.memory_space<vmem>> -> memref<128xi32, #tpu.memory_space<vmem>>
      %dma_wait3A_666 = arith.constant 0 : i32
      %dma_wait3A_667 = tpu.memref_slice %arg10[%dma_wait3A_666] : memref<1050752xf32, #tpu.memory_space<vmem_shared>> -> memref<1050752xf32, #tpu.memory_space<vmem_shared>>
      tpu.wait_indirect_dma semaphore(%arg22 : memref<!tpu.dma_semaphore, #tpu.memory_space<semaphore_mem>>) src(%arg18 : memref<128xf32, #tpu.memory_space<vmem>>) dst(%dma_wait3A_667 : memref<1050752xf32, #tpu.memory_space<vmem_shared>>)
      %dma_wait3A_668 = arith.constant 0 : i32
      %dma_wait3A_669 = arith.constant 0 : i32
      %dma_wait3A_670 = tpu.memref_slice %arg16[%dma_wait3A_668, %dma_wait3A_669] : memref<65x128xi32, #tpu.memory_space<vmem>> -> memref<1x128xi32, #tpu.memory_space<vmem>>
      %dma_wait3A_671 = tpu.memref_squeeze %dma_wait3A_670 : memref<1x128xi32, #tpu.memory_space<vmem>> -> memref<128xi32, #tpu.memory_space<vmem>>
      %dma_wait3A_672 = arith.constant 0 : i32
      %dma_wait3A_673 = tpu.memref_slice %arg10[%dma_wait3A_672] : memref<1050752xf32, #tpu.memory_space<vmem_shared>> -> memref<1050752xf32, #tpu.memory_space<vmem_shared>>
      tpu.wait_indirect_dma semaphore(%arg22 : memref<!tpu.dma_semaphore, #tpu.memory_space<semaphore_mem>>) src(%arg18 : memref<128xf32, #tpu.memory_space<vmem>>) dst(%dma_wait3A_673 : memref<1050752xf32, #tpu.memory_space<vmem_shared>>)
      %dma_wait3A_674 = arith.constant 0 : i32
      %dma_wait3A_675 = arith.constant 0 : i32
      %dma_wait3A_676 = tpu.memref_slice %arg16[%dma_wait3A_674, %dma_wait3A_675] : memref<65x128xi32, #tpu.memory_space<vmem>> -> memref<1x128xi32, #tpu.memory_space<vmem>>
      %dma_wait3A_677 = tpu.memref_squeeze %dma_wait3A_676 : memref<1x128xi32, #tpu.memory_space<vmem>> -> memref<128xi32, #tpu.memory_space<vmem>>
      %dma_wait3A_678 = arith.constant 0 : i32
      %dma_wait3A_679 = tpu.memref_slice %arg10[%dma_wait3A_678] : memref<1050752xf32, #tpu.memory_space<vmem_shared>> -> memref<1050752xf32, #tpu.memory_space<vmem_shared>>
      tpu.wait_indirect_dma semaphore(%arg22 : memref<!tpu.dma_semaphore, #tpu.memory_space<semaphore_mem>>) src(%arg18 : memref<128xf32, #tpu.memory_space<vmem>>) dst(%dma_wait3A_679 : memref<1050752xf32, #tpu.memory_space<vmem_shared>>)
      %dma_wait3A_680 = arith.constant 0 : i32
      %dma_wait3A_681 = arith.constant 0 : i32
      %dma_wait3A_682 = tpu.memref_slice %arg16[%dma_wait3A_680, %dma_wait3A_681] : memref<65x128xi32, #tpu.memory_space<vmem>> -> memref<1x128xi32, #tpu.memory_space<vmem>>
      %dma_wait3A_683 = tpu.memref_squeeze %dma_wait3A_682 : memref<1x128xi32, #tpu.memory_space<vmem>> -> memref<128xi32, #tpu.memory_space<vmem>>
      %dma_wait3A_684 = arith.constant 0 : i32
      %dma_wait3A_685 = tpu.memref_slice %arg10[%dma_wait3A_684] : memref<1050752xf32, #tpu.memory_space<vmem_shared>> -> memref<1050752xf32, #tpu.memory_space<vmem_shared>>
      tpu.wait_indirect_dma semaphore(%arg22 : memref<!tpu.dma_semaphore, #tpu.memory_space<semaphore_mem>>) src(%arg18 : memref<128xf32, #tpu.memory_space<vmem>>) dst(%dma_wait3A_685 : memref<1050752xf32, #tpu.memory_space<vmem_shared>>)
      %dma_wait3A_686 = arith.constant 0 : i32
      %dma_wait3A_687 = arith.constant 0 : i32
      %dma_wait3A_688 = tpu.memref_slice %arg16[%dma_wait3A_686, %dma_wait3A_687] : memref<65x128xi32, #tpu.memory_space<vmem>> -> memref<1x128xi32, #tpu.memory_space<vmem>>
      %dma_wait3A_689 = tpu.memref_squeeze %dma_wait3A_688 : memref<1x128xi32, #tpu.memory_space<vmem>> -> memref<128xi32, #tpu.memory_space<vmem>>
      %dma_wait3A_690 = arith.constant 0 : i32
      %dma_wait3A_691 = tpu.memref_slice %arg10[%dma_wait3A_690] : memref<1050752xf32, #tpu.memory_space<vmem_shared>> -> memref<1050752xf32, #tpu.memory_space<vmem_shared>>
      tpu.wait_indirect_dma semaphore(%arg22 : memref<!tpu.dma_semaphore, #tpu.memory_space<semaphore_mem>>) src(%arg18 : memref<128xf32, #tpu.memory_space<vmem>>) dst(%dma_wait3A_691 : memref<1050752xf32, #tpu.memory_space<vmem_shared>>)
      %dma_wait3A_692 = arith.constant 0 : i32
      %dma_wait3A_693 = arith.constant 0 : i32
      %dma_wait3A_694 = tpu.memref_slice %arg16[%dma_wait3A_692, %dma_wait3A_693] : memref<65x128xi32, #tpu.memory_space<vmem>> -> memref<1x128xi32, #tpu.memory_space<vmem>>
      %dma_wait3A_695 = tpu.memref_squeeze %dma_wait3A_694 : memref<1x128xi32, #tpu.memory_space<vmem>> -> memref<128xi32, #tpu.memory_space<vmem>>
      %dma_wait3A_696 = arith.constant 0 : i32
      %dma_wait3A_697 = tpu.memref_slice %arg10[%dma_wait3A_696] : memref<1050752xf32, #tpu.memory_space<vmem_shared>> -> memref<1050752xf32, #tpu.memory_space<vmem_shared>>
      tpu.wait_indirect_dma semaphore(%arg22 : memref<!tpu.dma_semaphore, #tpu.memory_space<semaphore_mem>>) src(%arg18 : memref<128xf32, #tpu.memory_space<vmem>>) dst(%dma_wait3A_697 : memref<1050752xf32, #tpu.memory_space<vmem_shared>>)
      %dma_wait3A_698 = arith.constant 0 : i32
      %dma_wait3A_699 = arith.constant 0 : i32
      %dma_wait3A_700 = tpu.memref_slice %arg16[%dma_wait3A_698, %dma_wait3A_699] : memref<65x128xi32, #tpu.memory_space<vmem>> -> memref<1x128xi32, #tpu.memory_space<vmem>>
      %dma_wait3A_701 = tpu.memref_squeeze %dma_wait3A_700 : memref<1x128xi32, #tpu.memory_space<vmem>> -> memref<128xi32, #tpu.memory_space<vmem>>
      %dma_wait3A_702 = arith.constant 0 : i32
      %dma_wait3A_703 = tpu.memref_slice %arg10[%dma_wait3A_702] : memref<1050752xf32, #tpu.memory_space<vmem_shared>> -> memref<1050752xf32, #tpu.memory_space<vmem_shared>>
      tpu.wait_indirect_dma semaphore(%arg22 : memref<!tpu.dma_semaphore, #tpu.memory_space<semaphore_mem>>) src(%arg18 : memref<128xf32, #tpu.memory_space<vmem>>) dst(%dma_wait3A_703 : memref<1050752xf32, #tpu.memory_space<vmem_shared>>)
      %dma_wait3A_704 = arith.constant 0 : i32
      %dma_wait3A_705 = arith.constant 0 : i32
      %dma_wait3A_706 = tpu.memref_slice %arg16[%dma_wait3A_704, %dma_wait3A_705] : memref<65x128xi32, #tpu.memory_space<vmem>> -> memref<1x128xi32, #tpu.memory_space<vmem>>
      %dma_wait3A_707 = tpu.memref_squeeze %dma_wait3A_706 : memref<1x128xi32, #tpu.memory_space<vmem>> -> memref<128xi32, #tpu.memory_space<vmem>>
      %dma_wait3A_708 = arith.constant 0 : i32
      %dma_wait3A_709 = tpu.memref_slice %arg10[%dma_wait3A_708] : memref<1050752xf32, #tpu.memory_space<vmem_shared>> -> memref<1050752xf32, #tpu.memory_space<vmem_shared>>
      tpu.wait_indirect_dma semaphore(%arg22 : memref<!tpu.dma_semaphore, #tpu.memory_space<semaphore_mem>>) src(%arg18 : memref<128xf32, #tpu.memory_space<vmem>>) dst(%dma_wait3A_709 : memref<1050752xf32, #tpu.memory_space<vmem_shared>>)
      %dma_wait3A_710 = arith.constant 0 : i32
      %dma_wait3A_711 = arith.constant 0 : i32
      %dma_wait3A_712 = tpu.memref_slice %arg16[%dma_wait3A_710, %dma_wait3A_711] : memref<65x128xi32, #tpu.memory_space<vmem>> -> memref<1x128xi32, #tpu.memory_space<vmem>>
      %dma_wait3A_713 = tpu.memref_squeeze %dma_wait3A_712 : memref<1x128xi32, #tpu.memory_space<vmem>> -> memref<128xi32, #tpu.memory_space<vmem>>
      %dma_wait3A_714 = arith.constant 0 : i32
      %dma_wait3A_715 = tpu.memref_slice %arg10[%dma_wait3A_714] : memref<1050752xf32, #tpu.memory_space<vmem_shared>> -> memref<1050752xf32, #tpu.memory_space<vmem_shared>>
      tpu.wait_indirect_dma semaphore(%arg22 : memref<!tpu.dma_semaphore, #tpu.memory_space<semaphore_mem>>) src(%arg18 : memref<128xf32, #tpu.memory_space<vmem>>) dst(%dma_wait3A_715 : memref<1050752xf32, #tpu.memory_space<vmem_shared>>)
      %dma_wait3A_716 = arith.constant 0 : i32
      %dma_wait3A_717 = arith.constant 0 : i32
      %dma_wait3A_718 = tpu.memref_slice %arg16[%dma_wait3A_716, %dma_wait3A_717] : memref<65x128xi32, #tpu.memory_space<vmem>> -> memref<1x128xi32, #tpu.memory_space<vmem>>
      %dma_wait3A_719 = tpu.memref_squeeze %dma_wait3A_718 : memref<1x128xi32, #tpu.memory_space<vmem>> -> memref<128xi32, #tpu.memory_space<vmem>>
      %dma_wait3A_720 = arith.constant 0 : i32
      %dma_wait3A_721 = tpu.memref_slice %arg10[%dma_wait3A_720] : memref<1050752xf32, #tpu.memory_space<vmem_shared>> -> memref<1050752xf32, #tpu.memory_space<vmem_shared>>
      tpu.wait_indirect_dma semaphore(%arg22 : memref<!tpu.dma_semaphore, #tpu.memory_space<semaphore_mem>>) src(%arg18 : memref<128xf32, #tpu.memory_space<vmem>>) dst(%dma_wait3A_721 : memref<1050752xf32, #tpu.memory_space<vmem_shared>>)
      %dma_wait3A_722 = arith.constant 0 : i32
      %dma_wait3A_723 = arith.constant 0 : i32
      %dma_wait3A_724 = tpu.memref_slice %arg16[%dma_wait3A_722, %dma_wait3A_723] : memref<65x128xi32, #tpu.memory_space<vmem>> -> memref<1x128xi32, #tpu.memory_space<vmem>>
      %dma_wait3A_725 = tpu.memref_squeeze %dma_wait3A_724 : memref<1x128xi32, #tpu.memory_space<vmem>> -> memref<128xi32, #tpu.memory_space<vmem>>
      %dma_wait3A_726 = arith.constant 0 : i32
      %dma_wait3A_727 = tpu.memref_slice %arg10[%dma_wait3A_726] : memref<1050752xf32, #tpu.memory_space<vmem_shared>> -> memref<1050752xf32, #tpu.memory_space<vmem_shared>>
      tpu.wait_indirect_dma semaphore(%arg22 : memref<!tpu.dma_semaphore, #tpu.memory_space<semaphore_mem>>) src(%arg18 : memref<128xf32, #tpu.memory_space<vmem>>) dst(%dma_wait3A_727 : memref<1050752xf32, #tpu.memory_space<vmem_shared>>)
      %dma_wait3A_728 = arith.constant 0 : i32
      %dma_wait3A_729 = arith.constant 0 : i32
      %dma_wait3A_730 = tpu.memref_slice %arg16[%dma_wait3A_728, %dma_wait3A_729] : memref<65x128xi32, #tpu.memory_space<vmem>> -> memref<1x128xi32, #tpu.memory_space<vmem>>
      %dma_wait3A_731 = tpu.memref_squeeze %dma_wait3A_730 : memref<1x128xi32, #tpu.memory_space<vmem>> -> memref<128xi32, #tpu.memory_space<vmem>>
      %dma_wait3A_732 = arith.constant 0 : i32
      %dma_wait3A_733 = tpu.memref_slice %arg10[%dma_wait3A_732] : memref<1050752xf32, #tpu.memory_space<vmem_shared>> -> memref<1050752xf32, #tpu.memory_space<vmem_shared>>
      tpu.wait_indirect_dma semaphore(%arg22 : memref<!tpu.dma_semaphore, #tpu.memory_space<semaphore_mem>>) src(%arg18 : memref<128xf32, #tpu.memory_space<vmem>>) dst(%dma_wait3A_733 : memref<1050752xf32, #tpu.memory_space<vmem_shared>>)
    }
    %scan3A_377 = arith.constant 4 : i32
    "tpu.trace_stop"() : () -> ()
    %barrier3A_378 = arith.constant 0 : index
    tpu.barrier barrier_id(%barrier3A_378)
    "tpu.trace_start"() <{level = 10 : i32, message = "ppi_copyout"}> : () -> ()
    %mul3A_379 = arith.constant 65536 : i32
    %mul3A_380 = arith.muli %arg1, %mul3A_379 : i32
    %add3A_381 = arith.constant 0 : i32
    %add3A_382 = arith.addi %mul3A_380, %add3A_381 : i32
    "tpu.region"() ({
      %run_scoped3A = tpu.sem_alloc : memref<!tpu.dma_semaphore, #tpu.memory_space<semaphore_mem>>
      %dma_start3A_523 = tpu.memref_slice %arg10[%add3A_382] : memref<1050752xf32, #tpu.memory_space<vmem_shared>> -> memref<8192xf32, #tpu.memory_space<vmem_shared>>
      %dma_start3A_524 = tpu.memref_slice %arg10[%add3A_382] : memref<1050752xf32, #tpu.memory_space<vmem_shared>> -> memref<8192xf32, #tpu.memory_space<vmem_shared>>
      tpu.enqueue_dma source(%dma_start3A_524 : memref<8192xf32, #tpu.memory_space<vmem_shared>>) target(%arg20 : memref<8192xf32, #tpu.memory_space<vmem>>) target_semaphore(%run_scoped3A : memref<!tpu.dma_semaphore, #tpu.memory_space<semaphore_mem>>)
      %dma_wait3A_525 = tpu.memref_slice %arg10[%add3A_382] : memref<1050752xf32, #tpu.memory_space<vmem_shared>> -> memref<8192xf32, #tpu.memory_space<vmem_shared>>
      %dma_wait3A_526 = tpu.memref_slice %arg10[%add3A_382] : memref<1050752xf32, #tpu.memory_space<vmem_shared>> -> memref<8192xf32, #tpu.memory_space<vmem_shared>>
      tpu.wait_dma2 semaphore(%run_scoped3A : memref<!tpu.dma_semaphore, #tpu.memory_space<semaphore_mem>>) src(%dma_wait3A_526 : memref<8192xf32, #tpu.memory_space<vmem_shared>>) dst(%arg20 : memref<8192xf32, #tpu.memory_space<vmem>>)
      tpu.yield
    }) : () -> ()
    %add3A_383 = arith.constant 2 : i32
    %add3A_384 = arith.addi %add3A_383, %arg0 : i32
    %mul3A_385 = arith.constant 1048576 : i32
    %mul3A_386 = arith.muli %add3A_384, %mul3A_385 : i32
    %mul3A_387 = arith.constant 65536 : i32
    %mul3A_388 = arith.muli %arg1, %mul3A_387 : i32
    %add3A_389 = arith.addi %mul3A_386, %mul3A_388 : i32
    %add3A_390 = arith.constant 0 : i32
    %add3A_391 = arith.addi %add3A_389, %add3A_390 : i32
    %dma_start3A_392 = tpu.memref_slice %arg9[%add3A_391] : memref<4194304xf32, #tpu.memory_space<hbm>> -> memref<8192xf32, #tpu.memory_space<hbm>>
    %dma_start3A_393 = tpu.memref_slice %arg9[%add3A_391] : memref<4194304xf32, #tpu.memory_space<hbm>> -> memref<8192xf32, #tpu.memory_space<hbm>>
    tpu.enqueue_dma source(%arg20 : memref<8192xf32, #tpu.memory_space<vmem>>) target(%dma_start3A_393 : memref<8192xf32, #tpu.memory_space<hbm>>) target_semaphore(%arg22 : memref<!tpu.dma_semaphore, #tpu.memory_space<semaphore_mem>>)
    %mul3A_394 = arith.constant 65536 : i32
    %mul3A_395 = arith.muli %arg1, %mul3A_394 : i32
    %add3A_396 = arith.constant 8192 : i32
    %add3A_397 = arith.addi %mul3A_395, %add3A_396 : i32
    "tpu.region"() ({
      %run_scoped3A = tpu.sem_alloc : memref<!tpu.dma_semaphore, #tpu.memory_space<semaphore_mem>>
      %dma_start3A_523 = tpu.memref_slice %arg10[%add3A_397] : memref<1050752xf32, #tpu.memory_space<vmem_shared>> -> memref<8192xf32, #tpu.memory_space<vmem_shared>>
      %dma_start3A_524 = tpu.memref_slice %arg10[%add3A_397] : memref<1050752xf32, #tpu.memory_space<vmem_shared>> -> memref<8192xf32, #tpu.memory_space<vmem_shared>>
      tpu.enqueue_dma source(%dma_start3A_524 : memref<8192xf32, #tpu.memory_space<vmem_shared>>) target(%arg21 : memref<8192xf32, #tpu.memory_space<vmem>>) target_semaphore(%run_scoped3A : memref<!tpu.dma_semaphore, #tpu.memory_space<semaphore_mem>>)
      %dma_wait3A_525 = tpu.memref_slice %arg10[%add3A_397] : memref<1050752xf32, #tpu.memory_space<vmem_shared>> -> memref<8192xf32, #tpu.memory_space<vmem_shared>>
      %dma_wait3A_526 = tpu.memref_slice %arg10[%add3A_397] : memref<1050752xf32, #tpu.memory_space<vmem_shared>> -> memref<8192xf32, #tpu.memory_space<vmem_shared>>
      tpu.wait_dma2 semaphore(%run_scoped3A : memref<!tpu.dma_semaphore, #tpu.memory_space<semaphore_mem>>) src(%dma_wait3A_526 : memref<8192xf32, #tpu.memory_space<vmem_shared>>) dst(%arg21 : memref<8192xf32, #tpu.memory_space<vmem>>)
      tpu.yield
    }) : () -> ()
    %add3A_398 = arith.constant 2 : i32
    %add3A_399 = arith.addi %add3A_398, %arg0 : i32
    %mul3A_400 = arith.constant 1048576 : i32
    %mul3A_401 = arith.muli %add3A_399, %mul3A_400 : i32
    %mul3A_402 = arith.constant 65536 : i32
    %mul3A_403 = arith.muli %arg1, %mul3A_402 : i32
    %add3A_404 = arith.addi %mul3A_401, %mul3A_403 : i32
    %add3A_405 = arith.constant 8192 : i32
    %add3A_406 = arith.addi %add3A_404, %add3A_405 : i32
    %dma_start3A_407 = tpu.memref_slice %arg9[%add3A_406] : memref<4194304xf32, #tpu.memory_space<hbm>> -> memref<8192xf32, #tpu.memory_space<hbm>>
    %dma_start3A_408 = tpu.memref_slice %arg9[%add3A_406] : memref<4194304xf32, #tpu.memory_space<hbm>> -> memref<8192xf32, #tpu.memory_space<hbm>>
    tpu.enqueue_dma source(%arg21 : memref<8192xf32, #tpu.memory_space<vmem>>) target(%dma_start3A_408 : memref<8192xf32, #tpu.memory_space<hbm>>) target_semaphore(%arg22 : memref<!tpu.dma_semaphore, #tpu.memory_space<semaphore_mem>>)
    %dma_wait3A_409 = tpu.memref_slice %arg9[%add3A_391] : memref<4194304xf32, #tpu.memory_space<hbm>> -> memref<8192xf32, #tpu.memory_space<hbm>>
    %dma_wait3A_410 = tpu.memref_slice %arg9[%add3A_391] : memref<4194304xf32, #tpu.memory_space<hbm>> -> memref<8192xf32, #tpu.memory_space<hbm>>
    tpu.wait_dma2 semaphore(%arg22 : memref<!tpu.dma_semaphore, #tpu.memory_space<semaphore_mem>>) src(%arg20 : memref<8192xf32, #tpu.memory_space<vmem>>) dst(%dma_wait3A_410 : memref<8192xf32, #tpu.memory_space<hbm>>)
    %mul3A_411 = arith.constant 65536 : i32
    %mul3A_412 = arith.muli %arg1, %mul3A_411 : i32
    %add3A_413 = arith.constant 16384 : i32
    %add3A_414 = arith.addi %mul3A_412, %add3A_413 : i32
    "tpu.region"() ({
      %run_scoped3A = tpu.sem_alloc : memref<!tpu.dma_semaphore, #tpu.memory_space<semaphore_mem>>
      %dma_start3A_523 = tpu.memref_slice %arg10[%add3A_414] : memref<1050752xf32, #tpu.memory_space<vmem_shared>> -> memref<8192xf32, #tpu.memory_space<vmem_shared>>
      %dma_start3A_524 = tpu.memref_slice %arg10[%add3A_414] : memref<1050752xf32, #tpu.memory_space<vmem_shared>> -> memref<8192xf32, #tpu.memory_space<vmem_shared>>
      tpu.enqueue_dma source(%dma_start3A_524 : memref<8192xf32, #tpu.memory_space<vmem_shared>>) target(%arg20 : memref<8192xf32, #tpu.memory_space<vmem>>) target_semaphore(%run_scoped3A : memref<!tpu.dma_semaphore, #tpu.memory_space<semaphore_mem>>)
      %dma_wait3A_525 = tpu.memref_slice %arg10[%add3A_414] : memref<1050752xf32, #tpu.memory_space<vmem_shared>> -> memref<8192xf32, #tpu.memory_space<vmem_shared>>
      %dma_wait3A_526 = tpu.memref_slice %arg10[%add3A_414] : memref<1050752xf32, #tpu.memory_space<vmem_shared>> -> memref<8192xf32, #tpu.memory_space<vmem_shared>>
      tpu.wait_dma2 semaphore(%run_scoped3A : memref<!tpu.dma_semaphore, #tpu.memory_space<semaphore_mem>>) src(%dma_wait3A_526 : memref<8192xf32, #tpu.memory_space<vmem_shared>>) dst(%arg20 : memref<8192xf32, #tpu.memory_space<vmem>>)
      tpu.yield
    }) : () -> ()
    %add3A_415 = arith.constant 2 : i32
    %add3A_416 = arith.addi %add3A_415, %arg0 : i32
    %mul3A_417 = arith.constant 1048576 : i32
    %mul3A_418 = arith.muli %add3A_416, %mul3A_417 : i32
    %mul3A_419 = arith.constant 65536 : i32
    %mul3A_420 = arith.muli %arg1, %mul3A_419 : i32
    %add3A_421 = arith.addi %mul3A_418, %mul3A_420 : i32
    %add3A_422 = arith.constant 16384 : i32
    %add3A_423 = arith.addi %add3A_421, %add3A_422 : i32
    %dma_start3A_424 = tpu.memref_slice %arg9[%add3A_423] : memref<4194304xf32, #tpu.memory_space<hbm>> -> memref<8192xf32, #tpu.memory_space<hbm>>
    %dma_start3A_425 = tpu.memref_slice %arg9[%add3A_423] : memref<4194304xf32, #tpu.memory_space<hbm>> -> memref<8192xf32, #tpu.memory_space<hbm>>
    tpu.enqueue_dma source(%arg20 : memref<8192xf32, #tpu.memory_space<vmem>>) target(%dma_start3A_425 : memref<8192xf32, #tpu.memory_space<hbm>>) target_semaphore(%arg22 : memref<!tpu.dma_semaphore, #tpu.memory_space<semaphore_mem>>)
    %dma_wait3A_426 = tpu.memref_slice %arg9[%add3A_406] : memref<4194304xf32, #tpu.memory_space<hbm>> -> memref<8192xf32, #tpu.memory_space<hbm>>
    %dma_wait3A_427 = tpu.memref_slice %arg9[%add3A_406] : memref<4194304xf32, #tpu.memory_space<hbm>> -> memref<8192xf32, #tpu.memory_space<hbm>>
    tpu.wait_dma2 semaphore(%arg22 : memref<!tpu.dma_semaphore, #tpu.memory_space<semaphore_mem>>) src(%arg21 : memref<8192xf32, #tpu.memory_space<vmem>>) dst(%dma_wait3A_427 : memref<8192xf32, #tpu.memory_space<hbm>>)
    %mul3A_428 = arith.constant 65536 : i32
    %mul3A_429 = arith.muli %arg1, %mul3A_428 : i32
    %add3A_430 = arith.constant 24576 : i32
    %add3A_431 = arith.addi %mul3A_429, %add3A_430 : i32
    "tpu.region"() ({
      %run_scoped3A = tpu.sem_alloc : memref<!tpu.dma_semaphore, #tpu.memory_space<semaphore_mem>>
      %dma_start3A_523 = tpu.memref_slice %arg10[%add3A_431] : memref<1050752xf32, #tpu.memory_space<vmem_shared>> -> memref<8192xf32, #tpu.memory_space<vmem_shared>>
      %dma_start3A_524 = tpu.memref_slice %arg10[%add3A_431] : memref<1050752xf32, #tpu.memory_space<vmem_shared>> -> memref<8192xf32, #tpu.memory_space<vmem_shared>>
      tpu.enqueue_dma source(%dma_start3A_524 : memref<8192xf32, #tpu.memory_space<vmem_shared>>) target(%arg21 : memref<8192xf32, #tpu.memory_space<vmem>>) target_semaphore(%run_scoped3A : memref<!tpu.dma_semaphore, #tpu.memory_space<semaphore_mem>>)
      %dma_wait3A_525 = tpu.memref_slice %arg10[%add3A_431] : memref<1050752xf32, #tpu.memory_space<vmem_shared>> -> memref<8192xf32, #tpu.memory_space<vmem_shared>>
      %dma_wait3A_526 = tpu.memref_slice %arg10[%add3A_431] : memref<1050752xf32, #tpu.memory_space<vmem_shared>> -> memref<8192xf32, #tpu.memory_space<vmem_shared>>
      tpu.wait_dma2 semaphore(%run_scoped3A : memref<!tpu.dma_semaphore, #tpu.memory_space<semaphore_mem>>) src(%dma_wait3A_526 : memref<8192xf32, #tpu.memory_space<vmem_shared>>) dst(%arg21 : memref<8192xf32, #tpu.memory_space<vmem>>)
      tpu.yield
    }) : () -> ()
    %add3A_432 = arith.constant 2 : i32
    %add3A_433 = arith.addi %add3A_432, %arg0 : i32
    %mul3A_434 = arith.constant 1048576 : i32
    %mul3A_435 = arith.muli %add3A_433, %mul3A_434 : i32
    %mul3A_436 = arith.constant 65536 : i32
    %mul3A_437 = arith.muli %arg1, %mul3A_436 : i32
    %add3A_438 = arith.addi %mul3A_435, %mul3A_437 : i32
    %add3A_439 = arith.constant 24576 : i32
    %add3A_440 = arith.addi %add3A_438, %add3A_439 : i32
    %dma_start3A_441 = tpu.memref_slice %arg9[%add3A_440] : memref<4194304xf32, #tpu.memory_space<hbm>> -> memref<8192xf32, #tpu.memory_space<hbm>>
    %dma_start3A_442 = tpu.memref_slice %arg9[%add3A_440] : memref<4194304xf32, #tpu.memory_space<hbm>> -> memref<8192xf32, #tpu.memory_space<hbm>>
    tpu.enqueue_dma source(%arg21 : memref<8192xf32, #tpu.memory_space<vmem>>) target(%dma_start3A_442 : memref<8192xf32, #tpu.memory_space<hbm>>) target_semaphore(%arg22 : memref<!tpu.dma_semaphore, #tpu.memory_space<semaphore_mem>>)
    %dma_wait3A_443 = tpu.memref_slice %arg9[%add3A_423] : memref<4194304xf32, #tpu.memory_space<hbm>> -> memref<8192xf32, #tpu.memory_space<hbm>>
    %dma_wait3A_444 = tpu.memref_slice %arg9[%add3A_423] : memref<4194304xf32, #tpu.memory_space<hbm>> -> memref<8192xf32, #tpu.memory_space<hbm>>
    tpu.wait_dma2 semaphore(%arg22 : memref<!tpu.dma_semaphore, #tpu.memory_space<semaphore_mem>>) src(%arg20 : memref<8192xf32, #tpu.memory_space<vmem>>) dst(%dma_wait3A_444 : memref<8192xf32, #tpu.memory_space<hbm>>)
    %mul3A_445 = arith.constant 65536 : i32
    %mul3A_446 = arith.muli %arg1, %mul3A_445 : i32
    %add3A_447 = arith.constant 32768 : i32
    %add3A_448 = arith.addi %mul3A_446, %add3A_447 : i32
    "tpu.region"() ({
      %run_scoped3A = tpu.sem_alloc : memref<!tpu.dma_semaphore, #tpu.memory_space<semaphore_mem>>
      %dma_start3A_523 = tpu.memref_slice %arg10[%add3A_448] : memref<1050752xf32, #tpu.memory_space<vmem_shared>> -> memref<8192xf32, #tpu.memory_space<vmem_shared>>
      %dma_start3A_524 = tpu.memref_slice %arg10[%add3A_448] : memref<1050752xf32, #tpu.memory_space<vmem_shared>> -> memref<8192xf32, #tpu.memory_space<vmem_shared>>
      tpu.enqueue_dma source(%dma_start3A_524 : memref<8192xf32, #tpu.memory_space<vmem_shared>>) target(%arg20 : memref<8192xf32, #tpu.memory_space<vmem>>) target_semaphore(%run_scoped3A : memref<!tpu.dma_semaphore, #tpu.memory_space<semaphore_mem>>)
      %dma_wait3A_525 = tpu.memref_slice %arg10[%add3A_448] : memref<1050752xf32, #tpu.memory_space<vmem_shared>> -> memref<8192xf32, #tpu.memory_space<vmem_shared>>
      %dma_wait3A_526 = tpu.memref_slice %arg10[%add3A_448] : memref<1050752xf32, #tpu.memory_space<vmem_shared>> -> memref<8192xf32, #tpu.memory_space<vmem_shared>>
      tpu.wait_dma2 semaphore(%run_scoped3A : memref<!tpu.dma_semaphore, #tpu.memory_space<semaphore_mem>>) src(%dma_wait3A_526 : memref<8192xf32, #tpu.memory_space<vmem_shared>>) dst(%arg20 : memref<8192xf32, #tpu.memory_space<vmem>>)
      tpu.yield
    }) : () -> ()
    %add3A_449 = arith.constant 2 : i32
    %add3A_450 = arith.addi %add3A_449, %arg0 : i32
    %mul3A_451 = arith.constant 1048576 : i32
    %mul3A_452 = arith.muli %add3A_450, %mul3A_451 : i32
    %mul3A_453 = arith.constant 65536 : i32
    %mul3A_454 = arith.muli %arg1, %mul3A_453 : i32
    %add3A_455 = arith.addi %mul3A_452, %mul3A_454 : i32
    %add3A_456 = arith.constant 32768 : i32
    %add3A_457 = arith.addi %add3A_455, %add3A_456 : i32
    %dma_start3A_458 = tpu.memref_slice %arg9[%add3A_457] : memref<4194304xf32, #tpu.memory_space<hbm>> -> memref<8192xf32, #tpu.memory_space<hbm>>
    %dma_start3A_459 = tpu.memref_slice %arg9[%add3A_457] : memref<4194304xf32, #tpu.memory_space<hbm>> -> memref<8192xf32, #tpu.memory_space<hbm>>
    tpu.enqueue_dma source(%arg20 : memref<8192xf32, #tpu.memory_space<vmem>>) target(%dma_start3A_459 : memref<8192xf32, #tpu.memory_space<hbm>>) target_semaphore(%arg22 : memref<!tpu.dma_semaphore, #tpu.memory_space<semaphore_mem>>)
    %dma_wait3A_460 = tpu.memref_slice %arg9[%add3A_440] : memref<4194304xf32, #tpu.memory_space<hbm>> -> memref<8192xf32, #tpu.memory_space<hbm>>
    %dma_wait3A_461 = tpu.memref_slice %arg9[%add3A_440] : memref<4194304xf32, #tpu.memory_space<hbm>> -> memref<8192xf32, #tpu.memory_space<hbm>>
    tpu.wait_dma2 semaphore(%arg22 : memref<!tpu.dma_semaphore, #tpu.memory_space<semaphore_mem>>) src(%arg21 : memref<8192xf32, #tpu.memory_space<vmem>>) dst(%dma_wait3A_461 : memref<8192xf32, #tpu.memory_space<hbm>>)
    %mul3A_462 = arith.constant 65536 : i32
    %mul3A_463 = arith.muli %arg1, %mul3A_462 : i32
    %add3A_464 = arith.constant 40960 : i32
    %add3A_465 = arith.addi %mul3A_463, %add3A_464 : i32
    "tpu.region"() ({
      %run_scoped3A = tpu.sem_alloc : memref<!tpu.dma_semaphore, #tpu.memory_space<semaphore_mem>>
      %dma_start3A_523 = tpu.memref_slice %arg10[%add3A_465] : memref<1050752xf32, #tpu.memory_space<vmem_shared>> -> memref<8192xf32, #tpu.memory_space<vmem_shared>>
      %dma_start3A_524 = tpu.memref_slice %arg10[%add3A_465] : memref<1050752xf32, #tpu.memory_space<vmem_shared>> -> memref<8192xf32, #tpu.memory_space<vmem_shared>>
      tpu.enqueue_dma source(%dma_start3A_524 : memref<8192xf32, #tpu.memory_space<vmem_shared>>) target(%arg21 : memref<8192xf32, #tpu.memory_space<vmem>>) target_semaphore(%run_scoped3A : memref<!tpu.dma_semaphore, #tpu.memory_space<semaphore_mem>>)
      %dma_wait3A_525 = tpu.memref_slice %arg10[%add3A_465] : memref<1050752xf32, #tpu.memory_space<vmem_shared>> -> memref<8192xf32, #tpu.memory_space<vmem_shared>>
      %dma_wait3A_526 = tpu.memref_slice %arg10[%add3A_465] : memref<1050752xf32, #tpu.memory_space<vmem_shared>> -> memref<8192xf32, #tpu.memory_space<vmem_shared>>
      tpu.wait_dma2 semaphore(%run_scoped3A : memref<!tpu.dma_semaphore, #tpu.memory_space<semaphore_mem>>) src(%dma_wait3A_526 : memref<8192xf32, #tpu.memory_space<vmem_shared>>) dst(%arg21 : memref<8192xf32, #tpu.memory_space<vmem>>)
      tpu.yield
    }) : () -> ()
    %add3A_466 = arith.constant 2 : i32
    %add3A_467 = arith.addi %add3A_466, %arg0 : i32
    %mul3A_468 = arith.constant 1048576 : i32
    %mul3A_469 = arith.muli %add3A_467, %mul3A_468 : i32
    %mul3A_470 = arith.constant 65536 : i32
    %mul3A_471 = arith.muli %arg1, %mul3A_470 : i32
    %add3A_472 = arith.addi %mul3A_469, %mul3A_471 : i32
    %add3A_473 = arith.constant 40960 : i32
    %add3A_474 = arith.addi %add3A_472, %add3A_473 : i32
    %dma_start3A_475 = tpu.memref_slice %arg9[%add3A_474] : memref<4194304xf32, #tpu.memory_space<hbm>> -> memref<8192xf32, #tpu.memory_space<hbm>>
    %dma_start3A_476 = tpu.memref_slice %arg9[%add3A_474] : memref<4194304xf32, #tpu.memory_space<hbm>> -> memref<8192xf32, #tpu.memory_space<hbm>>
    tpu.enqueue_dma source(%arg21 : memref<8192xf32, #tpu.memory_space<vmem>>) target(%dma_start3A_476 : memref<8192xf32, #tpu.memory_space<hbm>>) target_semaphore(%arg22 : memref<!tpu.dma_semaphore, #tpu.memory_space<semaphore_mem>>)
    %dma_wait3A_477 = tpu.memref_slice %arg9[%add3A_457] : memref<4194304xf32, #tpu.memory_space<hbm>> -> memref<8192xf32, #tpu.memory_space<hbm>>
    %dma_wait3A_478 = tpu.memref_slice %arg9[%add3A_457] : memref<4194304xf32, #tpu.memory_space<hbm>> -> memref<8192xf32, #tpu.memory_space<hbm>>
    tpu.wait_dma2 semaphore(%arg22 : memref<!tpu.dma_semaphore, #tpu.memory_space<semaphore_mem>>) src(%arg20 : memref<8192xf32, #tpu.memory_space<vmem>>) dst(%dma_wait3A_478 : memref<8192xf32, #tpu.memory_space<hbm>>)
    %mul3A_479 = arith.constant 65536 : i32
    %mul3A_480 = arith.muli %arg1, %mul3A_479 : i32
    %add3A_481 = arith.constant 49152 : i32
    %add3A_482 = arith.addi %mul3A_480, %add3A_481 : i32
    "tpu.region"() ({
      %run_scoped3A = tpu.sem_alloc : memref<!tpu.dma_semaphore, #tpu.memory_space<semaphore_mem>>
      %dma_start3A_523 = tpu.memref_slice %arg10[%add3A_482] : memref<1050752xf32, #tpu.memory_space<vmem_shared>> -> memref<8192xf32, #tpu.memory_space<vmem_shared>>
      %dma_start3A_524 = tpu.memref_slice %arg10[%add3A_482] : memref<1050752xf32, #tpu.memory_space<vmem_shared>> -> memref<8192xf32, #tpu.memory_space<vmem_shared>>
      tpu.enqueue_dma source(%dma_start3A_524 : memref<8192xf32, #tpu.memory_space<vmem_shared>>) target(%arg20 : memref<8192xf32, #tpu.memory_space<vmem>>) target_semaphore(%run_scoped3A : memref<!tpu.dma_semaphore, #tpu.memory_space<semaphore_mem>>)
      %dma_wait3A_525 = tpu.memref_slice %arg10[%add3A_482] : memref<1050752xf32, #tpu.memory_space<vmem_shared>> -> memref<8192xf32, #tpu.memory_space<vmem_shared>>
      %dma_wait3A_526 = tpu.memref_slice %arg10[%add3A_482] : memref<1050752xf32, #tpu.memory_space<vmem_shared>> -> memref<8192xf32, #tpu.memory_space<vmem_shared>>
      tpu.wait_dma2 semaphore(%run_scoped3A : memref<!tpu.dma_semaphore, #tpu.memory_space<semaphore_mem>>) src(%dma_wait3A_526 : memref<8192xf32, #tpu.memory_space<vmem_shared>>) dst(%arg20 : memref<8192xf32, #tpu.memory_space<vmem>>)
      tpu.yield
    }) : () -> ()
    %add3A_483 = arith.constant 2 : i32
    %add3A_484 = arith.addi %add3A_483, %arg0 : i32
    %mul3A_485 = arith.constant 1048576 : i32
    %mul3A_486 = arith.muli %add3A_484, %mul3A_485 : i32
    %mul3A_487 = arith.constant 65536 : i32
    %mul3A_488 = arith.muli %arg1, %mul3A_487 : i32
    %add3A_489 = arith.addi %mul3A_486, %mul3A_488 : i32
    %add3A_490 = arith.constant 49152 : i32
    %add3A_491 = arith.addi %add3A_489, %add3A_490 : i32
    %dma_start3A_492 = tpu.memref_slice %arg9[%add3A_491] : memref<4194304xf32, #tpu.memory_space<hbm>> -> memref<8192xf32, #tpu.memory_space<hbm>>
    %dma_start3A_493 = tpu.memref_slice %arg9[%add3A_491] : memref<4194304xf32, #tpu.memory_space<hbm>> -> memref<8192xf32, #tpu.memory_space<hbm>>
    tpu.enqueue_dma source(%arg20 : memref<8192xf32, #tpu.memory_space<vmem>>) target(%dma_start3A_493 : memref<8192xf32, #tpu.memory_space<hbm>>) target_semaphore(%arg22 : memref<!tpu.dma_semaphore, #tpu.memory_space<semaphore_mem>>)
    %dma_wait3A_494 = tpu.memref_slice %arg9[%add3A_474] : memref<4194304xf32, #tpu.memory_space<hbm>> -> memref<8192xf32, #tpu.memory_space<hbm>>
    %dma_wait3A_495 = tpu.memref_slice %arg9[%add3A_474] : memref<4194304xf32, #tpu.memory_space<hbm>> -> memref<8192xf32, #tpu.memory_space<hbm>>
    tpu.wait_dma2 semaphore(%arg22 : memref<!tpu.dma_semaphore, #tpu.memory_space<semaphore_mem>>) src(%arg21 : memref<8192xf32, #tpu.memory_space<vmem>>) dst(%dma_wait3A_495 : memref<8192xf32, #tpu.memory_space<hbm>>)
    %mul3A_496 = arith.constant 65536 : i32
    %mul3A_497 = arith.muli %arg1, %mul3A_496 : i32
    %add3A_498 = arith.constant 57344 : i32
    %add3A_499 = arith.addi %mul3A_497, %add3A_498 : i32
    "tpu.region"() ({
      %run_scoped3A = tpu.sem_alloc : memref<!tpu.dma_semaphore, #tpu.memory_space<semaphore_mem>>
      %dma_start3A_523 = tpu.memref_slice %arg10[%add3A_499] : memref<1050752xf32, #tpu.memory_space<vmem_shared>> -> memref<8192xf32, #tpu.memory_space<vmem_shared>>
      %dma_start3A_524 = tpu.memref_slice %arg10[%add3A_499] : memref<1050752xf32, #tpu.memory_space<vmem_shared>> -> memref<8192xf32, #tpu.memory_space<vmem_shared>>
      tpu.enqueue_dma source(%dma_start3A_524 : memref<8192xf32, #tpu.memory_space<vmem_shared>>) target(%arg21 : memref<8192xf32, #tpu.memory_space<vmem>>) target_semaphore(%run_scoped3A : memref<!tpu.dma_semaphore, #tpu.memory_space<semaphore_mem>>)
      %dma_wait3A_525 = tpu.memref_slice %arg10[%add3A_499] : memref<1050752xf32, #tpu.memory_space<vmem_shared>> -> memref<8192xf32, #tpu.memory_space<vmem_shared>>
      %dma_wait3A_526 = tpu.memref_slice %arg10[%add3A_499] : memref<1050752xf32, #tpu.memory_space<vmem_shared>> -> memref<8192xf32, #tpu.memory_space<vmem_shared>>
      tpu.wait_dma2 semaphore(%run_scoped3A : memref<!tpu.dma_semaphore, #tpu.memory_space<semaphore_mem>>) src(%dma_wait3A_526 : memref<8192xf32, #tpu.memory_space<vmem_shared>>) dst(%arg21 : memref<8192xf32, #tpu.memory_space<vmem>>)
      tpu.yield
    }) : () -> ()
    %add3A_500 = arith.constant 2 : i32
    %add3A_501 = arith.addi %add3A_500, %arg0 : i32
    %mul3A_502 = arith.constant 1048576 : i32
    %mul3A_503 = arith.muli %add3A_501, %mul3A_502 : i32
    %mul3A_504 = arith.constant 65536 : i32
    %mul3A_505 = arith.muli %arg1, %mul3A_504 : i32
    %add3A_506 = arith.addi %mul3A_503, %mul3A_505 : i32
    %add3A_507 = arith.constant 57344 : i32
    %add3A_508 = arith.addi %add3A_506, %add3A_507 : i32
    %dma_start3A_509 = tpu.memref_slice %arg9[%add3A_508] : memref<4194304xf32, #tpu.memory_space<hbm>> -> memref<8192xf32, #tpu.memory_space<hbm>>
    %dma_start3A_510 = tpu.memref_slice %arg9[%add3A_508] : memref<4194304xf32, #tpu.memory_space<hbm>> -> memref<8192xf32, #tpu.memory_space<hbm>>
    tpu.enqueue_dma source(%arg21 : memref<8192xf32, #tpu.memory_space<vmem>>) target(%dma_start3A_510 : memref<8192xf32, #tpu.memory_space<hbm>>) target_semaphore(%arg22 : memref<!tpu.dma_semaphore, #tpu.memory_space<semaphore_mem>>)
    %dma_wait3A_511 = tpu.memref_slice %arg9[%add3A_491] : memref<4194304xf32, #tpu.memory_space<hbm>> -> memref<8192xf32, #tpu.memory_space<hbm>>
    %dma_wait3A_512 = tpu.memref_slice %arg9[%add3A_491] : memref<4194304xf32, #tpu.memory_space<hbm>> -> memref<8192xf32, #tpu.memory_space<hbm>>
    tpu.wait_dma2 semaphore(%arg22 : memref<!tpu.dma_semaphore, #tpu.memory_space<semaphore_mem>>) src(%arg20 : memref<8192xf32, #tpu.memory_space<vmem>>) dst(%dma_wait3A_512 : memref<8192xf32, #tpu.memory_space<hbm>>)
    %dma_wait3A_513 = tpu.memref_slice %arg9[%add3A_508] : memref<4194304xf32, #tpu.memory_space<hbm>> -> memref<8192xf32, #tpu.memory_space<hbm>>
    %dma_wait3A_514 = tpu.memref_slice %arg9[%add3A_508] : memref<4194304xf32, #tpu.memory_space<hbm>> -> memref<8192xf32, #tpu.memory_space<hbm>>
    tpu.wait_dma2 semaphore(%arg22 : memref<!tpu.dma_semaphore, #tpu.memory_space<semaphore_mem>>) src(%arg21 : memref<8192xf32, #tpu.memory_space<vmem>>) dst(%dma_wait3A_514 : memref<8192xf32, #tpu.memory_space<hbm>>)
    "tpu.trace_stop"() : () -> ()
    %barrier3A_515 = arith.constant 0 : index
    tpu.barrier barrier_id(%barrier3A_515)
    "tpu.trace_start"() <{level = 10 : i32, message = "knn_copyout"}> : () -> ()
    %mul3A_516 = arith.constant 8192 : i32
    %mul3A_517 = arith.muli %arg1, %mul3A_516 : i32
    "tpu.region"() ({
      %run_scoped3A = tpu.sem_alloc : memref<!tpu.dma_semaphore, #tpu.memory_space<semaphore_mem>>
      %dma_start3A_523 = tpu.memref_slice %arg11[%mul3A_517] : memref<131712xf32, #tpu.memory_space<vmem_shared>> -> memref<8192xf32, #tpu.memory_space<vmem_shared>>
      %dma_start3A_524 = tpu.memref_slice %arg11[%mul3A_517] : memref<131712xf32, #tpu.memory_space<vmem_shared>> -> memref<8192xf32, #tpu.memory_space<vmem_shared>>
      tpu.enqueue_dma source(%dma_start3A_524 : memref<8192xf32, #tpu.memory_space<vmem_shared>>) target(%arg20 : memref<8192xf32, #tpu.memory_space<vmem>>) target_semaphore(%run_scoped3A : memref<!tpu.dma_semaphore, #tpu.memory_space<semaphore_mem>>)
      %dma_wait3A_525 = tpu.memref_slice %arg11[%mul3A_517] : memref<131712xf32, #tpu.memory_space<vmem_shared>> -> memref<8192xf32, #tpu.memory_space<vmem_shared>>
      %dma_wait3A_526 = tpu.memref_slice %arg11[%mul3A_517] : memref<131712xf32, #tpu.memory_space<vmem_shared>> -> memref<8192xf32, #tpu.memory_space<vmem_shared>>
      tpu.wait_dma2 semaphore(%run_scoped3A : memref<!tpu.dma_semaphore, #tpu.memory_space<semaphore_mem>>) src(%dma_wait3A_526 : memref<8192xf32, #tpu.memory_space<vmem_shared>>) dst(%arg20 : memref<8192xf32, #tpu.memory_space<vmem>>)
      tpu.yield
    }) : () -> ()
    %mul3A_518 = arith.constant 131072 : i32
    %mul3A_519 = arith.muli %arg0, %mul3A_518 : i32
    %mul3A_520 = arith.constant 8192 : i32
    %mul3A_521 = arith.muli %arg1, %mul3A_520 : i32
    %add3A_522 = arith.addi %mul3A_519, %mul3A_521 : i32
    "tpu.region"() ({
      %run_scoped3A = tpu.sem_alloc : memref<!tpu.dma_semaphore, #tpu.memory_space<semaphore_mem>>
      %dma_start3A_523 = tpu.memref_slice %arg8[%add3A_522] : memref<262144xf32, #tpu.memory_space<hbm>> -> memref<8192xf32, #tpu.memory_space<hbm>>
      %dma_start3A_524 = tpu.memref_slice %arg8[%add3A_522] : memref<262144xf32, #tpu.memory_space<hbm>> -> memref<8192xf32, #tpu.memory_space<hbm>>
      tpu.enqueue_dma source(%arg20 : memref<8192xf32, #tpu.memory_space<vmem>>) target(%dma_start3A_524 : memref<8192xf32, #tpu.memory_space<hbm>>) target_semaphore(%run_scoped3A : memref<!tpu.dma_semaphore, #tpu.memory_space<semaphore_mem>>)
      %dma_wait3A_525 = tpu.memref_slice %arg8[%add3A_522] : memref<262144xf32, #tpu.memory_space<hbm>> -> memref<8192xf32, #tpu.memory_space<hbm>>
      %dma_wait3A_526 = tpu.memref_slice %arg8[%add3A_522] : memref<262144xf32, #tpu.memory_space<hbm>> -> memref<8192xf32, #tpu.memory_space<hbm>>
      tpu.wait_dma2 semaphore(%run_scoped3A : memref<!tpu.dma_semaphore, #tpu.memory_space<semaphore_mem>>) src(%arg20 : memref<8192xf32, #tpu.memory_space<vmem>>) dst(%dma_wait3A_526 : memref<8192xf32, #tpu.memory_space<hbm>>)
      tpu.yield
    }) : () -> ()
    "tpu.trace_stop"() : () -> ()
    return
  }
}

module attributes {stable_mosaic.version = 14 : i64} {
  func.func @_cols_kernel(%arg0: i32, %arg1: memref<2048x512xf32, #tpu.memory_space<vmem>>, %arg2: memref<512x512xf32, #tpu.memory_space<vmem>>, %arg3: memref<1x512x2048xf32, #tpu.memory_space<vmem>>, %arg4: memref<1x512x2048xf32, #tpu.memory_space<vmem>>, %arg5: memref<1x512x1xf32, #tpu.memory_space<vmem>>, %arg6: memref<512x512xf32, #tpu.memory_space<vmem>>, %arg7: memref<2048x512xbf16, #tpu.memory_space<vmem>>, %arg8: memref<2048x512xbf16, #tpu.memory_space<vmem>>) attributes {dimension_semantics = [#tpu.dimension_semantics<arbitrary>], iteration_bounds = array<i64: 4>, scalar_prefetch = 0 : i64, scratch_operands = 2 : i64, tpu.core_type = #tpu.core_type<tc>, window_params = [{pipeline_mode = #tpu.pipeline_mode<synchronous>, transform_indices = @transform_0, window_bounds = array<i64: 2048, 512>}, {pipeline_mode = #tpu.pipeline_mode<synchronous>, transform_indices = @transform_1, window_bounds = array<i64: 512, 512>}, {transform_indices = @transform_2, window_bounds = array<i64: 1, 512, 2048>}, {transform_indices = @transform_3, window_bounds = array<i64: 1, 512, 2048>}, {transform_indices = @transform_4, window_bounds = array<i64: 1, 512, 1>}, {transform_indices = @transform_5, window_bounds = array<i64: 512, 512>}]} {
    %eq3A = arith.constant 0 : i32
    %eq3A_0 = arith.cmpi eq, %arg0, %eq3A : i32
    %convert_element_type3A = arith.extui %eq3A_0 : i1 to i32
    %cond3A = arith.constant 0 : i32
    %cond3A_1 = arith.cmpi ne, %convert_element_type3A, %cond3A : i32
    scf.if %cond3A_1 {
      %get3A_35 = arith.constant 0 : index
      %get3A_36 = arith.constant 0 : index
      %get3A_37 = vector.load %arg1[%get3A_35, %get3A_36] : memref<2048x512xf32, #tpu.memory_space<vmem>>, vector<2048x512xf32>
      %convert_element_type3A_38 = arith.truncf %get3A_37 : vector<2048x512xf32> to vector<2048x512xbf16>
      %swap3A_39 = arith.constant 0 : index
      %swap3A_40 = arith.constant 0 : index
      %swap3A_41 = vector.load %arg8[%swap3A_39, %swap3A_40] : memref<2048x512xbf16, #tpu.memory_space<vmem>>, vector<2048x512xbf16>
      tpu.vector_store %arg8[%swap3A_39, %swap3A_40], %convert_element_type3A_38 {strides = array<i32>} : memref<2048x512xbf16, #tpu.memory_space<vmem>>, vector<2048x512xbf16>,
      %get3A_42 = arith.constant 0 : index
      %get3A_43 = arith.constant 0 : index
      %get3A_44 = vector.load %arg2[%get3A_42, %get3A_43] : memref<512x512xf32, #tpu.memory_space<vmem>>, vector<512x512xf32>
      %reduce_sum3A = arith.constant dense<0.000000e+00> : vector<512xf32>
      %reduce_sum3A_45 = vector.multi_reduction <add>, %get3A_44, %reduce_sum3A [0] : vector<512x512xf32> to vector<512xf32>
      %broadcast_in_dim3A = vector.shape_cast %reduce_sum3A_45 : vector<512xf32> to vector<1x512xf32>
      %max3A = arith.constant 1.000000e+00 : f32
      %max3A_46 = vector.broadcast %max3A : f32 to vector<1x512xf32>
      %max3A_47 = arith.maximumf %broadcast_in_dim3A, %max3A_46 : vector<1x512xf32>
      %div3A = arith.constant 1.000000e+00 : f32
      %div3A_48 = vector.broadcast %div3A : f32 to vector<1x512xf32>
      %div3A_49 = arith.divf %div3A_48, %max3A_47 : vector<1x512xf32>
      %get3A_50 = arith.constant 0 : index
      %get3A_51 = arith.constant 0 : index
      %get3A_52 = vector.load %arg2[%get3A_50, %get3A_51] : memref<512x512xf32, #tpu.memory_space<vmem>>, vector<512x512xf32>
      %convert_element_type3A_53 = arith.truncf %get3A_52 : vector<512x512xf32> to vector<512x512xbf16>
      %dot_general3A_54 = arith.constant dense<0.000000e+00> : vector<2048x512xf32>
      %dot_general3A_55 = tpu.matmul %convert_element_type3A_38, %convert_element_type3A_53, %dot_general3A_54 {dimension_numbers = #tpu.dot_dimension_numbers<[1], [0], [0], [1], [0, 0, 1, 1], [], []>, transpose_lhs_hint = false} : vector<2048x512xbf16>, vector<512x512xbf16>, vector<2048x512xf32> -> vector<2048x512xf32>
      %mul3A_56 = vector.broadcast %div3A_49 : vector<1x512xf32> to vector<2048x512xf32>
      %mul3A_57 = arith.mulf %dot_general3A_55, %mul3A_56 : vector<2048x512xf32>
      %convert_element_type3A_58 = arith.truncf %mul3A_57 : vector<2048x512xf32> to vector<2048x512xbf16>
      %swap3A_59 = arith.constant 0 : index
      %swap3A_60 = arith.constant 0 : index
      %swap3A_61 = vector.load %arg7[%swap3A_59, %swap3A_60] : memref<2048x512xbf16, #tpu.memory_space<vmem>>, vector<2048x512xbf16>
      tpu.vector_store %arg7[%swap3A_59, %swap3A_60], %convert_element_type3A_58 {strides = array<i32>} : memref<2048x512xbf16, #tpu.memory_space<vmem>>, vector<2048x512xbf16>,
    } else {
    }
    %get3A = arith.constant 0 : index
    %get3A_2 = arith.constant 0 : index
    %get3A_3 = arith.constant 0 : index
    %get3A_4 = vector.load %arg3[%get3A, %get3A_2, %get3A_3] : memref<1x512x2048xf32, #tpu.memory_space<vmem>>, vector<1x512x2048xf32>
    %get3A_5 = vector.shape_cast %get3A_4 : vector<1x512x2048xf32> to vector<512x2048xf32>
    %convert_element_type3A_6 = arith.truncf %get3A_5 : vector<512x2048xf32> to vector<512x2048xbf16>
    %get3A_7 = arith.constant 0 : index
    %get3A_8 = arith.constant 0 : index
    %get3A_9 = vector.load %arg7[%get3A_7, %get3A_8] : memref<2048x512xbf16, #tpu.memory_space<vmem>>, vector<2048x512xbf16>
    %dot_general3A = arith.constant dense<0.000000e+00> : vector<512x512xf32>
    %dot_general3A_10 = tpu.matmul %convert_element_type3A_6, %get3A_9, %dot_general3A {dimension_numbers = #tpu.dot_dimension_numbers<[1], [0], [0], [1], [0, 0, 1, 1], [], []>, transpose_lhs_hint = false} : vector<512x2048xbf16>, vector<2048x512xbf16>, vector<512x512xf32> -> vector<512x512xf32>
    %get3A_11 = arith.constant 0 : index
    %get3A_12 = arith.constant 0 : index
    %get3A_13 = arith.constant 0 : index
    %get3A_14 = vector.load %arg4[%get3A_11, %get3A_12, %get3A_13] : memref<1x512x2048xf32, #tpu.memory_space<vmem>>, vector<1x512x2048xf32>
    %get3A_15 = vector.shape_cast %get3A_14 : vector<1x512x2048xf32> to vector<512x2048xf32>
    %convert_element_type3A_16 = arith.truncf %get3A_15 : vector<512x2048xf32> to vector<512x2048xbf16>
    %get3A_17 = arith.constant 0 : index
    %get3A_18 = arith.constant 0 : index
    %get3A_19 = vector.load %arg8[%get3A_17, %get3A_18] : memref<2048x512xbf16, #tpu.memory_space<vmem>>, vector<2048x512xbf16>
    %dot_general3A_20 = arith.constant dense<0.000000e+00> : vector<512x512xf32>
    %dot_general3A_21 = tpu.matmul %convert_element_type3A_16, %get3A_19, %dot_general3A_20 {dimension_numbers = #tpu.dot_dimension_numbers<[1], [0], [0], [1], [0, 0, 1, 1], [], []>, transpose_lhs_hint = false} : vector<512x2048xbf16>, vector<2048x512xbf16>, vector<512x512xf32> -> vector<512x512xf32>
    %add3A = arith.addf %dot_general3A_10, %dot_general3A_21 : vector<512x512xf32>
    %get3A_22 = arith.constant 0 : index
    %get3A_23 = arith.constant 0 : index
    %get3A_24 = arith.constant 0 : index
    %get3A_25 = vector.load %arg5[%get3A_22, %get3A_23, %get3A_24] : memref<1x512x1xf32, #tpu.memory_space<vmem>>, vector<1x512x1xf32>
    %get3A_26 = vector.shape_cast %get3A_25 : vector<1x512x1xf32> to vector<512x1xf32>
    %add3A_27 = vector.broadcast %get3A_26 : vector<512x1xf32> to vector<512x512xf32>
    %add3A_28 = arith.addf %add3A, %add3A_27 : vector<512x512xf32>
    %ge3A = arith.constant 0.000000e+00 : f32
    %ge3A_29 = vector.broadcast %ge3A : f32 to vector<512x512xf32>
    %ge3A_30 = arith.cmpf oge, %add3A_28, %ge3A_29 : vector<512x512xf32>
    %mul3A = arith.constant 0.00999999977 : f32
    %mul3A_31 = vector.broadcast %mul3A : f32 to vector<512x512xf32>
    %mul3A_32 = arith.mulf %mul3A_31, %add3A_28 : vector<512x512xf32>
    %select_n3A = arith.select %ge3A_30, %add3A_28, %mul3A_32 : vector<512x512xi1>, vector<512x512xf32>
    %swap3A = arith.constant 0 : index
    %swap3A_33 = arith.constant 0 : index
    %swap3A_34 = vector.load %arg6[%swap3A, %swap3A_33] : memref<512x512xf32, #tpu.memory_space<vmem>>, vector<512x512xf32>
    tpu.vector_store %arg6[%swap3A, %swap3A_33], %select_n3A {strides = array<i32>} : memref<512x512xf32, #tpu.memory_space<vmem>>, vector<512x512xf32>,
    return
  }
  func.func @transform_0(%arg0: i32) -> (i32, i32) {
    %c0_i32 = arith.constant 0 : i32
    %c0_i32_0 = arith.constant 0 : i32
    %c0_i32_1 = arith.constant 0 : i32
    return %c0_i32, %c0_i32_0 : i32, i32
  }
  func.func @transform_1(%arg0: i32) -> (i32, i32) {
    %c0_i32 = arith.constant 0 : i32
    %c0_i32_0 = arith.constant 0 : i32
    %c0_i32_1 = arith.constant 0 : i32
    return %c0_i32, %c0_i32_0 : i32, i32
  }
  func.func @transform_2(%arg0: i32) -> (i32, i32, i32) {
    %c0_i32 = arith.constant 0 : i32
    %c0_i32_0 = arith.constant 0 : i32
    %c0_i32_1 = arith.constant 0 : i32
    return %c0_i32, %arg0, %c0_i32_0 : i32, i32, i32
  }
  func.func @transform_3(%arg0: i32) -> (i32, i32, i32) {
    %c0_i32 = arith.constant 0 : i32
    %c0_i32_0 = arith.constant 0 : i32
    %c0_i32_1 = arith.constant 0 : i32
    return %c0_i32, %arg0, %c0_i32_0 : i32, i32, i32
  }
  func.func @transform_4(%arg0: i32) -> (i32, i32, i32) {
    %c0_i32 = arith.constant 0 : i32
    %c0_i32_0 = arith.constant 0 : i32
    %c0_i32_1 = arith.constant 0 : i32
    return %c0_i32, %arg0, %c0_i32_0 : i32, i32, i32
  }
  func.func @transform_5(%arg0: i32) -> (i32, i32) {
    %c0_i32 = arith.constant 0 : i32
    %c0_i32_0 = arith.constant 0 : i32
    return %arg0, %c0_i32 : i32, i32
  }
}

module attributes {stable_mosaic.version = 14 : i64} {
  func.func @_rows_kernel(%arg0: i32, %arg1: memref<512x2048xbf16, #tpu.memory_space<vmem>>, %arg2: memref<2048x512xf32, #tpu.memory_space<vmem>>, %arg3: memref<1x512x512xf32, #tpu.memory_space<vmem>>, %arg4: memref<1x512x512xf32, #tpu.memory_space<vmem>>, %arg5: memref<1x1x512xf32, #tpu.memory_space<vmem>>, %arg6: memref<512x512xf32, #tpu.memory_space<vmem>>, %arg7: memref<2048x512xbf16, #tpu.memory_space<vmem>>) attributes {dimension_semantics = [#tpu.dimension_semantics<arbitrary>], iteration_bounds = array<i64: 4>, scalar_prefetch = 0 : i64, scratch_operands = 1 : i64, tpu.core_type = #tpu.core_type<tc>, window_params = [{transform_indices = @transform_0, window_bounds = array<i64: 512, 2048>}, {pipeline_mode = #tpu.pipeline_mode<synchronous>, transform_indices = @transform_1, window_bounds = array<i64: 2048, 512>}, {transform_indices = @transform_2, window_bounds = array<i64: 1, 512, 512>}, {transform_indices = @transform_3, window_bounds = array<i64: 1, 512, 512>}, {transform_indices = @transform_4, window_bounds = array<i64: 1, 1, 512>}, {transform_indices = @transform_5, window_bounds = array<i64: 512, 512>}]} {
    %eq3A = arith.constant 0 : i32
    %eq3A_0 = arith.cmpi eq, %arg0, %eq3A : i32
    %convert_element_type3A = arith.extui %eq3A_0 : i1 to i32
    %cond3A = arith.constant 0 : i32
    %cond3A_1 = arith.cmpi ne, %convert_element_type3A, %cond3A : i32
    scf.if %cond3A_1 {
      %get3A_51 = arith.constant 0 : index
      %get3A_52 = arith.constant 0 : index
      %get3A_53 = vector.load %arg2[%get3A_51, %get3A_52] : memref<2048x512xf32, #tpu.memory_space<vmem>>, vector<2048x512xf32>
      %convert_element_type3A_54 = arith.truncf %get3A_53 : vector<2048x512xf32> to vector<2048x512xbf16>
      %swap3A_55 = arith.constant 0 : index
      %swap3A_56 = arith.constant 0 : index
      %swap3A_57 = vector.load %arg7[%swap3A_55, %swap3A_56] : memref<2048x512xbf16, #tpu.memory_space<vmem>>, vector<2048x512xbf16>
      tpu.vector_store %arg7[%swap3A_55, %swap3A_56], %convert_element_type3A_54 {strides = array<i32>} : memref<2048x512xbf16, #tpu.memory_space<vmem>>, vector<2048x512xbf16>,
    } else {
    }
    %get3A = arith.constant 0 : index
    %get3A_2 = arith.constant 0 : index
    %get3A_3 = vector.load %arg1[%get3A, %get3A_2] : memref<512x2048xbf16, #tpu.memory_space<vmem>>, vector<512x2048xbf16>
    %get3A_4 = arith.constant 0 : index
    %get3A_5 = arith.constant 0 : index
    %get3A_6 = vector.load %arg7[%get3A_4, %get3A_5] : memref<2048x512xbf16, #tpu.memory_space<vmem>>, vector<2048x512xbf16>
    %dot_general3A = arith.constant dense<0.000000e+00> : vector<512x512xf32>
    %dot_general3A_7 = tpu.matmul %get3A_3, %get3A_6, %dot_general3A {dimension_numbers = #tpu.dot_dimension_numbers<[1], [0], [0], [1], [0, 0, 1, 1], [], []>, transpose_lhs_hint = false} : vector<512x2048xbf16>, vector<2048x512xbf16>, vector<512x512xf32> -> vector<512x512xf32>
    %convert_element_type3A_8 = arith.extf %get3A_3 : vector<512x2048xbf16> to vector<512x2048xf32>
    %reduce_sum3A = arith.constant dense<0.000000e+00> : vector<512xf32>
    %reduce_sum3A_9 = vector.multi_reduction <add>, %convert_element_type3A_8, %reduce_sum3A [1] : vector<512x2048xf32> to vector<512xf32>
    %broadcast_in_dim3A = vector.shape_cast %reduce_sum3A_9 : vector<512xf32> to vector<512x1xf32>
    %max3A = arith.constant 1.000000e+00 : f32
    %max3A_10 = vector.broadcast %max3A : f32 to vector<512x1xf32>
    %max3A_11 = arith.maximumf %broadcast_in_dim3A, %max3A_10 : vector<512x1xf32>
    %div3A = arith.constant 1.000000e+00 : f32
    %div3A_12 = vector.broadcast %div3A : f32 to vector<512x1xf32>
    %div3A_13 = arith.divf %div3A_12, %max3A_11 : vector<512x1xf32>
    %mul3A = vector.broadcast %div3A_13 : vector<512x1xf32> to vector<512x512xf32>
    %mul3A_14 = arith.mulf %dot_general3A_7, %mul3A : vector<512x512xf32>
    %convert_element_type3A_15 = arith.truncf %mul3A_14 : vector<512x512xf32> to vector<512x512xbf16>
    %mul3A_16 = arith.constant 512 : i32
    %mul3A_17 = arith.muli %arg0, %mul3A_16 : i32
    %get3A_18 = arith.index_cast %mul3A_17 : i32 to index
    %get3A_19 = arith.constant 0 : index
    %get3A_20 = vector.load %arg7[%get3A_18, %get3A_19] : memref<2048x512xbf16, #tpu.memory_space<vmem>>, vector<512x512xbf16>
    %get3A_21 = arith.constant 0 : index
    %get3A_22 = arith.constant 0 : index
    %get3A_23 = arith.constant 0 : index
    %get3A_24 = vector.load %arg3[%get3A_21, %get3A_22, %get3A_23] : memref<1x512x512xf32, #tpu.memory_space<vmem>>, vector<1x512x512xf32>
    %get3A_25 = vector.shape_cast %get3A_24 : vector<1x512x512xf32> to vector<512x512xf32>
    %convert_element_type3A_26 = arith.truncf %get3A_25 : vector<512x512xf32> to vector<512x512xbf16>
    %dot_general3A_27 = arith.constant dense<0.000000e+00> : vector<512x512xf32>
    %dot_general3A_28 = tpu.matmul %convert_element_type3A_15, %convert_element_type3A_26, %dot_general3A_27 {dimension_numbers = #tpu.dot_dimension_numbers<[1], [1], [0], [0], [0, 0, 1, 0], [], []>, transpose_lhs_hint = false} : vector<512x512xbf16>, vector<512x512xbf16>, vector<512x512xf32> -> vector<512x512xf32>
    %get3A_29 = arith.constant 0 : index
    %get3A_30 = arith.constant 0 : index
    %get3A_31 = arith.constant 0 : index
    %get3A_32 = vector.load %arg4[%get3A_29, %get3A_30, %get3A_31] : memref<1x512x512xf32, #tpu.memory_space<vmem>>, vector<1x512x512xf32>
    %get3A_33 = vector.shape_cast %get3A_32 : vector<1x512x512xf32> to vector<512x512xf32>
    %convert_element_type3A_34 = arith.truncf %get3A_33 : vector<512x512xf32> to vector<512x512xbf16>
    %dot_general3A_35 = arith.constant dense<0.000000e+00> : vector<512x512xf32>
    %dot_general3A_36 = tpu.matmul %get3A_20, %convert_element_type3A_34, %dot_general3A_35 {dimension_numbers = #tpu.dot_dimension_numbers<[1], [1], [0], [0], [0, 0, 1, 0], [], []>, transpose_lhs_hint = false} : vector<512x512xbf16>, vector<512x512xbf16>, vector<512x512xf32> -> vector<512x512xf32>
    %add3A = arith.addf %dot_general3A_28, %dot_general3A_36 : vector<512x512xf32>
    %get3A_37 = arith.constant 0 : index
    %get3A_38 = arith.constant 0 : index
    %get3A_39 = arith.constant 0 : index
    %get3A_40 = vector.load %arg5[%get3A_37, %get3A_38, %get3A_39] : memref<1x1x512xf32, #tpu.memory_space<vmem>>, vector<1x1x512xf32>
    %get3A_41 = vector.shape_cast %get3A_40 : vector<1x1x512xf32> to vector<1x512xf32>
    %add3A_42 = vector.broadcast %get3A_41 : vector<1x512xf32> to vector<512x512xf32>
    %add3A_43 = arith.addf %add3A, %add3A_42 : vector<512x512xf32>
    %ge3A = arith.constant 0.000000e+00 : f32
    %ge3A_44 = vector.broadcast %ge3A : f32 to vector<512x512xf32>
    %ge3A_45 = arith.cmpf oge, %add3A_43, %ge3A_44 : vector<512x512xf32>
    %mul3A_46 = arith.constant 0.00999999977 : f32
    %mul3A_47 = vector.broadcast %mul3A_46 : f32 to vector<512x512xf32>
    %mul3A_48 = arith.mulf %mul3A_47, %add3A_43 : vector<512x512xf32>
    %select_n3A = arith.select %ge3A_45, %add3A_43, %mul3A_48 : vector<512x512xi1>, vector<512x512xf32>
    %swap3A = arith.constant 0 : index
    %swap3A_49 = arith.constant 0 : index
    %swap3A_50 = vector.load %arg6[%swap3A, %swap3A_49] : memref<512x512xf32, #tpu.memory_space<vmem>>, vector<512x512xf32>
    tpu.vector_store %arg6[%swap3A, %swap3A_49], %select_n3A {strides = array<i32>} : memref<512x512xf32, #tpu.memory_space<vmem>>, vector<512x512xf32>,
    return
  }
  func.func @transform_0(%arg0: i32) -> (i32, i32) {
    %c0_i32 = arith.constant 0 : i32
    %c0_i32_0 = arith.constant 0 : i32
    return %arg0, %c0_i32 : i32, i32
  }
  func.func @transform_1(%arg0: i32) -> (i32, i32) {
    %c0_i32 = arith.constant 0 : i32
    %c0_i32_0 = arith.constant 0 : i32
    %c0_i32_1 = arith.constant 0 : i32
    return %c0_i32, %c0_i32_0 : i32, i32
  }
  func.func @transform_2(%arg0: i32) -> (i32, i32, i32) {
    %c0_i32 = arith.constant 0 : i32
    %c0_i32_0 = arith.constant 0 : i32
    %c0_i32_1 = arith.constant 0 : i32
    %c0_i32_2 = arith.constant 0 : i32
    return %c0_i32, %c0_i32_0, %c0_i32_1 : i32, i32, i32
  }
  func.func @transform_3(%arg0: i32) -> (i32, i32, i32) {
    %c0_i32 = arith.constant 0 : i32
    %c0_i32_0 = arith.constant 0 : i32
    %c0_i32_1 = arith.constant 0 : i32
    %c0_i32_2 = arith.constant 0 : i32
    return %c0_i32, %c0_i32_0, %c0_i32_1 : i32, i32, i32
  }
  func.func @transform_4(%arg0: i32) -> (i32, i32, i32) {
    %c0_i32 = arith.constant 0 : i32
    %c0_i32_0 = arith.constant 0 : i32
    %c0_i32_1 = arith.constant 0 : i32
    %c0_i32_2 = arith.constant 0 : i32
    return %c0_i32, %c0_i32_0, %c0_i32_1 : i32, i32, i32
  }
  func.func @transform_5(%arg0: i32) -> (i32, i32) {
    %c0_i32 = arith.constant 0 : i32
    %c0_i32_0 = arith.constant 0 : i32
    return %arg0, %c0_i32 : i32, i32
  }
}

module attributes {stable_mosaic.version = 14 : i64} {
  func.func @_cols_kernel(%arg0: i32, %arg1: memref<2048x512xf32, #tpu.memory_space<vmem>>, %arg2: memref<512x512xf32, #tpu.memory_space<vmem>>, %arg3: memref<1x512x2048xf32, #tpu.memory_space<vmem>>, %arg4: memref<1x512x2048xf32, #tpu.memory_space<vmem>>, %arg5: memref<1x512x1xf32, #tpu.memory_space<vmem>>, %arg6: memref<512x512xf32, #tpu.memory_space<vmem>>, %arg7: memref<2048x512xbf16, #tpu.memory_space<vmem>>, %arg8: memref<2048x512xbf16, #tpu.memory_space<vmem>>) attributes {dimension_semantics = [#tpu.dimension_semantics<arbitrary>], iteration_bounds = array<i64: 4>, scalar_prefetch = 0 : i64, scratch_operands = 2 : i64, tpu.core_type = #tpu.core_type<tc>, window_params = [{pipeline_mode = #tpu.pipeline_mode<synchronous>, transform_indices = @transform_0, window_bounds = array<i64: 2048, 512>}, {pipeline_mode = #tpu.pipeline_mode<synchronous>, transform_indices = @transform_1, window_bounds = array<i64: 512, 512>}, {transform_indices = @transform_2, window_bounds = array<i64: 1, 512, 2048>}, {transform_indices = @transform_3, window_bounds = array<i64: 1, 512, 2048>}, {transform_indices = @transform_4, window_bounds = array<i64: 1, 512, 1>}, {transform_indices = @transform_5, window_bounds = array<i64: 512, 512>}]} {
    %eq3A = arith.constant 0 : i32
    %eq3A_0 = arith.cmpi eq, %arg0, %eq3A : i32
    %convert_element_type3A = arith.extui %eq3A_0 : i1 to i32
    %cond3A = arith.constant 0 : i32
    %cond3A_1 = arith.cmpi ne, %convert_element_type3A, %cond3A : i32
    scf.if %cond3A_1 {
      %get3A_35 = arith.constant 0 : index
      %get3A_36 = arith.constant 0 : index
      %get3A_37 = vector.load %arg1[%get3A_35, %get3A_36] : memref<2048x512xf32, #tpu.memory_space<vmem>>, vector<2048x512xf32>
      %convert_element_type3A_38 = arith.truncf %get3A_37 : vector<2048x512xf32> to vector<2048x512xbf16>
      %swap3A_39 = arith.constant 0 : index
      %swap3A_40 = arith.constant 0 : index
      %swap3A_41 = vector.load %arg8[%swap3A_39, %swap3A_40] : memref<2048x512xbf16, #tpu.memory_space<vmem>>, vector<2048x512xbf16>
      tpu.vector_store %arg8[%swap3A_39, %swap3A_40], %convert_element_type3A_38 {strides = array<i32>} : memref<2048x512xbf16, #tpu.memory_space<vmem>>, vector<2048x512xbf16>,
      %get3A_42 = arith.constant 0 : index
      %get3A_43 = arith.constant 0 : index
      %get3A_44 = vector.load %arg2[%get3A_42, %get3A_43] : memref<512x512xf32, #tpu.memory_space<vmem>>, vector<512x512xf32>
      %reduce_sum3A = arith.constant dense<0.000000e+00> : vector<512xf32>
      %reduce_sum3A_45 = vector.multi_reduction <add>, %get3A_44, %reduce_sum3A [0] : vector<512x512xf32> to vector<512xf32>
      %broadcast_in_dim3A = vector.shape_cast %reduce_sum3A_45 : vector<512xf32> to vector<1x512xf32>
      %max3A = arith.constant 1.000000e+00 : f32
      %max3A_46 = vector.broadcast %max3A : f32 to vector<1x512xf32>
      %max3A_47 = arith.maximumf %broadcast_in_dim3A, %max3A_46 : vector<1x512xf32>
      %div3A = arith.constant 1.000000e+00 : f32
      %div3A_48 = vector.broadcast %div3A : f32 to vector<1x512xf32>
      %div3A_49 = arith.divf %div3A_48, %max3A_47 : vector<1x512xf32>
      %get3A_50 = arith.constant 0 : index
      %get3A_51 = arith.constant 0 : index
      %get3A_52 = vector.load %arg2[%get3A_50, %get3A_51] : memref<512x512xf32, #tpu.memory_space<vmem>>, vector<512x512xf32>
      %convert_element_type3A_53 = arith.truncf %get3A_52 : vector<512x512xf32> to vector<512x512xbf16>
      %dot_general3A_54 = arith.constant dense<0.000000e+00> : vector<2048x512xf32>
      %dot_general3A_55 = tpu.matmul %convert_element_type3A_38, %convert_element_type3A_53, %dot_general3A_54 {dimension_numbers = #tpu.dot_dimension_numbers<[1], [0], [0], [1], [0, 0, 1, 1], [], []>, transpose_lhs_hint = false} : vector<2048x512xbf16>, vector<512x512xbf16>, vector<2048x512xf32> -> vector<2048x512xf32>
      %mul3A_56 = vector.broadcast %div3A_49 : vector<1x512xf32> to vector<2048x512xf32>
      %mul3A_57 = arith.mulf %dot_general3A_55, %mul3A_56 : vector<2048x512xf32>
      %convert_element_type3A_58 = arith.truncf %mul3A_57 : vector<2048x512xf32> to vector<2048x512xbf16>
      %swap3A_59 = arith.constant 0 : index
      %swap3A_60 = arith.constant 0 : index
      %swap3A_61 = vector.load %arg7[%swap3A_59, %swap3A_60] : memref<2048x512xbf16, #tpu.memory_space<vmem>>, vector<2048x512xbf16>
      tpu.vector_store %arg7[%swap3A_59, %swap3A_60], %convert_element_type3A_58 {strides = array<i32>} : memref<2048x512xbf16, #tpu.memory_space<vmem>>, vector<2048x512xbf16>,
    } else {
    }
    %get3A = arith.constant 0 : index
    %get3A_2 = arith.constant 0 : index
    %get3A_3 = arith.constant 0 : index
    %get3A_4 = vector.load %arg3[%get3A, %get3A_2, %get3A_3] : memref<1x512x2048xf32, #tpu.memory_space<vmem>>, vector<1x512x2048xf32>
    %get3A_5 = vector.shape_cast %get3A_4 : vector<1x512x2048xf32> to vector<512x2048xf32>
    %convert_element_type3A_6 = arith.truncf %get3A_5 : vector<512x2048xf32> to vector<512x2048xbf16>
    %get3A_7 = arith.constant 0 : index
    %get3A_8 = arith.constant 0 : index
    %get3A_9 = vector.load %arg7[%get3A_7, %get3A_8] : memref<2048x512xbf16, #tpu.memory_space<vmem>>, vector<2048x512xbf16>
    %dot_general3A = arith.constant dense<0.000000e+00> : vector<512x512xf32>
    %dot_general3A_10 = tpu.matmul %convert_element_type3A_6, %get3A_9, %dot_general3A {dimension_numbers = #tpu.dot_dimension_numbers<[1], [0], [0], [1], [0, 0, 1, 1], [], []>, transpose_lhs_hint = false} : vector<512x2048xbf16>, vector<2048x512xbf16>, vector<512x512xf32> -> vector<512x512xf32>
    %get3A_11 = arith.constant 0 : index
    %get3A_12 = arith.constant 0 : index
    %get3A_13 = arith.constant 0 : index
    %get3A_14 = vector.load %arg4[%get3A_11, %get3A_12, %get3A_13] : memref<1x512x2048xf32, #tpu.memory_space<vmem>>, vector<1x512x2048xf32>
    %get3A_15 = vector.shape_cast %get3A_14 : vector<1x512x2048xf32> to vector<512x2048xf32>
    %convert_element_type3A_16 = arith.truncf %get3A_15 : vector<512x2048xf32> to vector<512x2048xbf16>
    %get3A_17 = arith.constant 0 : index
    %get3A_18 = arith.constant 0 : index
    %get3A_19 = vector.load %arg8[%get3A_17, %get3A_18] : memref<2048x512xbf16, #tpu.memory_space<vmem>>, vector<2048x512xbf16>
    %dot_general3A_20 = arith.constant dense<0.000000e+00> : vector<512x512xf32>
    %dot_general3A_21 = tpu.matmul %convert_element_type3A_16, %get3A_19, %dot_general3A_20 {dimension_numbers = #tpu.dot_dimension_numbers<[1], [0], [0], [1], [0, 0, 1, 1], [], []>, transpose_lhs_hint = false} : vector<512x2048xbf16>, vector<2048x512xbf16>, vector<512x512xf32> -> vector<512x512xf32>
    %add3A = arith.addf %dot_general3A_10, %dot_general3A_21 : vector<512x512xf32>
    %get3A_22 = arith.constant 0 : index
    %get3A_23 = arith.constant 0 : index
    %get3A_24 = arith.constant 0 : index
    %get3A_25 = vector.load %arg5[%get3A_22, %get3A_23, %get3A_24] : memref<1x512x1xf32, #tpu.memory_space<vmem>>, vector<1x512x1xf32>
    %get3A_26 = vector.shape_cast %get3A_25 : vector<1x512x1xf32> to vector<512x1xf32>
    %add3A_27 = vector.broadcast %get3A_26 : vector<512x1xf32> to vector<512x512xf32>
    %add3A_28 = arith.addf %add3A, %add3A_27 : vector<512x512xf32>
    %ge3A = arith.constant 0.000000e+00 : f32
    %ge3A_29 = vector.broadcast %ge3A : f32 to vector<512x512xf32>
    %ge3A_30 = arith.cmpf oge, %add3A_28, %ge3A_29 : vector<512x512xf32>
    %mul3A = arith.constant 0.00999999977 : f32
    %mul3A_31 = vector.broadcast %mul3A : f32 to vector<512x512xf32>
    %mul3A_32 = arith.mulf %mul3A_31, %add3A_28 : vector<512x512xf32>
    %select_n3A = arith.select %ge3A_30, %add3A_28, %mul3A_32 : vector<512x512xi1>, vector<512x512xf32>
    %swap3A = arith.constant 0 : index
    %swap3A_33 = arith.constant 0 : index
    %swap3A_34 = vector.load %arg6[%swap3A, %swap3A_33] : memref<512x512xf32, #tpu.memory_space<vmem>>, vector<512x512xf32>
    tpu.vector_store %arg6[%swap3A, %swap3A_33], %select_n3A {strides = array<i32>} : memref<512x512xf32, #tpu.memory_space<vmem>>, vector<512x512xf32>,
    return
  }
  func.func @transform_0(%arg0: i32) -> (i32, i32) {
    %c0_i32 = arith.constant 0 : i32
    %c0_i32_0 = arith.constant 0 : i32
    %c0_i32_1 = arith.constant 0 : i32
    return %c0_i32, %c0_i32_0 : i32, i32
  }
  func.func @transform_1(%arg0: i32) -> (i32, i32) {
    %c0_i32 = arith.constant 0 : i32
    %c0_i32_0 = arith.constant 0 : i32
    %c0_i32_1 = arith.constant 0 : i32
    return %c0_i32, %c0_i32_0 : i32, i32
  }
  func.func @transform_2(%arg0: i32) -> (i32, i32, i32) {
    %c1_i32 = arith.constant 1 : i32
    %c0_i32 = arith.constant 0 : i32
    %c0_i32_0 = arith.constant 0 : i32
    return %c1_i32, %arg0, %c0_i32 : i32, i32, i32
  }
  func.func @transform_3(%arg0: i32) -> (i32, i32, i32) {
    %c1_i32 = arith.constant 1 : i32
    %c0_i32 = arith.constant 0 : i32
    %c0_i32_0 = arith.constant 0 : i32
    return %c1_i32, %arg0, %c0_i32 : i32, i32, i32
  }
  func.func @transform_4(%arg0: i32) -> (i32, i32, i32) {
    %c1_i32 = arith.constant 1 : i32
    %c0_i32 = arith.constant 0 : i32
    %c0_i32_0 = arith.constant 0 : i32
    return %c1_i32, %arg0, %c0_i32 : i32, i32, i32
  }
  func.func @transform_5(%arg0: i32) -> (i32, i32) {
    %c0_i32 = arith.constant 0 : i32
    %c0_i32_0 = arith.constant 0 : i32
    return %arg0, %c0_i32 : i32, i32
  }
}

module attributes {stable_mosaic.version = 14 : i64} {
  func.func @_rows_kernel(%arg0: i32, %arg1: memref<512x2048xbf16, #tpu.memory_space<vmem>>, %arg2: memref<2048x512xf32, #tpu.memory_space<vmem>>, %arg3: memref<1x512x512xf32, #tpu.memory_space<vmem>>, %arg4: memref<1x512x512xf32, #tpu.memory_space<vmem>>, %arg5: memref<1x1x512xf32, #tpu.memory_space<vmem>>, %arg6: memref<512x512xf32, #tpu.memory_space<vmem>>, %arg7: memref<2048x512xbf16, #tpu.memory_space<vmem>>) attributes {dimension_semantics = [#tpu.dimension_semantics<arbitrary>], iteration_bounds = array<i64: 4>, scalar_prefetch = 0 : i64, scratch_operands = 1 : i64, tpu.core_type = #tpu.core_type<tc>, window_params = [{transform_indices = @transform_0, window_bounds = array<i64: 512, 2048>}, {pipeline_mode = #tpu.pipeline_mode<synchronous>, transform_indices = @transform_1, window_bounds = array<i64: 2048, 512>}, {transform_indices = @transform_2, window_bounds = array<i64: 1, 512, 512>}, {transform_indices = @transform_3, window_bounds = array<i64: 1, 512, 512>}, {transform_indices = @transform_4, window_bounds = array<i64: 1, 1, 512>}, {transform_indices = @transform_5, window_bounds = array<i64: 512, 512>}]} {
    %eq3A = arith.constant 0 : i32
    %eq3A_0 = arith.cmpi eq, %arg0, %eq3A : i32
    %convert_element_type3A = arith.extui %eq3A_0 : i1 to i32
    %cond3A = arith.constant 0 : i32
    %cond3A_1 = arith.cmpi ne, %convert_element_type3A, %cond3A : i32
    scf.if %cond3A_1 {
      %get3A_51 = arith.constant 0 : index
      %get3A_52 = arith.constant 0 : index
      %get3A_53 = vector.load %arg2[%get3A_51, %get3A_52] : memref<2048x512xf32, #tpu.memory_space<vmem>>, vector<2048x512xf32>
      %convert_element_type3A_54 = arith.truncf %get3A_53 : vector<2048x512xf32> to vector<2048x512xbf16>
      %swap3A_55 = arith.constant 0 : index
      %swap3A_56 = arith.constant 0 : index
      %swap3A_57 = vector.load %arg7[%swap3A_55, %swap3A_56] : memref<2048x512xbf16, #tpu.memory_space<vmem>>, vector<2048x512xbf16>
      tpu.vector_store %arg7[%swap3A_55, %swap3A_56], %convert_element_type3A_54 {strides = array<i32>} : memref<2048x512xbf16, #tpu.memory_space<vmem>>, vector<2048x512xbf16>,
    } else {
    }
    %get3A = arith.constant 0 : index
    %get3A_2 = arith.constant 0 : index
    %get3A_3 = vector.load %arg1[%get3A, %get3A_2] : memref<512x2048xbf16, #tpu.memory_space<vmem>>, vector<512x2048xbf16>
    %get3A_4 = arith.constant 0 : index
    %get3A_5 = arith.constant 0 : index
    %get3A_6 = vector.load %arg7[%get3A_4, %get3A_5] : memref<2048x512xbf16, #tpu.memory_space<vmem>>, vector<2048x512xbf16>
    %dot_general3A = arith.constant dense<0.000000e+00> : vector<512x512xf32>
    %dot_general3A_7 = tpu.matmul %get3A_3, %get3A_6, %dot_general3A {dimension_numbers = #tpu.dot_dimension_numbers<[1], [0], [0], [1], [0, 0, 1, 1], [], []>, transpose_lhs_hint = false} : vector<512x2048xbf16>, vector<2048x512xbf16>, vector<512x512xf32> -> vector<512x512xf32>
    %convert_element_type3A_8 = arith.extf %get3A_3 : vector<512x2048xbf16> to vector<512x2048xf32>
    %reduce_sum3A = arith.constant dense<0.000000e+00> : vector<512xf32>
    %reduce_sum3A_9 = vector.multi_reduction <add>, %convert_element_type3A_8, %reduce_sum3A [1] : vector<512x2048xf32> to vector<512xf32>
    %broadcast_in_dim3A = vector.shape_cast %reduce_sum3A_9 : vector<512xf32> to vector<512x1xf32>
    %max3A = arith.constant 1.000000e+00 : f32
    %max3A_10 = vector.broadcast %max3A : f32 to vector<512x1xf32>
    %max3A_11 = arith.maximumf %broadcast_in_dim3A, %max3A_10 : vector<512x1xf32>
    %div3A = arith.constant 1.000000e+00 : f32
    %div3A_12 = vector.broadcast %div3A : f32 to vector<512x1xf32>
    %div3A_13 = arith.divf %div3A_12, %max3A_11 : vector<512x1xf32>
    %mul3A = vector.broadcast %div3A_13 : vector<512x1xf32> to vector<512x512xf32>
    %mul3A_14 = arith.mulf %dot_general3A_7, %mul3A : vector<512x512xf32>
    %convert_element_type3A_15 = arith.truncf %mul3A_14 : vector<512x512xf32> to vector<512x512xbf16>
    %mul3A_16 = arith.constant 512 : i32
    %mul3A_17 = arith.muli %arg0, %mul3A_16 : i32
    %get3A_18 = arith.index_cast %mul3A_17 : i32 to index
    %get3A_19 = arith.constant 0 : index
    %get3A_20 = vector.load %arg7[%get3A_18, %get3A_19] : memref<2048x512xbf16, #tpu.memory_space<vmem>>, vector<512x512xbf16>
    %get3A_21 = arith.constant 0 : index
    %get3A_22 = arith.constant 0 : index
    %get3A_23 = arith.constant 0 : index
    %get3A_24 = vector.load %arg3[%get3A_21, %get3A_22, %get3A_23] : memref<1x512x512xf32, #tpu.memory_space<vmem>>, vector<1x512x512xf32>
    %get3A_25 = vector.shape_cast %get3A_24 : vector<1x512x512xf32> to vector<512x512xf32>
    %convert_element_type3A_26 = arith.truncf %get3A_25 : vector<512x512xf32> to vector<512x512xbf16>
    %dot_general3A_27 = arith.constant dense<0.000000e+00> : vector<512x512xf32>
    %dot_general3A_28 = tpu.matmul %convert_element_type3A_15, %convert_element_type3A_26, %dot_general3A_27 {dimension_numbers = #tpu.dot_dimension_numbers<[1], [1], [0], [0], [0, 0, 1, 0], [], []>, transpose_lhs_hint = false} : vector<512x512xbf16>, vector<512x512xbf16>, vector<512x512xf32> -> vector<512x512xf32>
    %get3A_29 = arith.constant 0 : index
    %get3A_30 = arith.constant 0 : index
    %get3A_31 = arith.constant 0 : index
    %get3A_32 = vector.load %arg4[%get3A_29, %get3A_30, %get3A_31] : memref<1x512x512xf32, #tpu.memory_space<vmem>>, vector<1x512x512xf32>
    %get3A_33 = vector.shape_cast %get3A_32 : vector<1x512x512xf32> to vector<512x512xf32>
    %convert_element_type3A_34 = arith.truncf %get3A_33 : vector<512x512xf32> to vector<512x512xbf16>
    %dot_general3A_35 = arith.constant dense<0.000000e+00> : vector<512x512xf32>
    %dot_general3A_36 = tpu.matmul %get3A_20, %convert_element_type3A_34, %dot_general3A_35 {dimension_numbers = #tpu.dot_dimension_numbers<[1], [1], [0], [0], [0, 0, 1, 0], [], []>, transpose_lhs_hint = false} : vector<512x512xbf16>, vector<512x512xbf16>, vector<512x512xf32> -> vector<512x512xf32>
    %add3A = arith.addf %dot_general3A_28, %dot_general3A_36 : vector<512x512xf32>
    %get3A_37 = arith.constant 0 : index
    %get3A_38 = arith.constant 0 : index
    %get3A_39 = arith.constant 0 : index
    %get3A_40 = vector.load %arg5[%get3A_37, %get3A_38, %get3A_39] : memref<1x1x512xf32, #tpu.memory_space<vmem>>, vector<1x1x512xf32>
    %get3A_41 = vector.shape_cast %get3A_40 : vector<1x1x512xf32> to vector<1x512xf32>
    %add3A_42 = vector.broadcast %get3A_41 : vector<1x512xf32> to vector<512x512xf32>
    %add3A_43 = arith.addf %add3A, %add3A_42 : vector<512x512xf32>
    %ge3A = arith.constant 0.000000e+00 : f32
    %ge3A_44 = vector.broadcast %ge3A : f32 to vector<512x512xf32>
    %ge3A_45 = arith.cmpf oge, %add3A_43, %ge3A_44 : vector<512x512xf32>
    %mul3A_46 = arith.constant 0.00999999977 : f32
    %mul3A_47 = vector.broadcast %mul3A_46 : f32 to vector<512x512xf32>
    %mul3A_48 = arith.mulf %mul3A_47, %add3A_43 : vector<512x512xf32>
    %select_n3A = arith.select %ge3A_45, %add3A_43, %mul3A_48 : vector<512x512xi1>, vector<512x512xf32>
    %swap3A = arith.constant 0 : index
    %swap3A_49 = arith.constant 0 : index
    %swap3A_50 = vector.load %arg6[%swap3A, %swap3A_49] : memref<512x512xf32, #tpu.memory_space<vmem>>, vector<512x512xf32>
    tpu.vector_store %arg6[%swap3A, %swap3A_49], %select_n3A {strides = array<i32>} : memref<512x512xf32, #tpu.memory_space<vmem>>, vector<512x512xf32>,
    return
  }
  func.func @transform_0(%arg0: i32) -> (i32, i32) {
    %c0_i32 = arith.constant 0 : i32
    %c0_i32_0 = arith.constant 0 : i32
    return %arg0, %c0_i32 : i32, i32
  }
  func.func @transform_1(%arg0: i32) -> (i32, i32) {
    %c0_i32 = arith.constant 0 : i32
    %c0_i32_0 = arith.constant 0 : i32
    %c0_i32_1 = arith.constant 0 : i32
    return %c0_i32, %c0_i32_0 : i32, i32
  }
  func.func @transform_2(%arg0: i32) -> (i32, i32, i32) {
    %c1_i32 = arith.constant 1 : i32
    %c0_i32 = arith.constant 0 : i32
    %c0_i32_0 = arith.constant 0 : i32
    %c0_i32_1 = arith.constant 0 : i32
    return %c1_i32, %c0_i32, %c0_i32_0 : i32, i32, i32
  }
  func.func @transform_3(%arg0: i32) -> (i32, i32, i32) {
    %c1_i32 = arith.constant 1 : i32
    %c0_i32 = arith.constant 0 : i32
    %c0_i32_0 = arith.constant 0 : i32
    %c0_i32_1 = arith.constant 0 : i32
    return %c1_i32, %c0_i32, %c0_i32_0 : i32, i32, i32
  }
  func.func @transform_4(%arg0: i32) -> (i32, i32, i32) {
    %c1_i32 = arith.constant 1 : i32
    %c0_i32 = arith.constant 0 : i32
    %c0_i32_0 = arith.constant 0 : i32
    %c0_i32_1 = arith.constant 0 : i32
    return %c1_i32, %c0_i32, %c0_i32_0 : i32, i32, i32
  }
  func.func @transform_5(%arg0: i32) -> (i32, i32) {
    %c0_i32 = arith.constant 0 : i32
    %c0_i32_0 = arith.constant 0 : i32
    return %arg0, %c0_i32 : i32, i32
  }
}

module attributes {stable_mosaic.version = 14 : i64} {
  func.func @_cols_kernel(%arg0: i32, %arg1: memref<2048x512xf32, #tpu.memory_space<vmem>>, %arg2: memref<512x512xf32, #tpu.memory_space<vmem>>, %arg3: memref<1x512x2048xf32, #tpu.memory_space<vmem>>, %arg4: memref<1x512x2048xf32, #tpu.memory_space<vmem>>, %arg5: memref<1x512x1xf32, #tpu.memory_space<vmem>>, %arg6: memref<512x512xf32, #tpu.memory_space<vmem>>, %arg7: memref<2048x512xbf16, #tpu.memory_space<vmem>>, %arg8: memref<2048x512xbf16, #tpu.memory_space<vmem>>) attributes {dimension_semantics = [#tpu.dimension_semantics<arbitrary>], iteration_bounds = array<i64: 4>, scalar_prefetch = 0 : i64, scratch_operands = 2 : i64, tpu.core_type = #tpu.core_type<tc>, window_params = [{pipeline_mode = #tpu.pipeline_mode<synchronous>, transform_indices = @transform_0, window_bounds = array<i64: 2048, 512>}, {pipeline_mode = #tpu.pipeline_mode<synchronous>, transform_indices = @transform_1, window_bounds = array<i64: 512, 512>}, {transform_indices = @transform_2, window_bounds = array<i64: 1, 512, 2048>}, {transform_indices = @transform_3, window_bounds = array<i64: 1, 512, 2048>}, {transform_indices = @transform_4, window_bounds = array<i64: 1, 512, 1>}, {transform_indices = @transform_5, window_bounds = array<i64: 512, 512>}]} {
    %eq3A = arith.constant 0 : i32
    %eq3A_0 = arith.cmpi eq, %arg0, %eq3A : i32
    %convert_element_type3A = arith.extui %eq3A_0 : i1 to i32
    %cond3A = arith.constant 0 : i32
    %cond3A_1 = arith.cmpi ne, %convert_element_type3A, %cond3A : i32
    scf.if %cond3A_1 {
      %get3A_35 = arith.constant 0 : index
      %get3A_36 = arith.constant 0 : index
      %get3A_37 = vector.load %arg1[%get3A_35, %get3A_36] : memref<2048x512xf32, #tpu.memory_space<vmem>>, vector<2048x512xf32>
      %convert_element_type3A_38 = arith.truncf %get3A_37 : vector<2048x512xf32> to vector<2048x512xbf16>
      %swap3A_39 = arith.constant 0 : index
      %swap3A_40 = arith.constant 0 : index
      %swap3A_41 = vector.load %arg8[%swap3A_39, %swap3A_40] : memref<2048x512xbf16, #tpu.memory_space<vmem>>, vector<2048x512xbf16>
      tpu.vector_store %arg8[%swap3A_39, %swap3A_40], %convert_element_type3A_38 {strides = array<i32>} : memref<2048x512xbf16, #tpu.memory_space<vmem>>, vector<2048x512xbf16>,
      %get3A_42 = arith.constant 0 : index
      %get3A_43 = arith.constant 0 : index
      %get3A_44 = vector.load %arg2[%get3A_42, %get3A_43] : memref<512x512xf32, #tpu.memory_space<vmem>>, vector<512x512xf32>
      %reduce_sum3A = arith.constant dense<0.000000e+00> : vector<512xf32>
      %reduce_sum3A_45 = vector.multi_reduction <add>, %get3A_44, %reduce_sum3A [0] : vector<512x512xf32> to vector<512xf32>
      %broadcast_in_dim3A = vector.shape_cast %reduce_sum3A_45 : vector<512xf32> to vector<1x512xf32>
      %max3A = arith.constant 1.000000e+00 : f32
      %max3A_46 = vector.broadcast %max3A : f32 to vector<1x512xf32>
      %max3A_47 = arith.maximumf %broadcast_in_dim3A, %max3A_46 : vector<1x512xf32>
      %div3A = arith.constant 1.000000e+00 : f32
      %div3A_48 = vector.broadcast %div3A : f32 to vector<1x512xf32>
      %div3A_49 = arith.divf %div3A_48, %max3A_47 : vector<1x512xf32>
      %get3A_50 = arith.constant 0 : index
      %get3A_51 = arith.constant 0 : index
      %get3A_52 = vector.load %arg2[%get3A_50, %get3A_51] : memref<512x512xf32, #tpu.memory_space<vmem>>, vector<512x512xf32>
      %convert_element_type3A_53 = arith.truncf %get3A_52 : vector<512x512xf32> to vector<512x512xbf16>
      %dot_general3A_54 = arith.constant dense<0.000000e+00> : vector<2048x512xf32>
      %dot_general3A_55 = tpu.matmul %convert_element_type3A_38, %convert_element_type3A_53, %dot_general3A_54 {dimension_numbers = #tpu.dot_dimension_numbers<[1], [0], [0], [1], [0, 0, 1, 1], [], []>, transpose_lhs_hint = false} : vector<2048x512xbf16>, vector<512x512xbf16>, vector<2048x512xf32> -> vector<2048x512xf32>
      %mul3A_56 = vector.broadcast %div3A_49 : vector<1x512xf32> to vector<2048x512xf32>
      %mul3A_57 = arith.mulf %dot_general3A_55, %mul3A_56 : vector<2048x512xf32>
      %convert_element_type3A_58 = arith.truncf %mul3A_57 : vector<2048x512xf32> to vector<2048x512xbf16>
      %swap3A_59 = arith.constant 0 : index
      %swap3A_60 = arith.constant 0 : index
      %swap3A_61 = vector.load %arg7[%swap3A_59, %swap3A_60] : memref<2048x512xbf16, #tpu.memory_space<vmem>>, vector<2048x512xbf16>
      tpu.vector_store %arg7[%swap3A_59, %swap3A_60], %convert_element_type3A_58 {strides = array<i32>} : memref<2048x512xbf16, #tpu.memory_space<vmem>>, vector<2048x512xbf16>,
    } else {
    }
    %get3A = arith.constant 0 : index
    %get3A_2 = arith.constant 0 : index
    %get3A_3 = arith.constant 0 : index
    %get3A_4 = vector.load %arg3[%get3A, %get3A_2, %get3A_3] : memref<1x512x2048xf32, #tpu.memory_space<vmem>>, vector<1x512x2048xf32>
    %get3A_5 = vector.shape_cast %get3A_4 : vector<1x512x2048xf32> to vector<512x2048xf32>
    %convert_element_type3A_6 = arith.truncf %get3A_5 : vector<512x2048xf32> to vector<512x2048xbf16>
    %get3A_7 = arith.constant 0 : index
    %get3A_8 = arith.constant 0 : index
    %get3A_9 = vector.load %arg7[%get3A_7, %get3A_8] : memref<2048x512xbf16, #tpu.memory_space<vmem>>, vector<2048x512xbf16>
    %dot_general3A = arith.constant dense<0.000000e+00> : vector<512x512xf32>
    %dot_general3A_10 = tpu.matmul %convert_element_type3A_6, %get3A_9, %dot_general3A {dimension_numbers = #tpu.dot_dimension_numbers<[1], [0], [0], [1], [0, 0, 1, 1], [], []>, transpose_lhs_hint = false} : vector<512x2048xbf16>, vector<2048x512xbf16>, vector<512x512xf32> -> vector<512x512xf32>
    %get3A_11 = arith.constant 0 : index
    %get3A_12 = arith.constant 0 : index
    %get3A_13 = arith.constant 0 : index
    %get3A_14 = vector.load %arg4[%get3A_11, %get3A_12, %get3A_13] : memref<1x512x2048xf32, #tpu.memory_space<vmem>>, vector<1x512x2048xf32>
    %get3A_15 = vector.shape_cast %get3A_14 : vector<1x512x2048xf32> to vector<512x2048xf32>
    %convert_element_type3A_16 = arith.truncf %get3A_15 : vector<512x2048xf32> to vector<512x2048xbf16>
    %get3A_17 = arith.constant 0 : index
    %get3A_18 = arith.constant 0 : index
    %get3A_19 = vector.load %arg8[%get3A_17, %get3A_18] : memref<2048x512xbf16, #tpu.memory_space<vmem>>, vector<2048x512xbf16>
    %dot_general3A_20 = arith.constant dense<0.000000e+00> : vector<512x512xf32>
    %dot_general3A_21 = tpu.matmul %convert_element_type3A_16, %get3A_19, %dot_general3A_20 {dimension_numbers = #tpu.dot_dimension_numbers<[1], [0], [0], [1], [0, 0, 1, 1], [], []>, transpose_lhs_hint = false} : vector<512x2048xbf16>, vector<2048x512xbf16>, vector<512x512xf32> -> vector<512x512xf32>
    %add3A = arith.addf %dot_general3A_10, %dot_general3A_21 : vector<512x512xf32>
    %get3A_22 = arith.constant 0 : index
    %get3A_23 = arith.constant 0 : index
    %get3A_24 = arith.constant 0 : index
    %get3A_25 = vector.load %arg5[%get3A_22, %get3A_23, %get3A_24] : memref<1x512x1xf32, #tpu.memory_space<vmem>>, vector<1x512x1xf32>
    %get3A_26 = vector.shape_cast %get3A_25 : vector<1x512x1xf32> to vector<512x1xf32>
    %add3A_27 = vector.broadcast %get3A_26 : vector<512x1xf32> to vector<512x512xf32>
    %add3A_28 = arith.addf %add3A, %add3A_27 : vector<512x512xf32>
    %ge3A = arith.constant 0.000000e+00 : f32
    %ge3A_29 = vector.broadcast %ge3A : f32 to vector<512x512xf32>
    %ge3A_30 = arith.cmpf oge, %add3A_28, %ge3A_29 : vector<512x512xf32>
    %mul3A = arith.constant 0.00999999977 : f32
    %mul3A_31 = vector.broadcast %mul3A : f32 to vector<512x512xf32>
    %mul3A_32 = arith.mulf %mul3A_31, %add3A_28 : vector<512x512xf32>
    %select_n3A = arith.select %ge3A_30, %add3A_28, %mul3A_32 : vector<512x512xi1>, vector<512x512xf32>
    %swap3A = arith.constant 0 : index
    %swap3A_33 = arith.constant 0 : index
    %swap3A_34 = vector.load %arg6[%swap3A, %swap3A_33] : memref<512x512xf32, #tpu.memory_space<vmem>>, vector<512x512xf32>
    tpu.vector_store %arg6[%swap3A, %swap3A_33], %select_n3A {strides = array<i32>} : memref<512x512xf32, #tpu.memory_space<vmem>>, vector<512x512xf32>,
    return
  }
  func.func @transform_0(%arg0: i32) -> (i32, i32) {
    %c0_i32 = arith.constant 0 : i32
    %c0_i32_0 = arith.constant 0 : i32
    %c0_i32_1 = arith.constant 0 : i32
    return %c0_i32, %c0_i32_0 : i32, i32
  }
  func.func @transform_1(%arg0: i32) -> (i32, i32) {
    %c0_i32 = arith.constant 0 : i32
    %c0_i32_0 = arith.constant 0 : i32
    %c0_i32_1 = arith.constant 0 : i32
    return %c0_i32, %c0_i32_0 : i32, i32
  }
  func.func @transform_2(%arg0: i32) -> (i32, i32, i32) {
    %c2_i32 = arith.constant 2 : i32
    %c0_i32 = arith.constant 0 : i32
    %c0_i32_0 = arith.constant 0 : i32
    return %c2_i32, %arg0, %c0_i32 : i32, i32, i32
  }
  func.func @transform_3(%arg0: i32) -> (i32, i32, i32) {
    %c2_i32 = arith.constant 2 : i32
    %c0_i32 = arith.constant 0 : i32
    %c0_i32_0 = arith.constant 0 : i32
    return %c2_i32, %arg0, %c0_i32 : i32, i32, i32
  }
  func.func @transform_4(%arg0: i32) -> (i32, i32, i32) {
    %c2_i32 = arith.constant 2 : i32
    %c0_i32 = arith.constant 0 : i32
    %c0_i32_0 = arith.constant 0 : i32
    return %c2_i32, %arg0, %c0_i32 : i32, i32, i32
  }
  func.func @transform_5(%arg0: i32) -> (i32, i32) {
    %c0_i32 = arith.constant 0 : i32
    %c0_i32_0 = arith.constant 0 : i32
    return %arg0, %c0_i32 : i32, i32
  }
}

module attributes {stable_mosaic.version = 14 : i64} {
  func.func @_rows_kernel(%arg0: i32, %arg1: memref<512x2048xbf16, #tpu.memory_space<vmem>>, %arg2: memref<2048x512xf32, #tpu.memory_space<vmem>>, %arg3: memref<1x512x512xf32, #tpu.memory_space<vmem>>, %arg4: memref<1x512x512xf32, #tpu.memory_space<vmem>>, %arg5: memref<1x1x512xf32, #tpu.memory_space<vmem>>, %arg6: memref<512x512xf32, #tpu.memory_space<vmem>>, %arg7: memref<2048x512xbf16, #tpu.memory_space<vmem>>) attributes {dimension_semantics = [#tpu.dimension_semantics<arbitrary>], iteration_bounds = array<i64: 4>, scalar_prefetch = 0 : i64, scratch_operands = 1 : i64, tpu.core_type = #tpu.core_type<tc>, window_params = [{transform_indices = @transform_0, window_bounds = array<i64: 512, 2048>}, {pipeline_mode = #tpu.pipeline_mode<synchronous>, transform_indices = @transform_1, window_bounds = array<i64: 2048, 512>}, {transform_indices = @transform_2, window_bounds = array<i64: 1, 512, 512>}, {transform_indices = @transform_3, window_bounds = array<i64: 1, 512, 512>}, {transform_indices = @transform_4, window_bounds = array<i64: 1, 1, 512>}, {transform_indices = @transform_5, window_bounds = array<i64: 512, 512>}]} {
    %eq3A = arith.constant 0 : i32
    %eq3A_0 = arith.cmpi eq, %arg0, %eq3A : i32
    %convert_element_type3A = arith.extui %eq3A_0 : i1 to i32
    %cond3A = arith.constant 0 : i32
    %cond3A_1 = arith.cmpi ne, %convert_element_type3A, %cond3A : i32
    scf.if %cond3A_1 {
      %get3A_51 = arith.constant 0 : index
      %get3A_52 = arith.constant 0 : index
      %get3A_53 = vector.load %arg2[%get3A_51, %get3A_52] : memref<2048x512xf32, #tpu.memory_space<vmem>>, vector<2048x512xf32>
      %convert_element_type3A_54 = arith.truncf %get3A_53 : vector<2048x512xf32> to vector<2048x512xbf16>
      %swap3A_55 = arith.constant 0 : index
      %swap3A_56 = arith.constant 0 : index
      %swap3A_57 = vector.load %arg7[%swap3A_55, %swap3A_56] : memref<2048x512xbf16, #tpu.memory_space<vmem>>, vector<2048x512xbf16>
      tpu.vector_store %arg7[%swap3A_55, %swap3A_56], %convert_element_type3A_54 {strides = array<i32>} : memref<2048x512xbf16, #tpu.memory_space<vmem>>, vector<2048x512xbf16>,
    } else {
    }
    %get3A = arith.constant 0 : index
    %get3A_2 = arith.constant 0 : index
    %get3A_3 = vector.load %arg1[%get3A, %get3A_2] : memref<512x2048xbf16, #tpu.memory_space<vmem>>, vector<512x2048xbf16>
    %get3A_4 = arith.constant 0 : index
    %get3A_5 = arith.constant 0 : index
    %get3A_6 = vector.load %arg7[%get3A_4, %get3A_5] : memref<2048x512xbf16, #tpu.memory_space<vmem>>, vector<2048x512xbf16>
    %dot_general3A = arith.constant dense<0.000000e+00> : vector<512x512xf32>
    %dot_general3A_7 = tpu.matmul %get3A_3, %get3A_6, %dot_general3A {dimension_numbers = #tpu.dot_dimension_numbers<[1], [0], [0], [1], [0, 0, 1, 1], [], []>, transpose_lhs_hint = false} : vector<512x2048xbf16>, vector<2048x512xbf16>, vector<512x512xf32> -> vector<512x512xf32>
    %convert_element_type3A_8 = arith.extf %get3A_3 : vector<512x2048xbf16> to vector<512x2048xf32>
    %reduce_sum3A = arith.constant dense<0.000000e+00> : vector<512xf32>
    %reduce_sum3A_9 = vector.multi_reduction <add>, %convert_element_type3A_8, %reduce_sum3A [1] : vector<512x2048xf32> to vector<512xf32>
    %broadcast_in_dim3A = vector.shape_cast %reduce_sum3A_9 : vector<512xf32> to vector<512x1xf32>
    %max3A = arith.constant 1.000000e+00 : f32
    %max3A_10 = vector.broadcast %max3A : f32 to vector<512x1xf32>
    %max3A_11 = arith.maximumf %broadcast_in_dim3A, %max3A_10 : vector<512x1xf32>
    %div3A = arith.constant 1.000000e+00 : f32
    %div3A_12 = vector.broadcast %div3A : f32 to vector<512x1xf32>
    %div3A_13 = arith.divf %div3A_12, %max3A_11 : vector<512x1xf32>
    %mul3A = vector.broadcast %div3A_13 : vector<512x1xf32> to vector<512x512xf32>
    %mul3A_14 = arith.mulf %dot_general3A_7, %mul3A : vector<512x512xf32>
    %convert_element_type3A_15 = arith.truncf %mul3A_14 : vector<512x512xf32> to vector<512x512xbf16>
    %mul3A_16 = arith.constant 512 : i32
    %mul3A_17 = arith.muli %arg0, %mul3A_16 : i32
    %get3A_18 = arith.index_cast %mul3A_17 : i32 to index
    %get3A_19 = arith.constant 0 : index
    %get3A_20 = vector.load %arg7[%get3A_18, %get3A_19] : memref<2048x512xbf16, #tpu.memory_space<vmem>>, vector<512x512xbf16>
    %get3A_21 = arith.constant 0 : index
    %get3A_22 = arith.constant 0 : index
    %get3A_23 = arith.constant 0 : index
    %get3A_24 = vector.load %arg3[%get3A_21, %get3A_22, %get3A_23] : memref<1x512x512xf32, #tpu.memory_space<vmem>>, vector<1x512x512xf32>
    %get3A_25 = vector.shape_cast %get3A_24 : vector<1x512x512xf32> to vector<512x512xf32>
    %convert_element_type3A_26 = arith.truncf %get3A_25 : vector<512x512xf32> to vector<512x512xbf16>
    %dot_general3A_27 = arith.constant dense<0.000000e+00> : vector<512x512xf32>
    %dot_general3A_28 = tpu.matmul %convert_element_type3A_15, %convert_element_type3A_26, %dot_general3A_27 {dimension_numbers = #tpu.dot_dimension_numbers<[1], [1], [0], [0], [0, 0, 1, 0], [], []>, transpose_lhs_hint = false} : vector<512x512xbf16>, vector<512x512xbf16>, vector<512x512xf32> -> vector<512x512xf32>
    %get3A_29 = arith.constant 0 : index
    %get3A_30 = arith.constant 0 : index
    %get3A_31 = arith.constant 0 : index
    %get3A_32 = vector.load %arg4[%get3A_29, %get3A_30, %get3A_31] : memref<1x512x512xf32, #tpu.memory_space<vmem>>, vector<1x512x512xf32>
    %get3A_33 = vector.shape_cast %get3A_32 : vector<1x512x512xf32> to vector<512x512xf32>
    %convert_element_type3A_34 = arith.truncf %get3A_33 : vector<512x512xf32> to vector<512x512xbf16>
    %dot_general3A_35 = arith.constant dense<0.000000e+00> : vector<512x512xf32>
    %dot_general3A_36 = tpu.matmul %get3A_20, %convert_element_type3A_34, %dot_general3A_35 {dimension_numbers = #tpu.dot_dimension_numbers<[1], [1], [0], [0], [0, 0, 1, 0], [], []>, transpose_lhs_hint = false} : vector<512x512xbf16>, vector<512x512xbf16>, vector<512x512xf32> -> vector<512x512xf32>
    %add3A = arith.addf %dot_general3A_28, %dot_general3A_36 : vector<512x512xf32>
    %get3A_37 = arith.constant 0 : index
    %get3A_38 = arith.constant 0 : index
    %get3A_39 = arith.constant 0 : index
    %get3A_40 = vector.load %arg5[%get3A_37, %get3A_38, %get3A_39] : memref<1x1x512xf32, #tpu.memory_space<vmem>>, vector<1x1x512xf32>
    %get3A_41 = vector.shape_cast %get3A_40 : vector<1x1x512xf32> to vector<1x512xf32>
    %add3A_42 = vector.broadcast %get3A_41 : vector<1x512xf32> to vector<512x512xf32>
    %add3A_43 = arith.addf %add3A, %add3A_42 : vector<512x512xf32>
    %ge3A = arith.constant 0.000000e+00 : f32
    %ge3A_44 = vector.broadcast %ge3A : f32 to vector<512x512xf32>
    %ge3A_45 = arith.cmpf oge, %add3A_43, %ge3A_44 : vector<512x512xf32>
    %mul3A_46 = arith.constant 0.00999999977 : f32
    %mul3A_47 = vector.broadcast %mul3A_46 : f32 to vector<512x512xf32>
    %mul3A_48 = arith.mulf %mul3A_47, %add3A_43 : vector<512x512xf32>
    %select_n3A = arith.select %ge3A_45, %add3A_43, %mul3A_48 : vector<512x512xi1>, vector<512x512xf32>
    %swap3A = arith.constant 0 : index
    %swap3A_49 = arith.constant 0 : index
    %swap3A_50 = vector.load %arg6[%swap3A, %swap3A_49] : memref<512x512xf32, #tpu.memory_space<vmem>>, vector<512x512xf32>
    tpu.vector_store %arg6[%swap3A, %swap3A_49], %select_n3A {strides = array<i32>} : memref<512x512xf32, #tpu.memory_space<vmem>>, vector<512x512xf32>,
    return
  }
  func.func @transform_0(%arg0: i32) -> (i32, i32) {
    %c0_i32 = arith.constant 0 : i32
    %c0_i32_0 = arith.constant 0 : i32
    return %arg0, %c0_i32 : i32, i32
  }
  func.func @transform_1(%arg0: i32) -> (i32, i32) {
    %c0_i32 = arith.constant 0 : i32
    %c0_i32_0 = arith.constant 0 : i32
    %c0_i32_1 = arith.constant 0 : i32
    return %c0_i32, %c0_i32_0 : i32, i32
  }
  func.func @transform_2(%arg0: i32) -> (i32, i32, i32) {
    %c2_i32 = arith.constant 2 : i32
    %c0_i32 = arith.constant 0 : i32
    %c0_i32_0 = arith.constant 0 : i32
    %c0_i32_1 = arith.constant 0 : i32
    return %c2_i32, %c0_i32, %c0_i32_0 : i32, i32, i32
  }
  func.func @transform_3(%arg0: i32) -> (i32, i32, i32) {
    %c2_i32 = arith.constant 2 : i32
    %c0_i32 = arith.constant 0 : i32
    %c0_i32_0 = arith.constant 0 : i32
    %c0_i32_1 = arith.constant 0 : i32
    return %c2_i32, %c0_i32, %c0_i32_0 : i32, i32, i32
  }
  func.func @transform_4(%arg0: i32) -> (i32, i32, i32) {
    %c2_i32 = arith.constant 2 : i32
    %c0_i32 = arith.constant 0 : i32
    %c0_i32_0 = arith.constant 0 : i32
    %c0_i32_1 = arith.constant 0 : i32
    return %c2_i32, %c0_i32, %c0_i32_0 : i32, i32, i32
  }
  func.func @transform_5(%arg0: i32) -> (i32, i32) {
    %c0_i32 = arith.constant 0 : i32
    %c0_i32_0 = arith.constant 0 : i32
    return %arg0, %c0_i32 : i32, i32
  }
}

module attributes {stable_mosaic.version = 14 : i64} {
  func.func @_cols_kernel(%arg0: i32, %arg1: memref<2048x512xf32, #tpu.memory_space<vmem>>, %arg2: memref<512x512xf32, #tpu.memory_space<vmem>>, %arg3: memref<1x512x2048xf32, #tpu.memory_space<vmem>>, %arg4: memref<1x512x2048xf32, #tpu.memory_space<vmem>>, %arg5: memref<1x512x1xf32, #tpu.memory_space<vmem>>, %arg6: memref<512x512xf32, #tpu.memory_space<vmem>>, %arg7: memref<2048x512xbf16, #tpu.memory_space<vmem>>, %arg8: memref<2048x512xbf16, #tpu.memory_space<vmem>>) attributes {dimension_semantics = [#tpu.dimension_semantics<arbitrary>], iteration_bounds = array<i64: 4>, scalar_prefetch = 0 : i64, scratch_operands = 2 : i64, tpu.core_type = #tpu.core_type<tc>, window_params = [{pipeline_mode = #tpu.pipeline_mode<synchronous>, transform_indices = @transform_0, window_bounds = array<i64: 2048, 512>}, {pipeline_mode = #tpu.pipeline_mode<synchronous>, transform_indices = @transform_1, window_bounds = array<i64: 512, 512>}, {transform_indices = @transform_2, window_bounds = array<i64: 1, 512, 2048>}, {transform_indices = @transform_3, window_bounds = array<i64: 1, 512, 2048>}, {transform_indices = @transform_4, window_bounds = array<i64: 1, 512, 1>}, {transform_indices = @transform_5, window_bounds = array<i64: 512, 512>}]} {
    %eq3A = arith.constant 0 : i32
    %eq3A_0 = arith.cmpi eq, %arg0, %eq3A : i32
    %convert_element_type3A = arith.extui %eq3A_0 : i1 to i32
    %cond3A = arith.constant 0 : i32
    %cond3A_1 = arith.cmpi ne, %convert_element_type3A, %cond3A : i32
    scf.if %cond3A_1 {
      %get3A_35 = arith.constant 0 : index
      %get3A_36 = arith.constant 0 : index
      %get3A_37 = vector.load %arg1[%get3A_35, %get3A_36] : memref<2048x512xf32, #tpu.memory_space<vmem>>, vector<2048x512xf32>
      %convert_element_type3A_38 = arith.truncf %get3A_37 : vector<2048x512xf32> to vector<2048x512xbf16>
      %swap3A_39 = arith.constant 0 : index
      %swap3A_40 = arith.constant 0 : index
      %swap3A_41 = vector.load %arg8[%swap3A_39, %swap3A_40] : memref<2048x512xbf16, #tpu.memory_space<vmem>>, vector<2048x512xbf16>
      tpu.vector_store %arg8[%swap3A_39, %swap3A_40], %convert_element_type3A_38 {strides = array<i32>} : memref<2048x512xbf16, #tpu.memory_space<vmem>>, vector<2048x512xbf16>,
      %get3A_42 = arith.constant 0 : index
      %get3A_43 = arith.constant 0 : index
      %get3A_44 = vector.load %arg2[%get3A_42, %get3A_43] : memref<512x512xf32, #tpu.memory_space<vmem>>, vector<512x512xf32>
      %reduce_sum3A = arith.constant dense<0.000000e+00> : vector<512xf32>
      %reduce_sum3A_45 = vector.multi_reduction <add>, %get3A_44, %reduce_sum3A [0] : vector<512x512xf32> to vector<512xf32>
      %broadcast_in_dim3A = vector.shape_cast %reduce_sum3A_45 : vector<512xf32> to vector<1x512xf32>
      %max3A = arith.constant 1.000000e+00 : f32
      %max3A_46 = vector.broadcast %max3A : f32 to vector<1x512xf32>
      %max3A_47 = arith.maximumf %broadcast_in_dim3A, %max3A_46 : vector<1x512xf32>
      %div3A = arith.constant 1.000000e+00 : f32
      %div3A_48 = vector.broadcast %div3A : f32 to vector<1x512xf32>
      %div3A_49 = arith.divf %div3A_48, %max3A_47 : vector<1x512xf32>
      %get3A_50 = arith.constant 0 : index
      %get3A_51 = arith.constant 0 : index
      %get3A_52 = vector.load %arg2[%get3A_50, %get3A_51] : memref<512x512xf32, #tpu.memory_space<vmem>>, vector<512x512xf32>
      %convert_element_type3A_53 = arith.truncf %get3A_52 : vector<512x512xf32> to vector<512x512xbf16>
      %dot_general3A_54 = arith.constant dense<0.000000e+00> : vector<2048x512xf32>
      %dot_general3A_55 = tpu.matmul %convert_element_type3A_38, %convert_element_type3A_53, %dot_general3A_54 {dimension_numbers = #tpu.dot_dimension_numbers<[1], [0], [0], [1], [0, 0, 1, 1], [], []>, transpose_lhs_hint = false} : vector<2048x512xbf16>, vector<512x512xbf16>, vector<2048x512xf32> -> vector<2048x512xf32>
      %mul3A_56 = vector.broadcast %div3A_49 : vector<1x512xf32> to vector<2048x512xf32>
      %mul3A_57 = arith.mulf %dot_general3A_55, %mul3A_56 : vector<2048x512xf32>
      %convert_element_type3A_58 = arith.truncf %mul3A_57 : vector<2048x512xf32> to vector<2048x512xbf16>
      %swap3A_59 = arith.constant 0 : index
      %swap3A_60 = arith.constant 0 : index
      %swap3A_61 = vector.load %arg7[%swap3A_59, %swap3A_60] : memref<2048x512xbf16, #tpu.memory_space<vmem>>, vector<2048x512xbf16>
      tpu.vector_store %arg7[%swap3A_59, %swap3A_60], %convert_element_type3A_58 {strides = array<i32>} : memref<2048x512xbf16, #tpu.memory_space<vmem>>, vector<2048x512xbf16>,
    } else {
    }
    %get3A = arith.constant 0 : index
    %get3A_2 = arith.constant 0 : index
    %get3A_3 = arith.constant 0 : index
    %get3A_4 = vector.load %arg3[%get3A, %get3A_2, %get3A_3] : memref<1x512x2048xf32, #tpu.memory_space<vmem>>, vector<1x512x2048xf32>
    %get3A_5 = vector.shape_cast %get3A_4 : vector<1x512x2048xf32> to vector<512x2048xf32>
    %convert_element_type3A_6 = arith.truncf %get3A_5 : vector<512x2048xf32> to vector<512x2048xbf16>
    %get3A_7 = arith.constant 0 : index
    %get3A_8 = arith.constant 0 : index
    %get3A_9 = vector.load %arg7[%get3A_7, %get3A_8] : memref<2048x512xbf16, #tpu.memory_space<vmem>>, vector<2048x512xbf16>
    %dot_general3A = arith.constant dense<0.000000e+00> : vector<512x512xf32>
    %dot_general3A_10 = tpu.matmul %convert_element_type3A_6, %get3A_9, %dot_general3A {dimension_numbers = #tpu.dot_dimension_numbers<[1], [0], [0], [1], [0, 0, 1, 1], [], []>, transpose_lhs_hint = false} : vector<512x2048xbf16>, vector<2048x512xbf16>, vector<512x512xf32> -> vector<512x512xf32>
    %get3A_11 = arith.constant 0 : index
    %get3A_12 = arith.constant 0 : index
    %get3A_13 = arith.constant 0 : index
    %get3A_14 = vector.load %arg4[%get3A_11, %get3A_12, %get3A_13] : memref<1x512x2048xf32, #tpu.memory_space<vmem>>, vector<1x512x2048xf32>
    %get3A_15 = vector.shape_cast %get3A_14 : vector<1x512x2048xf32> to vector<512x2048xf32>
    %convert_element_type3A_16 = arith.truncf %get3A_15 : vector<512x2048xf32> to vector<512x2048xbf16>
    %get3A_17 = arith.constant 0 : index
    %get3A_18 = arith.constant 0 : index
    %get3A_19 = vector.load %arg8[%get3A_17, %get3A_18] : memref<2048x512xbf16, #tpu.memory_space<vmem>>, vector<2048x512xbf16>
    %dot_general3A_20 = arith.constant dense<0.000000e+00> : vector<512x512xf32>
    %dot_general3A_21 = tpu.matmul %convert_element_type3A_16, %get3A_19, %dot_general3A_20 {dimension_numbers = #tpu.dot_dimension_numbers<[1], [0], [0], [1], [0, 0, 1, 1], [], []>, transpose_lhs_hint = false} : vector<512x2048xbf16>, vector<2048x512xbf16>, vector<512x512xf32> -> vector<512x512xf32>
    %add3A = arith.addf %dot_general3A_10, %dot_general3A_21 : vector<512x512xf32>
    %get3A_22 = arith.constant 0 : index
    %get3A_23 = arith.constant 0 : index
    %get3A_24 = arith.constant 0 : index
    %get3A_25 = vector.load %arg5[%get3A_22, %get3A_23, %get3A_24] : memref<1x512x1xf32, #tpu.memory_space<vmem>>, vector<1x512x1xf32>
    %get3A_26 = vector.shape_cast %get3A_25 : vector<1x512x1xf32> to vector<512x1xf32>
    %add3A_27 = vector.broadcast %get3A_26 : vector<512x1xf32> to vector<512x512xf32>
    %add3A_28 = arith.addf %add3A, %add3A_27 : vector<512x512xf32>
    %ge3A = arith.constant 0.000000e+00 : f32
    %ge3A_29 = vector.broadcast %ge3A : f32 to vector<512x512xf32>
    %ge3A_30 = arith.cmpf oge, %add3A_28, %ge3A_29 : vector<512x512xf32>
    %mul3A = arith.constant 0.00999999977 : f32
    %mul3A_31 = vector.broadcast %mul3A : f32 to vector<512x512xf32>
    %mul3A_32 = arith.mulf %mul3A_31, %add3A_28 : vector<512x512xf32>
    %select_n3A = arith.select %ge3A_30, %add3A_28, %mul3A_32 : vector<512x512xi1>, vector<512x512xf32>
    %swap3A = arith.constant 0 : index
    %swap3A_33 = arith.constant 0 : index
    %swap3A_34 = vector.load %arg6[%swap3A, %swap3A_33] : memref<512x512xf32, #tpu.memory_space<vmem>>, vector<512x512xf32>
    tpu.vector_store %arg6[%swap3A, %swap3A_33], %select_n3A {strides = array<i32>} : memref<512x512xf32, #tpu.memory_space<vmem>>, vector<512x512xf32>,
    return
  }
  func.func @transform_0(%arg0: i32) -> (i32, i32) {
    %c0_i32 = arith.constant 0 : i32
    %c0_i32_0 = arith.constant 0 : i32
    %c0_i32_1 = arith.constant 0 : i32
    return %c0_i32, %c0_i32_0 : i32, i32
  }
  func.func @transform_1(%arg0: i32) -> (i32, i32) {
    %c0_i32 = arith.constant 0 : i32
    %c0_i32_0 = arith.constant 0 : i32
    %c0_i32_1 = arith.constant 0 : i32
    return %c0_i32, %c0_i32_0 : i32, i32
  }
  func.func @transform_2(%arg0: i32) -> (i32, i32, i32) {
    %c3_i32 = arith.constant 3 : i32
    %c0_i32 = arith.constant 0 : i32
    %c0_i32_0 = arith.constant 0 : i32
    return %c3_i32, %arg0, %c0_i32 : i32, i32, i32
  }
  func.func @transform_3(%arg0: i32) -> (i32, i32, i32) {
    %c3_i32 = arith.constant 3 : i32
    %c0_i32 = arith.constant 0 : i32
    %c0_i32_0 = arith.constant 0 : i32
    return %c3_i32, %arg0, %c0_i32 : i32, i32, i32
  }
  func.func @transform_4(%arg0: i32) -> (i32, i32, i32) {
    %c3_i32 = arith.constant 3 : i32
    %c0_i32 = arith.constant 0 : i32
    %c0_i32_0 = arith.constant 0 : i32
    return %c3_i32, %arg0, %c0_i32 : i32, i32, i32
  }
  func.func @transform_5(%arg0: i32) -> (i32, i32) {
    %c0_i32 = arith.constant 0 : i32
    %c0_i32_0 = arith.constant 0 : i32
    return %arg0, %c0_i32 : i32, i32
  }
}

module attributes {stable_mosaic.version = 14 : i64} {
  func.func @_rows_kernel(%arg0: i32, %arg1: memref<512x2048xbf16, #tpu.memory_space<vmem>>, %arg2: memref<2048x512xf32, #tpu.memory_space<vmem>>, %arg3: memref<1x512x512xf32, #tpu.memory_space<vmem>>, %arg4: memref<1x512x512xf32, #tpu.memory_space<vmem>>, %arg5: memref<1x1x512xf32, #tpu.memory_space<vmem>>, %arg6: memref<512x512xf32, #tpu.memory_space<vmem>>, %arg7: memref<2048x512xbf16, #tpu.memory_space<vmem>>) attributes {dimension_semantics = [#tpu.dimension_semantics<arbitrary>], iteration_bounds = array<i64: 4>, scalar_prefetch = 0 : i64, scratch_operands = 1 : i64, tpu.core_type = #tpu.core_type<tc>, window_params = [{transform_indices = @transform_0, window_bounds = array<i64: 512, 2048>}, {pipeline_mode = #tpu.pipeline_mode<synchronous>, transform_indices = @transform_1, window_bounds = array<i64: 2048, 512>}, {transform_indices = @transform_2, window_bounds = array<i64: 1, 512, 512>}, {transform_indices = @transform_3, window_bounds = array<i64: 1, 512, 512>}, {transform_indices = @transform_4, window_bounds = array<i64: 1, 1, 512>}, {transform_indices = @transform_5, window_bounds = array<i64: 512, 512>}]} {
    %eq3A = arith.constant 0 : i32
    %eq3A_0 = arith.cmpi eq, %arg0, %eq3A : i32
    %convert_element_type3A = arith.extui %eq3A_0 : i1 to i32
    %cond3A = arith.constant 0 : i32
    %cond3A_1 = arith.cmpi ne, %convert_element_type3A, %cond3A : i32
    scf.if %cond3A_1 {
      %get3A_51 = arith.constant 0 : index
      %get3A_52 = arith.constant 0 : index
      %get3A_53 = vector.load %arg2[%get3A_51, %get3A_52] : memref<2048x512xf32, #tpu.memory_space<vmem>>, vector<2048x512xf32>
      %convert_element_type3A_54 = arith.truncf %get3A_53 : vector<2048x512xf32> to vector<2048x512xbf16>
      %swap3A_55 = arith.constant 0 : index
      %swap3A_56 = arith.constant 0 : index
      %swap3A_57 = vector.load %arg7[%swap3A_55, %swap3A_56] : memref<2048x512xbf16, #tpu.memory_space<vmem>>, vector<2048x512xbf16>
      tpu.vector_store %arg7[%swap3A_55, %swap3A_56], %convert_element_type3A_54 {strides = array<i32>} : memref<2048x512xbf16, #tpu.memory_space<vmem>>, vector<2048x512xbf16>,
    } else {
    }
    %get3A = arith.constant 0 : index
    %get3A_2 = arith.constant 0 : index
    %get3A_3 = vector.load %arg1[%get3A, %get3A_2] : memref<512x2048xbf16, #tpu.memory_space<vmem>>, vector<512x2048xbf16>
    %get3A_4 = arith.constant 0 : index
    %get3A_5 = arith.constant 0 : index
    %get3A_6 = vector.load %arg7[%get3A_4, %get3A_5] : memref<2048x512xbf16, #tpu.memory_space<vmem>>, vector<2048x512xbf16>
    %dot_general3A = arith.constant dense<0.000000e+00> : vector<512x512xf32>
    %dot_general3A_7 = tpu.matmul %get3A_3, %get3A_6, %dot_general3A {dimension_numbers = #tpu.dot_dimension_numbers<[1], [0], [0], [1], [0, 0, 1, 1], [], []>, transpose_lhs_hint = false} : vector<512x2048xbf16>, vector<2048x512xbf16>, vector<512x512xf32> -> vector<512x512xf32>
    %convert_element_type3A_8 = arith.extf %get3A_3 : vector<512x2048xbf16> to vector<512x2048xf32>
    %reduce_sum3A = arith.constant dense<0.000000e+00> : vector<512xf32>
    %reduce_sum3A_9 = vector.multi_reduction <add>, %convert_element_type3A_8, %reduce_sum3A [1] : vector<512x2048xf32> to vector<512xf32>
    %broadcast_in_dim3A = vector.shape_cast %reduce_sum3A_9 : vector<512xf32> to vector<512x1xf32>
    %max3A = arith.constant 1.000000e+00 : f32
    %max3A_10 = vector.broadcast %max3A : f32 to vector<512x1xf32>
    %max3A_11 = arith.maximumf %broadcast_in_dim3A, %max3A_10 : vector<512x1xf32>
    %div3A = arith.constant 1.000000e+00 : f32
    %div3A_12 = vector.broadcast %div3A : f32 to vector<512x1xf32>
    %div3A_13 = arith.divf %div3A_12, %max3A_11 : vector<512x1xf32>
    %mul3A = vector.broadcast %div3A_13 : vector<512x1xf32> to vector<512x512xf32>
    %mul3A_14 = arith.mulf %dot_general3A_7, %mul3A : vector<512x512xf32>
    %convert_element_type3A_15 = arith.truncf %mul3A_14 : vector<512x512xf32> to vector<512x512xbf16>
    %mul3A_16 = arith.constant 512 : i32
    %mul3A_17 = arith.muli %arg0, %mul3A_16 : i32
    %get3A_18 = arith.index_cast %mul3A_17 : i32 to index
    %get3A_19 = arith.constant 0 : index
    %get3A_20 = vector.load %arg7[%get3A_18, %get3A_19] : memref<2048x512xbf16, #tpu.memory_space<vmem>>, vector<512x512xbf16>
    %get3A_21 = arith.constant 0 : index
    %get3A_22 = arith.constant 0 : index
    %get3A_23 = arith.constant 0 : index
    %get3A_24 = vector.load %arg3[%get3A_21, %get3A_22, %get3A_23] : memref<1x512x512xf32, #tpu.memory_space<vmem>>, vector<1x512x512xf32>
    %get3A_25 = vector.shape_cast %get3A_24 : vector<1x512x512xf32> to vector<512x512xf32>
    %convert_element_type3A_26 = arith.truncf %get3A_25 : vector<512x512xf32> to vector<512x512xbf16>
    %dot_general3A_27 = arith.constant dense<0.000000e+00> : vector<512x512xf32>
    %dot_general3A_28 = tpu.matmul %convert_element_type3A_15, %convert_element_type3A_26, %dot_general3A_27 {dimension_numbers = #tpu.dot_dimension_numbers<[1], [1], [0], [0], [0, 0, 1, 0], [], []>, transpose_lhs_hint = false} : vector<512x512xbf16>, vector<512x512xbf16>, vector<512x512xf32> -> vector<512x512xf32>
    %get3A_29 = arith.constant 0 : index
    %get3A_30 = arith.constant 0 : index
    %get3A_31 = arith.constant 0 : index
    %get3A_32 = vector.load %arg4[%get3A_29, %get3A_30, %get3A_31] : memref<1x512x512xf32, #tpu.memory_space<vmem>>, vector<1x512x512xf32>
    %get3A_33 = vector.shape_cast %get3A_32 : vector<1x512x512xf32> to vector<512x512xf32>
    %convert_element_type3A_34 = arith.truncf %get3A_33 : vector<512x512xf32> to vector<512x512xbf16>
    %dot_general3A_35 = arith.constant dense<0.000000e+00> : vector<512x512xf32>
    %dot_general3A_36 = tpu.matmul %get3A_20, %convert_element_type3A_34, %dot_general3A_35 {dimension_numbers = #tpu.dot_dimension_numbers<[1], [1], [0], [0], [0, 0, 1, 0], [], []>, transpose_lhs_hint = false} : vector<512x512xbf16>, vector<512x512xbf16>, vector<512x512xf32> -> vector<512x512xf32>
    %add3A = arith.addf %dot_general3A_28, %dot_general3A_36 : vector<512x512xf32>
    %get3A_37 = arith.constant 0 : index
    %get3A_38 = arith.constant 0 : index
    %get3A_39 = arith.constant 0 : index
    %get3A_40 = vector.load %arg5[%get3A_37, %get3A_38, %get3A_39] : memref<1x1x512xf32, #tpu.memory_space<vmem>>, vector<1x1x512xf32>
    %get3A_41 = vector.shape_cast %get3A_40 : vector<1x1x512xf32> to vector<1x512xf32>
    %add3A_42 = vector.broadcast %get3A_41 : vector<1x512xf32> to vector<512x512xf32>
    %add3A_43 = arith.addf %add3A, %add3A_42 : vector<512x512xf32>
    %ge3A = arith.constant 0.000000e+00 : f32
    %ge3A_44 = vector.broadcast %ge3A : f32 to vector<512x512xf32>
    %ge3A_45 = arith.cmpf oge, %add3A_43, %ge3A_44 : vector<512x512xf32>
    %mul3A_46 = arith.constant 0.00999999977 : f32
    %mul3A_47 = vector.broadcast %mul3A_46 : f32 to vector<512x512xf32>
    %mul3A_48 = arith.mulf %mul3A_47, %add3A_43 : vector<512x512xf32>
    %select_n3A = arith.select %ge3A_45, %add3A_43, %mul3A_48 : vector<512x512xi1>, vector<512x512xf32>
    %swap3A = arith.constant 0 : index
    %swap3A_49 = arith.constant 0 : index
    %swap3A_50 = vector.load %arg6[%swap3A, %swap3A_49] : memref<512x512xf32, #tpu.memory_space<vmem>>, vector<512x512xf32>
    tpu.vector_store %arg6[%swap3A, %swap3A_49], %select_n3A {strides = array<i32>} : memref<512x512xf32, #tpu.memory_space<vmem>>, vector<512x512xf32>,
    return
  }
  func.func @transform_0(%arg0: i32) -> (i32, i32) {
    %c0_i32 = arith.constant 0 : i32
    %c0_i32_0 = arith.constant 0 : i32
    return %arg0, %c0_i32 : i32, i32
  }
  func.func @transform_1(%arg0: i32) -> (i32, i32) {
    %c0_i32 = arith.constant 0 : i32
    %c0_i32_0 = arith.constant 0 : i32
    %c0_i32_1 = arith.constant 0 : i32
    return %c0_i32, %c0_i32_0 : i32, i32
  }
  func.func @transform_2(%arg0: i32) -> (i32, i32, i32) {
    %c3_i32 = arith.constant 3 : i32
    %c0_i32 = arith.constant 0 : i32
    %c0_i32_0 = arith.constant 0 : i32
    %c0_i32_1 = arith.constant 0 : i32
    return %c3_i32, %c0_i32, %c0_i32_0 : i32, i32, i32
  }
  func.func @transform_3(%arg0: i32) -> (i32, i32, i32) {
    %c3_i32 = arith.constant 3 : i32
    %c0_i32 = arith.constant 0 : i32
    %c0_i32_0 = arith.constant 0 : i32
    %c0_i32_1 = arith.constant 0 : i32
    return %c3_i32, %c0_i32, %c0_i32_0 : i32, i32, i32
  }
  func.func @transform_4(%arg0: i32) -> (i32, i32, i32) {
    %c3_i32 = arith.constant 3 : i32
    %c0_i32 = arith.constant 0 : i32
    %c0_i32_0 = arith.constant 0 : i32
    %c0_i32_1 = arith.constant 0 : i32
    return %c3_i32, %c0_i32, %c0_i32_0 : i32, i32, i32
  }
  func.func @transform_5(%arg0: i32) -> (i32, i32) {
    %c0_i32 = arith.constant 0 : i32
    %c0_i32_0 = arith.constant 0 : i32
    return %arg0, %c0_i32 : i32, i32
  }
}

</mosaic_0001>

<sc_bundles>
// kernel: kernel.11.cloned.1.call-start
scs
__scs_entry_jumppad:
0x0: {  	(pc) =	sbr.rel $0x88, $3  }
0x1: {  	(tag) =	ssettag $0x0;
	lr =	simm.s32 $0x1  }
0x2: {  	[smem:$0x3F98] =	sst lr;
	_ =	strace $0xD0000000  }
0x3: {  	_ = 	snop  }
0x4: {  	_ = 	snop  }
0x5: {  	_ = 	snop  }
0x6: {  	_ = 	snop  }
0x7: {  	_ = 	snop  }
__scs_overlays_trampoline_lowered:
0x8: {  	[smem:$0x3FA7] =	sst s0  }
0x9: {  	[smem:$0x3FA8] =	sst s1  }
0xa: {  	[smem:$0x3FA9] =	sst s2  }
0xb: {  	[smem:$0x3FAA] =	sst s3  }
0xc: {  	[smem:$0x3FAB] =	sst s4  }
0xd: {  	[smem:$0x3FAC] =	sst s5  }
0xe: {  	[smem:$0x3FAD] =	sst s6  }
0xf: {  	[smem:$0x3FAE] =	sst s7  }
0x10: {  	[smem:$0x3FAF] =	sst s8  }
0x11: {  	[smem:$0x3FB0] =	sst s9;
	s0 =	simm.s32 @!p0 $0x0  }
0x12: {  	s1 =	sld [smem:$0x3F96];
	s0 =	simm.s32 @p0 $0x1  }
0x13: {  	[smem:$0x3FB1] =	sst s0;
	s0 =	simm.s32 @!p1 $0x0  }
0x14: {  	s2 =	sld [smem:$0x3F95];
	s0 =	simm.s32 @p1 $0x1  }
0x15: {  	[smem:$0x3FB2] =	sst s0;
	s0 =	simm.s32 @!p2 $0x0  }
0x16: {  	s3 =	sld [smem:$0x3FDB];
	s0 =	simm.s32 @p2 $0x1  }
0x17: {  	s4 =	simm.s32 $0x1BF5;
	[smem:$0x3FB4] =	sst s0  }
0x18: {  	s0 =	sld [smem:$0x3F97];
	_ =	swait.ge [sflag:s4], $0x0  }
0x19: {  	s7 =	sld [smem:$0x3F98]  }
0x1a: {  	s8 =	sadd.s32 $0xFFFFE003, lr  }
0x1b: {  	s9 =	sadd.s32 $0xFFFFFEF7, lr;
	s5 =	simm.s32 $0xFFFFFFFF;
	p2 =	slt.u32 s8, $0xFFFFF086  }
0x1c: {  	p1 =	slt.u32 s9, $0xF7A;
	s5 =	simm.s32 @!p2 $0x0  }
0x1d: {  	s5 =	simm.s32 @p1 $0x1;
	p0 =	seq.s32 s7, s2  }
0x1e: {  	s7 =	smul.u32 @!p0 $0xF7A, s2;
	p2 =	seq.s32 @!p0 s5, $0x0  }
0x1f: {  	s9 =	smul.u32 $0xF7A, s1;
	s8 =	simm.s32 @!p0 $0x1BF5;
	p2 =	por !p2, p0  }
0x20: {  	[sflag:s8] =	ssyncset.s32 @!p0 $0xFFFFF086;
	s6 =	sadd.s32 @!p0 s3, s7;
	s7 =	simm.s32 @!p0 $0x108  }
0x21: {  	s3 =	sadd.s32 s3, s9;
	s6 =	sadd.s32 @!p0 $0x88, s6;
	s7 =	simm.s32 @p2 $0x1082  }
0x22: {  	[simem:s7], [sflag:s8] =	dma.local @!p0 [hbm:s6], $0xF7A  }
0x23: {  	s9 =	sor.u32 $0xD0000000, s2;
	s6 =	simm.s32 $0x108;
	_ =	swait.ge @!p0 [sflag:s8], $0x0  }
0x24: {  	s3 =	sadd.s32 $0x88, s3;
	s6 =	simm.s32 @!p1 $0x1082;
	[sflag:s4] =	ssyncset.s32 $0xFFFFF086  }
0x25: {  	[simem:s6], [sflag:s4] =	dma.local [hbm:s3], $0xF7A  }
0x26: {  	[smem:$0x3F98] =	sst s1;
	(tag) =	ssettag s2;
	_ =	strace s9  }
0x27: {  	s1 =	sld [smem:$0x3FA8]  }
0x28: {  	s2 =	sld [smem:$0x3FA9]  }
0x29: {  	s4 =	sld [smem:$0x3FAB]  }
0x2a: {  	p0 =	seq.s32 s5, $0x0;
	s5 =	sld [smem:$0x3FAC]  }
0x2b: {  	s6 =	sld [smem:$0x3FAD]  }
0x2c: {  	s7 =	sld [smem:$0x3FAE]  }
0x2d: {  	s3 =	simm.s32 $0x108;
	s8 =	sld [smem:$0x3FAF]  }
0x2e: {  	s3 =	simm.s32 @!p0 $0x1082;
	s9 =	sld [smem:$0x3FB0]  }
0x2f: {  	lr =	sadd.s32 s0, s3;
	s0 =	sld [smem:$0x3FA7]  }
0x30: {  	s3 =	sld [smem:$0x3FAA]  }
0x31: {  	[smem:$0x3FB3] =	sst s10  }
0x32: {  	s10 =	sld [smem:$0x3FB1];
	_ =	sdelay $0x3  }
0x33: {  	p0 =	seq.s32 s10, $0x1;
	s10 =	sld [smem:$0x3FB3];
	_ =	sdelay $0x3  }
0x34: {  	[smem:$0x3FB3] =	sst s10  }
0x35: {  	s10 =	sld [smem:$0x3FB2];
	_ =	sdelay $0x3  }
0x36: {  	p1 =	seq.s32 s10, $0x1;
	s10 =	sld [smem:$0x3FB3];
	_ =	sdelay $0x3  }
0x37: {  	[smem:$0x3FB3] =	sst s10  }
0x38: {  	s10 =	sld [smem:$0x3FB4]  }
0x39: {  	_ = 	snop;
	(pc) =	sbr.ind lr, $3  }
0x3a: {  	_ = 	snop  }
0x3b: {  	_ = 	snop  }
0x3c: {  	p2 =	seq.s32 s10, $0x1;
	s10 =	sld [smem:$0x3FB3]  }
0x3d: {  	_ =	shalt  }
0x3e: {  	_ =	shalt  }
0x3f: {  	_ =	shalt  }
0x40: {  	_ =	shalt  }
0x41: {  	_ =	shalt  }
0x42: {  	_ =	shalt  }
0x43: {  	_ =	shalt  }
0x44: {  	_ =	shalt  }
0x45: {  	_ =	shalt  }
0x46: {  	_ =	shalt  }
0x47: {  	_ =	shalt  }
0x48: {  	_ =	shalt  }
0x49: {  	_ =	shalt  }
0x4a: {  	_ =	shalt  }
0x4b: {  	_ =	shalt  }
0x4c: {  	_ =	shalt  }
0x4d: {  	_ =	shalt  }
0x4e: {  	_ =	shalt  }
0x4f: {  	_ =	shalt  }
0x50: {  	_ =	shalt  }
0x51: {  	_ =	shalt  }
0x52: {  	_ =	shalt  }
0x53: {  	_ =	shalt  }
0x54: {  	_ =	shalt  }
0x55: {  	_ =	shalt  }
0x56: {  	_ =	shalt  }
0x57: {  	_ =	shalt  }
0x58: {  	_ =	shalt  }
0x59: {  	_ =	shalt  }
0x5a: {  	_ =	shalt  }
0x5b: {  	_ =	shalt  }
0x5c: {  	_ =	shalt  }
0x5d: {  	_ =	shalt  }
0x5e: {  	_ =	shalt  }
0x5f: {  	_ =	shalt  }
0x60: {  	_ =	shalt  }
0x61: {  	_ =	shalt  }
0x62: {  	_ =	shalt  }
0x63: {  	_ =	shalt  }
0x64: {  	_ =	shalt  }
0x65: {  	_ =	shalt  }
0x66: {  	_ =	shalt  }
0x67: {  	_ =	shalt  }
0x68: {  	_ =	shalt  }
0x69: {  	_ =	shalt  }
0x6a: {  	_ =	shalt  }
0x6b: {  	_ =	shalt  }
0x6c: {  	_ =	shalt  }
0x6d: {  	_ =	shalt  }
0x6e: {  	_ =	shalt  }
0x6f: {  	_ =	shalt  }
0x70: {  	_ =	shalt  }
0x71: {  	_ =	shalt  }
0x72: {  	_ =	shalt  }
0x73: {  	_ =	shalt  }
0x74: {  	_ =	shalt  }
0x75: {  	_ =	shalt  }
0x76: {  	_ =	shalt  }
0x77: {  	_ =	shalt  }
0x78: {  	_ =	shalt  }
0x79: {  	_ =	shalt  }
0x7a: {  	_ =	shalt  }
0x7b: {  	_ =	shalt  }
0x7c: {  	_ =	shalt  }
0x7d: {  	_ =	shalt  }
0x7e: {  	_ =	shalt  }
0x7f: {  	_ =	shalt  }
0x80: {  	_ =	shalt  }
0x81: {  	_ =	shalt  }
0x82: {  	_ =	shalt  }
0x83: {  	_ =	shalt  }
0x84: {  	_ =	shalt  }
0x85: {  	_ =	shalt  }
0x86: {  	_ =	shalt  }
0x87: {  	_ =	shalt  }
.Lfunc_end0:
.L_simem_size_0:
called_computation_lowered:
.L_overlay_start_0:
0x88: {  	s2 =	sld [smem:$0x3FD9]  }
0x89: {  	s3 =	sld [smem:$0x3FFE];
	_ =	sdelay $0x1  }
0x8a: {  	s1 =	srdreg.scid  }
0x8b: {  	s0 =	sand.u32 $0x1, s1  }
0x8c: {  	s17 =	sshll.u32 s0, $0xA;
	s2 =	sadd.s32 s3, s2  }
0x8d: {  	s2 =	sadd.s32 s2, s17  }
0x8e: {  	[smem:$0x3FBF] =	sst s2  }
0x8f: {  	_ = 	snop  }
0x90: {  	s2 =	sld [smem:$0x3FD0];
	(tm) =	ssettm $0x1  }
0x91: {  	s18 =	sld [smem:$0x3FFB];
	_ =	sdelay $0x3  }
0x92: {  	_ =	strace s18  }
0x93: {  	s3 =	sld [smem:$0x3FFC];
	_ =	sdelay $0x3  }
0x94: {  	_ =	strace s3  }
0x95: {  	s3 =	sld [smem:$0x3FFD];
	_ =	sdelay $0x3  }
0x96: {  	_ =	strace s3  }
0x97: {  	_ =	strace $0x8FFFFFFF  }
0x98: {  	s19 =	sld [smem:$0x3FDB];
	_ =	sdelay $0x1  }
0x99: {  	s4 =	simm.s32 $_scs_section_size  }
0x9a: {  	s5 =	simm.s32 $_size__tile_overlayer_lowered;
	s6 =	simm.s32 $_tile_overlayer_lowered  }
0x9b: {  	s22 =	simm.s32 $0x1BFF;
	s21 =	sshll.u32 s6, $0x1;
	s3 =	sadd.s32 s4, s19  }
0x9c: {  	s7 =	simm.s32 $0x0;
	s20 =	sshll.u32 s5, $0x1;
	s5 =	sadd.s32 s21, s3  }
0x9d: {  	[timem:s7], [sflag:s22] =	dma.local [hbm:s5], s20  }
0x9e: {  	_ =	swait.ge [sflag:s22], s20  }
0x9f: {  	s4 =	ssub.s32 $0x0, s20;
	[sflag:s22] =	ssyncset.done $0x0  }
0xa0: {  	[sflag:s22] =	ssyncadd.s32 s4;
	_ =	sdelay $0x1  }
0xa1: {  	s23 =	simm.s32 $0x1B8B  }
0xa2: {  	_ =	swait.ge [sflag:s23], $0x1  }
0xa3: {  	[sflag:s23] =	ssyncset.done $0x0  }
0xa4: {  	s25 =	simm.s32 $0x1B8E;
	s24 =	sld [smem:$0x3FFE];
	[sflag:s23] =	ssyncadd.s32 $0xFFFFFFFF  }
0xa5: {  	s26 =	simm.s32 $execute0_lowered;
	[smem:$0x3FD2] =	sst s25  }
0xa6: {  	s5 =	sshll.u32 s26, $0x1;
	_ =	strace $0x80000046;
	[dreg:$0x1] =	wrdreg $0xFFFFFFFF  }
0xa7: {  	s28 =	simm.s32 $_size_execute0_lowered;
	s3 =	sadd.s32 s3, s5;
	[dreg:$0x0] =	wrdreg $0x0  }
0xa8: {  	s5 =	sshll.u32 s28, $0x1;
	[dreg:$0x2] =	wrdreg s3  }
0xa9: {  	[dreg:$0x3] =	wrdreg s5  }
0xaa: {  	[dreg:$0x4] =	wrdreg $0xC0  }
0xab: {  	_ =	task [dreg:s7], $0x5FFFF  }
0xac: {  	[dreg:$0x1] =	wrdreg $0xFFFFFFFF  }
0xad: {  	[dreg:$0x0] =	wrdreg $0x60  }
0xae: {  	[dreg:$0x2] =	wrdreg s24  }
0xaf: {  	[dreg:$0x3] =	wrdreg s2  }
0xb0: {  	[dreg:$0x4] =	wrdreg $0x100880  }
0xb1: {  	[dreg:$0x5] =	wrdreg $0x0  }
0xb2: {  	[dreg:$0x6] =	wrdreg $0x9  }
0xb3: {  	_ =	task.clear_ibuf [dreg:s7], $0x7FFFF;
	_ =	strace $0x90000046  }
0xb4: {  	s29 =	simm.s32 $0x9;
	_ =	strace $0x80000053  }
0xb5: {  	_ =	swait.ge [sflag:s29], $0x1  }
0xb6: {  	[sflag:s29] =	ssyncadd.s32 $0xFFFFFFFF  }
0xb7: {  	_ =	strace $0x90000053  }
0xb8: {  	_ =	sfence  }
0xb9: {  	s30 =	sld [smem:$0x0];
	_ =	sdelay $0x2  }
0xba: {  	s31 =	sshll.u32 s1, $0xD;
	s1 =	sshrl.u32 s1, $0x2  }
0xbb: {  	s3 =	sand.u32 $0x4000, s31;
	s1 =	sadd.s32 s1, s30  }
0xbc: {  	s0 =	sor.u32 s3, s0;
	s1 =	sshll.u32 s1, $0x11  }
0xbd: {  	s0 =	sor.u32 s1, s0  }
0xbe: {  	s0 =	sadd.s32 $0x8F2B, s0  }
0xbf: {  	[sflag:s0] =	ssyncadd.remote.s32 $0x1  }
0xc0: {  	_ =	sfence.sel $0xFFFF  }
0xc1: {  	[dreg:$0x0] =	wrdreg $0xFFFFFFFF;
	(pc) =	sbr.abs _section_cstart, $3  }
0xc2: {  	[dreg:$0x1] =	wrdreg $0xFFFFFFFF  }
0xc3: {  	_ =	task.clear_ibuf [dreg:s7], $0x2FFFF;
	_ =	strace $0x9FFFFFFF  }
0xc4: {  	(tm) =	ssettm $0x7FFFFFFF  }
0xc5: {  	_ =	shalt  }
tec
execute0_lowered:
.L_overlay_start_1:
0x0: {  	(tag) =	ssettag $0x1  }
0x1: {  	s2 =	rddreg [dreg:$0x0]  }
0x2: {  	s3 =	rddreg [dreg:$0x1]  }
0x3: {  	s0 =	rddreg [dreg:$0x2]  }
0x4: {  	s4 =	srdreg.scid;
	s5 =	stileid.u32  }
0x5: {  	s1 =	simm.s32 $0x0;
	s4 =	sand.u32 $0x1, s4;
	s7 =	sshll.u32 s5, $0x10  }
0x6: {  	[smem:$0x7FF] =	sst s1;
	s10 =	sadd.s32 $0xC800, s2;
	s8 =	sshll.u32 s4, $0x14  }
0x7: {  	s25 =	sadd.s32 $0xCC00, s2;
	s26 =	sadd.s32 $0xD000, s2;
	s8 =	sor.u32 s7, s8  }
0x8: {  	s13 =	sadd.s32 $0xD400, s2;
	s21 =	sadd.s32 $0xD800, s2;
	s8 =	sshrl.u32 s8, $0x3  }
0x9: {  	s22 =	sadd.s32 $0xDC00, s2;
	s23 =	sadd.s32 $0xE000, s2;
	s11 =	sadd.s32 s10, s8  }
0xa: {  	s19 =	sadd.s32 $0xE400, s2;
	s12 =	sadd.s32 s8, s25;
	[dreg:$0x5] =	wrdreg s11  }
0xb: {  	p0 =	sne.s32 s5, $0x0;
	s14 =	sadd.s32 s8, s26;
	[dreg:$0x6] =	wrdreg s12  }
0xc: {  	s31 =	sadd.s32 $0x20000, s0;
	s20 =	sadd.s32 s8, s13;
	[dreg:$0x7] =	wrdreg s14  }
0xd: {  	s6 =	ssub.s32 $0x2, s4;
	s15 =	sadd.s32 s8, s21;
	[dreg:$0x8] =	wrdreg s20  }
0xe: {  	s9 =	sshrl.u32 s6, $0x1;
	s17 =	sadd.s32 s8, s22;
	[dreg:$0x9] =	wrdreg s15  }
0xf: {  	s6 =	ssub.s32 s6, s9;
	s18 =	sadd.s32 s8, s23;
	[dreg:$0xa] =	wrdreg s17  }
0x10: {  	s9 =	sor.u32 $0x2, s4;
	s8 =	sadd.s32 s8, s19;
	[dreg:$0xb] =	wrdreg s18  }
0x11: {  	s16 =	sshll.u32 s9, $0x14;
	s30 =	smax.u32 s6, $0x1;
	[dreg:$0xc] =	wrdreg s8  }
0x12: {  	s16 =	sor.u32 s7, s16;
	s14 =	sshll.u32 s4, $0x11;
	s18 =	rddreg [dreg:$0x3]  }
0x13: {  	s20 =	sadd.s32 $0xC200, s2;
	s16 =	sshrl.u32 s16, $0x3;
	s29 =	sadd.s32 s7, s18  }
0x14: {  	s8 =	sadd.s32 $0x100000, s18;
	s24 =	sadd.s32 s10, s16;
	s25 =	sadd.s32 s16, s25  }
0x15: {  	s26 =	sadd.s32 s16, s26;
	s10 =	sadd.s32 s16, s13;
	[dreg:$0xd] =	wrdreg s24  }
0x16: {  	s11 =	sadd.s32 s16, s21;
	s12 =	sadd.s32 s16, s22;
	[dreg:$0xe] =	wrdreg s25  }
0x17: {  	s13 =	sshll.u32 s5, $0xD;
	s15 =	sadd.s32 s16, s23;
	[dreg:$0xf] =	wrdreg s26  }
0x18: {  	s17 =	sadd.s32 s16, s19;
	s19 =	sshll.u32 s5, $0x7;
	[dreg:$0x10] =	wrdreg s10  }
0x19: {  	s5 =	sshll.u32 s5, $0xA;
	s22 =	sshll.u32 s4, $0x8;
	[dreg:$0x11] =	wrdreg s11  }
0x1a: {  	s16 =	sadd.s32 $0x2000, s29;
	s6 =	sadd.s32 $0xC000, s29;
	[dreg:$0x12] =	wrdreg s12  }
0x1b: {  	s7 =	sadd.s32 $0xE000, s29;
	[dreg:$0x13] =	wrdreg s15;
	s10 =	sor.u32 s13, s14  }
0x1c: {  	[dreg:$0x14] =	wrdreg s17;
	s5 =	sadd.s32 s5, s2;
	s28 =	sadd.s32 s13, s0  }
0x1d: {  	s14 =	sshll.u32 s9, $0x9;
	s15 =	sshll.u32 s4, $0x9;
	s23 =	sadd.s32 $0x100, s22  }
0x1e: {  	s4 =	sadd.s32 $0x8000, s29;
	s9 =	simm.s32 $0x19530;
	s11 =	simm.s32 $0x194B0  }
0x1f: {  	s12 =	simm.s32 $0x1;
	s13 =	simm.s32 $0x80;
	s10 =	sshrl.u32 s10, $0x3  }
0x20: {  	s17 =	simm.s32 $0x0;
	s21 =	sadd.s32 $0x4200, s5;
	s3 =	sadd.s32 s3, s10  }
0x21: {  	s24 =	sadd.s32 $0x8200, s5;
	[dreg:$0x15] =	wrdreg s3;
	s3 =	sadd.s32 s19, s2  }
0x22: {  	s2 =	sadd.s32 $0xC600, s2;
	_ =	strace $0x80000047;
	[dreg:$0x16] =	wrdreg s20  }
0x23: {  	s5 =	sadd.s32 $0xA000, s29;
	s10 =	simm.s32 $0x2;
	[dreg:$0x17] =	wrdreg s2  }
0x24: {  	[dreg:$0x18] =	wrdreg s21;
	s25 =	sadd.s32 $0x3200, s3;
	s26 =	sadd.s32 $0x3A00, s3  }
0x25: {  	v0 =	vmov s22;
	v1 =	vmov s23;
	v2 =	vmov s15;
	s20 =	sadd.s32 $0x200, s15;
	s2 =	sadd.s32 $0x4000, s29;
	s21 =	sadd.s32 $0x200, s14  }
0x26: {  	v4 =	vmov s14;
	s3 =	sadd.s32 $0x6000, s29;
	s14 =	simm.s32 $0x1B530;
	s15 =	simm.s32 $0x1D530;
	v3 =	vmov s20;
	v5 =	vmov s21  }
.LBB2_1:
0x27: {  	s19 =	rddreg [dreg:$0x18];
	s20 =	simm.s32 $0x120B0  }
0x28: {  	[tilespmem:s20], [sflag:$0x1] =	stream.linear.gather [hbm4b:s19+s1], $0x2000, $0x38;
	[tilespmem:$0x1F530] =	vst v63  }
0x29: {  	s23 =	simm.s32 $0x140B0  }
0x2a: {  	[tilespmem:s23], [sflag:$0x1] =	stream.linear.gather [hbm4b:s24+s1], $0x2000, $0x38;
	[tilespmem:$0x1F530] =	vst v63  }
0x2b: {  	s20 =	simm.s32 $0x160B0  }
0x2c: {  	[tilespmem:s20], [sflag:$0x1] =	stream.linear.gather [hbm4b:s25+s1], $0x400, $0x38;
	[tilespmem:$0x1F530] =	vst v63  }
0x2d: {  	s21 =	simm.s32 $0x164B0  }
0x2e: {  	[tilespmem:s21], [sflag:$0x1] =	stream.linear.gather [hbm4b:s26+s1], $0x400, $0x38;
	[tilespmem:$0x1F530] =	vst v63  }
0x2f: {  	s22 =	rddreg [dreg:$0x16]  }
0x30: {  	[tilespmem:s9], [sflag:$0x2] =	stream.linear.gather [hbm4b:s22+s1], $0x2000, $0x38;
	[tilespmem:$0x1F530] =	vst v63  }
0x31: {  	_ =	swait.ge [sflag:s10], $0x2000  }
0x32: {  	[sflag:s10] =	ssyncset.done $0x0  }
0x33: {  	s23 =	rddreg [dreg:$0x17];
	[sflag:s10] =	ssyncadd.s32 $0xFFFFE000  }
0x34: {  	[tilespmem:s11], [sflag:$0x2] =	stream.linear.gather [hbm4b:s23+s1], $0x80, $0x38;
	[tilespmem:$0x1F530] =	vst v63  }
0x35: {  	_ =	swait.ge [sflag:s10], $0x80  }
0x36: {  	[sflag:s10] =	ssyncset.done $0x0  }
0x37: {  	[sflag:s10] =	ssyncadd.s32 $0xFFFFFF80  }
0x38: {  	[spmem:s28] =	stream.linear.scatter [tilespmem:s9], [sflag:$0x2], $0x2000, $0x38;
	[tilespmem:$0x1F530] =	vst v63  }
0x39: {  	_ =	swait.ge [sflag:s10], $0x2000  }
0x3a: {  	[sflag:s10] =	ssyncset.done $0x0  }
0x3b: {  	s19 =	simm.s32 @!p0 $0x19530;
	[sflag:s10] =	ssyncadd.s32 $0xFFFFE000  }
0x3c: {  	[spmem:s31] =	stream.linear.scatter @!p0 [tilespmem:s19], [sflag:$0x2], $0x80, $0x38;
	[tilespmem:$0x1F530] =	vst v63  }
0x3d: {  	s19 =	simm.s32 @!p0 $0x2  }
0x3e: {  	_ =	swait.ge @!p0 [sflag:s19], $0x80  }
0x3f: {  	[sflag:s19] =	ssyncset.done @!p0 $0x0  }
0x40: {  	[sflag:s19] =	ssyncadd.s32 @!p0 $0xFFFFFF80  }
0x41: {  	_ =	swait.ge [sflag:s12], $0x2000  }
0x42: {  	[sflag:s12] =	ssyncset.done $0x0  }
0x43: {  	[sflag:s12] =	ssyncadd.s32 $0xFFFFE000  }
0x44: {  	_ =	swait.ge [sflag:s12], $0x2000  }
0x45: {  	[sflag:s12] =	ssyncset.done $0x0  }
0x46: {  	[sflag:s12] =	ssyncadd.s32 $0xFFFFE000  }
0x47: {  	_ =	swait.ge [sflag:s12], $0x400  }
0x48: {  	[sflag:s12] =	ssyncset.done $0x0  }
0x49: {  	[sflag:s12] =	ssyncadd.s32 $0xFFFFFC00  }
0x4a: {  	_ =	swait.ge [sflag:s12], $0x400  }
0x4b: {  	[sflag:s12] =	ssyncset.done $0x0  }
0x4c: {  	[sflag:s12] =	ssyncadd.s32 $0xFFFFFC00  }
0x4d: {  	s19 =	simm.s32 $0x0;
	_ =	strace $0x80000048  }
0x4e: {  	v6 =	vld [tilespmem:s19+$0x16520]  }
0x4f: {  	v7 =	vld [tilespmem:s19+$0x164B0]  }
0x50: {  	v8 =	vld [tilespmem:s19+$0x164C0]  }
0x51: {  	v10 =	vld [tilespmem:s19+$0x164D0]  }
0x52: {  	v11 =	vld [tilespmem:s19+$0x164E0]  }
0x53: {  	v12 =	vld [tilespmem:s19+$0x164F0]  }
0x54: {  	v14 =	vld [tilespmem:s19+$0x16500];
	vm0 =	vge.s32 v6, v0;
	vm1 =	vlt.s32 v6, v1;
	v6 =	vsub.s32 v6, v0  }
0x55: {  	v15 =	vld [tilespmem:s19+$0x16510];
	vm2 =	vge.s32 v7, v0;
	v13 =	vsub.s32 v7, v0;
	vm3 =	vge.s32 v8, v0  }
0x56: {  	vm4 =	vlt.s32 v8, v1;
	v16 =	vsub.s32 v8, v0;
	vm5 =	vge.s32 v10, v0  }
0x57: {  	vm6 =	vlt.s32 v10, v1;
	v17 =	vsub.s32 v10, v0;
	vm7 =	vge.s32 v11, v0  }
0x58: {  	vm8 =	vlt.s32 v11, v1;
	v11 =	vsub.s32 v11, v0;
	vm9 =	vge.s32 v12, v0  }
0x59: {  	v9 =	vld [tilespmem:s19+$0x16120];
	vm10 =	vlt.s32 v12, v1;
	v12 =	vsub.s32 v12, v0;
	vm11 =	vge.s32 v14, v0  }
0x5a: {  	vm12 =	vlt.s32 v14, v1;
	v18 =	vsub.s32 v14, v0;
	vm13 =	vge.s32 v15, v0  }
0x5b: {  	vm14 =	vlt.s32 v15, v1;
	v8 =	vld [tilespmem:s19+$0x160D0];
	v20 =	vsub.s32 v15, v0;
	vm0 =	vmand vm0, vm1  }
0x5c: {  	v10 =	vld [tilespmem:s19+$0x160F0];
	v6 =	vshll.u32 v6, $0x9;
	vm1 =	vlt.s32 v7, v1;
	v13 =	vshll.u32 v13, $0x9  }
0x5d: {  	v14 =	vshll.u32 v16, $0x9;
	v15 =	vshll.u32 v11, $0x9;
	v11 =	vld [tilespmem:s19+$0x16100];
	v6 =	vnsel vm0, $0x20000, v6  }
0x5e: {  	v16 =	vshll.u32 v17, $0x9;
	v17 =	vshll.u32 v12, $0x9;
	v7 =	vadd.s32 v9, v6;
	v6 =	vld [tilespmem:s19+$0x160B0]  }
0x5f: {  	v19 =	vshll.u32 v18, $0x9;
	v18 =	vshll.u32 v20, $0x9;
	vm0 =	vmand vm2, vm1;
	[tilespmem:s19+$0x18D20] =	vst v7;
	v7 =	vld [tilespmem:s19+$0x160C0]  }
0x60: {  	vm2 =	vmand vm3, vm4;
	vm1 =	vmand vm5, vm6;
	vm3 =	vmand vm7, vm8;
	v9 =	vld [tilespmem:s19+$0x160E0]  }
0x61: {  	s20 =	simm.s32 $0x80;
	s21 =	simm.s32 $0x400;
	v12 =	vld [tilespmem:s19+$0x16110];
	vm4 =	vmand vm9, vm10;
	vm5 =	vmand vm11, vm12;
	vm6 =	vmand vm13, vm14  }
.LBB2_2:
0x62: {  	p1 =	sne.s32 s21, $0xE00;
	v20 =	vld [tilespmem:s20+$0x16520];
	v13 =	vnsel vm0, $0x20000, v13;
	v14 =	vnsel vm2, $0x20000, v14;
	v16 =	vnsel vm1, $0x20000, v16  }
0x63: {  	v15 =	vnsel vm3, $0x20000, v15;
	v17 =	vnsel vm4, $0x20000, v17;
	v19 =	vnsel vm5, $0x20000, v19;
	v21 =	vld [tilespmem:s20+$0x164B0]  }
0x64: {  	v6 =	vadd.s32 v6, v13;
	v7 =	vadd.s32 v7, v14;
	v13 =	vnsel vm6, $0x20000, v18;
	v22 =	vld [tilespmem:s20+$0x164C0]  }
0x65: {  	v14 =	vld [tilespmem:s20+$0x16120];
	[tilespmem:s19+$0x18CB0] =	vst v6;
	v6 =	vadd.s32 v8, v16;
	v8 =	vadd.s32 v9, v15;
	v9 =	vadd.s32 v10, v17  }
0x66: {  	v10 =	vld [tilespmem:s20+$0x164D0];
	[tilespmem:s19+$0x18CC0] =	vst v7;
	v7 =	vadd.s32 v11, v19;
	v11 =	vadd.s32 v12, v13  }
0x67: {  	v12 =	vld [tilespmem:s20+$0x164E0];
	vm1 =	vge.s32 v20, v0;
	vm2 =	vlt.s32 v20, v1;
	v13 =	vsub.s32 v20, v0;
	[tilespmem:s19+$0x18CD0] =	vst v6  }
0x68: {  	vm0 =	vge.s32 v21, v0;
	v15 =	vld [tilespmem:s20+$0x164F0];
	vm2 =	vmand vm1, vm2;
	v6 =	vshll.u32 v13, $0x9;
	[tilespmem:s19+$0x18CE0] =	vst v8  }
0x69: {  	vm1 =	vlt.s32 v21, v1;
	v13 =	vsub.s32 v21, v0;
	v16 =	vld [tilespmem:s20+$0x16500];
	v6 =	vnsel vm2, $0x20000, v6;
	[tilespmem:s19+$0x18CF0] =	vst v9  }
0x6a: {  	vm2 =	vge.s32 v22, v0;
	vm3 =	vlt.s32 v22, v1;
	v17 =	vld [tilespmem:s20+$0x16510];
	v8 =	vadd.s32 v14, v6;
	[tilespmem:s19+$0x18D00] =	vst v7  }
0x6b: {  	v14 =	vsub.s32 v22, v0;
	v6 =	vld [tilespmem:s20+$0x160B0];
	vm4 =	vge.s32 v10, v0;
	vm5 =	vlt.s32 v10, v1;
	[tilespmem:s20+$0x18D20] =	vst v8  }
0x6c: {  	v18 =	vsub.s32 v10, v0;
	v7 =	vld [tilespmem:s20+$0x160C0];
	vm6 =	vge.s32 v12, v0;
	vm7 =	vlt.s32 v12, v1;
	[tilespmem:s19+$0x18D10] =	vst v11;
	s19 =	smov.u32 s20  }
0x6d: {  	v19 =	vsub.s32 v12, v0;
	v8 =	vld [tilespmem:s19+$0x160D0];
	vm8 =	vge.s32 v15, v0;
	vm9 =	vlt.s32 v15, v1  }
0x6e: {  	v20 =	vsub.s32 v15, v0;
	v9 =	vld [tilespmem:s19+$0x160E0];
	vm10 =	vge.s32 v16, v0;
	vm11 =	vlt.s32 v16, v1  }
0x6f: {  	v21 =	vsub.s32 v16, v0;
	v10 =	vld [tilespmem:s19+$0x160F0];
	vm12 =	vge.s32 v17, v0;
	vm13 =	vlt.s32 v17, v1  }
.Ltmp0:
0x70: {  	vm0 =	vmand vm0, vm1;
	v13 =	vshll.u32 v13, $0x9;
	v22 =	vsub.s32 v17, v0;
	v11 =	vld [tilespmem:s19+$0x16100];
	(pc) =	sbr.rel @p1 .LBB2_2-.Ltmp0, $4  }
0x71: {  	vm2 =	vmand vm2, vm3;
	v14 =	vshll.u32 v14, $0x9;
	vm1 =	vmand vm4, vm5;
	v12 =	vld [tilespmem:s19+$0x16110]  }
0x72: {  	vm3 =	vmand vm6, vm7;
	v15 =	vshll.u32 v19, $0x9;
	v16 =	vshll.u32 v18, $0x9  }
0x73: {  	vm4 =	vmand vm8, vm9;
	v17 =	vshll.u32 v20, $0x9;
	vm5 =	vmand vm10, vm11  }
0x74: {  	s20 =	sshra.s32 s21, $0x2;
	s21 =	sadd.s32 $0x200, s21;
	v19 =	vshll.u32 v21, $0x9;
	vm6 =	vmand vm12, vm13;
	v18 =	vshll.u32 v22, $0x9  }
0x75: {  	v20 =	vld [tilespmem:s20+$0x16520]  }
0x76: {  	v21 =	vld [tilespmem:s20+$0x164B0];
	v13 =	vnsel vm0, $0x20000, v13  }
0x77: {  	v22 =	vld [tilespmem:s20+$0x164C0];
	v14 =	vnsel vm2, $0x20000, v14;
	v6 =	vadd.s32 v6, v13  }
0x78: {  	v13 =	vld [tilespmem:s20+$0x16120];
	[tilespmem:s19+$0x18CB0] =	vst v6;
	v6 =	vadd.s32 v7, v14  }
0x79: {  	v14 =	vnsel vm1, $0x20000, v16;
	v16 =	vnsel vm5, $0x20000, v19;
	v7 =	vld [tilespmem:s20+$0x164D0];
	[tilespmem:s19+$0x18CC0] =	vst v6;
	v6 =	vnsel vm3, $0x20000, v15  }
0x7a: {  	v8 =	vadd.s32 v8, v14;
	v15 =	vnsel vm4, $0x20000, v17;
	v17 =	vnsel vm6, $0x20000, v18  }
0x7b: {  	v14 =	vld [tilespmem:s20+$0x164E0];
	[tilespmem:s19+$0x18CD0] =	vst v8;
	v6 =	vadd.s32 v9, v6;
	v8 =	vadd.s32 v10, v15;
	v9 =	vadd.s32 v11, v16  }
0x7c: {  	v11 =	vadd.s32 v12, v17;
	vm1 =	vge.s32 v20, v0;
	vm2 =	vlt.s32 v20, v1  }
0x7d: {  	v10 =	vld [tilespmem:s20+$0x164F0];
	[tilespmem:s19+$0x18CE0] =	vst v6;
	v6 =	vsub.s32 v20, v0;
	vm0 =	vge.s32 v21, v0;
	v15 =	vsub.s32 v21, v0  }
0x7e: {  	vm3 =	vlt.s32 v22, v1;
	vm1 =	vmand vm1, vm2;
	v6 =	vshll.u32 v6, $0x9  }
0x7f: {  	v12 =	vld [tilespmem:s20+$0x16500];
	vm2 =	vlt.s32 v21, v1;
	[tilespmem:s19+$0x18CF0] =	vst v8;
	v15 =	vshll.u32 v15, $0x9;
	v6 =	vnsel vm1, $0x20000, v6  }
0x80: {  	vm1 =	vge.s32 v22, v0;
	v8 =	vld [tilespmem:s20+$0x16510];
	[tilespmem:s19+$0x18D00] =	vst v9;
	v9 =	vsub.s32 v22, v0;
	vm0 =	vmand vm0, vm2  }
0x81: {  	v6 =	vadd.s32 v13, v6;
	vm4 =	vge.s32 v7, v0;
	vm5 =	vlt.s32 v7, v1  }
0x82: {  	v7 =	vsub.s32 v7, v0;
	vm1 =	vmand vm1, vm3;
	v9 =	vshll.u32 v9, $0x9  }
0x83: {  	v15 =	vnsel vm0, $0x20000, v15;
	vm6 =	vge.s32 v14, v0;
	vm7 =	vlt.s32 v14, v1  }
0x84: {  	v13 =	vld [tilespmem:s20+$0x160B0];
	[tilespmem:s20+$0x18D20] =	vst v6;
	v6 =	vsub.s32 v14, v0;
	vm2 =	vmand vm4, vm5;
	v7 =	vshll.u32 v7, $0x9  }
0x85: {  	v14 =	vld [tilespmem:s20+$0x160C0];
	v9 =	vnsel vm1, $0x20000, v9;
	vm8 =	vge.s32 v10, v0;
	vm9 =	vlt.s32 v10, v1;
	[tilespmem:s19+$0x18D10] =	vst v11  }
0x86: {  	vm10 =	vge.s32 v12, v0;
	vm11 =	vlt.s32 v12, v1;
	v11 =	vsub.s32 v12, v0;
	v12 =	vld [tilespmem:s20+$0x160D0]  }
0x87: {  	v10 =	vsub.s32 v10, v0;
	vm3 =	vmand vm6, vm7;
	v6 =	vshll.u32 v6, $0x9;
	v16 =	vld [tilespmem:s20+$0x160E0]  }
0x88: {  	v7 =	vnsel vm2, $0x20000, v7;
	v17 =	vld [tilespmem:s20+$0x160F0];
	vm4 =	vmand vm8, vm9;
	v10 =	vshll.u32 v10, $0x9  }
0x89: {  	v18 =	vld [tilespmem:s20+$0x16100];
	v6 =	vnsel vm3, $0x20000, v6;
	vm12 =	vge.s32 v8, v0;
	v13 =	vadd.s32 v13, v15  }
0x8a: {  	v19 =	vld [tilespmem:s20+$0x16110];
	vm13 =	vlt.s32 v8, v1;
	v8 =	vsub.s32 v8, v0;
	v9 =	vadd.s32 v14, v9;
	[tilespmem:s20+$0x18CB0] =	vst v13  }
0x8b: {  	vm0 =	vmand vm10, vm11;
	v11 =	vshll.u32 v11, $0x9;
	[tilespmem:s20+$0x18CC0] =	vst v9;
	v7 =	vadd.s32 v12, v7  }
0x8c: {  	vm1 =	vmand vm12, vm13;
	v9 =	vnsel vm4, $0x20000, v10;
	v6 =	vadd.s32 v16, v6;
	[tilespmem:s20+$0x18CD0] =	vst v7  }
0x8d: {  	v9 =	vadd.s32 v17, v9;
	v7 =	vshll.u32 v8, $0x9;
	v8 =	vnsel vm0, $0x20000, v11;
	[tilespmem:s20+$0x18CE0] =	vst v6  }
0x8e: {  	[tilespmem:s20+$0x18CF0] =	vst v9;
	v6 =	vnsel vm1, $0x20000, v7;
	v7 =	vadd.s32 v18, v8  }
0x8f: {  	v6 =	vadd.s32 v19, v6;
	[tilespmem:s20+$0x18D00] =	vst v7  }
0x90: {  	[tilespmem:s20+$0x18D10] =	vst v6  }
0x91: {  	_ =	strace $0x90000048  }
0x92: {  	[bflag:$0x0] =	sbarrier.arrive $0xFFFF  }
0x93: {  	s20 =	simm.s32 $0x18CB0;
	_ =	strace $0x80000049  }
0x94: {  	[spmem:s0] =	stream.indirect.scatter.add.f32 [tilespmem:s11], [sflag:$0x1], $0x1, s20, s13, $0x2000b8;
	[tilespmem:$0x1F530] =	vst v63  }
0x95: {  	s21 =	simm.s32 $0x18D30  }
0x96: {  	[spmem:s0] =	stream.indirect.scatter.add.f32 [tilespmem:s11], [sflag:$0x1], $0x1, s21, s13, $0x2000b8;
	[tilespmem:$0x1F530] =	vst v63  }
0x97: {  	s22 =	simm.s32 $0x18DB0  }
0x98: {  	[spmem:s0] =	stream.indirect.scatter.add.f32 [tilespmem:s11], [sflag:$0x1], $0x1, s22, s13, $0x2000b8;
	[tilespmem:$0x1F530] =	vst v63  }
0x99: {  	s23 =	simm.s32 $0x18E30  }
0x9a: {  	[spmem:s0] =	stream.indirect.scatter.add.f32 [tilespmem:s11], [sflag:$0x1], $0x1, s23, s13, $0x2000b8;
	[tilespmem:$0x1F530] =	vst v63  }
0x9b: {  	s20 =	simm.s32 $0x18EB0  }
0x9c: {  	[spmem:s0] =	stream.indirect.scatter.add.f32 [tilespmem:s11], [sflag:$0x1], $0x1, s20, s13, $0x2000b8;
	[tilespmem:$0x1F530] =	vst v63  }
0x9d: {  	s21 =	simm.s32 $0x18F30  }
0x9e: {  	[spmem:s0] =	stream.indirect.scatter.add.f32 [tilespmem:s11], [sflag:$0x1], $0x1, s21, s13, $0x2000b8;
	[tilespmem:$0x1F530] =	vst v63  }
0x9f: {  	s22 =	simm.s32 $0x18FB0  }
0xa0: {  	[spmem:s0] =	stream.indirect.scatter.add.f32 [tilespmem:s11], [sflag:$0x1], $0x1, s22, s13, $0x2000b8;
	[tilespmem:$0x1F530] =	vst v63  }
0xa1: {  	s23 =	simm.s32 $0x19030  }
0xa2: {  	[spmem:s0] =	stream.indirect.scatter.add.f32 [tilespmem:s11], [sflag:$0x1], $0x1, s23, s13, $0x2000b8;
	[tilespmem:$0x1F530] =	vst v63  }
0xa3: {  	_ =	swait.ge [sflag:s12], $0x80  }
0xa4: {  	[sflag:s12] =	ssyncset.done $0x0  }
0xa5: {  	[sflag:s12] =	ssyncadd.s32 $0xFFFFFF80  }
0xa6: {  	_ =	swait.ge [sflag:s12], $0x80  }
0xa7: {  	[sflag:s12] =	ssyncset.done $0x0  }
0xa8: {  	[sflag:s12] =	ssyncadd.s32 $0xFFFFFF80  }
0xa9: {  	_ =	swait.ge [sflag:s12], $0x80  }
0xaa: {  	[sflag:s12] =	ssyncset.done $0x0  }
0xab: {  	[sflag:s12] =	ssyncadd.s32 $0xFFFFFF80  }
0xac: {  	_ =	swait.ge [sflag:s12], $0x80  }
0xad: {  	[sflag:s12] =	ssyncset.done $0x0  }
0xae: {  	[sflag:s12] =	ssyncadd.s32 $0xFFFFFF80  }
0xaf: {  	_ =	swait.ge [sflag:s12], $0x80  }
0xb0: {  	[sflag:s12] =	ssyncset.done $0x0  }
0xb1: {  	[sflag:s12] =	ssyncadd.s32 $0xFFFFFF80  }
0xb2: {  	_ =	swait.ge [sflag:s12], $0x80  }
0xb3: {  	[sflag:s12] =	ssyncset.done $0x0  }
0xb4: {  	[sflag:s12] =	ssyncadd.s32 $0xFFFFFF80  }
0xb5: {  	_ =	swait.ge [sflag:s12], $0x80  }
0xb6: {  	[sflag:s12] =	ssyncset.done $0x0  }
0xb7: {  	[sflag:s12] =	ssyncadd.s32 $0xFFFFFF80  }
0xb8: {  	_ =	swait.ge [sflag:s12], $0x80  }
0xb9: {  	[sflag:s12] =	ssyncset.done $0x0  }
0xba: {  	[sflag:s12] =	ssyncadd.s32 $0xFFFFFF80  }
0xbb: {  	_ =	strace $0x90000049  }
0xbc: {  	s19 =	simm.s32 $0x0;
	_ =	strace $0x8000004A  }
0xbd: {  	v6 =	vld [tilespmem:s19+$0x12120]  }
0xbe: {  	v7 =	vld [tilespmem:s19+$0x120B0]  }
0xbf: {  	v8 =	vld [tilespmem:s19+$0x120C0]  }
0xc0: {  	v10 =	vld [tilespmem:s19+$0x120D0]  }
0xc1: {  	v11 =	vld [tilespmem:s19+$0x120E0]  }
0xc2: {  	v12 =	vld [tilespmem:s19+$0x120F0]  }
0xc3: {  	v14 =	vld [tilespmem:s19+$0x12100];
	vm0 =	vge.s32 v6, v2;
	vm1 =	vlt.s32 v6, v3;
	v6 =	vsub.s32 v6, v2  }
0xc4: {  	v15 =	vld [tilespmem:s19+$0x12110];
	vm2 =	vge.s32 v7, v2;
	v13 =	vsub.s32 v7, v2;
	vm3 =	vge.s32 v8, v2  }
0xc5: {  	vm4 =	vlt.s32 v8, v3;
	v16 =	vsub.s32 v8, v2;
	vm5 =	vge.s32 v10, v2  }
0xc6: {  	vm6 =	vlt.s32 v10, v3;
	v17 =	vsub.s32 v10, v2;
	vm7 =	vge.s32 v11, v2  }
0xc7: {  	vm8 =	vlt.s32 v11, v3;
	v11 =	vsub.s32 v11, v2;
	vm9 =	vge.s32 v12, v2  }
0xc8: {  	v9 =	vld [tilespmem:s19+$0x14120];
	vm10 =	vlt.s32 v12, v3;
	v12 =	vsub.s32 v12, v2;
	vm11 =	vge.s32 v14, v2  }
0xc9: {  	vm12 =	vlt.s32 v14, v3;
	v18 =	vsub.s32 v14, v2;
	vm13 =	vge.s32 v15, v2  }
0xca: {  	vm14 =	vlt.s32 v15, v3;
	v8 =	vld [tilespmem:s19+$0x140D0];
	v20 =	vsub.s32 v15, v2;
	vm0 =	vmand vm0, vm1  }
0xcb: {  	v10 =	vld [tilespmem:s19+$0x140F0];
	v6 =	vshll.u32 v6, $0xB;
	vm1 =	vlt.s32 v7, v3;
	v13 =	vshll.u32 v13, $0xB  }
0xcc: {  	v14 =	vshll.u32 v16, $0xB;
	v15 =	vshll.u32 v11, $0xB;
	v11 =	vld [tilespmem:s19+$0x14100];
	v6 =	vnsel vm0, $0x100000, v6  }
0xcd: {  	v16 =	vshll.u32 v17, $0xB;
	v17 =	vshll.u32 v12, $0xB;
	v7 =	vadd.s32 v9, v6;
	v6 =	vld [tilespmem:s19+$0x140B0]  }
0xce: {  	v19 =	vshll.u32 v18, $0xB;
	v18 =	vshll.u32 v20, $0xB;
	vm0 =	vmand vm2, vm1;
	[tilespmem:s19+$0x16920] =	vst v7;
	v7 =	vld [tilespmem:s19+$0x140C0]  }
0xcf: {  	vm2 =	vmand vm3, vm4;
	vm1 =	vmand vm5, vm6;
	vm3 =	vmand vm7, vm8;
	v9 =	vld [tilespmem:s19+$0x140E0]  }
0xd0: {  	s20 =	simm.s32 $0x80;
	s21 =	simm.s32 $0x400;
	v12 =	vld [tilespmem:s19+$0x14110];
	vm4 =	vmand vm9, vm10;
	vm5 =	vmand vm11, vm12;
	vm6 =	vmand vm13, vm14  }
.LBB2_4:
0xd1: {  	p1 =	sne.s32 s21, $0x7E00;
	v20 =	vld [tilespmem:s20+$0x12120];
	v13 =	vnsel vm0, $0x100000, v13;
	v14 =	vnsel vm2, $0x100000, v14;
	v16 =	vnsel vm1, $0x100000, v16  }
0xd2: {  	v15 =	vnsel vm3, $0x100000, v15;
	v17 =	vnsel vm4, $0x100000, v17;
	v19 =	vnsel vm5, $0x100000, v19;
	v21 =	vld [tilespmem:s20+$0x120B0]  }
0xd3: {  	v6 =	vadd.s32 v6, v13;
	v7 =	vadd.s32 v7, v14;
	v13 =	vnsel vm6, $0x100000, v18;
	v22 =	vld [tilespmem:s20+$0x120C0]  }
0xd4: {  	v14 =	vld [tilespmem:s20+$0x14120];
	[tilespmem:s19+$0x168B0] =	vst v6;
	v6 =	vadd.s32 v8, v16;
	v8 =	vadd.s32 v9, v15;
	v9 =	vadd.s32 v10, v17  }
0xd5: {  	v10 =	vld [tilespmem:s20+$0x120D0];
	[tilespmem:s19+$0x168C0] =	vst v7;
	v7 =	vadd.s32 v11, v19;
	v11 =	vadd.s32 v12, v13  }
0xd6: {  	v12 =	vld [tilespmem:s20+$0x120E0];
	vm1 =	vge.s32 v20, v2;
	vm2 =	vlt.s32 v20, v3;
	v13 =	vsub.s32 v20, v2;
	[tilespmem:s19+$0x168D0] =	vst v6  }
0xd7: {  	vm0 =	vge.s32 v21, v2;
	v15 =	vld [tilespmem:s20+$0x120F0];
	vm2 =	vmand vm1, vm2;
	v6 =	vshll.u32 v13, $0xB;
	[tilespmem:s19+$0x168E0] =	vst v8  }
0xd8: {  	vm1 =	vlt.s32 v21, v3;
	v13 =	vsub.s32 v21, v2;
	v16 =	vld [tilespmem:s20+$0x12100];
	v6 =	vnsel vm2, $0x100000, v6;
	[tilespmem:s19+$0x168F0] =	vst v9  }
0xd9: {  	vm2 =	vge.s32 v22, v2;
	vm3 =	vlt.s32 v22, v3;
	v17 =	vld [tilespmem:s20+$0x12110];
	v8 =	vadd.s32 v14, v6;
	[tilespmem:s19+$0x16900] =	vst v7  }
0xda: {  	v14 =	vsub.s32 v22, v2;
	v6 =	vld [tilespmem:s20+$0x140B0];
	vm4 =	vge.s32 v10, v2;
	vm5 =	vlt.s32 v10, v3;
	[tilespmem:s20+$0x16920] =	vst v8  }
0xdb: {  	v18 =	vsub.s32 v10, v2;
	v7 =	vld [tilespmem:s20+$0x140C0];
	vm6 =	vge.s32 v12, v2;
	vm7 =	vlt.s32 v12, v3;
	[tilespmem:s19+$0x16910] =	vst v11;
	s19 =	smov.u32 s20  }
0xdc: {  	v19 =	vsub.s32 v12, v2;
	v8 =	vld [tilespmem:s19+$0x140D0];
	vm8 =	vge.s32 v15, v2;
	vm9 =	vlt.s32 v15, v3  }
0xdd: {  	v20 =	vsub.s32 v15, v2;
	v9 =	vld [tilespmem:s19+$0x140E0];
	vm10 =	vge.s32 v16, v2;
	vm11 =	vlt.s32 v16, v3  }
0xde: {  	v21 =	vsub.s32 v16, v2;
	v10 =	vld [tilespmem:s19+$0x140F0];
	vm12 =	vge.s32 v17, v2;
	vm13 =	vlt.s32 v17, v3  }
.Ltmp1:
0xdf: {  	vm0 =	vmand vm0, vm1;
	v13 =	vshll.u32 v13, $0xB;
	v22 =	vsub.s32 v17, v2;
	v11 =	vld [tilespmem:s19+$0x14100];
	(pc) =	sbr.rel @p1 .LBB2_4-.Ltmp1, $4  }
0xe0: {  	vm2 =	vmand vm2, vm3;
	v14 =	vshll.u32 v14, $0xB;
	vm1 =	vmand vm4, vm5;
	v12 =	vld [tilespmem:s19+$0x14110]  }
0xe1: {  	vm3 =	vmand vm6, vm7;
	v15 =	vshll.u32 v19, $0xB;
	v16 =	vshll.u32 v18, $0xB  }
0xe2: {  	vm4 =	vmand vm8, vm9;
	v17 =	vshll.u32 v20, $0xB;
	vm5 =	vmand vm10, vm11  }
0xe3: {  	s20 =	sshra.s32 s21, $0x2;
	s21 =	sadd.s32 $0x200, s21;
	v19 =	vshll.u32 v21, $0xB;
	vm6 =	vmand vm12, vm13;
	v18 =	vshll.u32 v22, $0xB  }
0xe4: {  	v20 =	vld [tilespmem:s20+$0x12120];
	v13 =	vnsel vm0, $0x100000, v13  }
0xe5: {  	v21 =	vld [tilespmem:s20+$0x120B0];
	v14 =	vnsel vm2, $0x100000, v14;
	v42 =	vnsel vm1, $0x100000, v16;
	v44 =	vnsel vm4, $0x100000, v17  }
0xe6: {  	v22 =	vld [tilespmem:s20+$0x120C0];
	v45 =	vnsel vm5, $0x100000, v19;
	v46 =	vnsel vm6, $0x100000, v18;
	v6 =	vadd.s32 v6, v13  }
0xe7: {  	v41 =	vld [tilespmem:s20+$0x14120];
	v8 =	vadd.s32 v8, v42;
	v47 =	vadd.s32 v10, v44;
	[tilespmem:s19+$0x168B0] =	vst v6;
	v6 =	vadd.s32 v7, v14  }
0xe8: {  	v48 =	vadd.s32 v11, v45;
	v50 =	vadd.s32 v12, v46;
	v7 =	vld [tilespmem:s20+$0x120D0];
	[tilespmem:s19+$0x168C0] =	vst v6;
	v6 =	vnsel vm3, $0x100000, v15  }
0xe9: {  	v43 =	vld [tilespmem:s20+$0x120E0];
	[tilespmem:s19+$0x168D0] =	vst v8;
	v6 =	vadd.s32 v9, v6;
	vm13 =	vge.s32 v20, v2;
	vm14 =	vlt.s32 v20, v3  }
0xea: {  	v49 =	vld [tilespmem:s20+$0x120F0];
	[tilespmem:s19+$0x168E0] =	vst v6;
	v6 =	vsub.s32 v20, v2;
	vm0 =	vge.s32 v21, v2;
	vm2 =	vlt.s32 v21, v3  }
0xeb: {  	v52 =	vsub.s32 v21, v2;
	vm3 =	vlt.s32 v22, v3;
	v53 =	vsub.s32 v22, v2  }
0xec: {  	vm1 =	vmand vm13, vm14;
	v6 =	vshll.u32 v6, $0xB;
	vm0 =	vmand vm0, vm2  }
0xed: {  	v15 =	vshll.u32 v52, $0xB;
	v9 =	vshll.u32 v53, $0xB;
	v6 =	vnsel vm1, $0x100000, v6  }
0xee: {  	vm1 =	vge.s32 v22, v2;
	v15 =	vnsel vm0, $0x100000, v15;
	v6 =	vadd.s32 v41, v6  }
0xef: {  	v51 =	vld [tilespmem:s20+$0x12100];
	[tilespmem:s19+$0x168F0] =	vst v47;
	vm4 =	vge.s32 v7, v2;
	vm5 =	vlt.s32 v7, v3;
	v7 =	vsub.s32 v7, v2  }
0xf0: {  	v8 =	vld [tilespmem:s20+$0x12110];
	[tilespmem:s19+$0x16900] =	vst v48;
	vm1 =	vmand vm1, vm3;
	vm6 =	vge.s32 v43, v2;
	vm7 =	vlt.s32 v43, v3  }
0xf1: {  	v54 =	vld [tilespmem:s20+$0x140B0];
	[tilespmem:s20+$0x16920] =	vst v6;
	v6 =	vsub.s32 v43, v2;
	vm2 =	vmand vm4, vm5;
	v7 =	vshll.u32 v7, $0xB  }
0xf2: {  	v55 =	vld [tilespmem:s20+$0x140C0];
	v9 =	vnsel vm1, $0x100000, v9;
	vm8 =	vge.s32 v49, v2;
	vm9 =	vlt.s32 v49, v3;
	[tilespmem:s19+$0x16910] =	vst v50  }
0xf3: {  	v10 =	vsub.s32 v49, v2;
	vm15 =	vmand vm6, vm7;
	v6 =	vshll.u32 v6, $0xB;
	v57 =	vld [tilespmem:s20+$0x140D0]  }
0xf4: {  	v7 =	vnsel vm2, $0x100000, v7;
	vm10 =	vge.s32 v51, v2;
	vm11 =	vlt.s32 v51, v3;
	v58 =	vld [tilespmem:s20+$0x140E0]  }
0xf5: {  	v56 =	vsub.s32 v51, v2;
	v59 =	vld [tilespmem:s20+$0x140F0];
	vm9 =	vmand vm8, vm9;
	v10 =	vshll.u32 v10, $0xB  }
0xf6: {  	v60 =	vld [tilespmem:s20+$0x14100];
	v6 =	vnsel vm15, $0x100000, v6;
	vm12 =	vge.s32 v8, v2;
	v13 =	vadd.s32 v54, v15  }
0xf7: {  	v61 =	vld [tilespmem:s20+$0x14110];
	vm13 =	vlt.s32 v8, v3;
	v8 =	vsub.s32 v8, v2;
	v9 =	vadd.s32 v55, v9;
	[tilespmem:s20+$0x168B0] =	vst v13  }
0xf8: {  	vm14 =	vmand vm10, vm11;
	v11 =	vshll.u32 v56, $0xB;
	[tilespmem:s20+$0x168C0] =	vst v9;
	v7 =	vadd.s32 v57, v7  }
0xf9: {  	v62 =	vnsel vm9, $0x100000, v10;
	vm15 =	vmand vm12, vm13;
	v6 =	vadd.s32 v58, v6;
	[tilespmem:s20+$0x168D0] =	vst v7  }
0xfa: {  	v63 =	vnsel vm14, $0x100000, v11;
	v9 =	vadd.s32 v59, v62;
	v7 =	vshll.u32 v8, $0xB;
	[tilespmem:s20+$0x168E0] =	vst v6  }
0xfb: {  	[tilespmem:s20+$0x168F0] =	vst v9;
	v6 =	vnsel vm15, $0x100000, v7;
	v7 =	vadd.s32 v60, v63  }
0xfc: {  	v6 =	vadd.s32 v61, v6;
	[tilespmem:s20+$0x16900] =	vst v7  }
0xfd: {  	[tilespmem:s20+$0x16910] =	vst v6  }
0xfe: {  	_ =	strace $0x9000004A  }
0xff: {  	_ =	strace $0x8000004B  }
0x100: {  	[spmem:s29] =	stream.linear.scatter [tilespmem:s9], [sflag:$0x2], $0x2000, $0x200038;
	[tilespmem:$0x1F530] =	vst v63  }
0x101: {  	_ =	swait.ge [sflag:s10], $0x2000  }
0x102: {  	[sflag:s10] =	ssyncset.done $0x0  }
0x103: {  	[sflag:s10] =	ssyncadd.s32 $0xFFFFE000  }
0x104: {  	[spmem:s16] =	stream.linear.scatter [tilespmem:s9], [sflag:$0x2], $0x2000, $0x200038;
	[tilespmem:$0x1F530] =	vst v63  }
0x105: {  	_ =	swait.ge [sflag:s10], $0x2000  }
0x106: {  	[sflag:s10] =	ssyncset.done $0x0  }
0x107: {  	[sflag:s10] =	ssyncadd.s32 $0xFFFFE000  }
0x108: {  	[spmem:s2] =	stream.linear.scatter [tilespmem:s9], [sflag:$0x2], $0x2000, $0x200038;
	[tilespmem:$0x1F530] =	vst v63  }
0x109: {  	_ =	swait.ge [sflag:s10], $0x2000  }
0x10a: {  	[sflag:s10] =	ssyncset.done $0x0  }
0x10b: {  	[sflag:s10] =	ssyncadd.s32 $0xFFFFE000  }
0x10c: {  	[spmem:s3] =	stream.linear.scatter [tilespmem:s9], [sflag:$0x2], $0x2000, $0x200038;
	[tilespmem:$0x1F530] =	vst v63  }
0x10d: {  	_ =	swait.ge [sflag:s10], $0x2000  }
0x10e: {  	[sflag:s10] =	ssyncset.done $0x0  }
0x10f: {  	[sflag:s10] =	ssyncadd.s32 $0xFFFFE000  }
0x110: {  	[spmem:s4] =	stream.linear.scatter [tilespmem:s9], [sflag:$0x2], $0x2000, $0x200038;
	[tilespmem:$0x1F530] =	vst v63  }
0x111: {  	_ =	swait.ge [sflag:s10], $0x2000  }
0x112: {  	[sflag:s10] =	ssyncset.done $0x0  }
0x113: {  	[sflag:s10] =	ssyncadd.s32 $0xFFFFE000  }
0x114: {  	[spmem:s5] =	stream.linear.scatter [tilespmem:s9], [sflag:$0x2], $0x2000, $0x200038;
	[tilespmem:$0x1F530] =	vst v63  }
0x115: {  	_ =	swait.ge [sflag:s10], $0x2000  }
0x116: {  	[sflag:s10] =	ssyncset.done $0x0  }
0x117: {  	[sflag:s10] =	ssyncadd.s32 $0xFFFFE000  }
0x118: {  	[spmem:s6] =	stream.linear.scatter [tilespmem:s9], [sflag:$0x2], $0x2000, $0x200038;
	[tilespmem:$0x1F530] =	vst v63  }
0x119: {  	_ =	swait.ge [sflag:s10], $0x2000  }
0x11a: {  	[sflag:s10] =	ssyncset.done $0x0  }
0x11b: {  	[sflag:s10] =	ssyncadd.s32 $0xFFFFE000  }
0x11c: {  	[spmem:s7] =	stream.linear.scatter [tilespmem:s9], [sflag:$0x2], $0x2000, $0x200038;
	[tilespmem:$0x1F530] =	vst v63  }
0x11d: {  	_ =	swait.ge [sflag:s10], $0x2000  }
0x11e: {  	[sflag:s10] =	ssyncset.done $0x0  }
0x11f: {  	s19 =	simm.s32 @!p0 $0x19530;
	[sflag:s10] =	ssyncadd.s32 $0xFFFFE000  }
0x120: {  	[spmem:s8] =	stream.linear.scatter @!p0 [tilespmem:s19], [sflag:$0x2], $0x80, $0x200038;
	[tilespmem:$0x1F530] =	vst v63  }
0x121: {  	s19 =	simm.s32 @!p0 $0x2  }
0x122: {  	_ =	swait.ge @!p0 [sflag:s19], $0x80  }
0x123: {  	[sflag:s19] =	ssyncset.done @!p0 $0x0  }
0x124: {  	[sflag:s19] =	ssyncadd.s32 @!p0 $0xFFFFFF80  }
0x125: {  	_ =	strace $0x9000004B  }
0x126: {  	[bflag:$0x0] =	sbarrier.arrive $0xFFFF  }
0x127: {  	s20 =	simm.s32 $0x168B0;
	_ =	strace $0x8000004C  }
0x128: {  	[spmem:s18] =	stream.indirect.scatter.add.f32 [tilespmem:s11], [sflag:$0x1], $0x1, s20, s13, $0x2000b8;
	[tilespmem:$0x1F530] =	vst v63  }
0x129: {  	s21 =	simm.s32 $0x16930  }
0x12a: {  	[spmem:s18] =	stream.indirect.scatter.add.f32 [tilespmem:s11], [sflag:$0x1], $0x1, s21, s13, $0x2000b8;
	[tilespmem:$0x1F530] =	vst v63  }
0x12b: {  	s22 =	simm.s32 $0x169B0  }
0x12c: {  	[spmem:s18] =	stream.indirect.scatter.add.f32 [tilespmem:s11], [sflag:$0x1], $0x1, s22, s13, $0x2000b8;
	[tilespmem:$0x1F530] =	vst v63  }
0x12d: {  	s23 =	simm.s32 $0x16A30  }
0x12e: {  	[spmem:s18] =	stream.indirect.scatter.add.f32 [tilespmem:s11], [sflag:$0x1], $0x1, s23, s13, $0x2000b8;
	[tilespmem:$0x1F530] =	vst v63  }
0x12f: {  	s20 =	simm.s32 $0x16AB0  }
0x130: {  	[spmem:s18] =	stream.indirect.scatter.add.f32 [tilespmem:s11], [sflag:$0x1], $0x1, s20, s13, $0x2000b8;
	[tilespmem:$0x1F530] =	vst v63  }
0x131: {  	s21 =	simm.s32 $0x16B30  }
0x132: {  	[spmem:s18] =	stream.indirect.scatter.add.f32 [tilespmem:s11], [sflag:$0x1], $0x1, s21, s13, $0x2000b8;
	[tilespmem:$0x1F530] =	vst v63  }
0x133: {  	s22 =	simm.s32 $0x16BB0  }
0x134: {  	[spmem:s18] =	stream.indirect.scatter.add.f32 [tilespmem:s11], [sflag:$0x1], $0x1, s22, s13, $0x2000b8;
	[tilespmem:$0x1F530] =	vst v63  }
0x135: {  	s23 =	simm.s32 $0x16C30  }
0x136: {  	[spmem:s18] =	stream.indirect.scatter.add.f32 [tilespmem:s11], [sflag:$0x1], $0x1, s23, s13, $0x2000b8;
	[tilespmem:$0x1F530] =	vst v63  }
0x137: {  	s20 =	simm.s32 $0x16CB0  }
0x138: {  	[spmem:s18] =	stream.indirect.scatter.add.f32 [tilespmem:s11], [sflag:$0x1], $0x1, s20, s13, $0x2000b8;
	[tilespmem:$0x1F530] =	vst v63  }
0x139: {  	s21 =	simm.s32 $0x16D30  }
0x13a: {  	[spmem:s18] =	stream.indirect.scatter.add.f32 [tilespmem:s11], [sflag:$0x1], $0x1, s21, s13, $0x2000b8;
	[tilespmem:$0x1F530] =	vst v63  }
0x13b: {  	s22 =	simm.s32 $0x16DB0  }
0x13c: {  	[spmem:s18] =	stream.indirect.scatter.add.f32 [tilespmem:s11], [sflag:$0x1], $0x1, s22, s13, $0x2000b8;
	[tilespmem:$0x1F530] =	vst v63  }
0x13d: {  	s23 =	simm.s32 $0x16E30  }
0x13e: {  	[spmem:s18] =	stream.indirect.scatter.add.f32 [tilespmem:s11], [sflag:$0x1], $0x1, s23, s13, $0x2000b8;
	[tilespmem:$0x1F530] =	vst v63  }
0x13f: {  	s20 =	simm.s32 $0x16EB0  }
0x140: {  	[spmem:s18] =	stream.indirect.scatter.add.f32 [tilespmem:s11], [sflag:$0x1], $0x1, s20, s13, $0x2000b8;
	[tilespmem:$0x1F530] =	vst v63  }
0x141: {  	s21 =	simm.s32 $0x16F30  }
0x142: {  	[spmem:s18] =	stream.indirect.scatter.add.f32 [tilespmem:s11], [sflag:$0x1], $0x1, s21, s13, $0x2000b8;
	[tilespmem:$0x1F530] =	vst v63  }
0x143: {  	s22 =	simm.s32 $0x16FB0  }
0x144: {  	[spmem:s18] =	stream.indirect.scatter.add.f32 [tilespmem:s11], [sflag:$0x1], $0x1, s22, s13, $0x2000b8;
	[tilespmem:$0x1F530] =	vst v63  }
0x145: {  	s23 =	simm.s32 $0x17030  }
0x146: {  	[spmem:s18] =	stream.indirect.scatter.add.f32 [tilespmem:s11], [sflag:$0x1], $0x1, s23, s13, $0x2000b8;
	[tilespmem:$0x1F530] =	vst v63  }
0x147: {  	_ =	swait.ge [sflag:s12], $0x80  }
0x148: {  	[sflag:s12] =	ssyncset.done $0x0  }
0x149: {  	[sflag:s12] =	ssyncadd.s32 $0xFFFFFF80  }
0x14a: {  	_ =	swait.ge [sflag:s12], $0x80  }
0x14b: {  	[sflag:s12] =	ssyncset.done $0x0  }
0x14c: {  	[sflag:s12] =	ssyncadd.s32 $0xFFFFFF80  }
0x14d: {  	_ =	swait.ge [sflag:s12], $0x80  }
0x14e: {  	[sflag:s12] =	ssyncset.done $0x0  }
0x14f: {  	[sflag:s12] =	ssyncadd.s32 $0xFFFFFF80  }
0x150: {  	_ =	swait.ge [sflag:s12], $0x80  }
0x151: {  	[sflag:s12] =	ssyncset.done $0x0  }
0x152: {  	[sflag:s12] =	ssyncadd.s32 $0xFFFFFF80  }
0x153: {  	_ =	swait.ge [sflag:s12], $0x80  }
0x154: {  	[sflag:s12] =	ssyncset.done $0x0  }
0x155: {  	[sflag:s12] =	ssyncadd.s32 $0xFFFFFF80  }
0x156: {  	_ =	swait.ge [sflag:s12], $0x80  }
0x157: {  	[sflag:s12] =	ssyncset.done $0x0  }
0x158: {  	[sflag:s12] =	ssyncadd.s32 $0xFFFFFF80  }
0x159: {  	_ =	swait.ge [sflag:s12], $0x80  }
0x15a: {  	[sflag:s12] =	ssyncset.done $0x0  }
0x15b: {  	[sflag:s12] =	ssyncadd.s32 $0xFFFFFF80  }
0x15c: {  	_ =	swait.ge [sflag:s12], $0x80  }
0x15d: {  	[sflag:s12] =	ssyncset.done $0x0  }
0x15e: {  	[sflag:s12] =	ssyncadd.s32 $0xFFFFFF80  }
0x15f: {  	_ =	swait.ge [sflag:s12], $0x80  }
0x160: {  	[sflag:s12] =	ssyncset.done $0x0  }
0x161: {  	[sflag:s12] =	ssyncadd.s32 $0xFFFFFF80  }
0x162: {  	_ =	swait.ge [sflag:s12], $0x80  }
0x163: {  	[sflag:s12] =	ssyncset.done $0x0  }
0x164: {  	[sflag:s12] =	ssyncadd.s32 $0xFFFFFF80  }
0x165: {  	_ =	swait.ge [sflag:s12], $0x80  }
0x166: {  	[sflag:s12] =	ssyncset.done $0x0  }
0x167: {  	[sflag:s12] =	ssyncadd.s32 $0xFFFFFF80  }
0x168: {  	_ =	swait.ge [sflag:s12], $0x80  }
0x169: {  	[sflag:s12] =	ssyncset.done $0x0  }
0x16a: {  	[sflag:s12] =	ssyncadd.s32 $0xFFFFFF80  }
0x16b: {  	_ =	swait.ge [sflag:s12], $0x80  }
0x16c: {  	[sflag:s12] =	ssyncset.done $0x0  }
0x16d: {  	[sflag:s12] =	ssyncadd.s32 $0xFFFFFF80  }
0x16e: {  	_ =	swait.ge [sflag:s12], $0x80  }
0x16f: {  	[sflag:s12] =	ssyncset.done $0x0  }
0x170: {  	[sflag:s12] =	ssyncadd.s32 $0xFFFFFF80  }
0x171: {  	_ =	swait.ge [sflag:s12], $0x80  }
0x172: {  	[sflag:s12] =	ssyncset.done $0x0  }
0x173: {  	[sflag:s12] =	ssyncadd.s32 $0xFFFFFF80  }
0x174: {  	_ =	swait.ge [sflag:s12], $0x80  }
0x175: {  	s19 =	simm.s32 $0x4000;
	s21 =	simm.s32 $0x800;
	[sflag:s12] =	ssyncset.done $0x0  }
.LBB2_6:
0x176: {  	s23 =	sadd.s32 $0x168B0, s21  }
0x177: {  	[sflag:s12] =	ssyncadd.s32 $0xFFFFFF80;
	s20 =	smov.u32 s19;
	s22 =	sadd.s32 $0x2000, s19  }
0x178: {  	[spmem:s18] =	stream.indirect.scatter.add.f32 [tilespmem:s11], [sflag:$0x1], $0x1, s23, s13, $0x2000b8;
	[tilespmem:$0x1F530] =	vst v63  }
0x179: {  	p1 =	sne.s32 s19, $0x6000;
	s19 =	sadd.s32 $0x16930, s21  }
0x17a: {  	[spmem:s18] =	stream.indirect.scatter.add.f32 [tilespmem:s11], [sflag:$0x1], $0x1, s19, s13, $0x2000b8;
	[tilespmem:$0x1F530] =	vst v63  }
0x17b: {  	s19 =	sadd.s32 $0x169B0, s21  }
0x17c: {  	[spmem:s18] =	stream.indirect.scatter.add.f32 [tilespmem:s11], [sflag:$0x1], $0x1, s19, s13, $0x2000b8;
	[tilespmem:$0x1F530] =	vst v63  }
0x17d: {  	s19 =	sadd.s32 $0x16A30, s21  }
0x17e: {  	[spmem:s18] =	stream.indirect.scatter.add.f32 [tilespmem:s11], [sflag:$0x1], $0x1, s19, s13, $0x2000b8;
	[tilespmem:$0x1F530] =	vst v63  }
0x17f: {  	s19 =	sadd.s32 $0x16AB0, s21  }
0x180: {  	[spmem:s18] =	stream.indirect.scatter.add.f32 [tilespmem:s11], [sflag:$0x1], $0x1, s19, s13, $0x2000b8;
	[tilespmem:$0x1F530] =	vst v63  }
0x181: {  	s19 =	sadd.s32 $0x16B30, s21  }
0x182: {  	[spmem:s18] =	stream.indirect.scatter.add.f32 [tilespmem:s11], [sflag:$0x1], $0x1, s19, s13, $0x2000b8;
	[tilespmem:$0x1F530] =	vst v63  }
0x183: {  	s19 =	sadd.s32 $0x16BB0, s21  }
0x184: {  	[spmem:s18] =	stream.indirect.scatter.add.f32 [tilespmem:s11], [sflag:$0x1], $0x1, s19, s13, $0x2000b8;
	[tilespmem:$0x1F530] =	vst v63  }
0x185: {  	s19 =	sadd.s32 $0x16C30, s21  }
0x186: {  	[spmem:s18] =	stream.indirect.scatter.add.f32 [tilespmem:s11], [sflag:$0x1], $0x1, s19, s13, $0x2000b8;
	[tilespmem:$0x1F530] =	vst v63  }
0x187: {  	s19 =	sadd.s32 $0x16CB0, s21  }
0x188: {  	[spmem:s18] =	stream.indirect.scatter.add.f32 [tilespmem:s11], [sflag:$0x1], $0x1, s19, s13, $0x2000b8;
	[tilespmem:$0x1F530] =	vst v63  }
0x189: {  	s19 =	sadd.s32 $0x16D30, s21  }
0x18a: {  	[spmem:s18] =	stream.indirect.scatter.add.f32 [tilespmem:s11], [sflag:$0x1], $0x1, s19, s13, $0x2000b8;
	[tilespmem:$0x1F530] =	vst v63  }
0x18b: {  	s19 =	sadd.s32 $0x16DB0, s21  }
0x18c: {  	[spmem:s18] =	stream.indirect.scatter.add.f32 [tilespmem:s11], [sflag:$0x1], $0x1, s19, s13, $0x2000b8;
	[tilespmem:$0x1F530] =	vst v63  }
0x18d: {  	s19 =	sadd.s32 $0x16E30, s21  }
0x18e: {  	[spmem:s18] =	stream.indirect.scatter.add.f32 [tilespmem:s11], [sflag:$0x1], $0x1, s19, s13, $0x2000b8;
	[tilespmem:$0x1F530] =	vst v63  }
0x18f: {  	s19 =	sadd.s32 $0x16EB0, s21  }
0x190: {  	[spmem:s18] =	stream.indirect.scatter.add.f32 [tilespmem:s11], [sflag:$0x1], $0x1, s19, s13, $0x2000b8;
	[tilespmem:$0x1F530] =	vst v63  }
0x191: {  	s19 =	sadd.s32 $0x16F30, s21  }
0x192: {  	[spmem:s18] =	stream.indirect.scatter.add.f32 [tilespmem:s11], [sflag:$0x1], $0x1, s19, s13, $0x2000b8;
	[tilespmem:$0x1F530] =	vst v63  }
0x193: {  	s19 =	sadd.s32 $0x16FB0, s21  }
0x194: {  	[spmem:s18] =	stream.indirect.scatter.add.f32 [tilespmem:s11], [sflag:$0x1], $0x1, s19, s13, $0x2000b8;
	[tilespmem:$0x1F530] =	vst v63  }
0x195: {  	s19 =	sadd.s32 $0x17030, s21  }
0x196: {  	[spmem:s18] =	stream.indirect.scatter.add.f32 [tilespmem:s11], [sflag:$0x1], $0x1, s19, s13, $0x2000b8;
	[tilespmem:$0x1F530] =	vst v63  }
0x197: {  	_ =	swait.ge [sflag:s12], $0x80  }
0x198: {  	[sflag:s12] =	ssyncset.done $0x0  }
0x199: {  	[sflag:s12] =	ssyncadd.s32 $0xFFFFFF80  }
0x19a: {  	_ =	swait.ge [sflag:s12], $0x80  }
0x19b: {  	[sflag:s12] =	ssyncset.done $0x0  }
0x19c: {  	[sflag:s12] =	ssyncadd.s32 $0xFFFFFF80  }
0x19d: {  	_ =	swait.ge [sflag:s12], $0x80  }
0x19e: {  	[sflag:s12] =	ssyncset.done $0x0  }
0x19f: {  	[sflag:s12] =	ssyncadd.s32 $0xFFFFFF80  }
0x1a0: {  	_ =	swait.ge [sflag:s12], $0x80  }
0x1a1: {  	[sflag:s12] =	ssyncset.done $0x0  }
0x1a2: {  	[sflag:s12] =	ssyncadd.s32 $0xFFFFFF80  }
0x1a3: {  	_ =	swait.ge [sflag:s12], $0x80  }
0x1a4: {  	[sflag:s12] =	ssyncset.done $0x0  }
0x1a5: {  	[sflag:s12] =	ssyncadd.s32 $0xFFFFFF80  }
0x1a6: {  	_ =	swait.ge [sflag:s12], $0x80  }
0x1a7: {  	[sflag:s12] =	ssyncset.done $0x0  }
0x1a8: {  	[sflag:s12] =	ssyncadd.s32 $0xFFFFFF80  }
0x1a9: {  	_ =	swait.ge [sflag:s12], $0x80  }
0x1aa: {  	[sflag:s12] =	ssyncset.done $0x0  }
0x1ab: {  	[sflag:s12] =	ssyncadd.s32 $0xFFFFFF80  }
0x1ac: {  	_ =	swait.ge [sflag:s12], $0x80  }
0x1ad: {  	[sflag:s12] =	ssyncset.done $0x0  }
0x1ae: {  	[sflag:s12] =	ssyncadd.s32 $0xFFFFFF80  }
0x1af: {  	_ =	swait.ge [sflag:s12], $0x80  }
0x1b0: {  	[sflag:s12] =	ssyncset.done $0x0  }
0x1b1: {  	[sflag:s12] =	ssyncadd.s32 $0xFFFFFF80  }
0x1b2: {  	_ =	swait.ge [sflag:s12], $0x80  }
0x1b3: {  	[sflag:s12] =	ssyncset.done $0x0  }
0x1b4: {  	[sflag:s12] =	ssyncadd.s32 $0xFFFFFF80  }
0x1b5: {  	_ =	swait.ge [sflag:s12], $0x80  }
0x1b6: {  	[sflag:s12] =	ssyncset.done $0x0  }
0x1b7: {  	[sflag:s12] =	ssyncadd.s32 $0xFFFFFF80  }
0x1b8: {  	_ =	swait.ge [sflag:s12], $0x80  }
0x1b9: {  	[sflag:s12] =	ssyncset.done $0x0  }
0x1ba: {  	[sflag:s12] =	ssyncadd.s32 $0xFFFFFF80  }
0x1bb: {  	_ =	swait.ge [sflag:s12], $0x80  }
0x1bc: {  	[sflag:s12] =	ssyncset.done $0x0  }
0x1bd: {  	[sflag:s12] =	ssyncadd.s32 $0xFFFFFF80  }
0x1be: {  	_ =	swait.ge [sflag:s12], $0x80  }
0x1bf: {  	[sflag:s12] =	ssyncset.done $0x0  }
0x1c0: {  	[sflag:s12] =	ssyncadd.s32 $0xFFFFFF80  }
.Ltmp2:
0x1c1: {  	_ =	swait.ge [sflag:s12], $0x80;
	(pc) =	sbr.rel @p1 .LBB2_6-.Ltmp2, $4  }
0x1c2: {  	[sflag:s12] =	ssyncset.done $0x0  }
0x1c3: {  	[sflag:s12] =	ssyncadd.s32 $0xFFFFFF80  }
0x1c4: {  	_ =	swait.ge [sflag:s12], $0x80  }
0x1c5: {  	s21 =	sshra.s32 s20, $0x2;
	s19 =	smov.u32 s22;
	[sflag:s12] =	ssyncset.done $0x0  }
0x1c6: {  	s19 =	sadd.s32 $0x168B0, s21;
	[sflag:s12] =	ssyncadd.s32 $0xFFFFFF80  }
0x1c7: {  	[spmem:s18] =	stream.indirect.scatter.add.f32 [tilespmem:s11], [sflag:$0x1], $0x1, s19, s13, $0x2000b8;
	[tilespmem:$0x1F530] =	vst v63  }
0x1c8: {  	s23 =	sadd.s32 $0x16930, s21  }
0x1c9: {  	[spmem:s18] =	stream.indirect.scatter.add.f32 [tilespmem:s11], [sflag:$0x1], $0x1, s23, s13, $0x2000b8;
	[tilespmem:$0x1F530] =	vst v63  }
0x1ca: {  	s20 =	sadd.s32 $0x169B0, s21  }
0x1cb: {  	[spmem:s18] =	stream.indirect.scatter.add.f32 [tilespmem:s11], [sflag:$0x1], $0x1, s20, s13, $0x2000b8;
	[tilespmem:$0x1F530] =	vst v63  }
0x1cc: {  	s22 =	sadd.s32 $0x16A30, s21  }
0x1cd: {  	[spmem:s18] =	stream.indirect.scatter.add.f32 [tilespmem:s11], [sflag:$0x1], $0x1, s22, s13, $0x2000b8;
	[tilespmem:$0x1F530] =	vst v63  }
0x1ce: {  	s23 =	sadd.s32 $0x16AB0, s21  }
0x1cf: {  	[spmem:s18] =	stream.indirect.scatter.add.f32 [tilespmem:s11], [sflag:$0x1], $0x1, s23, s13, $0x2000b8;
	[tilespmem:$0x1F530] =	vst v63  }
0x1d0: {  	s20 =	sadd.s32 $0x16B30, s21  }
0x1d1: {  	[spmem:s18] =	stream.indirect.scatter.add.f32 [tilespmem:s11], [sflag:$0x1], $0x1, s20, s13, $0x2000b8;
	[tilespmem:$0x1F530] =	vst v63  }
0x1d2: {  	s22 =	sadd.s32 $0x16BB0, s21  }
0x1d3: {  	[spmem:s18] =	stream.indirect.scatter.add.f32 [tilespmem:s11], [sflag:$0x1], $0x1, s22, s13, $0x2000b8;
	[tilespmem:$0x1F530] =	vst v63  }
0x1d4: {  	s23 =	sadd.s32 $0x16C30, s21  }
0x1d5: {  	[spmem:s18] =	stream.indirect.scatter.add.f32 [tilespmem:s11], [sflag:$0x1], $0x1, s23, s13, $0x2000b8;
	[tilespmem:$0x1F530] =	vst v63  }
0x1d6: {  	s20 =	sadd.s32 $0x16CB0, s21  }
0x1d7: {  	[spmem:s18] =	stream.indirect.scatter.add.f32 [tilespmem:s11], [sflag:$0x1], $0x1, s20, s13, $0x2000b8;
	[tilespmem:$0x1F530] =	vst v63  }
0x1d8: {  	s22 =	sadd.s32 $0x16D30, s21  }
0x1d9: {  	[spmem:s18] =	stream.indirect.scatter.add.f32 [tilespmem:s11], [sflag:$0x1], $0x1, s22, s13, $0x2000b8;
	[tilespmem:$0x1F530] =	vst v63  }
0x1da: {  	s23 =	sadd.s32 $0x16DB0, s21  }
0x1db: {  	[spmem:s18] =	stream.indirect.scatter.add.f32 [tilespmem:s11], [sflag:$0x1], $0x1, s23, s13, $0x2000b8;
	[tilespmem:$0x1F530] =	vst v63  }
0x1dc: {  	s20 =	sadd.s32 $0x16E30, s21  }
0x1dd: {  	[spmem:s18] =	stream.indirect.scatter.add.f32 [tilespmem:s11], [sflag:$0x1], $0x1, s20, s13, $0x2000b8;
	[tilespmem:$0x1F530] =	vst v63  }
0x1de: {  	s22 =	sadd.s32 $0x16EB0, s21  }
0x1df: {  	[spmem:s18] =	stream.indirect.scatter.add.f32 [tilespmem:s11], [sflag:$0x1], $0x1, s22, s13, $0x2000b8;
	[tilespmem:$0x1F530] =	vst v63  }
0x1e0: {  	s23 =	sadd.s32 $0x16F30, s21  }
0x1e1: {  	[spmem:s18] =	stream.indirect.scatter.add.f32 [tilespmem:s11], [sflag:$0x1], $0x1, s23, s13, $0x2000b8;
	[tilespmem:$0x1F530] =	vst v63  }
0x1e2: {  	s20 =	sadd.s32 $0x16FB0, s21  }
0x1e3: {  	[spmem:s18] =	stream.indirect.scatter.add.f32 [tilespmem:s11], [sflag:$0x1], $0x1, s20, s13, $0x2000b8;
	[tilespmem:$0x1F530] =	vst v63  }
0x1e4: {  	s22 =	sadd.s32 $0x17030, s21  }
0x1e5: {  	[spmem:s18] =	stream.indirect.scatter.add.f32 [tilespmem:s11], [sflag:$0x1], $0x1, s22, s13, $0x2000b8;
	[tilespmem:$0x1F530] =	vst v63  }
0x1e6: {  	_ =	swait.ge [sflag:s12], $0x80  }
0x1e7: {  	[sflag:s12] =	ssyncset.done $0x0  }
0x1e8: {  	[sflag:s12] =	ssyncadd.s32 $0xFFFFFF80  }
0x1e9: {  	_ =	swait.ge [sflag:s12], $0x80  }
0x1ea: {  	[sflag:s12] =	ssyncset.done $0x0  }
0x1eb: {  	[sflag:s12] =	ssyncadd.s32 $0xFFFFFF80  }
0x1ec: {  	_ =	swait.ge [sflag:s12], $0x80  }
0x1ed: {  	[sflag:s12] =	ssyncset.done $0x0  }
0x1ee: {  	[sflag:s12] =	ssyncadd.s32 $0xFFFFFF80  }
0x1ef: {  	_ =	swait.ge [sflag:s12], $0x80  }
0x1f0: {  	[sflag:s12] =	ssyncset.done $0x0  }
0x1f1: {  	[sflag:s12] =	ssyncadd.s32 $0xFFFFFF80  }
0x1f2: {  	_ =	swait.ge [sflag:s12], $0x80  }
0x1f3: {  	[sflag:s12] =	ssyncset.done $0x0  }
0x1f4: {  	[sflag:s12] =	ssyncadd.s32 $0xFFFFFF80  }
0x1f5: {  	_ =	swait.ge [sflag:s12], $0x80  }
0x1f6: {  	[sflag:s12] =	ssyncset.done $0x0  }
0x1f7: {  	[sflag:s12] =	ssyncadd.s32 $0xFFFFFF80  }
0x1f8: {  	_ =	swait.ge [sflag:s12], $0x80  }
0x1f9: {  	[sflag:s12] =	ssyncset.done $0x0  }
0x1fa: {  	[sflag:s12] =	ssyncadd.s32 $0xFFFFFF80  }
0x1fb: {  	_ =	swait.ge [sflag:s12], $0x80  }
0x1fc: {  	[sflag:s12] =	ssyncset.done $0x0  }
0x1fd: {  	[sflag:s12] =	ssyncadd.s32 $0xFFFFFF80  }
0x1fe: {  	_ =	swait.ge [sflag:s12], $0x80  }
0x1ff: {  	[sflag:s12] =	ssyncset.done $0x0  }
0x200: {  	[sflag:s12] =	ssyncadd.s32 $0xFFFFFF80  }
0x201: {  	_ =	swait.ge [sflag:s12], $0x80  }
0x202: {  	[sflag:s12] =	ssyncset.done $0x0  }
0x203: {  	[sflag:s12] =	ssyncadd.s32 $0xFFFFFF80  }
0x204: {  	_ =	swait.ge [sflag:s12], $0x80  }
0x205: {  	[sflag:s12] =	ssyncset.done $0x0  }
0x206: {  	[sflag:s12] =	ssyncadd.s32 $0xFFFFFF80  }
0x207: {  	_ =	swait.ge [sflag:s12], $0x80  }
0x208: {  	[sflag:s12] =	ssyncset.done $0x0  }
0x209: {  	[sflag:s12] =	ssyncadd.s32 $0xFFFFFF80  }
0x20a: {  	_ =	swait.ge [sflag:s12], $0x80  }
0x20b: {  	[sflag:s12] =	ssyncset.done $0x0  }
0x20c: {  	[sflag:s12] =	ssyncadd.s32 $0xFFFFFF80  }
0x20d: {  	_ =	swait.ge [sflag:s12], $0x80  }
0x20e: {  	[sflag:s12] =	ssyncset.done $0x0  }
0x20f: {  	[sflag:s12] =	ssyncadd.s32 $0xFFFFFF80  }
0x210: {  	_ =	swait.ge [sflag:s12], $0x80  }
0x211: {  	[sflag:s12] =	ssyncset.done $0x0  }
0x212: {  	[sflag:s12] =	ssyncadd.s32 $0xFFFFFF80  }
0x213: {  	_ =	swait.ge [sflag:s12], $0x80  }
0x214: {  	[sflag:s12] =	ssyncset.done $0x0  }
0x215: {  	[sflag:s12] =	ssyncadd.s32 $0xFFFFFF80  }
0x216: {  	_ =	strace $0x9000004C  }
0x217: {  	[bflag:$0x0] =	sbarrier.arrive $0xFFFF  }
0x218: {  	_ =	strace $0x8000004D  }
0x219: {  	[tilespmem:s14], [sflag:$0x2] =	stream.linear.gather [spmem:s29], $0x2000, $0x200038;
	[tilespmem:$0x1F530] =	vst v63  }
0x21a: {  	_ =	swait.ge [sflag:s10], $0x2000  }
0x21b: {  	[sflag:s10] =	ssyncset.done $0x0  }
0x21c: {  	s19 =	simm.s32 $0x0;
	s20 =	rddreg [dreg:$0x5];
	[sflag:s10] =	ssyncadd.s32 $0xFFFFE000  }
0x21d: {  	[hbm4b:s20+s19] =	stream.linear.scatter [tilespmem:s14], [sflag:$0x1], $0x2000, $0x200038;
	[tilespmem:$0x1F530] =	vst v63  }
0x21e: {  	_ = 	snop  }
0x21f: {  	[tilespmem:s15], [sflag:$0x2] =	stream.linear.gather [spmem:s16], $0x2000, $0x200038;
	[tilespmem:$0x1F530] =	vst v63  }
0x220: {  	_ =	swait.ge [sflag:s10], $0x2000  }
0x221: {  	[sflag:s10] =	ssyncset.done $0x0  }
0x222: {  	s23 =	rddreg [dreg:$0x6];
	[sflag:s10] =	ssyncadd.s32 $0xFFFFE000  }
0x223: {  	[hbm4b:s23+s19] =	stream.linear.scatter [tilespmem:s15], [sflag:$0x1], $0x2000, $0x200038;
	[tilespmem:$0x1F530] =	vst v63  }
0x224: {  	_ =	swait.ge [sflag:s12], $0x2000  }
0x225: {  	[sflag:s12] =	ssyncset.done $0x0  }
0x226: {  	[sflag:s12] =	ssyncadd.s32 $0xFFFFE000  }
0x227: {  	[tilespmem:s14], [sflag:$0x2] =	stream.linear.gather [spmem:s2], $0x2000, $0x200038;
	[tilespmem:$0x1F530] =	vst v63  }
0x228: {  	_ =	swait.ge [sflag:s10], $0x2000  }
0x229: {  	[sflag:s10] =	ssyncset.done $0x0  }
0x22a: {  	s21 =	rddreg [dreg:$0x7];
	[sflag:s10] =	ssyncadd.s32 $0xFFFFE000  }
0x22b: {  	[hbm4b:s21+s19] =	stream.linear.scatter [tilespmem:s14], [sflag:$0x1], $0x2000, $0x200038;
	[tilespmem:$0x1F530] =	vst v63  }
0x22c: {  	_ =	swait.ge [sflag:s12], $0x2000  }
0x22d: {  	[sflag:s12] =	ssyncset.done $0x0  }
0x22e: {  	[sflag:s12] =	ssyncadd.s32 $0xFFFFE000  }
0x22f: {  	[tilespmem:s15], [sflag:$0x2] =	stream.linear.gather [spmem:s3], $0x2000, $0x200038;
	[tilespmem:$0x1F530] =	vst v63  }
0x230: {  	_ =	swait.ge [sflag:s10], $0x2000  }
0x231: {  	[sflag:s10] =	ssyncset.done $0x0  }
0x232: {  	s22 =	rddreg [dreg:$0x8];
	[sflag:s10] =	ssyncadd.s32 $0xFFFFE000  }
0x233: {  	[hbm4b:s22+s19] =	stream.linear.scatter [tilespmem:s15], [sflag:$0x1], $0x2000, $0x200038;
	[tilespmem:$0x1F530] =	vst v63  }
0x234: {  	_ =	swait.ge [sflag:s12], $0x2000  }
0x235: {  	[sflag:s12] =	ssyncset.done $0x0  }
0x236: {  	[sflag:s12] =	ssyncadd.s32 $0xFFFFE000  }
0x237: {  	[tilespmem:s14], [sflag:$0x2] =	stream.linear.gather [spmem:s4], $0x2000, $0x200038;
	[tilespmem:$0x1F530] =	vst v63  }
0x238: {  	_ =	swait.ge [sflag:s10], $0x2000  }
0x239: {  	[sflag:s10] =	ssyncset.done $0x0  }
0x23a: {  	s23 =	rddreg [dreg:$0x9];
	[sflag:s10] =	ssyncadd.s32 $0xFFFFE000  }
0x23b: {  	[hbm4b:s23+s19] =	stream.linear.scatter [tilespmem:s14], [sflag:$0x1], $0x2000, $0x200038;
	[tilespmem:$0x1F530] =	vst v63  }
0x23c: {  	_ =	swait.ge [sflag:s12], $0x2000  }
0x23d: {  	[sflag:s12] =	ssyncset.done $0x0  }
0x23e: {  	[sflag:s12] =	ssyncadd.s32 $0xFFFFE000  }
0x23f: {  	[tilespmem:s15], [sflag:$0x2] =	stream.linear.gather [spmem:s5], $0x2000, $0x200038;
	[tilespmem:$0x1F530] =	vst v63  }
0x240: {  	_ =	swait.ge [sflag:s10], $0x2000  }
0x241: {  	[sflag:s10] =	ssyncset.done $0x0  }
0x242: {  	s21 =	rddreg [dreg:$0xa];
	[sflag:s10] =	ssyncadd.s32 $0xFFFFE000  }
0x243: {  	[hbm4b:s21+s19] =	stream.linear.scatter [tilespmem:s15], [sflag:$0x1], $0x2000, $0x200038;
	[tilespmem:$0x1F530] =	vst v63  }
0x244: {  	_ =	swait.ge [sflag:s12], $0x2000  }
0x245: {  	[sflag:s12] =	ssyncset.done $0x0  }
0x246: {  	[sflag:s12] =	ssyncadd.s32 $0xFFFFE000  }
0x247: {  	[tilespmem:s14], [sflag:$0x2] =	stream.linear.gather [spmem:s6], $0x2000, $0x200038;
	[tilespmem:$0x1F530] =	vst v63  }
0x248: {  	_ =	swait.ge [sflag:s10], $0x2000  }
0x249: {  	[sflag:s10] =	ssyncset.done $0x0  }
0x24a: {  	s22 =	rddreg [dreg:$0xb];
	[sflag:s10] =	ssyncadd.s32 $0xFFFFE000  }
0x24b: {  	[hbm4b:s22+s19] =	stream.linear.scatter [tilespmem:s14], [sflag:$0x1], $0x2000, $0x200038;
	[tilespmem:$0x1F530] =	vst v63  }
0x24c: {  	_ =	swait.ge [sflag:s12], $0x2000  }
0x24d: {  	[sflag:s12] =	ssyncset.done $0x0  }
0x24e: {  	[sflag:s12] =	ssyncadd.s32 $0xFFFFE000  }
0x24f: {  	[tilespmem:s15], [sflag:$0x2] =	stream.linear.gather [spmem:s7], $0x2000, $0x200038;
	[tilespmem:$0x1F530] =	vst v63  }
0x250: {  	_ =	swait.ge [sflag:s10], $0x2000  }
0x251: {  	[sflag:s10] =	ssyncset.done $0x0  }
0x252: {  	s23 =	rddreg [dreg:$0xc];
	[sflag:s10] =	ssyncadd.s32 $0xFFFFE000  }
0x253: {  	[hbm4b:s23+s19] =	stream.linear.scatter [tilespmem:s15], [sflag:$0x1], $0x2000, $0x200038;
	[tilespmem:$0x1F530] =	vst v63  }
0x254: {  	_ =	swait.ge [sflag:s12], $0x2000  }
0x255: {  	[sflag:s12] =	ssyncset.done $0x0  }
0x256: {  	[sflag:s12] =	ssyncadd.s32 $0xFFFFE000  }
0x257: {  	_ =	swait.ge [sflag:s12], $0x2000  }
0x258: {  	[sflag:s12] =	ssyncset.done $0x0  }
0x259: {  	[sflag:s12] =	ssyncadd.s32 $0xFFFFE000  }
0x25a: {  	_ =	strace $0x9000004D  }
0x25b: {  	[bflag:$0x0] =	sbarrier.arrive $0xFFFF  }
0x25c: {  	s19 =	simm.s32 $0x0;
	_ =	strace $0x8000004E  }
0x25d: {  	v6 =	vld [tilespmem:s19+$0x12120]  }
0x25e: {  	v7 =	vld [tilespmem:s19+$0x120B0]  }
0x25f: {  	v8 =	vld [tilespmem:s19+$0x120C0]  }
0x260: {  	v10 =	vld [tilespmem:s19+$0x120D0]  }
0x261: {  	v11 =	vld [tilespmem:s19+$0x120E0]  }
0x262: {  	v12 =	vld [tilespmem:s19+$0x120F0]  }
0x263: {  	v14 =	vld [tilespmem:s19+$0x12100];
	vm0 =	vge.s32 v6, v4;
	vm1 =	vlt.s32 v6, v5;
	v6 =	vsub.s32 v6, v4  }
0x264: {  	v15 =	vld [tilespmem:s19+$0x12110];
	vm2 =	vge.s32 v7, v4;
	v13 =	vsub.s32 v7, v4;
	vm3 =	vge.s32 v8, v4  }
0x265: {  	vm4 =	vlt.s32 v8, v5;
	v16 =	vsub.s32 v8, v4;
	vm5 =	vge.s32 v10, v4  }
0x266: {  	vm6 =	vlt.s32 v10, v5;
	v17 =	vsub.s32 v10, v4;
	vm7 =	vge.s32 v11, v4  }
0x267: {  	vm8 =	vlt.s32 v11, v5;
	v11 =	vsub.s32 v11, v4;
	vm9 =	vge.s32 v12, v4  }
0x268: {  	v9 =	vld [tilespmem:s19+$0x14120];
	vm10 =	vlt.s32 v12, v5;
	v12 =	vsub.s32 v12, v4;
	vm11 =	vge.s32 v14, v4  }
0x269: {  	vm12 =	vlt.s32 v14, v5;
	v18 =	vsub.s32 v14, v4;
	vm13 =	vge.s32 v15, v4  }
0x26a: {  	vm14 =	vlt.s32 v15, v5;
	v8 =	vld [tilespmem:s19+$0x140D0];
	v20 =	vsub.s32 v15, v4;
	vm0 =	vmand vm0, vm1  }
0x26b: {  	v10 =	vld [tilespmem:s19+$0x140F0];
	v6 =	vshll.u32 v6, $0xB;
	vm1 =	vlt.s32 v7, v5;
	v13 =	vshll.u32 v13, $0xB  }
0x26c: {  	v14 =	vshll.u32 v16, $0xB;
	v15 =	vshll.u32 v11, $0xB;
	v11 =	vld [tilespmem:s19+$0x14100];
	v6 =	vnsel vm0, $0x100000, v6  }
0x26d: {  	v16 =	vshll.u32 v17, $0xB;
	v17 =	vshll.u32 v12, $0xB;
	v7 =	vadd.s32 v9, v6;
	v6 =	vld [tilespmem:s19+$0x140B0]  }
0x26e: {  	v19 =	vshll.u32 v18, $0xB;
	v18 =	vshll.u32 v20, $0xB;
	vm0 =	vmand vm2, vm1;
	[tilespmem:s19+$0x16920] =	vst v7;
	v7 =	vld [tilespmem:s19+$0x140C0]  }
0x26f: {  	vm2 =	vmand vm3, vm4;
	vm1 =	vmand vm5, vm6;
	vm3 =	vmand vm7, vm8;
	v9 =	vld [tilespmem:s19+$0x140E0]  }
0x270: {  	s20 =	simm.s32 $0x80;
	s21 =	simm.s32 $0x400;
	v12 =	vld [tilespmem:s19+$0x14110];
	vm4 =	vmand vm9, vm10;
	vm5 =	vmand vm11, vm12;
	vm6 =	vmand vm13, vm14  }
.LBB2_8:
0x271: {  	p1 =	sne.s32 s21, $0x7E00;
	v20 =	vld [tilespmem:s20+$0x12120];
	v13 =	vnsel vm0, $0x100000, v13;
	v14 =	vnsel vm2, $0x100000, v14;
	v16 =	vnsel vm1, $0x100000, v16  }
0x272: {  	v15 =	vnsel vm3, $0x100000, v15;
	v17 =	vnsel vm4, $0x100000, v17;
	v19 =	vnsel vm5, $0x100000, v19;
	v21 =	vld [tilespmem:s20+$0x120B0]  }
0x273: {  	v6 =	vadd.s32 v6, v13;
	v7 =	vadd.s32 v7, v14;
	v13 =	vnsel vm6, $0x100000, v18;
	v22 =	vld [tilespmem:s20+$0x120C0]  }
0x274: {  	v14 =	vld [tilespmem:s20+$0x14120];
	[tilespmem:s19+$0x168B0] =	vst v6;
	v6 =	vadd.s32 v8, v16;
	v8 =	vadd.s32 v9, v15;
	v9 =	vadd.s32 v10, v17  }
0x275: {  	v10 =	vld [tilespmem:s20+$0x120D0];
	[tilespmem:s19+$0x168C0] =	vst v7;
	v7 =	vadd.s32 v11, v19;
	v11 =	vadd.s32 v12, v13  }
0x276: {  	v12 =	vld [tilespmem:s20+$0x120E0];
	vm1 =	vge.s32 v20, v4;
	vm2 =	vlt.s32 v20, v5;
	v13 =	vsub.s32 v20, v4;
	[tilespmem:s19+$0x168D0] =	vst v6  }
0x277: {  	vm0 =	vge.s32 v21, v4;
	v15 =	vld [tilespmem:s20+$0x120F0];
	vm2 =	vmand vm1, vm2;
	v6 =	vshll.u32 v13, $0xB;
	[tilespmem:s19+$0x168E0] =	vst v8  }
0x278: {  	vm1 =	vlt.s32 v21, v5;
	v13 =	vsub.s32 v21, v4;
	v16 =	vld [tilespmem:s20+$0x12100];
	v6 =	vnsel vm2, $0x100000, v6;
	[tilespmem:s19+$0x168F0] =	vst v9  }
0x279: {  	vm2 =	vge.s32 v22, v4;
	vm3 =	vlt.s32 v22, v5;
	v17 =	vld [tilespmem:s20+$0x12110];
	v8 =	vadd.s32 v14, v6;
	[tilespmem:s19+$0x16900] =	vst v7  }
0x27a: {  	v14 =	vsub.s32 v22, v4;
	v6 =	vld [tilespmem:s20+$0x140B0];
	vm4 =	vge.s32 v10, v4;
	vm5 =	vlt.s32 v10, v5;
	[tilespmem:s20+$0x16920] =	vst v8  }
0x27b: {  	v18 =	vsub.s32 v10, v4;
	v7 =	vld [tilespmem:s20+$0x140C0];
	vm6 =	vge.s32 v12, v4;
	vm7 =	vlt.s32 v12, v5;
	[tilespmem:s19+$0x16910] =	vst v11;
	s19 =	smov.u32 s20  }
0x27c: {  	v19 =	vsub.s32 v12, v4;
	v8 =	vld [tilespmem:s19+$0x140D0];
	vm8 =	vge.s32 v15, v4;
	vm9 =	vlt.s32 v15, v5  }
0x27d: {  	v20 =	vsub.s32 v15, v4;
	v9 =	vld [tilespmem:s19+$0x140E0];
	vm10 =	vge.s32 v16, v4;
	vm11 =	vlt.s32 v16, v5  }
0x27e: {  	v21 =	vsub.s32 v16, v4;
	v10 =	vld [tilespmem:s19+$0x140F0];
	vm12 =	vge.s32 v17, v4;
	vm13 =	vlt.s32 v17, v5  }
.Ltmp3:
0x27f: {  	vm0 =	vmand vm0, vm1;
	v13 =	vshll.u32 v13, $0xB;
	v22 =	vsub.s32 v17, v4;
	v11 =	vld [tilespmem:s19+$0x14100];
	(pc) =	sbr.rel @p1 .LBB2_8-.Ltmp3, $4  }
0x280: {  	vm2 =	vmand vm2, vm3;
	v14 =	vshll.u32 v14, $0xB;
	vm1 =	vmand vm4, vm5;
	v12 =	vld [tilespmem:s19+$0x14110]  }
0x281: {  	vm3 =	vmand vm6, vm7;
	v15 =	vshll.u32 v19, $0xB;
	v16 =	vshll.u32 v18, $0xB  }
0x282: {  	vm4 =	vmand vm8, vm9;
	v17 =	vshll.u32 v20, $0xB;
	vm5 =	vmand vm10, vm11  }
0x283: {  	s20 =	sshra.s32 s21, $0x2;
	s21 =	sadd.s32 $0x200, s21;
	v19 =	vshll.u32 v21, $0xB;
	vm6 =	vmand vm12, vm13;
	v18 =	vshll.u32 v22, $0xB  }
0x284: {  	v20 =	vld [tilespmem:s20+$0x12120];
	v13 =	vnsel vm0, $0x100000, v13  }
0x285: {  	v21 =	vld [tilespmem:s20+$0x120B0];
	v14 =	vnsel vm2, $0x100000, v14;
	v42 =	vnsel vm1, $0x100000, v16;
	v44 =	vnsel vm4, $0x100000, v17  }
0x286: {  	v22 =	vld [tilespmem:s20+$0x120C0];
	v45 =	vnsel vm5, $0x100000, v19;
	v46 =	vnsel vm6, $0x100000, v18;
	v6 =	vadd.s32 v6, v13  }
0x287: {  	v41 =	vld [tilespmem:s20+$0x14120];
	v8 =	vadd.s32 v8, v42;
	v47 =	vadd.s32 v10, v44;
	[tilespmem:s19+$0x168B0] =	vst v6;
	v6 =	vadd.s32 v7, v14  }
0x288: {  	v48 =	vadd.s32 v11, v45;
	v50 =	vadd.s32 v12, v46;
	v7 =	vld [tilespmem:s20+$0x120D0];
	[tilespmem:s19+$0x168C0] =	vst v6;
	v6 =	vnsel vm3, $0x100000, v15  }
0x289: {  	v43 =	vld [tilespmem:s20+$0x120E0];
	[tilespmem:s19+$0x168D0] =	vst v8;
	v6 =	vadd.s32 v9, v6;
	vm13 =	vge.s32 v20, v4;
	vm14 =	vlt.s32 v20, v5  }
0x28a: {  	v49 =	vld [tilespmem:s20+$0x120F0];
	[tilespmem:s19+$0x168E0] =	vst v6;
	v6 =	vsub.s32 v20, v4;
	vm0 =	vge.s32 v21, v4;
	vm2 =	vlt.s32 v21, v5  }
0x28b: {  	v52 =	vsub.s32 v21, v4;
	vm3 =	vlt.s32 v22, v5;
	v53 =	vsub.s32 v22, v4  }
0x28c: {  	vm1 =	vmand vm13, vm14;
	v6 =	vshll.u32 v6, $0xB;
	vm0 =	vmand vm0, vm2  }
0x28d: {  	v15 =	vshll.u32 v52, $0xB;
	v9 =	vshll.u32 v53, $0xB;
	v6 =	vnsel vm1, $0x100000, v6  }
0x28e: {  	vm1 =	vge.s32 v22, v4;
	v15 =	vnsel vm0, $0x100000, v15;
	v6 =	vadd.s32 v41, v6  }
0x28f: {  	v51 =	vld [tilespmem:s20+$0x12100];
	[tilespmem:s19+$0x168F0] =	vst v47;
	vm4 =	vge.s32 v7, v4;
	vm5 =	vlt.s32 v7, v5;
	v7 =	vsub.s32 v7, v4  }
0x290: {  	v8 =	vld [tilespmem:s20+$0x12110];
	[tilespmem:s19+$0x16900] =	vst v48;
	vm1 =	vmand vm1, vm3;
	vm6 =	vge.s32 v43, v4;
	vm7 =	vlt.s32 v43, v5  }
0x291: {  	v54 =	vld [tilespmem:s20+$0x140B0];
	[tilespmem:s20+$0x16920] =	vst v6;
	v6 =	vsub.s32 v43, v4;
	vm2 =	vmand vm4, vm5;
	v7 =	vshll.u32 v7, $0xB  }
0x292: {  	v55 =	vld [tilespmem:s20+$0x140C0];
	v9 =	vnsel vm1, $0x100000, v9;
	vm8 =	vge.s32 v49, v4;
	vm9 =	vlt.s32 v49, v5;
	[tilespmem:s19+$0x16910] =	vst v50  }
0x293: {  	v10 =	vsub.s32 v49, v4;
	vm15 =	vmand vm6, vm7;
	v6 =	vshll.u32 v6, $0xB;
	v57 =	vld [tilespmem:s20+$0x140D0]  }
0x294: {  	v7 =	vnsel vm2, $0x100000, v7;
	vm10 =	vge.s32 v51, v4;
	vm11 =	vlt.s32 v51, v5;
	v58 =	vld [tilespmem:s20+$0x140E0]  }
0x295: {  	v56 =	vsub.s32 v51, v4;
	v59 =	vld [tilespmem:s20+$0x140F0];
	vm9 =	vmand vm8, vm9;
	v10 =	vshll.u32 v10, $0xB  }
0x296: {  	v60 =	vld [tilespmem:s20+$0x14100];
	v6 =	vnsel vm15, $0x100000, v6;
	vm12 =	vge.s32 v8, v4;
	v13 =	vadd.s32 v54, v15  }
0x297: {  	v61 =	vld [tilespmem:s20+$0x14110];
	vm13 =	vlt.s32 v8, v5;
	v8 =	vsub.s32 v8, v4;
	v9 =	vadd.s32 v55, v9;
	[tilespmem:s20+$0x168B0] =	vst v13  }
0x298: {  	vm14 =	vmand vm10, vm11;
	v11 =	vshll.u32 v56, $0xB;
	[tilespmem:s20+$0x168C0] =	vst v9;
	v7 =	vadd.s32 v57, v7  }
0x299: {  	v62 =	vnsel vm9, $0x100000, v10;
	vm15 =	vmand vm12, vm13;
	v6 =	vadd.s32 v58, v6;
	[tilespmem:s20+$0x168D0] =	vst v7  }
0x29a: {  	v63 =	vnsel vm14, $0x100000, v11;
	v9 =	vadd.s32 v59, v62;
	v7 =	vshll.u32 v8, $0xB;
	[tilespmem:s20+$0x168E0] =	vst v6  }
0x29b: {  	[tilespmem:s20+$0x168F0] =	vst v9;
	v6 =	vnsel vm15, $0x100000, v7;
	v7 =	vadd.s32 v60, v63  }
0x29c: {  	v6 =	vadd.s32 v61, v6;
	[tilespmem:s20+$0x16900] =	vst v7  }
0x29d: {  	[tilespmem:s20+$0x16910] =	vst v6  }
0x29e: {  	_ =	strace $0x9000004E  }
0x29f: {  	_ =	strace $0x8000004F  }
0x2a0: {  	[spmem:s29] =	stream.linear.scatter [tilespmem:s9], [sflag:$0x2], $0x2000, $0x200038;
	[tilespmem:$0x1F530] =	vst v63  }
0x2a1: {  	_ =	swait.ge [sflag:s10], $0x2000  }
0x2a2: {  	[sflag:s10] =	ssyncset.done $0x0  }
0x2a3: {  	[sflag:s10] =	ssyncadd.s32 $0xFFFFE000  }
0x2a4: {  	[spmem:s16] =	stream.linear.scatter [tilespmem:s9], [sflag:$0x2], $0x2000, $0x200038;
	[tilespmem:$0x1F530] =	vst v63  }
0x2a5: {  	_ =	swait.ge [sflag:s10], $0x2000  }
0x2a6: {  	[sflag:s10] =	ssyncset.done $0x0  }
0x2a7: {  	[sflag:s10] =	ssyncadd.s32 $0xFFFFE000  }
0x2a8: {  	[spmem:s2] =	stream.linear.scatter [tilespmem:s9], [sflag:$0x2], $0x2000, $0x200038;
	[tilespmem:$0x1F530] =	vst v63  }
0x2a9: {  	_ =	swait.ge [sflag:s10], $0x2000  }
0x2aa: {  	[sflag:s10] =	ssyncset.done $0x0  }
0x2ab: {  	[sflag:s10] =	ssyncadd.s32 $0xFFFFE000  }
0x2ac: {  	[spmem:s3] =	stream.linear.scatter [tilespmem:s9], [sflag:$0x2], $0x2000, $0x200038;
	[tilespmem:$0x1F530] =	vst v63  }
0x2ad: {  	_ =	swait.ge [sflag:s10], $0x2000  }
0x2ae: {  	[sflag:s10] =	ssyncset.done $0x0  }
0x2af: {  	[sflag:s10] =	ssyncadd.s32 $0xFFFFE000  }
0x2b0: {  	[spmem:s4] =	stream.linear.scatter [tilespmem:s9], [sflag:$0x2], $0x2000, $0x200038;
	[tilespmem:$0x1F530] =	vst v63  }
0x2b1: {  	_ =	swait.ge [sflag:s10], $0x2000  }
0x2b2: {  	[sflag:s10] =	ssyncset.done $0x0  }
0x2b3: {  	[sflag:s10] =	ssyncadd.s32 $0xFFFFE000  }
0x2b4: {  	[spmem:s5] =	stream.linear.scatter [tilespmem:s9], [sflag:$0x2], $0x2000, $0x200038;
	[tilespmem:$0x1F530] =	vst v63  }
0x2b5: {  	_ =	swait.ge [sflag:s10], $0x2000  }
0x2b6: {  	[sflag:s10] =	ssyncset.done $0x0  }
0x2b7: {  	[sflag:s10] =	ssyncadd.s32 $0xFFFFE000  }
0x2b8: {  	[spmem:s6] =	stream.linear.scatter [tilespmem:s9], [sflag:$0x2], $0x2000, $0x200038;
	[tilespmem:$0x1F530] =	vst v63  }
0x2b9: {  	_ =	swait.ge [sflag:s10], $0x2000  }
0x2ba: {  	[sflag:s10] =	ssyncset.done $0x0  }
0x2bb: {  	[sflag:s10] =	ssyncadd.s32 $0xFFFFE000  }
0x2bc: {  	[spmem:s7] =	stream.linear.scatter [tilespmem:s9], [sflag:$0x2], $0x2000, $0x200038;
	[tilespmem:$0x1F530] =	vst v63  }
0x2bd: {  	_ =	swait.ge [sflag:s10], $0x2000  }
0x2be: {  	[sflag:s10] =	ssyncset.done $0x0  }
0x2bf: {  	s19 =	simm.s32 @!p0 $0x19530;
	[sflag:s10] =	ssyncadd.s32 $0xFFFFE000  }
0x2c0: {  	[spmem:s8] =	stream.linear.scatter @!p0 [tilespmem:s19], [sflag:$0x2], $0x80, $0x200038;
	[tilespmem:$0x1F530] =	vst v63  }
0x2c1: {  	s19 =	simm.s32 @!p0 $0x2  }
0x2c2: {  	_ =	swait.ge @!p0 [sflag:s19], $0x80  }
0x2c3: {  	[sflag:s19] =	ssyncset.done @!p0 $0x0  }
0x2c4: {  	[sflag:s19] =	ssyncadd.s32 @!p0 $0xFFFFFF80  }
0x2c5: {  	_ =	strace $0x9000004F  }
0x2c6: {  	[bflag:$0x0] =	sbarrier.arrive $0xFFFF  }
0x2c7: {  	s20 =	simm.s32 $0x168B0;
	_ =	strace $0x80000050  }
0x2c8: {  	[spmem:s18] =	stream.indirect.scatter.add.f32 [tilespmem:s11], [sflag:$0x1], $0x1, s20, s13, $0x2000b8;
	[tilespmem:$0x1F530] =	vst v63  }
0x2c9: {  	s21 =	simm.s32 $0x16930  }
0x2ca: {  	[spmem:s18] =	stream.indirect.scatter.add.f32 [tilespmem:s11], [sflag:$0x1], $0x1, s21, s13, $0x2000b8;
	[tilespmem:$0x1F530] =	vst v63  }
0x2cb: {  	s22 =	simm.s32 $0x169B0  }
0x2cc: {  	[spmem:s18] =	stream.indirect.scatter.add.f32 [tilespmem:s11], [sflag:$0x1], $0x1, s22, s13, $0x2000b8;
	[tilespmem:$0x1F530] =	vst v63  }
0x2cd: {  	s23 =	simm.s32 $0x16A30  }
0x2ce: {  	[spmem:s18] =	stream.indirect.scatter.add.f32 [tilespmem:s11], [sflag:$0x1], $0x1, s23, s13, $0x2000b8;
	[tilespmem:$0x1F530] =	vst v63  }
0x2cf: {  	s20 =	simm.s32 $0x16AB0  }
0x2d0: {  	[spmem:s18] =	stream.indirect.scatter.add.f32 [tilespmem:s11], [sflag:$0x1], $0x1, s20, s13, $0x2000b8;
	[tilespmem:$0x1F530] =	vst v63  }
0x2d1: {  	s21 =	simm.s32 $0x16B30  }
0x2d2: {  	[spmem:s18] =	stream.indirect.scatter.add.f32 [tilespmem:s11], [sflag:$0x1], $0x1, s21, s13, $0x2000b8;
	[tilespmem:$0x1F530] =	vst v63  }
0x2d3: {  	s22 =	simm.s32 $0x16BB0  }
0x2d4: {  	[spmem:s18] =	stream.indirect.scatter.add.f32 [tilespmem:s11], [sflag:$0x1], $0x1, s22, s13, $0x2000b8;
	[tilespmem:$0x1F530] =	vst v63  }
0x2d5: {  	s23 =	simm.s32 $0x16C30  }
0x2d6: {  	[spmem:s18] =	stream.indirect.scatter.add.f32 [tilespmem:s11], [sflag:$0x1], $0x1, s23, s13, $0x2000b8;
	[tilespmem:$0x1F530] =	vst v63  }
0x2d7: {  	s20 =	simm.s32 $0x16CB0  }
0x2d8: {  	[spmem:s18] =	stream.indirect.scatter.add.f32 [tilespmem:s11], [sflag:$0x1], $0x1, s20, s13, $0x2000b8;
	[tilespmem:$0x1F530] =	vst v63  }
0x2d9: {  	s21 =	simm.s32 $0x16D30  }
0x2da: {  	[spmem:s18] =	stream.indirect.scatter.add.f32 [tilespmem:s11], [sflag:$0x1], $0x1, s21, s13, $0x2000b8;
	[tilespmem:$0x1F530] =	vst v63  }
0x2db: {  	s22 =	simm.s32 $0x16DB0  }
0x2dc: {  	[spmem:s18] =	stream.indirect.scatter.add.f32 [tilespmem:s11], [sflag:$0x1], $0x1, s22, s13, $0x2000b8;
	[tilespmem:$0x1F530] =	vst v63  }
0x2dd: {  	s23 =	simm.s32 $0x16E30  }
0x2de: {  	[spmem:s18] =	stream.indirect.scatter.add.f32 [tilespmem:s11], [sflag:$0x1], $0x1, s23, s13, $0x2000b8;
	[tilespmem:$0x1F530] =	vst v63  }
0x2df: {  	s20 =	simm.s32 $0x16EB0  }
0x2e0: {  	[spmem:s18] =	stream.indirect.scatter.add.f32 [tilespmem:s11], [sflag:$0x1], $0x1, s20, s13, $0x2000b8;
	[tilespmem:$0x1F530] =	vst v63  }
0x2e1: {  	s21 =	simm.s32 $0x16F30  }
0x2e2: {  	[spmem:s18] =	stream.indirect.scatter.add.f32 [tilespmem:s11], [sflag:$0x1], $0x1, s21, s13, $0x2000b8;
	[tilespmem:$0x1F530] =	vst v63  }
0x2e3: {  	s22 =	simm.s32 $0x16FB0  }
0x2e4: {  	[spmem:s18] =	stream.indirect.scatter.add.f32 [tilespmem:s11], [sflag:$0x1], $0x1, s22, s13, $0x2000b8;
	[tilespmem:$0x1F530] =	vst v63  }
0x2e5: {  	s23 =	simm.s32 $0x17030  }
0x2e6: {  	[spmem:s18] =	stream.indirect.scatter.add.f32 [tilespmem:s11], [sflag:$0x1], $0x1, s23, s13, $0x2000b8;
	[tilespmem:$0x1F530] =	vst v63  }
0x2e7: {  	_ =	swait.ge [sflag:s12], $0x80  }
0x2e8: {  	[sflag:s12] =	ssyncset.done $0x0  }
0x2e9: {  	[sflag:s12] =	ssyncadd.s32 $0xFFFFFF80  }
0x2ea: {  	_ =	swait.ge [sflag:s12], $0x80  }
0x2eb: {  	[sflag:s12] =	ssyncset.done $0x0  }
0x2ec: {  	[sflag:s12] =	ssyncadd.s32 $0xFFFFFF80  }
0x2ed: {  	_ =	swait.ge [sflag:s12], $0x80  }
0x2ee: {  	[sflag:s12] =	ssyncset.done $0x0  }
0x2ef: {  	[sflag:s12] =	ssyncadd.s32 $0xFFFFFF80  }
0x2f0: {  	_ =	swait.ge [sflag:s12], $0x80  }
0x2f1: {  	[sflag:s12] =	ssyncset.done $0x0  }
0x2f2: {  	[sflag:s12] =	ssyncadd.s32 $0xFFFFFF80  }
0x2f3: {  	_ =	swait.ge [sflag:s12], $0x80  }
0x2f4: {  	[sflag:s12] =	ssyncset.done $0x0  }
0x2f5: {  	[sflag:s12] =	ssyncadd.s32 $0xFFFFFF80  }
0x2f6: {  	_ =	swait.ge [sflag:s12], $0x80  }
0x2f7: {  	[sflag:s12] =	ssyncset.done $0x0  }
0x2f8: {  	[sflag:s12] =	ssyncadd.s32 $0xFFFFFF80  }
0x2f9: {  	_ =	swait.ge [sflag:s12], $0x80  }
0x2fa: {  	[sflag:s12] =	ssyncset.done $0x0  }
0x2fb: {  	[sflag:s12] =	ssyncadd.s32 $0xFFFFFF80  }
0x2fc: {  	_ =	swait.ge [sflag:s12], $0x80  }
0x2fd: {  	[sflag:s12] =	ssyncset.done $0x0  }
0x2fe: {  	[sflag:s12] =	ssyncadd.s32 $0xFFFFFF80  }
0x2ff: {  	_ =	swait.ge [sflag:s12], $0x80  }
0x300: {  	[sflag:s12] =	ssyncset.done $0x0  }
0x301: {  	[sflag:s12] =	ssyncadd.s32 $0xFFFFFF80  }
0x302: {  	_ =	swait.ge [sflag:s12], $0x80  }
0x303: {  	[sflag:s12] =	ssyncset.done $0x0  }
0x304: {  	[sflag:s12] =	ssyncadd.s32 $0xFFFFFF80  }
0x305: {  	_ =	swait.ge [sflag:s12], $0x80  }
0x306: {  	[sflag:s12] =	ssyncset.done $0x0  }
0x307: {  	[sflag:s12] =	ssyncadd.s32 $0xFFFFFF80  }
0x308: {  	_ =	swait.ge [sflag:s12], $0x80  }
0x309: {  	[sflag:s12] =	ssyncset.done $0x0  }
0x30a: {  	[sflag:s12] =	ssyncadd.s32 $0xFFFFFF80  }
0x30b: {  	_ =	swait.ge [sflag:s12], $0x80  }
0x30c: {  	[sflag:s12] =	ssyncset.done $0x0  }
0x30d: {  	[sflag:s12] =	ssyncadd.s32 $0xFFFFFF80  }
0x30e: {  	_ =	swait.ge [sflag:s12], $0x80  }
0x30f: {  	[sflag:s12] =	ssyncset.done $0x0  }
0x310: {  	[sflag:s12] =	ssyncadd.s32 $0xFFFFFF80  }
0x311: {  	_ =	swait.ge [sflag:s12], $0x80  }
0x312: {  	[sflag:s12] =	ssyncset.done $0x0  }
0x313: {  	[sflag:s12] =	ssyncadd.s32 $0xFFFFFF80  }
0x314: {  	_ =	swait.ge [sflag:s12], $0x80  }
0x315: {  	s21 =	simm.s32 $0x800;
	s22 =	simm.s32 $0x4000;
	[sflag:s12] =	ssyncset.done $0x0  }
.LBB2_10:
0x316: {  	s23 =	sadd.s32 $0x168B0, s21  }
0x317: {  	[sflag:s12] =	ssyncadd.s32 $0xFFFFFF80;
	s20 =	smov.u32 s22;
	s19 =	sadd.s32 $0x2000, s22  }
0x318: {  	[spmem:s18] =	stream.indirect.scatter.add.f32 [tilespmem:s11], [sflag:$0x1], $0x1, s23, s13, $0x2000b8;
	[tilespmem:$0x1F530] =	vst v63  }
0x319: {  	p1 =	sne.s32 s22, $0x6000;
	s22 =	sadd.s32 $0x16930, s21  }
0x31a: {  	[spmem:s18] =	stream.indirect.scatter.add.f32 [tilespmem:s11], [sflag:$0x1], $0x1, s22, s13, $0x2000b8;
	[tilespmem:$0x1F530] =	vst v63  }
0x31b: {  	s22 =	sadd.s32 $0x169B0, s21  }
0x31c: {  	[spmem:s18] =	stream.indirect.scatter.add.f32 [tilespmem:s11], [sflag:$0x1], $0x1, s22, s13, $0x2000b8;
	[tilespmem:$0x1F530] =	vst v63  }
0x31d: {  	s22 =	sadd.s32 $0x16A30, s21  }
0x31e: {  	[spmem:s18] =	stream.indirect.scatter.add.f32 [tilespmem:s11], [sflag:$0x1], $0x1, s22, s13, $0x2000b8;
	[tilespmem:$0x1F530] =	vst v63  }
0x31f: {  	s22 =	sadd.s32 $0x16AB0, s21  }
0x320: {  	[spmem:s18] =	stream.indirect.scatter.add.f32 [tilespmem:s11], [sflag:$0x1], $0x1, s22, s13, $0x2000b8;
	[tilespmem:$0x1F530] =	vst v63  }
0x321: {  	s22 =	sadd.s32 $0x16B30, s21  }
0x322: {  	[spmem:s18] =	stream.indirect.scatter.add.f32 [tilespmem:s11], [sflag:$0x1], $0x1, s22, s13, $0x2000b8;
	[tilespmem:$0x1F530] =	vst v63  }
0x323: {  	s22 =	sadd.s32 $0x16BB0, s21  }
0x324: {  	[spmem:s18] =	stream.indirect.scatter.add.f32 [tilespmem:s11], [sflag:$0x1], $0x1, s22, s13, $0x2000b8;
	[tilespmem:$0x1F530] =	vst v63  }
0x325: {  	s22 =	sadd.s32 $0x16C30, s21  }
0x326: {  	[spmem:s18] =	stream.indirect.scatter.add.f32 [tilespmem:s11], [sflag:$0x1], $0x1, s22, s13, $0x2000b8;
	[tilespmem:$0x1F530] =	vst v63  }
0x327: {  	s22 =	sadd.s32 $0x16CB0, s21  }
0x328: {  	[spmem:s18] =	stream.indirect.scatter.add.f32 [tilespmem:s11], [sflag:$0x1], $0x1, s22, s13, $0x2000b8;
	[tilespmem:$0x1F530] =	vst v63  }
0x329: {  	s22 =	sadd.s32 $0x16D30, s21  }
0x32a: {  	[spmem:s18] =	stream.indirect.scatter.add.f32 [tilespmem:s11], [sflag:$0x1], $0x1, s22, s13, $0x2000b8;
	[tilespmem:$0x1F530] =	vst v63  }
0x32b: {  	s22 =	sadd.s32 $0x16DB0, s21  }
0x32c: {  	[spmem:s18] =	stream.indirect.scatter.add.f32 [tilespmem:s11], [sflag:$0x1], $0x1, s22, s13, $0x2000b8;
	[tilespmem:$0x1F530] =	vst v63  }
0x32d: {  	s22 =	sadd.s32 $0x16E30, s21  }
0x32e: {  	[spmem:s18] =	stream.indirect.scatter.add.f32 [tilespmem:s11], [sflag:$0x1], $0x1, s22, s13, $0x2000b8;
	[tilespmem:$0x1F530] =	vst v63  }
0x32f: {  	s22 =	sadd.s32 $0x16EB0, s21  }
0x330: {  	[spmem:s18] =	stream.indirect.scatter.add.f32 [tilespmem:s11], [sflag:$0x1], $0x1, s22, s13, $0x2000b8;
	[tilespmem:$0x1F530] =	vst v63  }
0x331: {  	s22 =	sadd.s32 $0x16F30, s21  }
0x332: {  	[spmem:s18] =	stream.indirect.scatter.add.f32 [tilespmem:s11], [sflag:$0x1], $0x1, s22, s13, $0x2000b8;
	[tilespmem:$0x1F530] =	vst v63  }
0x333: {  	s22 =	sadd.s32 $0x16FB0, s21  }
0x334: {  	[spmem:s18] =	stream.indirect.scatter.add.f32 [tilespmem:s11], [sflag:$0x1], $0x1, s22, s13, $0x2000b8;
	[tilespmem:$0x1F530] =	vst v63  }
0x335: {  	s21 =	sadd.s32 $0x17030, s21  }
0x336: {  	[spmem:s18] =	stream.indirect.scatter.add.f32 [tilespmem:s11], [sflag:$0x1], $0x1, s21, s13, $0x2000b8;
	[tilespmem:$0x1F530] =	vst v63  }
0x337: {  	_ =	swait.ge [sflag:s12], $0x80  }
0x338: {  	[sflag:s12] =	ssyncset.done $0x0  }
0x339: {  	[sflag:s12] =	ssyncadd.s32 $0xFFFFFF80  }
0x33a: {  	_ =	swait.ge [sflag:s12], $0x80  }
0x33b: {  	[sflag:s12] =	ssyncset.done $0x0  }
0x33c: {  	[sflag:s12] =	ssyncadd.s32 $0xFFFFFF80  }
0x33d: {  	_ =	swait.ge [sflag:s12], $0x80  }
0x33e: {  	[sflag:s12] =	ssyncset.done $0x0  }
0x33f: {  	[sflag:s12] =	ssyncadd.s32 $0xFFFFFF80  }
0x340: {  	_ =	swait.ge [sflag:s12], $0x80  }
0x341: {  	[sflag:s12] =	ssyncset.done $0x0  }
0x342: {  	[sflag:s12] =	ssyncadd.s32 $0xFFFFFF80  }
0x343: {  	_ =	swait.ge [sflag:s12], $0x80  }
0x344: {  	[sflag:s12] =	ssyncset.done $0x0  }
0x345: {  	[sflag:s12] =	ssyncadd.s32 $0xFFFFFF80  }
0x346: {  	_ =	swait.ge [sflag:s12], $0x80  }
0x347: {  	[sflag:s12] =	ssyncset.done $0x0  }
0x348: {  	[sflag:s12] =	ssyncadd.s32 $0xFFFFFF80  }
0x349: {  	_ =	swait.ge [sflag:s12], $0x80  }
0x34a: {  	[sflag:s12] =	ssyncset.done $0x0  }
0x34b: {  	[sflag:s12] =	ssyncadd.s32 $0xFFFFFF80  }
0x34c: {  	_ =	swait.ge [sflag:s12], $0x80  }
0x34d: {  	[sflag:s12] =	ssyncset.done $0x0  }
0x34e: {  	[sflag:s12] =	ssyncadd.s32 $0xFFFFFF80  }
0x34f: {  	_ =	swait.ge [sflag:s12], $0x80  }
0x350: {  	[sflag:s12] =	ssyncset.done $0x0  }
0x351: {  	[sflag:s12] =	ssyncadd.s32 $0xFFFFFF80  }
0x352: {  	_ =	swait.ge [sflag:s12], $0x80  }
0x353: {  	[sflag:s12] =	ssyncset.done $0x0  }
0x354: {  	[sflag:s12] =	ssyncadd.s32 $0xFFFFFF80  }
0x355: {  	_ =	swait.ge [sflag:s12], $0x80  }
0x356: {  	[sflag:s12] =	ssyncset.done $0x0  }
0x357: {  	[sflag:s12] =	ssyncadd.s32 $0xFFFFFF80  }
0x358: {  	_ =	swait.ge [sflag:s12], $0x80  }
0x359: {  	[sflag:s12] =	ssyncset.done $0x0  }
0x35a: {  	[sflag:s12] =	ssyncadd.s32 $0xFFFFFF80  }
0x35b: {  	_ =	swait.ge [sflag:s12], $0x80  }
0x35c: {  	[sflag:s12] =	ssyncset.done $0x0  }
0x35d: {  	[sflag:s12] =	ssyncadd.s32 $0xFFFFFF80  }
0x35e: {  	_ =	swait.ge [sflag:s12], $0x80  }
0x35f: {  	[sflag:s12] =	ssyncset.done $0x0  }
0x360: {  	[sflag:s12] =	ssyncadd.s32 $0xFFFFFF80  }
.Ltmp4:
0x361: {  	_ =	swait.ge [sflag:s12], $0x80;
	(pc) =	sbr.rel @p1 .LBB2_10-.Ltmp4, $4  }
0x362: {  	[sflag:s12] =	ssyncset.done $0x0  }
0x363: {  	[sflag:s12] =	ssyncadd.s32 $0xFFFFFF80  }
0x364: {  	_ =	swait.ge [sflag:s12], $0x80  }
0x365: {  	s22 =	smov.u32 s19;
	s21 =	sshra.s32 s20, $0x2;
	[sflag:s12] =	ssyncset.done $0x0  }
0x366: {  	s19 =	sadd.s32 $0x168B0, s21;
	[sflag:s12] =	ssyncadd.s32 $0xFFFFFF80  }
0x367: {  	[spmem:s18] =	stream.indirect.scatter.add.f32 [tilespmem:s11], [sflag:$0x1], $0x1, s19, s13, $0x2000b8;
	[tilespmem:$0x1F530] =	vst v63  }
0x368: {  	s23 =	sadd.s32 $0x16930, s21  }
0x369: {  	[spmem:s18] =	stream.indirect.scatter.add.f32 [tilespmem:s11], [sflag:$0x1], $0x1, s23, s13, $0x2000b8;
	[tilespmem:$0x1F530] =	vst v63  }
0x36a: {  	s20 =	sadd.s32 $0x169B0, s21  }
0x36b: {  	[spmem:s18] =	stream.indirect.scatter.add.f32 [tilespmem:s11], [sflag:$0x1], $0x1, s20, s13, $0x2000b8;
	[tilespmem:$0x1F530] =	vst v63  }
0x36c: {  	s22 =	sadd.s32 $0x16A30, s21  }
0x36d: {  	[spmem:s18] =	stream.indirect.scatter.add.f32 [tilespmem:s11], [sflag:$0x1], $0x1, s22, s13, $0x2000b8;
	[tilespmem:$0x1F530] =	vst v63  }
0x36e: {  	s23 =	sadd.s32 $0x16AB0, s21  }
0x36f: {  	[spmem:s18] =	stream.indirect.scatter.add.f32 [tilespmem:s11], [sflag:$0x1], $0x1, s23, s13, $0x2000b8;
	[tilespmem:$0x1F530] =	vst v63  }
0x370: {  	s20 =	sadd.s32 $0x16B30, s21  }
0x371: {  	[spmem:s18] =	stream.indirect.scatter.add.f32 [tilespmem:s11], [sflag:$0x1], $0x1, s20, s13, $0x2000b8;
	[tilespmem:$0x1F530] =	vst v63  }
0x372: {  	s22 =	sadd.s32 $0x16BB0, s21  }
0x373: {  	[spmem:s18] =	stream.indirect.scatter.add.f32 [tilespmem:s11], [sflag:$0x1], $0x1, s22, s13, $0x2000b8;
	[tilespmem:$0x1F530] =	vst v63  }
0x374: {  	s23 =	sadd.s32 $0x16C30, s21  }
0x375: {  	[spmem:s18] =	stream.indirect.scatter.add.f32 [tilespmem:s11], [sflag:$0x1], $0x1, s23, s13, $0x2000b8;
	[tilespmem:$0x1F530] =	vst v63  }
0x376: {  	s20 =	sadd.s32 $0x16CB0, s21  }
0x377: {  	[spmem:s18] =	stream.indirect.scatter.add.f32 [tilespmem:s11], [sflag:$0x1], $0x1, s20, s13, $0x2000b8;
	[tilespmem:$0x1F530] =	vst v63  }
0x378: {  	s22 =	sadd.s32 $0x16D30, s21  }
0x379: {  	[spmem:s18] =	stream.indirect.scatter.add.f32 [tilespmem:s11], [sflag:$0x1], $0x1, s22, s13, $0x2000b8;
	[tilespmem:$0x1F530] =	vst v63  }
0x37a: {  	s23 =	sadd.s32 $0x16DB0, s21  }
0x37b: {  	[spmem:s18] =	stream.indirect.scatter.add.f32 [tilespmem:s11], [sflag:$0x1], $0x1, s23, s13, $0x2000b8;
	[tilespmem:$0x1F530] =	vst v63  }
0x37c: {  	s20 =	sadd.s32 $0x16E30, s21  }
0x37d: {  	[spmem:s18] =	stream.indirect.scatter.add.f32 [tilespmem:s11], [sflag:$0x1], $0x1, s20, s13, $0x2000b8;
	[tilespmem:$0x1F530] =	vst v63  }
0x37e: {  	s22 =	sadd.s32 $0x16EB0, s21  }
0x37f: {  	[spmem:s18] =	stream.indirect.scatter.add.f32 [tilespmem:s11], [sflag:$0x1], $0x1, s22, s13, $0x2000b8;
	[tilespmem:$0x1F530] =	vst v63  }
0x380: {  	s23 =	sadd.s32 $0x16F30, s21  }
0x381: {  	[spmem:s18] =	stream.indirect.scatter.add.f32 [tilespmem:s11], [sflag:$0x1], $0x1, s23, s13, $0x2000b8;
	[tilespmem:$0x1F530] =	vst v63  }
0x382: {  	s20 =	sadd.s32 $0x16FB0, s21  }
0x383: {  	[spmem:s18] =	stream.indirect.scatter.add.f32 [tilespmem:s11], [sflag:$0x1], $0x1, s20, s13, $0x2000b8;
	[tilespmem:$0x1F530] =	vst v63  }
0x384: {  	s22 =	sadd.s32 $0x17030, s21  }
0x385: {  	[spmem:s18] =	stream.indirect.scatter.add.f32 [tilespmem:s11], [sflag:$0x1], $0x1, s22, s13, $0x2000b8;
	[tilespmem:$0x1F530] =	vst v63  }
0x386: {  	_ =	swait.ge [sflag:s12], $0x80  }
0x387: {  	[sflag:s12] =	ssyncset.done $0x0  }
0x388: {  	[sflag:s12] =	ssyncadd.s32 $0xFFFFFF80  }
0x389: {  	_ =	swait.ge [sflag:s12], $0x80  }
0x38a: {  	[sflag:s12] =	ssyncset.done $0x0  }
0x38b: {  	[sflag:s12] =	ssyncadd.s32 $0xFFFFFF80  }
0x38c: {  	_ =	swait.ge [sflag:s12], $0x80  }
0x38d: {  	[sflag:s12] =	ssyncset.done $0x0  }
0x38e: {  	[sflag:s12] =	ssyncadd.s32 $0xFFFFFF80  }
0x38f: {  	_ =	swait.ge [sflag:s12], $0x80  }
0x390: {  	[sflag:s12] =	ssyncset.done $0x0  }
0x391: {  	[sflag:s12] =	ssyncadd.s32 $0xFFFFFF80  }
0x392: {  	_ =	swait.ge [sflag:s12], $0x80  }
0x393: {  	[sflag:s12] =	ssyncset.done $0x0  }
0x394: {  	[sflag:s12] =	ssyncadd.s32 $0xFFFFFF80  }
0x395: {  	_ =	swait.ge [sflag:s12], $0x80  }
0x396: {  	[sflag:s12] =	ssyncset.done $0x0  }
0x397: {  	[sflag:s12] =	ssyncadd.s32 $0xFFFFFF80  }
0x398: {  	_ =	swait.ge [sflag:s12], $0x80  }
0x399: {  	[sflag:s12] =	ssyncset.done $0x0  }
0x39a: {  	[sflag:s12] =	ssyncadd.s32 $0xFFFFFF80  }
0x39b: {  	_ =	swait.ge [sflag:s12], $0x80  }
0x39c: {  	[sflag:s12] =	ssyncset.done $0x0  }
0x39d: {  	[sflag:s12] =	ssyncadd.s32 $0xFFFFFF80  }
0x39e: {  	_ =	swait.ge [sflag:s12], $0x80  }
0x39f: {  	[sflag:s12] =	ssyncset.done $0x0  }
0x3a0: {  	[sflag:s12] =	ssyncadd.s32 $0xFFFFFF80  }
0x3a1: {  	_ =	swait.ge [sflag:s12], $0x80  }
0x3a2: {  	[sflag:s12] =	ssyncset.done $0x0  }
0x3a3: {  	[sflag:s12] =	ssyncadd.s32 $0xFFFFFF80  }
0x3a4: {  	_ =	swait.ge [sflag:s12], $0x80  }
0x3a5: {  	[sflag:s12] =	ssyncset.done $0x0  }
0x3a6: {  	[sflag:s12] =	ssyncadd.s32 $0xFFFFFF80  }
0x3a7: {  	_ =	swait.ge [sflag:s12], $0x80  }
0x3a8: {  	[sflag:s12] =	ssyncset.done $0x0  }
0x3a9: {  	[sflag:s12] =	ssyncadd.s32 $0xFFFFFF80  }
0x3aa: {  	_ =	swait.ge [sflag:s12], $0x80  }
0x3ab: {  	[sflag:s12] =	ssyncset.done $0x0  }
0x3ac: {  	[sflag:s12] =	ssyncadd.s32 $0xFFFFFF80  }
0x3ad: {  	_ =	swait.ge [sflag:s12], $0x80  }
0x3ae: {  	[sflag:s12] =	ssyncset.done $0x0  }
0x3af: {  	[sflag:s12] =	ssyncadd.s32 $0xFFFFFF80  }
0x3b0: {  	_ =	swait.ge [sflag:s12], $0x80  }
0x3b1: {  	[sflag:s12] =	ssyncset.done $0x0  }
0x3b2: {  	[sflag:s12] =	ssyncadd.s32 $0xFFFFFF80  }
0x3b3: {  	_ =	swait.ge [sflag:s12], $0x80  }
0x3b4: {  	[sflag:s12] =	ssyncset.done $0x0  }
0x3b5: {  	[sflag:s12] =	ssyncadd.s32 $0xFFFFFF80  }
0x3b6: {  	_ =	strace $0x90000050  }
0x3b7: {  	[bflag:$0x0] =	sbarrier.arrive $0xFFFF  }
0x3b8: {  	_ =	strace $0x80000051  }
0x3b9: {  	[tilespmem:s14], [sflag:$0x2] =	stream.linear.gather [spmem:s29], $0x2000, $0x200038;
	[tilespmem:$0x1F530] =	vst v63  }
0x3ba: {  	_ =	swait.ge [sflag:s10], $0x2000  }
0x3bb: {  	[sflag:s10] =	ssyncset.done $0x0  }
0x3bc: {  	s23 =	rddreg [dreg:$0xd];
	[sflag:s10] =	ssyncadd.s32 $0xFFFFE000  }
0x3bd: {  	[hbm4b:s23+s1] =	stream.linear.scatter [tilespmem:s14], [sflag:$0x1], $0x2000, $0x200038;
	[tilespmem:$0x1F530] =	vst v63  }
0x3be: {  	_ = 	snop  }
0x3bf: {  	[tilespmem:s15], [sflag:$0x2] =	stream.linear.gather [spmem:s16], $0x2000, $0x200038;
	[tilespmem:$0x1F530] =	vst v63  }
0x3c0: {  	_ =	swait.ge [sflag:s10], $0x2000  }
0x3c1: {  	[sflag:s10] =	ssyncset.done $0x0  }
0x3c2: {  	s20 =	rddreg [dreg:$0xe];
	[sflag:s10] =	ssyncadd.s32 $0xFFFFE000  }
0x3c3: {  	[hbm4b:s20+s1] =	stream.linear.scatter [tilespmem:s15], [sflag:$0x1], $0x2000, $0x200038;
	[tilespmem:$0x1F530] =	vst v63  }
0x3c4: {  	_ =	swait.ge [sflag:s12], $0x2000  }
0x3c5: {  	[sflag:s12] =	ssyncset.done $0x0  }
0x3c6: {  	[sflag:s12] =	ssyncadd.s32 $0xFFFFE000  }
0x3c7: {  	[tilespmem:s14], [sflag:$0x2] =	stream.linear.gather [spmem:s2], $0x2000, $0x200038;
	[tilespmem:$0x1F530] =	vst v63  }
0x3c8: {  	_ =	swait.ge [sflag:s10], $0x2000  }
0x3c9: {  	[sflag:s10] =	ssyncset.done $0x0  }
0x3ca: {  	s21 =	rddreg [dreg:$0xf];
	[sflag:s10] =	ssyncadd.s32 $0xFFFFE000  }
0x3cb: {  	[hbm4b:s21+s1] =	stream.linear.scatter [tilespmem:s14], [sflag:$0x1], $0x2000, $0x200038;
	[tilespmem:$0x1F530] =	vst v63  }
0x3cc: {  	_ =	swait.ge [sflag:s12], $0x2000  }
0x3cd: {  	[sflag:s12] =	ssyncset.done $0x0  }
0x3ce: {  	[sflag:s12] =	ssyncadd.s32 $0xFFFFE000  }
0x3cf: {  	[tilespmem:s15], [sflag:$0x2] =	stream.linear.gather [spmem:s3], $0x2000, $0x200038;
	[tilespmem:$0x1F530] =	vst v63  }
0x3d0: {  	_ =	swait.ge [sflag:s10], $0x2000  }
0x3d1: {  	[sflag:s10] =	ssyncset.done $0x0  }
0x3d2: {  	s22 =	rddreg [dreg:$0x10];
	[sflag:s10] =	ssyncadd.s32 $0xFFFFE000  }
0x3d3: {  	[hbm4b:s22+s1] =	stream.linear.scatter [tilespmem:s15], [sflag:$0x1], $0x2000, $0x200038;
	[tilespmem:$0x1F530] =	vst v63  }
0x3d4: {  	_ =	swait.ge [sflag:s12], $0x2000  }
0x3d5: {  	[sflag:s12] =	ssyncset.done $0x0  }
0x3d6: {  	[sflag:s12] =	ssyncadd.s32 $0xFFFFE000  }
0x3d7: {  	[tilespmem:s14], [sflag:$0x2] =	stream.linear.gather [spmem:s4], $0x2000, $0x200038;
	[tilespmem:$0x1F530] =	vst v63  }
0x3d8: {  	_ =	swait.ge [sflag:s10], $0x2000  }
0x3d9: {  	[sflag:s10] =	ssyncset.done $0x0  }
0x3da: {  	s23 =	rddreg [dreg:$0x11];
	[sflag:s10] =	ssyncadd.s32 $0xFFFFE000  }
0x3db: {  	[hbm4b:s23+s1] =	stream.linear.scatter [tilespmem:s14], [sflag:$0x1], $0x2000, $0x200038;
	[tilespmem:$0x1F530] =	vst v63  }
0x3dc: {  	_ =	swait.ge [sflag:s12], $0x2000  }
0x3dd: {  	[sflag:s12] =	ssyncset.done $0x0  }
0x3de: {  	[sflag:s12] =	ssyncadd.s32 $0xFFFFE000  }
0x3df: {  	[tilespmem:s15], [sflag:$0x2] =	stream.linear.gather [spmem:s5], $0x2000, $0x200038;
	[tilespmem:$0x1F530] =	vst v63  }
0x3e0: {  	_ =	swait.ge [sflag:s10], $0x2000  }
0x3e1: {  	[sflag:s10] =	ssyncset.done $0x0  }
0x3e2: {  	s20 =	rddreg [dreg:$0x12];
	[sflag:s10] =	ssyncadd.s32 $0xFFFFE000  }
0x3e3: {  	[hbm4b:s20+s1] =	stream.linear.scatter [tilespmem:s15], [sflag:$0x1], $0x2000, $0x200038;
	[tilespmem:$0x1F530] =	vst v63  }
0x3e4: {  	_ =	swait.ge [sflag:s12], $0x2000  }
0x3e5: {  	[sflag:s12] =	ssyncset.done $0x0  }
0x3e6: {  	[sflag:s12] =	ssyncadd.s32 $0xFFFFE000  }
0x3e7: {  	[tilespmem:s14], [sflag:$0x2] =	stream.linear.gather [spmem:s6], $0x2000, $0x200038;
	[tilespmem:$0x1F530] =	vst v63  }
0x3e8: {  	_ =	swait.ge [sflag:s10], $0x2000  }
0x3e9: {  	[sflag:s10] =	ssyncset.done $0x0  }
0x3ea: {  	s21 =	rddreg [dreg:$0x13];
	[sflag:s10] =	ssyncadd.s32 $0xFFFFE000  }
0x3eb: {  	[hbm4b:s21+s1] =	stream.linear.scatter [tilespmem:s14], [sflag:$0x1], $0x2000, $0x200038;
	[tilespmem:$0x1F530] =	vst v63  }
0x3ec: {  	_ =	swait.ge [sflag:s12], $0x2000  }
0x3ed: {  	[sflag:s12] =	ssyncset.done $0x0  }
0x3ee: {  	[sflag:s12] =	ssyncadd.s32 $0xFFFFE000  }
0x3ef: {  	[tilespmem:s15], [sflag:$0x2] =	stream.linear.gather [spmem:s7], $0x2000, $0x200038;
	[tilespmem:$0x1F530] =	vst v63  }
0x3f0: {  	_ =	swait.ge [sflag:s10], $0x2000  }
0x3f1: {  	[sflag:s10] =	ssyncset.done $0x0  }
0x3f2: {  	s22 =	rddreg [dreg:$0x14];
	[sflag:s10] =	ssyncadd.s32 $0xFFFFE000  }
0x3f3: {  	[hbm4b:s22+s1] =	stream.linear.scatter [tilespmem:s15], [sflag:$0x1], $0x2000, $0x200038;
	[tilespmem:$0x1F530] =	vst v63  }
0x3f4: {  	_ =	swait.ge [sflag:s12], $0x2000  }
0x3f5: {  	[sflag:s12] =	ssyncset.done $0x0  }
0x3f6: {  	[sflag:s12] =	ssyncadd.s32 $0xFFFFE000  }
0x3f7: {  	_ =	swait.ge [sflag:s12], $0x2000  }
0x3f8: {  	[sflag:s12] =	ssyncset.done $0x0  }
0x3f9: {  	[sflag:s12] =	ssyncadd.s32 $0xFFFFE000  }
0x3fa: {  	_ =	strace $0x90000051  }
0x3fb: {  	[bflag:$0x0] =	sbarrier.arrive $0xFFFF  }
0x3fc: {  	_ =	strace $0x80000052  }
0x3fd: {  	[tilespmem:s14], [sflag:$0x2] =	stream.linear.gather [spmem:s28], $0x2000, $0x200038;
	[tilespmem:$0x1F530] =	vst v63  }
0x3fe: {  	_ =	swait.ge [sflag:s10], $0x2000  }
0x3ff: {  	s17 =	sadd.s32 $0x1, s17;
	[sflag:s10] =	ssyncset.done $0x0  }
0x400: {  	p1 =	sne.s32 s17, s30;
	s23 =	rddreg [dreg:$0x15];
	[sflag:s10] =	ssyncadd.s32 $0xFFFFE000  }
0x401: {  	[hbm4b:s23+s1] =	stream.linear.scatter [tilespmem:s14], [sflag:$0x2], $0x2000, $0x200038;
	[tilespmem:$0x1F530] =	vst v63  }
.Ltmp5:
0x402: {  	_ = 	snop;
	(pc) =	sbr.rel @p1 .LBB2_1-.Ltmp5, $4  }
0x403: {  	_ =	swait.ge [sflag:s10], $0x2000  }
0x404: {  	[sflag:s10] =	ssyncset.done $0x0  }
0x405: {  	[sflag:s10] =	ssyncadd.s32 $0xFFFFE000  }
0x406: {  	_ =	strace $0x90000052  }
0x407: {  	_ =	sfence.sel $0x180000  }
0x408: {  	[bflag:$0x0] =	sbarrier.arrive $0xFFFF  }
0x409: {  	_ =	strace $0x90000047  }
0x40a: {  	[bflag:$0x2] =	sbarrier.arrive $0xFFFF  }
0x40b: {  	s0 =	rddreg [dreg:$0x4]  }
0x40c: {  	s0 =	sadd.s32 @!p0 $0x100000, s0  }
0x40d: {  	[sflag:s0] =	ssyncadd.tile.s32 @!p0 $0x1;
	_ =	shalt  }
.Lfunc_end2:
_tile_overlayer_lowered:
.L_overlay_start_2:
0x40e: {  	(tag) =	ssettag $0x2  }
0x40f: {  	s0 =	rddreg [dreg:$0x0];
	s2 =	stileid.u32  }
0x410: {  	s1 =	rddreg [dreg:$0x1];
	p0 =	sne.s32 s2, $0x0  }
0x411: {  	s3 =	rddreg [dreg:$0x2];
	[bflag:$0x3] =	sbarrier.arrive $0xFFFF;
	s2 =	simm.s32 @!p0 $0x1C02  }
0x412: {  	[timem:s3], [sflag:s2] =	dma.local @!p0 [hbm:s0], s1  }
0x413: {  	s0 =	simm.s32 @!p0 $0x2  }
0x414: {  	_ =	swait.ge @!p0 [sflag:s0], s1  }
0x415: {  	s1 =	ssub.s32 @!p0 $0x0, s1;
	[sflag:s0] =	ssyncset.done @!p0 $0x0  }
0x416: {  	[sflag:s0] =	ssyncadd.s32 @!p0 s1  }
0x417: {  	[bflag:$0x3] =	sbarrier.arrive $0xFFFF  }
0x418: {  	_ =	shalt  }

</sc_bundles>
